<compile_context>
chip_gen: v7x
topology: tpu7x:2x2x1
jax: 0.10.2.dev20260603
libtpu: 0.0.44.dev20260713+nightly
codegen_flags: <defaults>
</compile_context>

<pallas_src>
import functools
import math

import jax
import jax.numpy as jnp
from jax import lax
from jax.experimental import pallas as pl
from jax.experimental.pallas import tpu as pltpu
from jax.experimental.pallas import tpu_sc as plsc

N = 10000
E = 320000
D = 128
H = 128
L = 3
ED = 13
G = 64
BN_S = 1.0 / math.sqrt(1.0 + 1e-5)

NC = 2
NS = 16
NW = NC * NS
CE = 80
NCH = E // (NW * CE)
RPS = N // NS

NB = 1000
EB = 4000



def _node_enc_body(x_ref, w_ref, b_ref, g_ref, be_ref, o_ref):
    y = jnp.dot(x_ref[...], w_ref[...], preferred_element_type=jnp.float32)
    y = (y + b_ref[...]) * BN_S * g_ref[...] + be_ref[...]
    o_ref[...] = jnp.maximum(y, 0.0)


def _node_encode(x, W, b, g, be):
    return pl.pallas_call(
        _node_enc_body,
        grid=(N // NB,),
        in_specs=[
            pl.BlockSpec((NB, D), lambda i: (i, 0)),
            pl.BlockSpec((D, H), lambda i: (0, 0)),
            pl.BlockSpec((1, H), lambda i: (0, 0)),
            pl.BlockSpec((1, H), lambda i: (0, 0)),
            pl.BlockSpec((1, H), lambda i: (0, 0)),
        ],
        out_specs=pl.BlockSpec((NB, H), lambda i: (i, 0)),
        out_shape=jax.ShapeDtypeStruct((N, H), jnp.float32),
    )(x, W, b.reshape(1, H), g.reshape(1, H), be.reshape(1, H))



def _edge_enc_body(a_ref, w_ref, b_ref, o_ref):
    y = jnp.dot(a_ref[...], w_ref[...], preferred_element_type=jnp.float32)
    o_ref[...] = jnp.maximum(y + b_ref[...], 0.0)


def _edge_encode(edge_attr, W, b):
    return pl.pallas_call(
        _edge_enc_body,
        grid=(E // EB,),
        in_specs=[
            pl.BlockSpec((EB, ED), lambda i: (i, 0)),
            pl.BlockSpec((ED, H), lambda i: (0, 0)),
            pl.BlockSpec((1, H), lambda i: (0, 0)),
        ],
        out_specs=pl.BlockSpec((EB, H), lambda i: (i, 0)),
        out_shape=jax.ShapeDtypeStruct((E, H), jnp.float32),
    )(edge_attr, W, b.reshape(1, H))



_sc_mesh = plsc.VectorSubcoreMesh(core_axis_name="c", subcore_axis_name="s")


@functools.partial(
    pl.kernel,
    mesh=_sc_mesh,
    out_type=jax.ShapeDtypeStruct((NC, N, H), jnp.float32),
    scratch_types=[
        pltpu.VMEM((2, CE), jnp.int32),
        pltpu.VMEM((2, CE), jnp.int32),
        pltpu.VMEM((2, CE), jnp.int32),
        pltpu.VMEM((CE, H), jnp.float32),
        pltpu.VMEM((CE, H), jnp.float32),
        pltpu.VMEM((CE, H), jnp.float32),
        pltpu.VMEM((CE, H), jnp.float32),
        pltpu.VMEM_SHARED((N, H), jnp.float32),
        pltpu.SemaphoreType.DMA,
        pltpu.SemaphoreType.DMA,
        pltpu.SemaphoreType.DMA,
        pltpu.SemaphoreType.DMA,
        pltpu.SemaphoreType.DMA,
        pltpu.SemaphoreType.DMA,
        pltpu.SemaphoreType.DMA,
        pltpu.SemaphoreType.DMA,
    ],
    compiler_params=pltpu.CompilerParams(use_tc_tiling_on_sc=False),
)
def _sc_agg(h_hbm, ei_hbm, ea_hbm, out_hbm,
            idx0, idx1, dsts, rows0, rows1, eav0, eav1, agg,
            si0, si1, sg0, sg1, se0, se1, ss0, ss1):
    c = lax.axis_index("c")
    s = lax.axis_index("s")
    gw = c * NS + s
    ebase = gw * (NCH * CE)
    idxb = (idx0, idx1)
    rowsb = (rows0, rows1)
    eab = (eav0, eav1)
    si = (si0, si1)
    sg = (sg0, sg1)
    se = (se0, se1)
    ss = (ss0, ss1)

    def idx_src(j):
        return ei_hbm.at[pl.ds(0, 2), pl.ds(ebase + j * CE, CE)]

    def issue_idx(j, b):
        pltpu.async_copy(idx_src(j), idxb[b], si[b])

    def wait_idx(j, b):
        pltpu.make_async_copy(idx_src(j), idxb[b], si[b]).wait()

    def issue_fetch(j, b):
        pltpu.async_copy(h_hbm.at[idxb[b].at[0]], rowsb[b], sg[b])
        pltpu.async_copy(ea_hbm.at[pl.ds(ebase + j * CE, CE)], eab[b], se[b])

    def wait_fetch(j, b):
        pltpu.make_async_copy(h_hbm.at[idxb[b].at[0]], rowsb[b], sg[b]).wait()
        pltpu.make_async_copy(ea_hbm.at[pl.ds(ebase + j * CE, CE)],
                              eab[b], se[b]).wait()

    def compute(b):
        for k in range(CE // 16):
            slc = (pl.ds(1, 1), pl.ds(16 * k, 16))
            dsts[(pl.ds(b, 1), pl.ds(16 * k, 16))] = idxb[b][slc]

        @pl.loop(0, CE)
        def _row(r):
            for k in range(H // 16):
                slc = (pl.ds(r, 1), pl.ds(16 * k, 16))
                rowsb[b][slc] = jnp.maximum(rowsb[b][slc] + eab[b][slc], 0.0)

    def issue_scatter(b):
        pltpu.async_copy(rowsb[b], agg.at[dsts.at[b]], ss[b], add=True)

    def wait_scatter(b):
        pltpu.make_async_copy(rowsb[b], agg.at[dsts.at[b]], ss[b]).wait()

    @pl.loop(0, CE)
    def _zero(r):
        for k in range(H // 16):
            eav0[pl.ds(r, 1), pl.ds(16 * k, 16)] = jnp.zeros((1, 16), jnp.float32)

    for t in range(RPS // CE):
        pltpu.sync_copy(eav0, agg.at[pl.ds(s * RPS + t * CE, CE)])
    rem = RPS % CE
    if rem:
        pltpu.sync_copy(eav0.at[pl.ds(0, rem)],
                        agg.at[pl.ds(s * RPS + (RPS // CE) * CE, rem)])
    plsc.subcore_barrier()

    issue_idx(0, 0)
    issue_idx(1, 1)
    wait_idx(0, 0)
    issue_fetch(0, 0)

    @pl.loop(0, NCH // 2)
    def _pair(jj):
        for b in (0, 1):
            j = 2 * jj + b
            o = 1 - b
            if b == 0:
                @pl.when(jj > 0)
                def _():
                    wait_scatter(o)
            else:
                wait_scatter(o)

            @pl.when(j < NCH - 1)
            def _():
                wait_idx(j + 1, o)
                issue_fetch(j + 1, o)

            wait_fetch(j, b)

            @pl.when(j < NCH - 2)
            def _():
                issue_idx(j + 2, b)

            compute(b)
            issue_scatter(b)

    if NCH % 2 == 1:
        wait_fetch(NCH - 1, 0)
        compute(0)
        wait_scatter(1)
        issue_scatter(0)
        wait_scatter(0)
    else:
        wait_scatter(1)

    plsc.subcore_barrier()
    row0 = s * RPS
    for t in range(RPS // CE):
        pltpu.sync_copy(agg.at[pl.ds(row0 + t * CE, CE)],
                        out_hbm.at[c, pl.ds(row0 + t * CE, CE)])
    if RPS % CE:
        off = (RPS // CE) * CE
        pltpu.sync_copy(agg.at[pl.ds(row0 + off, RPS % CE)],
                        out_hbm.at[c, pl.ds(row0 + off, RPS % CE)])



def _mlp_body(h_ref, p_ref, eps_ref, w1_ref, b1_ref, gm_ref, bm_ref,
              w2_ref, b2_ref, go_ref, bo_ref, o_ref):
    z = h_ref[...] * eps_ref[...] + p_ref[0] + p_ref[1]
    t = jnp.dot(z, w1_ref[...], preferred_element_type=jnp.float32)
    t = (t + b1_ref[...]) * BN_S * gm_ref[...] + bm_ref[...]
    t = jnp.maximum(t, 0.0)
    y = jnp.dot(t, w2_ref[...], preferred_element_type=jnp.float32)
    y = (y + b2_ref[...]) * BN_S * go_ref[...] + bo_ref[...]
    o_ref[...] = jnp.maximum(y, 0.0)


def _mlp(h, parts, epsb, W1, b1, gm, bm, W2, b2, go, bo):
    H2 = 2 * H
    return pl.pallas_call(
        _mlp_body,
        grid=(N // NB,),
        in_specs=[
            pl.BlockSpec((NB, H), lambda i: (i, 0)),
            pl.BlockSpec((NC, NB, H), lambda i: (0, i, 0)),
            pl.BlockSpec((1, H), lambda i: (0, 0)),
            pl.BlockSpec((H, H2), lambda i: (0, 0)),
            pl.BlockSpec((1, H2), lambda i: (0, 0)),
            pl.BlockSpec((1, H2), lambda i: (0, 0)),
            pl.BlockSpec((1, H2), lambda i: (0, 0)),
            pl.BlockSpec((H2, H), lambda i: (0, 0)),
            pl.BlockSpec((1, H), lambda i: (0, 0)),
            pl.BlockSpec((1, H), lambda i: (0, 0)),
            pl.BlockSpec((1, H), lambda i: (0, 0)),
        ],
        out_specs=pl.BlockSpec((NB, H), lambda i: (i, 0)),
        out_shape=jax.ShapeDtypeStruct((N, H), jnp.float32),
    )(h, parts, epsb, W1, b1.reshape(1, H2), gm.reshape(1, H2),
      bm.reshape(1, H2), W2, b2.reshape(1, H), go.reshape(1, H),
      bo.reshape(1, H))



def _pool_body(b_ref, h_ref, wl1_ref, bl1_ref, wl2_ref, bl2_ref, o_ref,
               sums, cnts):
    i = pl.program_id(0)

    @pl.when(i == 0)
    def _():
        sums[...] = jnp.zeros_like(sums)
        cnts[...] = jnp.zeros_like(cnts)

    iota_g = lax.broadcasted_iota(jnp.int32, (1, G), 1)
    oh = (b_ref[...] == iota_g).astype(jnp.float32)
    sums[...] += lax.dot_general(oh, h_ref[...],
                                 (((0,), (0,)), ((), ())),
                                 preferred_element_type=jnp.float32)
    cnts[...] += lax.dot_general(oh, jnp.ones((NB, 1), jnp.float32),
                                 (((0,), (0,)), ((), ())),
                                 preferred_element_type=jnp.float32)

    @pl.when(i == N // NB - 1)
    def _():
        pooled = sums[...] / jnp.maximum(cnts[...], 1.0)
        r = jnp.dot(pooled, wl1_ref[...], preferred_element_type=jnp.float32)
        r = jnp.maximum(r + bl1_ref[...], 0.0)
        o_ref[...] = jnp.dot(r, wl2_ref[...],
                             preferred_element_type=jnp.float32) + bl2_ref[...]


def _pool_readout(batch2d, h, W_l1, b_l1, W_l2, b_l2):
    return pl.pallas_call(
        _pool_body,
        grid=(N // NB,),
        in_specs=[
            pl.BlockSpec((NB, 1), lambda i: (i, 0)),
            pl.BlockSpec((NB, H), lambda i: (i, 0)),
            pl.BlockSpec((H, H // 2), lambda i: (0, 0)),
            pl.BlockSpec((1, H // 2), lambda i: (0, 0)),
            pl.BlockSpec((H // 2, 1), lambda i: (0, 0)),
            pl.BlockSpec((1, 1), lambda i: (0, 0)),
        ],
        out_specs=pl.BlockSpec((G, 1), lambda i: (0, 0)),
        out_shape=jax.ShapeDtypeStruct((G, 1), jnp.float32),
        scratch_shapes=[
            pltpu.VMEM((G, H), jnp.float32),
            pltpu.VMEM((G, 1), jnp.float32),
        ],
    )(batch2d, h, W_l1, b_l1.reshape(1, H // 2), W_l2, b_l2.reshape(1, 1))


def kernel(x, edge_index, edge_attr, batch, W_ne, b_ne, g_ne, be_ne,
           W_ee, b_ee, W1, b1, g_mid, be_mid, W2, b2, eps_gin,
           g_out, be_out, W_l1, b_l1, W_l2, b_l2):
    h = _node_encode(x, W_ne, b_ne, g_ne, be_ne)
    ea = _edge_encode(edge_attr, W_ee, b_ee)
    for i in range(L):
        parts = _sc_agg(h, edge_index, ea)
        epsb = jnp.broadcast_to(1.0 + eps_gin[i], (1, H)).astype(jnp.float32)
        h = _mlp(h, parts, epsb, W1[i], b1[i], g_mid[i], be_mid[i],
                 W2[i], b2[i], g_out[i], be_out[i])
    return _pool_readout(batch.reshape(N, 1), h, W_l1, b_l1, W_l2, b_l2)

# --- scband reference (transcript-rebuilt; emitter-appended) ---
"""Pipeline reference for scband-gine-model-69801808494861 (READ-ONLY COPY).

The authoritative reference and input builder live on the scoring server;
editing this copy changes nothing except your own understanding.
"""

import jax, jax.numpy as jnp
import numpy as np

N = 10000
E = 320000
D = 128
H = 128
L = 3
ED = 13
G = 64
BN_EPS = 1e-5


def setup_inputs(seed: int = 0) -> dict:
    key = jax.random.key(seed)
    ks = jax.random.split(key, 32)
    s = 0.05
    inp = {}
    inp['x'] = jax.random.normal(ks[0], (N, D), jnp.float32)
    inp['edge_index'] = jax.random.randint(ks[1], (2, E), 0, N, dtype=jnp.int32)
    inp['edge_attr'] = jax.random.normal(ks[2], (E, ED), jnp.float32)
    inp['batch'] = jnp.sort(jax.random.randint(ks[3], (N,), 0, G, dtype=jnp.int32))
    # node encoder
    inp['W_ne'] = jax.random.normal(ks[4], (D, H), jnp.float32) * s
    inp['b_ne'] = jnp.zeros((H,), jnp.float32)
    inp['g_ne'] = jnp.ones((H,), jnp.float32)
    inp['be_ne'] = jnp.zeros((H,), jnp.float32)
    # edge encoder
    inp['W_ee'] = jax.random.normal(ks[5], (ED, H), jnp.float32) * s
    inp['b_ee'] = jnp.zeros((H,), jnp.float32)
    # per-layer GINEConv MLP params (stacked over layers)
    inp['W1'] = jax.random.normal(ks[6], (L, H, 2 * H), jnp.float32) * s
    inp['b1'] = jnp.zeros((L, 2 * H), jnp.float32)
    inp['g_mid'] = jnp.ones((L, 2 * H), jnp.float32)
    inp['be_mid'] = jnp.zeros((L, 2 * H), jnp.float32)
    inp['W2'] = jax.random.normal(ks[7], (L, 2 * H, H), jnp.float32) * s
    inp['b2'] = jnp.zeros((L, H), jnp.float32)
    inp['eps_gin'] = jnp.zeros((L,), jnp.float32)
    inp['g_out'] = jnp.ones((L, H), jnp.float32)
    inp['be_out'] = jnp.zeros((L, H), jnp.float32)
    # readout
    inp['W_l1'] = jax.random.normal(ks[8], (H, H // 2), jnp.float32) * s
    inp['b_l1'] = jnp.zeros((H // 2,), jnp.float32)
    inp['W_l2'] = jax.random.normal(ks[9], (H // 2, 1), jnp.float32) * s
    inp['b_l2'] = jnp.zeros((1,), jnp.float32)
    return inp


def _bn_eval(h, g, b):
    # BatchNorm1d in eval mode with running_mean=0, running_var=1
    return g * (h / jnp.sqrt(1.0 + BN_EPS)) + b


def reference(x, edge_index, edge_attr, batch, W_ne, b_ne, g_ne, be_ne,
              W_ee, b_ee, W1, b1, g_mid, be_mid, W2, b2, eps_gin,
              g_out, be_out, W_l1, b_l1, W_l2, b_l2):
    src = edge_index[0]
    dst = edge_index[1]
    # node encoder: Linear -> BN -> ReLU
    h = jax.nn.relu(_bn_eval(x @ W_ne + b_ne, g_ne, be_ne))
    # edge encoder: Linear -> ReLU
    ea = jax.nn.relu(edge_attr @ W_ee + b_ee)
    for i in range(L):
        # GINEConv: message = relu(x_j + edge_attr), sum-aggregate at dst
        msg = jax.nn.relu(h[src] + ea)
        agg = jax.ops.segment_sum(msg, dst, num_segments=N)
        z = (1.0 + eps_gin[i]) * h + agg
        # mlp: Linear -> BN -> ReLU -> Dropout(p=0, eval) -> Linear
        z = jax.nn.relu(_bn_eval(z @ W1[i] + b1[i], g_mid[i], be_mid[i]))
        z = z @ W2[i] + b2[i]
        # outer BN + ReLU (dropout no-op in eval)
        h = jax.nn.relu(_bn_eval(z, g_out[i], be_out[i]))
    # global mean pool over batch ids
    sums = jax.ops.segment_sum(h, batch, num_segments=G)
    counts = jax.ops.segment_sum(jnp.ones((N,), jnp.float32), batch, num_segments=G)
    pooled = sums / jnp.maximum(counts, 1.0)[:, None]
    out = jax.nn.relu(pooled @ W_l1 + b_l1)
    out = out @ W_l2 + b_l2
    return out

if __name__ == "__main__":
    import jax
    _d = setup_inputs()
    print(jax.jit(kernel)(*tuple(_d.values())))

</pallas_src>

<mosaic_0001>
#map = affine_map<(d0, d1) -> (0, 0)>
#map1 = affine_map<(d0, d1) -> (0, 0, 0)>
module attributes {stable_mosaic.version = 14 : i64} {
  func.func @_sc_agg(%arg0: i32, %arg1: i32, %arg2: memref<10000x128xf32, #tpu.memory_space<hbm>>, %arg3: memref<2x320000xi32, #tpu.memory_space<hbm>>, %arg4: memref<320000x128xf32, #tpu.memory_space<hbm>>, %arg5: memref<2x10000x128xf32, #tpu.memory_space<hbm>>, %arg6: memref<2x80xi32, #tpu.memory_space<vmem>>, %arg7: memref<2x80xi32, #tpu.memory_space<vmem>>, %arg8: memref<2x80xi32, #tpu.memory_space<vmem>>, %arg9: memref<80x128xf32, #tpu.memory_space<vmem>>, %arg10: memref<80x128xf32, #tpu.memory_space<vmem>>, %arg11: memref<80x128xf32, #tpu.memory_space<vmem>>, %arg12: memref<80x128xf32, #tpu.memory_space<vmem>>, %arg13: memref<10000x128xf32, #tpu.memory_space<vmem_shared>>, %arg14: memref<!tpu.dma_semaphore, #tpu.memory_space<semaphore_mem>>, %arg15: memref<!tpu.dma_semaphore, #tpu.memory_space<semaphore_mem>>, %arg16: memref<!tpu.dma_semaphore, #tpu.memory_space<semaphore_mem>>, %arg17: memref<!tpu.dma_semaphore, #tpu.memory_space<semaphore_mem>>, %arg18: memref<!tpu.dma_semaphore, #tpu.memory_space<semaphore_mem>>, %arg19: memref<!tpu.dma_semaphore, #tpu.memory_space<semaphore_mem>>, %arg20: memref<!tpu.dma_semaphore, #tpu.memory_space<semaphore_mem>>, %arg21: memref<!tpu.dma_semaphore, #tpu.memory_space<semaphore_mem>>) attributes {dimension_semantics = [#tpu.dimension_semantics<core_parallel>, #tpu.dimension_semantics<subcore_parallel>], iteration_bounds = array<i64: 2, 16>, scalar_prefetch = 0 : i64, scratch_operands = 16 : i64, tpu.core_type = #tpu.core_type<sc_vector_subcore>, window_params = [{transform_indices = #map}, {transform_indices = #map}, {transform_indices = #map}, {transform_indices = #map1}]} {
    %mul3A = arith.constant 16 : i32
    %mul3A_0 = arith.muli %arg0, %mul3A : i32
    %add3A = arith.addi %mul3A_0, %arg1 : i32
    %mul3A_1 = arith.constant 10000 : i32
    %mul3A_2 = arith.muli %add3A, %mul3A_1 : i32
    %scan3A = arith.constant 0 : i32
    %scan3A_3 = arith.constant 80 : i32
    %scan3A_4 = arith.addi %scan3A, %scan3A_3 : i32
    %scan3A_5 = arith.constant 1 : i32
    scf.for %scan3A_190 = %scan3A to %scan3A_4 step %scan3A_5  : i32 {
      %mul3A_191 = arith.constant 1 : i32
      %mul3A_192 = arith.muli %scan3A_190, %mul3A_191 : i32
      %add3A_193 = arith.constant 0 : i32
      %add3A_194 = arith.addi %add3A_193, %mul3A_192 : i32
      %broadcast_in_dim3A = arith.constant 0.000000e+00 : f32
      %broadcast_in_dim3A_195 = vector.broadcast %broadcast_in_dim3A : f32 to vector<1x16xf32>
      %swap3A_196 = arith.index_cast %add3A_194 : i32 to index
      %swap3A_197 = arith.constant 0 : index
      %swap3A_198 = tpu.vector_load %arg11[%swap3A_196, %swap3A_197] {strides = array<i32>} : memref<80x128xf32, #tpu.memory_space<vmem>>, vector<1x16xf32>,
      %swap3A_199 = vector.shape_cast %swap3A_198 : vector<1x16xf32> to vector<1x16xf32>
      %swap3A_200 = vector.shape_cast %broadcast_in_dim3A_195 : vector<1x16xf32> to vector<1x16xf32>
      tpu.vector_store %arg11[%swap3A_196, %swap3A_197], %swap3A_200 {strides = array<i32>} : memref<80x128xf32, #tpu.memory_space<vmem>>, vector<1x16xf32>,
      %broadcast_in_dim3A_201 = arith.constant 0.000000e+00 : f32
      %broadcast_in_dim3A_202 = vector.broadcast %broadcast_in_dim3A_201 : f32 to vector<1x16xf32>
      %swap3A_203 = arith.index_cast %add3A_194 : i32 to index
      %swap3A_204 = arith.constant 16 : index
      %swap3A_205 = tpu.vector_load %arg11[%swap3A_203, %swap3A_204] {strides = array<i32>} : memref<80x128xf32, #tpu.memory_space<vmem>>, vector<1x16xf32>,
      %swap3A_206 = vector.shape_cast %swap3A_205 : vector<1x16xf32> to vector<1x16xf32>
      %swap3A_207 = vector.shape_cast %broadcast_in_dim3A_202 : vector<1x16xf32> to vector<1x16xf32>
      tpu.vector_store %arg11[%swap3A_203, %swap3A_204], %swap3A_207 {strides = array<i32>} : memref<80x128xf32, #tpu.memory_space<vmem>>, vector<1x16xf32>,
      %broadcast_in_dim3A_208 = arith.constant 0.000000e+00 : f32
      %broadcast_in_dim3A_209 = vector.broadcast %broadcast_in_dim3A_208 : f32 to vector<1x16xf32>
      %swap3A_210 = arith.index_cast %add3A_194 : i32 to index
      %swap3A_211 = arith.constant 32 : index
      %swap3A_212 = tpu.vector_load %arg11[%swap3A_210, %swap3A_211] {strides = array<i32>} : memref<80x128xf32, #tpu.memory_space<vmem>>, vector<1x16xf32>,
      %swap3A_213 = vector.shape_cast %swap3A_212 : vector<1x16xf32> to vector<1x16xf32>
      %swap3A_214 = vector.shape_cast %broadcast_in_dim3A_209 : vector<1x16xf32> to vector<1x16xf32>
      tpu.vector_store %arg11[%swap3A_210, %swap3A_211], %swap3A_214 {strides = array<i32>} : memref<80x128xf32, #tpu.memory_space<vmem>>, vector<1x16xf32>,
      %broadcast_in_dim3A_215 = arith.constant 0.000000e+00 : f32
      %broadcast_in_dim3A_216 = vector.broadcast %broadcast_in_dim3A_215 : f32 to vector<1x16xf32>
      %swap3A_217 = arith.index_cast %add3A_194 : i32 to index
      %swap3A_218 = arith.constant 48 : index
      %swap3A_219 = tpu.vector_load %arg11[%swap3A_217, %swap3A_218] {strides = array<i32>} : memref<80x128xf32, #tpu.memory_space<vmem>>, vector<1x16xf32>,
      %swap3A_220 = vector.shape_cast %swap3A_219 : vector<1x16xf32> to vector<1x16xf32>
      %swap3A_221 = vector.shape_cast %broadcast_in_dim3A_216 : vector<1x16xf32> to vector<1x16xf32>
      tpu.vector_store %arg11[%swap3A_217, %swap3A_218], %swap3A_221 {strides = array<i32>} : memref<80x128xf32, #tpu.memory_space<vmem>>, vector<1x16xf32>,
      %broadcast_in_dim3A_222 = arith.constant 0.000000e+00 : f32
      %broadcast_in_dim3A_223 = vector.broadcast %broadcast_in_dim3A_222 : f32 to vector<1x16xf32>
      %swap3A_224 = arith.index_cast %add3A_194 : i32 to index
      %swap3A_225 = arith.constant 64 : index
      %swap3A_226 = tpu.vector_load %arg11[%swap3A_224, %swap3A_225] {strides = array<i32>} : memref<80x128xf32, #tpu.memory_space<vmem>>, vector<1x16xf32>,
      %swap3A_227 = vector.shape_cast %swap3A_226 : vector<1x16xf32> to vector<1x16xf32>
      %swap3A_228 = vector.shape_cast %broadcast_in_dim3A_223 : vector<1x16xf32> to vector<1x16xf32>
      tpu.vector_store %arg11[%swap3A_224, %swap3A_225], %swap3A_228 {strides = array<i32>} : memref<80x128xf32, #tpu.memory_space<vmem>>, vector<1x16xf32>,
      %broadcast_in_dim3A_229 = arith.constant 0.000000e+00 : f32
      %broadcast_in_dim3A_230 = vector.broadcast %broadcast_in_dim3A_229 : f32 to vector<1x16xf32>
      %swap3A_231 = arith.index_cast %add3A_194 : i32 to index
      %swap3A_232 = arith.constant 80 : index
      %swap3A_233 = tpu.vector_load %arg11[%swap3A_231, %swap3A_232] {strides = array<i32>} : memref<80x128xf32, #tpu.memory_space<vmem>>, vector<1x16xf32>,
      %swap3A_234 = vector.shape_cast %swap3A_233 : vector<1x16xf32> to vector<1x16xf32>
      %swap3A_235 = vector.shape_cast %broadcast_in_dim3A_230 : vector<1x16xf32> to vector<1x16xf32>
      tpu.vector_store %arg11[%swap3A_231, %swap3A_232], %swap3A_235 {strides = array<i32>} : memref<80x128xf32, #tpu.memory_space<vmem>>, vector<1x16xf32>,
      %broadcast_in_dim3A_236 = arith.constant 0.000000e+00 : f32
      %broadcast_in_dim3A_237 = vector.broadcast %broadcast_in_dim3A_236 : f32 to vector<1x16xf32>
      %swap3A_238 = arith.index_cast %add3A_194 : i32 to index
      %swap3A_239 = arith.constant 96 : index
      %swap3A_240 = tpu.vector_load %arg11[%swap3A_238, %swap3A_239] {strides = array<i32>} : memref<80x128xf32, #tpu.memory_space<vmem>>, vector<1x16xf32>,
      %swap3A_241 = vector.shape_cast %swap3A_240 : vector<1x16xf32> to vector<1x16xf32>
      %swap3A_242 = vector.shape_cast %broadcast_in_dim3A_237 : vector<1x16xf32> to vector<1x16xf32>
      tpu.vector_store %arg11[%swap3A_238, %swap3A_239], %swap3A_242 {strides = array<i32>} : memref<80x128xf32, #tpu.memory_space<vmem>>, vector<1x16xf32>,
      %broadcast_in_dim3A_243 = arith.constant 0.000000e+00 : f32
      %broadcast_in_dim3A_244 = vector.broadcast %broadcast_in_dim3A_243 : f32 to vector<1x16xf32>
      %swap3A_245 = arith.index_cast %add3A_194 : i32 to index
      %swap3A_246 = arith.constant 112 : index
      %swap3A_247 = tpu.vector_load %arg11[%swap3A_245, %swap3A_246] {strides = array<i32>} : memref<80x128xf32, #tpu.memory_space<vmem>>, vector<1x16xf32>,
      %swap3A_248 = vector.shape_cast %swap3A_247 : vector<1x16xf32> to vector<1x16xf32>
      %swap3A_249 = vector.shape_cast %broadcast_in_dim3A_244 : vector<1x16xf32> to vector<1x16xf32>
      tpu.vector_store %arg11[%swap3A_245, %swap3A_246], %swap3A_249 {strides = array<i32>} : memref<80x128xf32, #tpu.memory_space<vmem>>, vector<1x16xf32>,
    }
    %scan3A_6 = arith.constant 80 : i32
    %mul3A_7 = arith.constant 625 : i32
    %mul3A_8 = arith.muli %arg1, %mul3A_7 : i32
    %add3A_9 = arith.constant 0 : i32
    %add3A_10 = arith.addi %mul3A_8, %add3A_9 : i32
    "tpu.region"() ({
      %run_scoped3A = tpu.sem_alloc : memref<!tpu.dma_semaphore, #tpu.memory_space<semaphore_mem>>
      %dma_start3A_190 = arith.constant 0 : i32
      %dma_start3A_191 = tpu.memref_slice %arg13[%add3A_10, %dma_start3A_190] : memref<10000x128xf32, #tpu.memory_space<vmem_shared>> -> memref<80x128xf32, #tpu.memory_space<vmem_shared>>
      %dma_start3A_192 = arith.constant 0 : i32
      %dma_start3A_193 = tpu.memref_slice %arg13[%add3A_10, %dma_start3A_192] : memref<10000x128xf32, #tpu.memory_space<vmem_shared>> -> memref<80x128xf32, #tpu.memory_space<vmem_shared>>
      tpu.enqueue_dma source(%arg11 : memref<80x128xf32, #tpu.memory_space<vmem>>) target(%dma_start3A_193 : memref<80x128xf32, #tpu.memory_space<vmem_shared>>) target_semaphore(%run_scoped3A : memref<!tpu.dma_semaphore, #tpu.memory_space<semaphore_mem>>)
      %dma_wait3A_194 = arith.constant 0 : i32
      %dma_wait3A_195 = tpu.memref_slice %arg13[%add3A_10, %dma_wait3A_194] : memref<10000x128xf32, #tpu.memory_space<vmem_shared>> -> memref<80x128xf32, #tpu.memory_space<vmem_shared>>
      %dma_wait3A_196 = arith.constant 0 : i32
      %dma_wait3A_197 = tpu.memref_slice %arg13[%add3A_10, %dma_wait3A_196] : memref<10000x128xf32, #tpu.memory_space<vmem_shared>> -> memref<80x128xf32, #tpu.memory_space<vmem_shared>>
      tpu.wait_dma2 semaphore(%run_scoped3A : memref<!tpu.dma_semaphore, #tpu.memory_space<semaphore_mem>>) src(%arg11 : memref<80x128xf32, #tpu.memory_space<vmem>>) dst(%dma_wait3A_197 : memref<80x128xf32, #tpu.memory_space<vmem_shared>>)
      tpu.yield
    }) : () -> ()
    %mul3A_11 = arith.constant 625 : i32
    %mul3A_12 = arith.muli %arg1, %mul3A_11 : i32
    %add3A_13 = arith.constant 80 : i32
    %add3A_14 = arith.addi %mul3A_12, %add3A_13 : i32
    "tpu.region"() ({
      %run_scoped3A = tpu.sem_alloc : memref<!tpu.dma_semaphore, #tpu.memory_space<semaphore_mem>>
      %dma_start3A_190 = arith.constant 0 : i32
      %dma_start3A_191 = tpu.memref_slice %arg13[%add3A_14, %dma_start3A_190] : memref<10000x128xf32, #tpu.memory_space<vmem_shared>> -> memref<80x128xf32, #tpu.memory_space<vmem_shared>>
      %dma_start3A_192 = arith.constant 0 : i32
      %dma_start3A_193 = tpu.memref_slice %arg13[%add3A_14, %dma_start3A_192] : memref<10000x128xf32, #tpu.memory_space<vmem_shared>> -> memref<80x128xf32, #tpu.memory_space<vmem_shared>>
      tpu.enqueue_dma source(%arg11 : memref<80x128xf32, #tpu.memory_space<vmem>>) target(%dma_start3A_193 : memref<80x128xf32, #tpu.memory_space<vmem_shared>>) target_semaphore(%run_scoped3A : memref<!tpu.dma_semaphore, #tpu.memory_space<semaphore_mem>>)
      %dma_wait3A_194 = arith.constant 0 : i32
      %dma_wait3A_195 = tpu.memref_slice %arg13[%add3A_14, %dma_wait3A_194] : memref<10000x128xf32, #tpu.memory_space<vmem_shared>> -> memref<80x128xf32, #tpu.memory_space<vmem_shared>>
      %dma_wait3A_196 = arith.constant 0 : i32
      %dma_wait3A_197 = tpu.memref_slice %arg13[%add3A_14, %dma_wait3A_196] : memref<10000x128xf32, #tpu.memory_space<vmem_shared>> -> memref<80x128xf32, #tpu.memory_space<vmem_shared>>
      tpu.wait_dma2 semaphore(%run_scoped3A : memref<!tpu.dma_semaphore, #tpu.memory_space<semaphore_mem>>) src(%arg11 : memref<80x128xf32, #tpu.memory_space<vmem>>) dst(%dma_wait3A_197 : memref<80x128xf32, #tpu.memory_space<vmem_shared>>)
      tpu.yield
    }) : () -> ()
    %mul3A_15 = arith.constant 625 : i32
    %mul3A_16 = arith.muli %arg1, %mul3A_15 : i32
    %add3A_17 = arith.constant 160 : i32
    %add3A_18 = arith.addi %mul3A_16, %add3A_17 : i32
    "tpu.region"() ({
      %run_scoped3A = tpu.sem_alloc : memref<!tpu.dma_semaphore, #tpu.memory_space<semaphore_mem>>
      %dma_start3A_190 = arith.constant 0 : i32
      %dma_start3A_191 = tpu.memref_slice %arg13[%add3A_18, %dma_start3A_190] : memref<10000x128xf32, #tpu.memory_space<vmem_shared>> -> memref<80x128xf32, #tpu.memory_space<vmem_shared>>
      %dma_start3A_192 = arith.constant 0 : i32
      %dma_start3A_193 = tpu.memref_slice %arg13[%add3A_18, %dma_start3A_192] : memref<10000x128xf32, #tpu.memory_space<vmem_shared>> -> memref<80x128xf32, #tpu.memory_space<vmem_shared>>
      tpu.enqueue_dma source(%arg11 : memref<80x128xf32, #tpu.memory_space<vmem>>) target(%dma_start3A_193 : memref<80x128xf32, #tpu.memory_space<vmem_shared>>) target_semaphore(%run_scoped3A : memref<!tpu.dma_semaphore, #tpu.memory_space<semaphore_mem>>)
      %dma_wait3A_194 = arith.constant 0 : i32
      %dma_wait3A_195 = tpu.memref_slice %arg13[%add3A_18, %dma_wait3A_194] : memref<10000x128xf32, #tpu.memory_space<vmem_shared>> -> memref<80x128xf32, #tpu.memory_space<vmem_shared>>
      %dma_wait3A_196 = arith.constant 0 : i32
      %dma_wait3A_197 = tpu.memref_slice %arg13[%add3A_18, %dma_wait3A_196] : memref<10000x128xf32, #tpu.memory_space<vmem_shared>> -> memref<80x128xf32, #tpu.memory_space<vmem_shared>>
      tpu.wait_dma2 semaphore(%run_scoped3A : memref<!tpu.dma_semaphore, #tpu.memory_space<semaphore_mem>>) src(%arg11 : memref<80x128xf32, #tpu.memory_space<vmem>>) dst(%dma_wait3A_197 : memref<80x128xf32, #tpu.memory_space<vmem_shared>>)
      tpu.yield
    }) : () -> ()
    %mul3A_19 = arith.constant 625 : i32
    %mul3A_20 = arith.muli %arg1, %mul3A_19 : i32
    %add3A_21 = arith.constant 240 : i32
    %add3A_22 = arith.addi %mul3A_20, %add3A_21 : i32
    "tpu.region"() ({
      %run_scoped3A = tpu.sem_alloc : memref<!tpu.dma_semaphore, #tpu.memory_space<semaphore_mem>>
      %dma_start3A_190 = arith.constant 0 : i32
      %dma_start3A_191 = tpu.memref_slice %arg13[%add3A_22, %dma_start3A_190] : memref<10000x128xf32, #tpu.memory_space<vmem_shared>> -> memref<80x128xf32, #tpu.memory_space<vmem_shared>>
      %dma_start3A_192 = arith.constant 0 : i32
      %dma_start3A_193 = tpu.memref_slice %arg13[%add3A_22, %dma_start3A_192] : memref<10000x128xf32, #tpu.memory_space<vmem_shared>> -> memref<80x128xf32, #tpu.memory_space<vmem_shared>>
      tpu.enqueue_dma source(%arg11 : memref<80x128xf32, #tpu.memory_space<vmem>>) target(%dma_start3A_193 : memref<80x128xf32, #tpu.memory_space<vmem_shared>>) target_semaphore(%run_scoped3A : memref<!tpu.dma_semaphore, #tpu.memory_space<semaphore_mem>>)
      %dma_wait3A_194 = arith.constant 0 : i32
      %dma_wait3A_195 = tpu.memref_slice %arg13[%add3A_22, %dma_wait3A_194] : memref<10000x128xf32, #tpu.memory_space<vmem_shared>> -> memref<80x128xf32, #tpu.memory_space<vmem_shared>>
      %dma_wait3A_196 = arith.constant 0 : i32
      %dma_wait3A_197 = tpu.memref_slice %arg13[%add3A_22, %dma_wait3A_196] : memref<10000x128xf32, #tpu.memory_space<vmem_shared>> -> memref<80x128xf32, #tpu.memory_space<vmem_shared>>
      tpu.wait_dma2 semaphore(%run_scoped3A : memref<!tpu.dma_semaphore, #tpu.memory_space<semaphore_mem>>) src(%arg11 : memref<80x128xf32, #tpu.memory_space<vmem>>) dst(%dma_wait3A_197 : memref<80x128xf32, #tpu.memory_space<vmem_shared>>)
      tpu.yield
    }) : () -> ()
    %mul3A_23 = arith.constant 625 : i32
    %mul3A_24 = arith.muli %arg1, %mul3A_23 : i32
    %add3A_25 = arith.constant 320 : i32
    %add3A_26 = arith.addi %mul3A_24, %add3A_25 : i32
    "tpu.region"() ({
      %run_scoped3A = tpu.sem_alloc : memref<!tpu.dma_semaphore, #tpu.memory_space<semaphore_mem>>
      %dma_start3A_190 = arith.constant 0 : i32
      %dma_start3A_191 = tpu.memref_slice %arg13[%add3A_26, %dma_start3A_190] : memref<10000x128xf32, #tpu.memory_space<vmem_shared>> -> memref<80x128xf32, #tpu.memory_space<vmem_shared>>
      %dma_start3A_192 = arith.constant 0 : i32
      %dma_start3A_193 = tpu.memref_slice %arg13[%add3A_26, %dma_start3A_192] : memref<10000x128xf32, #tpu.memory_space<vmem_shared>> -> memref<80x128xf32, #tpu.memory_space<vmem_shared>>
      tpu.enqueue_dma source(%arg11 : memref<80x128xf32, #tpu.memory_space<vmem>>) target(%dma_start3A_193 : memref<80x128xf32, #tpu.memory_space<vmem_shared>>) target_semaphore(%run_scoped3A : memref<!tpu.dma_semaphore, #tpu.memory_space<semaphore_mem>>)
      %dma_wait3A_194 = arith.constant 0 : i32
      %dma_wait3A_195 = tpu.memref_slice %arg13[%add3A_26, %dma_wait3A_194] : memref<10000x128xf32, #tpu.memory_space<vmem_shared>> -> memref<80x128xf32, #tpu.memory_space<vmem_shared>>
      %dma_wait3A_196 = arith.constant 0 : i32
      %dma_wait3A_197 = tpu.memref_slice %arg13[%add3A_26, %dma_wait3A_196] : memref<10000x128xf32, #tpu.memory_space<vmem_shared>> -> memref<80x128xf32, #tpu.memory_space<vmem_shared>>
      tpu.wait_dma2 semaphore(%run_scoped3A : memref<!tpu.dma_semaphore, #tpu.memory_space<semaphore_mem>>) src(%arg11 : memref<80x128xf32, #tpu.memory_space<vmem>>) dst(%dma_wait3A_197 : memref<80x128xf32, #tpu.memory_space<vmem_shared>>)
      tpu.yield
    }) : () -> ()
    %mul3A_27 = arith.constant 625 : i32
    %mul3A_28 = arith.muli %arg1, %mul3A_27 : i32
    %add3A_29 = arith.constant 400 : i32
    %add3A_30 = arith.addi %mul3A_28, %add3A_29 : i32
    "tpu.region"() ({
      %run_scoped3A = tpu.sem_alloc : memref<!tpu.dma_semaphore, #tpu.memory_space<semaphore_mem>>
      %dma_start3A_190 = arith.constant 0 : i32
      %dma_start3A_191 = tpu.memref_slice %arg13[%add3A_30, %dma_start3A_190] : memref<10000x128xf32, #tpu.memory_space<vmem_shared>> -> memref<80x128xf32, #tpu.memory_space<vmem_shared>>
      %dma_start3A_192 = arith.constant 0 : i32
      %dma_start3A_193 = tpu.memref_slice %arg13[%add3A_30, %dma_start3A_192] : memref<10000x128xf32, #tpu.memory_space<vmem_shared>> -> memref<80x128xf32, #tpu.memory_space<vmem_shared>>
      tpu.enqueue_dma source(%arg11 : memref<80x128xf32, #tpu.memory_space<vmem>>) target(%dma_start3A_193 : memref<80x128xf32, #tpu.memory_space<vmem_shared>>) target_semaphore(%run_scoped3A : memref<!tpu.dma_semaphore, #tpu.memory_space<semaphore_mem>>)
      %dma_wait3A_194 = arith.constant 0 : i32
      %dma_wait3A_195 = tpu.memref_slice %arg13[%add3A_30, %dma_wait3A_194] : memref<10000x128xf32, #tpu.memory_space<vmem_shared>> -> memref<80x128xf32, #tpu.memory_space<vmem_shared>>
      %dma_wait3A_196 = arith.constant 0 : i32
      %dma_wait3A_197 = tpu.memref_slice %arg13[%add3A_30, %dma_wait3A_196] : memref<10000x128xf32, #tpu.memory_space<vmem_shared>> -> memref<80x128xf32, #tpu.memory_space<vmem_shared>>
      tpu.wait_dma2 semaphore(%run_scoped3A : memref<!tpu.dma_semaphore, #tpu.memory_space<semaphore_mem>>) src(%arg11 : memref<80x128xf32, #tpu.memory_space<vmem>>) dst(%dma_wait3A_197 : memref<80x128xf32, #tpu.memory_space<vmem_shared>>)
      tpu.yield
    }) : () -> ()
    %mul3A_31 = arith.constant 625 : i32
    %mul3A_32 = arith.muli %arg1, %mul3A_31 : i32
    %add3A_33 = arith.constant 480 : i32
    %add3A_34 = arith.addi %mul3A_32, %add3A_33 : i32
    "tpu.region"() ({
      %run_scoped3A = tpu.sem_alloc : memref<!tpu.dma_semaphore, #tpu.memory_space<semaphore_mem>>
      %dma_start3A_190 = arith.constant 0 : i32
      %dma_start3A_191 = tpu.memref_slice %arg13[%add3A_34, %dma_start3A_190] : memref<10000x128xf32, #tpu.memory_space<vmem_shared>> -> memref<80x128xf32, #tpu.memory_space<vmem_shared>>
      %dma_start3A_192 = arith.constant 0 : i32
      %dma_start3A_193 = tpu.memref_slice %arg13[%add3A_34, %dma_start3A_192] : memref<10000x128xf32, #tpu.memory_space<vmem_shared>> -> memref<80x128xf32, #tpu.memory_space<vmem_shared>>
      tpu.enqueue_dma source(%arg11 : memref<80x128xf32, #tpu.memory_space<vmem>>) target(%dma_start3A_193 : memref<80x128xf32, #tpu.memory_space<vmem_shared>>) target_semaphore(%run_scoped3A : memref<!tpu.dma_semaphore, #tpu.memory_space<semaphore_mem>>)
      %dma_wait3A_194 = arith.constant 0 : i32
      %dma_wait3A_195 = tpu.memref_slice %arg13[%add3A_34, %dma_wait3A_194] : memref<10000x128xf32, #tpu.memory_space<vmem_shared>> -> memref<80x128xf32, #tpu.memory_space<vmem_shared>>
      %dma_wait3A_196 = arith.constant 0 : i32
      %dma_wait3A_197 = tpu.memref_slice %arg13[%add3A_34, %dma_wait3A_196] : memref<10000x128xf32, #tpu.memory_space<vmem_shared>> -> memref<80x128xf32, #tpu.memory_space<vmem_shared>>
      tpu.wait_dma2 semaphore(%run_scoped3A : memref<!tpu.dma_semaphore, #tpu.memory_space<semaphore_mem>>) src(%arg11 : memref<80x128xf32, #tpu.memory_space<vmem>>) dst(%dma_wait3A_197 : memref<80x128xf32, #tpu.memory_space<vmem_shared>>)
      tpu.yield
    }) : () -> ()
    %mul3A_35 = arith.constant 625 : i32
    %mul3A_36 = arith.muli %arg1, %mul3A_35 : i32
    %add3A_37 = arith.constant 560 : i32
    %add3A_38 = arith.addi %mul3A_36, %add3A_37 : i32
    "tpu.region"() ({
      %run_scoped3A = tpu.sem_alloc : memref<!tpu.dma_semaphore, #tpu.memory_space<semaphore_mem>>
      %dma_start3A_190 = arith.constant 0 : i32
      %dma_start3A_191 = arith.constant 0 : i32
      %dma_start3A_192 = tpu.memref_slice %arg11[%dma_start3A_190, %dma_start3A_191] : memref<80x128xf32, #tpu.memory_space<vmem>> -> memref<65x128xf32, #tpu.memory_space<vmem>>
      %dma_start3A_193 = arith.constant 0 : i32
      %dma_start3A_194 = tpu.memref_slice %arg13[%add3A_38, %dma_start3A_193] : memref<10000x128xf32, #tpu.memory_space<vmem_shared>> -> memref<65x128xf32, #tpu.memory_space<vmem_shared>>
      %dma_start3A_195 = arith.constant 0 : i32
      %dma_start3A_196 = tpu.memref_slice %arg13[%add3A_38, %dma_start3A_195] : memref<10000x128xf32, #tpu.memory_space<vmem_shared>> -> memref<65x128xf32, #tpu.memory_space<vmem_shared>>
      %dma_start3A_197 = arith.constant 0 : i32
      %dma_start3A_198 = arith.constant 0 : i32
      %dma_start3A_199 = tpu.memref_slice %arg11[%dma_start3A_197, %dma_start3A_198] : memref<80x128xf32, #tpu.memory_space<vmem>> -> memref<65x128xf32, #tpu.memory_space<vmem>>
      tpu.enqueue_dma source(%dma_start3A_199 : memref<65x128xf32, #tpu.memory_space<vmem>>) target(%dma_start3A_196 : memref<65x128xf32, #tpu.memory_space<vmem_shared>>) target_semaphore(%run_scoped3A : memref<!tpu.dma_semaphore, #tpu.memory_space<semaphore_mem>>)
      %dma_wait3A_200 = arith.constant 0 : i32
      %dma_wait3A_201 = arith.constant 0 : i32
      %dma_wait3A_202 = tpu.memref_slice %arg11[%dma_wait3A_200, %dma_wait3A_201] : memref<80x128xf32, #tpu.memory_space<vmem>> -> memref<65x128xf32, #tpu.memory_space<vmem>>
      %dma_wait3A_203 = arith.constant 0 : i32
      %dma_wait3A_204 = tpu.memref_slice %arg13[%add3A_38, %dma_wait3A_203] : memref<10000x128xf32, #tpu.memory_space<vmem_shared>> -> memref<65x128xf32, #tpu.memory_space<vmem_shared>>
      %dma_wait3A_205 = arith.constant 0 : i32
      %dma_wait3A_206 = tpu.memref_slice %arg13[%add3A_38, %dma_wait3A_205] : memref<10000x128xf32, #tpu.memory_space<vmem_shared>> -> memref<65x128xf32, #tpu.memory_space<vmem_shared>>
      %dma_wait3A_207 = arith.constant 0 : i32
      %dma_wait3A_208 = arith.constant 0 : i32
      %dma_wait3A_209 = tpu.memref_slice %arg11[%dma_wait3A_207, %dma_wait3A_208] : memref<80x128xf32, #tpu.memory_space<vmem>> -> memref<65x128xf32, #tpu.memory_space<vmem>>
      tpu.wait_dma2 semaphore(%run_scoped3A : memref<!tpu.dma_semaphore, #tpu.memory_space<semaphore_mem>>) src(%dma_wait3A_209 : memref<65x128xf32, #tpu.memory_space<vmem>>) dst(%dma_wait3A_206 : memref<65x128xf32, #tpu.memory_space<vmem_shared>>)
      tpu.yield
    }) : () -> ()
    %barrier3A = arith.constant 0 : index
    tpu.barrier barrier_id(%barrier3A)
    %add3A_39 = arith.constant 0 : i32
    %add3A_40 = arith.addi %mul3A_2, %add3A_39 : i32
    %dma_start3A = arith.constant 0 : i32
    %dma_start3A_41 = tpu.memref_slice %arg3[%dma_start3A, %add3A_40] : memref<2x320000xi32, #tpu.memory_space<hbm>> -> memref<2x80xi32, #tpu.memory_space<hbm>>
    %dma_start3A_42 = arith.constant 0 : i32
    %dma_start3A_43 = tpu.memref_slice %arg3[%dma_start3A_42, %add3A_40] : memref<2x320000xi32, #tpu.memory_space<hbm>> -> memref<2x80xi32, #tpu.memory_space<hbm>>
    tpu.enqueue_dma source(%dma_start3A_43 : memref<2x80xi32, #tpu.memory_space<hbm>>) target(%arg6 : memref<2x80xi32, #tpu.memory_space<vmem>>) target_semaphore(%arg14 : memref<!tpu.dma_semaphore, #tpu.memory_space<semaphore_mem>>)
    %add3A_44 = arith.constant 80 : i32
    %add3A_45 = arith.addi %mul3A_2, %add3A_44 : i32
    %dma_start3A_46 = arith.constant 0 : i32
    %dma_start3A_47 = tpu.memref_slice %arg3[%dma_start3A_46, %add3A_45] : memref<2x320000xi32, #tpu.memory_space<hbm>> -> memref<2x80xi32, #tpu.memory_space<hbm>>
    %dma_start3A_48 = arith.constant 0 : i32
    %dma_start3A_49 = tpu.memref_slice %arg3[%dma_start3A_48, %add3A_45] : memref<2x320000xi32, #tpu.memory_space<hbm>> -> memref<2x80xi32, #tpu.memory_space<hbm>>
    tpu.enqueue_dma source(%dma_start3A_49 : memref<2x80xi32, #tpu.memory_space<hbm>>) target(%arg7 : memref<2x80xi32, #tpu.memory_space<vmem>>) target_semaphore(%arg15 : memref<!tpu.dma_semaphore, #tpu.memory_space<semaphore_mem>>)
    %add3A_50 = arith.constant 0 : i32
    %add3A_51 = arith.addi %mul3A_2, %add3A_50 : i32
    %dma_wait3A = arith.constant 0 : i32
    %dma_wait3A_52 = tpu.memref_slice %arg3[%dma_wait3A, %add3A_51] : memref<2x320000xi32, #tpu.memory_space<hbm>> -> memref<2x80xi32, #tpu.memory_space<hbm>>
    %dma_wait3A_53 = arith.constant 0 : i32
    %dma_wait3A_54 = tpu.memref_slice %arg3[%dma_wait3A_53, %add3A_51] : memref<2x320000xi32, #tpu.memory_space<hbm>> -> memref<2x80xi32, #tpu.memory_space<hbm>>
    tpu.wait_dma2 semaphore(%arg14 : memref<!tpu.dma_semaphore, #tpu.memory_space<semaphore_mem>>) src(%dma_wait3A_54 : memref<2x80xi32, #tpu.memory_space<hbm>>) dst(%arg6 : memref<2x80xi32, #tpu.memory_space<vmem>>)
    %dma_start3A_55 = arith.constant 0 : i32
    %dma_start3A_56 = arith.constant 0 : i32
    %dma_start3A_57 = tpu.memref_slice %arg6[%dma_start3A_55, %dma_start3A_56] : memref<2x80xi32, #tpu.memory_space<vmem>> -> memref<1x80xi32, #tpu.memory_space<vmem>>
    %dma_start3A_58 = tpu.memref_squeeze %dma_start3A_57 : memref<1x80xi32, #tpu.memory_space<vmem>> -> memref<80xi32, #tpu.memory_space<vmem>>
    %dma_start3A_59 = arith.constant 0 : i32
    %dma_start3A_60 = arith.constant 0 : i32
    %dma_start3A_61 = tpu.memref_slice %arg2[%dma_start3A_59, %dma_start3A_60] : memref<10000x128xf32, #tpu.memory_space<hbm>> -> memref<10000x128xf32, #tpu.memory_space<hbm>>
    tpu.enqueue_indirect_dma source(%dma_start3A_61 : memref<10000x128xf32, #tpu.memory_space<hbm>>) target(%arg9 : memref<80x128xf32, #tpu.memory_space<vmem>>) offsets(%dma_start3A_58 : memref<80xi32, #tpu.memory_space<vmem>>) semaphore(%arg16 : memref<!tpu.dma_semaphore, #tpu.memory_space<semaphore_mem>>)
    %add3A_62 = arith.constant 0 : i32
    %add3A_63 = arith.addi %mul3A_2, %add3A_62 : i32
    %dma_start3A_64 = arith.constant 0 : i32
    %dma_start3A_65 = tpu.memref_slice %arg4[%add3A_63, %dma_start3A_64] : memref<320000x128xf32, #tpu.memory_space<hbm>> -> memref<80x128xf32, #tpu.memory_space<hbm>>
    %dma_start3A_66 = arith.constant 0 : i32
    %dma_start3A_67 = tpu.memref_slice %arg4[%add3A_63, %dma_start3A_66] : memref<320000x128xf32, #tpu.memory_space<hbm>> -> memref<80x128xf32, #tpu.memory_space<hbm>>
    tpu.enqueue_dma source(%dma_start3A_67 : memref<80x128xf32, #tpu.memory_space<hbm>>) target(%arg11 : memref<80x128xf32, #tpu.memory_space<vmem>>) target_semaphore(%arg18 : memref<!tpu.dma_semaphore, #tpu.memory_space<semaphore_mem>>)
    %scan3A_68 = arith.constant 0 : i32
    %scan3A_69 = arith.constant 62 : i32
    %scan3A_70 = arith.addi %scan3A_68, %scan3A_69 : i32
    %scan3A_71 = arith.constant 1 : i32
    scf.for %scan3A_190 = %scan3A_68 to %scan3A_70 step %scan3A_71  : i32 {
      %mul3A_191 = arith.constant 1 : i32
      %mul3A_192 = arith.muli %scan3A_190, %mul3A_191 : i32
      %add3A_193 = arith.constant 0 : i32
      %add3A_194 = arith.addi %add3A_193, %mul3A_192 : i32
      %mul3A_195 = arith.constant 2 : i32
      %mul3A_196 = arith.muli %mul3A_195, %add3A_194 : i32
      %add3A_197 = arith.constant 0 : i32
      %add3A_198 = arith.addi %mul3A_196, %add3A_197 : i32
      %gt3A = arith.constant 0 : i32
      %gt3A_199 = arith.cmpi sgt, %add3A_194, %gt3A : i32
      %convert_element_type3A = arith.extui %gt3A_199 : i1 to i32
      %cond3A = arith.constant 0 : i32
      %cond3A_200 = arith.cmpi ne, %convert_element_type3A, %cond3A : i32
      scf.if %cond3A_200 {
        %dma_wait3A_373 = arith.constant 1 : i32
        %dma_wait3A_374 = arith.constant 0 : i32
        %dma_wait3A_375 = tpu.memref_slice %arg8[%dma_wait3A_373, %dma_wait3A_374] : memref<2x80xi32, #tpu.memory_space<vmem>> -> memref<1x80xi32, #tpu.memory_space<vmem>>
        %dma_wait3A_376 = tpu.memref_squeeze %dma_wait3A_375 : memref<1x80xi32, #tpu.memory_space<vmem>> -> memref<80xi32, #tpu.memory_space<vmem>>
        %dma_wait3A_377 = arith.constant 0 : i32
        %dma_wait3A_378 = arith.constant 0 : i32
        %dma_wait3A_379 = tpu.memref_slice %arg13[%dma_wait3A_377, %dma_wait3A_378] : memref<10000x128xf32, #tpu.memory_space<vmem_shared>> -> memref<10000x128xf32, #tpu.memory_space<vmem_shared>>
        tpu.wait_indirect_dma semaphore(%arg21 : memref<!tpu.dma_semaphore, #tpu.memory_space<semaphore_mem>>) src(%arg10 : memref<80x128xf32, #tpu.memory_space<vmem>>) dst(%dma_wait3A_379 : memref<10000x128xf32, #tpu.memory_space<vmem_shared>>)
      } else {
      }
      %lt3A = arith.constant 124 : i32
      %lt3A_201 = arith.cmpi slt, %add3A_198, %lt3A : i32
      %convert_element_type3A_202 = arith.extui %lt3A_201 : i1 to i32
      %cond3A_203 = arith.constant 0 : i32
      %cond3A_204 = arith.cmpi ne, %convert_element_type3A_202, %cond3A_203 : i32
      scf.if %cond3A_204 {
        %add3A_373 = arith.constant 1 : i32
        %add3A_374 = arith.addi %add3A_198, %add3A_373 : i32
        %mul3A_375 = arith.constant 80 : i32
        %mul3A_376 = arith.muli %add3A_374, %mul3A_375 : i32
        %add3A_377 = arith.addi %mul3A_2, %mul3A_376 : i32
        %dma_wait3A_378 = arith.constant 0 : i32
        %dma_wait3A_379 = tpu.memref_slice %arg3[%dma_wait3A_378, %add3A_377] : memref<2x320000xi32, #tpu.memory_space<hbm>> -> memref<2x80xi32, #tpu.memory_space<hbm>>
        %dma_wait3A_380 = arith.constant 0 : i32
        %dma_wait3A_381 = tpu.memref_slice %arg3[%dma_wait3A_380, %add3A_377] : memref<2x320000xi32, #tpu.memory_space<hbm>> -> memref<2x80xi32, #tpu.memory_space<hbm>>
        tpu.wait_dma2 semaphore(%arg15 : memref<!tpu.dma_semaphore, #tpu.memory_space<semaphore_mem>>) src(%dma_wait3A_381 : memref<2x80xi32, #tpu.memory_space<hbm>>) dst(%arg7 : memref<2x80xi32, #tpu.memory_space<vmem>>)
        %add3A_382 = arith.constant 1 : i32
        %add3A_383 = arith.addi %add3A_198, %add3A_382 : i32
        %dma_start3A_384 = arith.constant 0 : i32
        %dma_start3A_385 = arith.constant 0 : i32
        %dma_start3A_386 = tpu.memref_slice %arg7[%dma_start3A_384, %dma_start3A_385] : memref<2x80xi32, #tpu.memory_space<vmem>> -> memref<1x80xi32, #tpu.memory_space<vmem>>
        %dma_start3A_387 = tpu.memref_squeeze %dma_start3A_386 : memref<1x80xi32, #tpu.memory_space<vmem>> -> memref<80xi32, #tpu.memory_space<vmem>>
        %dma_start3A_388 = arith.constant 0 : i32
        %dma_start3A_389 = arith.constant 0 : i32
        %dma_start3A_390 = tpu.memref_slice %arg2[%dma_start3A_388, %dma_start3A_389] : memref<10000x128xf32, #tpu.memory_space<hbm>> -> memref<10000x128xf32, #tpu.memory_space<hbm>>
        tpu.enqueue_indirect_dma source(%dma_start3A_390 : memref<10000x128xf32, #tpu.memory_space<hbm>>) target(%arg10 : memref<80x128xf32, #tpu.memory_space<vmem>>) offsets(%dma_start3A_387 : memref<80xi32, #tpu.memory_space<vmem>>) semaphore(%arg17 : memref<!tpu.dma_semaphore, #tpu.memory_space<semaphore_mem>>)
        %mul3A_391 = arith.constant 80 : i32
        %mul3A_392 = arith.muli %add3A_383, %mul3A_391 : i32
        %add3A_393 = arith.addi %mul3A_2, %mul3A_392 : i32
        %dma_start3A_394 = arith.constant 0 : i32
        %dma_start3A_395 = tpu.memref_slice %arg4[%add3A_393, %dma_start3A_394] : memref<320000x128xf32, #tpu.memory_space<hbm>> -> memref<80x128xf32, #tpu.memory_space<hbm>>
        %dma_start3A_396 = arith.constant 0 : i32
        %dma_start3A_397 = tpu.memref_slice %arg4[%add3A_393, %dma_start3A_396] : memref<320000x128xf32, #tpu.memory_space<hbm>> -> memref<80x128xf32, #tpu.memory_space<hbm>>
        tpu.enqueue_dma source(%dma_start3A_397 : memref<80x128xf32, #tpu.memory_space<hbm>>) target(%arg12 : memref<80x128xf32, #tpu.memory_space<vmem>>) target_semaphore(%arg19 : memref<!tpu.dma_semaphore, #tpu.memory_space<semaphore_mem>>)
      } else {
      }
      %dma_wait3A_205 = arith.constant 0 : i32
      %dma_wait3A_206 = arith.constant 0 : i32
      %dma_wait3A_207 = tpu.memref_slice %arg6[%dma_wait3A_205, %dma_wait3A_206] : memref<2x80xi32, #tpu.memory_space<vmem>> -> memref<1x80xi32, #tpu.memory_space<vmem>>
      %dma_wait3A_208 = tpu.memref_squeeze %dma_wait3A_207 : memref<1x80xi32, #tpu.memory_space<vmem>> -> memref<80xi32, #tpu.memory_space<vmem>>
      %dma_wait3A_209 = arith.constant 0 : i32
      %dma_wait3A_210 = arith.constant 0 : i32
      %dma_wait3A_211 = tpu.memref_slice %arg2[%dma_wait3A_209, %dma_wait3A_210] : memref<10000x128xf32, #tpu.memory_space<hbm>> -> memref<10000x128xf32, #tpu.memory_space<hbm>>
      tpu.wait_indirect_dma semaphore(%arg16 : memref<!tpu.dma_semaphore, #tpu.memory_space<semaphore_mem>>) src(%dma_wait3A_211 : memref<10000x128xf32, #tpu.memory_space<hbm>>) dst(%arg9 : memref<80x128xf32, #tpu.memory_space<vmem>>)
      %mul3A_212 = arith.constant 80 : i32
      %mul3A_213 = arith.muli %add3A_198, %mul3A_212 : i32
      %add3A_214 = arith.addi %mul3A_2, %mul3A_213 : i32
      %dma_wait3A_215 = arith.constant 0 : i32
      %dma_wait3A_216 = tpu.memref_slice %arg4[%add3A_214, %dma_wait3A_215] : memref<320000x128xf32, #tpu.memory_space<hbm>> -> memref<80x128xf32, #tpu.memory_space<hbm>>
      %dma_wait3A_217 = arith.constant 0 : i32
      %dma_wait3A_218 = tpu.memref_slice %arg4[%add3A_214, %dma_wait3A_217] : memref<320000x128xf32, #tpu.memory_space<hbm>> -> memref<80x128xf32, #tpu.memory_space<hbm>>
      tpu.wait_dma2 semaphore(%arg18 : memref<!tpu.dma_semaphore, #tpu.memory_space<semaphore_mem>>) src(%dma_wait3A_218 : memref<80x128xf32, #tpu.memory_space<hbm>>) dst(%arg11 : memref<80x128xf32, #tpu.memory_space<vmem>>)
      %lt3A_219 = arith.constant 123 : i32
      %lt3A_220 = arith.cmpi slt, %add3A_198, %lt3A_219 : i32
      %convert_element_type3A_221 = arith.extui %lt3A_220 : i1 to i32
      %cond3A_222 = arith.constant 0 : i32
      %cond3A_223 = arith.cmpi ne, %convert_element_type3A_221, %cond3A_222 : i32
      scf.if %cond3A_223 {
        %add3A_373 = arith.constant 2 : i32
        %add3A_374 = arith.addi %add3A_198, %add3A_373 : i32
        %mul3A_375 = arith.constant 80 : i32
        %mul3A_376 = arith.muli %add3A_374, %mul3A_375 : i32
        %add3A_377 = arith.addi %mul3A_2, %mul3A_376 : i32
        %dma_start3A_378 = arith.constant 0 : i32
        %dma_start3A_379 = tpu.memref_slice %arg3[%dma_start3A_378, %add3A_377] : memref<2x320000xi32, #tpu.memory_space<hbm>> -> memref<2x80xi32, #tpu.memory_space<hbm>>
        %dma_start3A_380 = arith.constant 0 : i32
        %dma_start3A_381 = tpu.memref_slice %arg3[%dma_start3A_380, %add3A_377] : memref<2x320000xi32, #tpu.memory_space<hbm>> -> memref<2x80xi32, #tpu.memory_space<hbm>>
        tpu.enqueue_dma source(%dma_start3A_381 : memref<2x80xi32, #tpu.memory_space<hbm>>) target(%arg6 : memref<2x80xi32, #tpu.memory_space<vmem>>) target_semaphore(%arg14 : memref<!tpu.dma_semaphore, #tpu.memory_space<semaphore_mem>>)
      } else {
      }
      %get3A_224 = arith.constant 1 : index
      %get3A_225 = arith.constant 0 : index
      %get3A_226 = tpu.vector_load %arg6[%get3A_224, %get3A_225] {strides = array<i32>} : memref<2x80xi32, #tpu.memory_space<vmem>>, vector<1x16xi32>,
      %get3A_227 = vector.shape_cast %get3A_226 : vector<1x16xi32> to vector<1x16xi32>
      %swap3A_228 = arith.constant 0 : index
      %swap3A_229 = arith.constant 0 : index
      %swap3A_230 = tpu.vector_load %arg8[%swap3A_228, %swap3A_229] {strides = array<i32>} : memref<2x80xi32, #tpu.memory_space<vmem>>, vector<1x16xi32>,
      %swap3A_231 = vector.shape_cast %swap3A_230 : vector<1x16xi32> to vector<1x16xi32>
      %swap3A_232 = vector.shape_cast %get3A_227 : vector<1x16xi32> to vector<1x16xi32>
      tpu.vector_store %arg8[%swap3A_228, %swap3A_229], %swap3A_232 {strides = array<i32>} : memref<2x80xi32, #tpu.memory_space<vmem>>, vector<1x16xi32>,
      %get3A_233 = arith.constant 1 : index
      %get3A_234 = arith.constant 16 : index
      %get3A_235 = tpu.vector_load %arg6[%get3A_233, %get3A_234] {strides = array<i32>} : memref<2x80xi32, #tpu.memory_space<vmem>>, vector<1x16xi32>,
      %get3A_236 = vector.shape_cast %get3A_235 : vector<1x16xi32> to vector<1x16xi32>
      %swap3A_237 = arith.constant 0 : index
      %swap3A_238 = arith.constant 16 : index
      %swap3A_239 = tpu.vector_load %arg8[%swap3A_237, %swap3A_238] {strides = array<i32>} : memref<2x80xi32, #tpu.memory_space<vmem>>, vector<1x16xi32>,
      %swap3A_240 = vector.shape_cast %swap3A_239 : vector<1x16xi32> to vector<1x16xi32>
      %swap3A_241 = vector.shape_cast %get3A_236 : vector<1x16xi32> to vector<1x16xi32>
      tpu.vector_store %arg8[%swap3A_237, %swap3A_238], %swap3A_241 {strides = array<i32>} : memref<2x80xi32, #tpu.memory_space<vmem>>, vector<1x16xi32>,
      %get3A_242 = arith.constant 1 : index
      %get3A_243 = arith.constant 32 : index
      %get3A_244 = tpu.vector_load %arg6[%get3A_242, %get3A_243] {strides = array<i32>} : memref<2x80xi32, #tpu.memory_space<vmem>>, vector<1x16xi32>,
      %get3A_245 = vector.shape_cast %get3A_244 : vector<1x16xi32> to vector<1x16xi32>
      %swap3A_246 = arith.constant 0 : index
      %swap3A_247 = arith.constant 32 : index
      %swap3A_248 = tpu.vector_load %arg8[%swap3A_246, %swap3A_247] {strides = array<i32>} : memref<2x80xi32, #tpu.memory_space<vmem>>, vector<1x16xi32>,
      %swap3A_249 = vector.shape_cast %swap3A_248 : vector<1x16xi32> to vector<1x16xi32>
      %swap3A_250 = vector.shape_cast %get3A_245 : vector<1x16xi32> to vector<1x16xi32>
      tpu.vector_store %arg8[%swap3A_246, %swap3A_247], %swap3A_250 {strides = array<i32>} : memref<2x80xi32, #tpu.memory_space<vmem>>, vector<1x16xi32>,
      %get3A_251 = arith.constant 1 : index
      %get3A_252 = arith.constant 48 : index
      %get3A_253 = tpu.vector_load %arg6[%get3A_251, %get3A_252] {strides = array<i32>} : memref<2x80xi32, #tpu.memory_space<vmem>>, vector<1x16xi32>,
      %get3A_254 = vector.shape_cast %get3A_253 : vector<1x16xi32> to vector<1x16xi32>
      %swap3A_255 = arith.constant 0 : index
      %swap3A_256 = arith.constant 48 : index
      %swap3A_257 = tpu.vector_load %arg8[%swap3A_255, %swap3A_256] {strides = array<i32>} : memref<2x80xi32, #tpu.memory_space<vmem>>, vector<1x16xi32>,
      %swap3A_258 = vector.shape_cast %swap3A_257 : vector<1x16xi32> to vector<1x16xi32>
      %swap3A_259 = vector.shape_cast %get3A_254 : vector<1x16xi32> to vector<1x16xi32>
      tpu.vector_store %arg8[%swap3A_255, %swap3A_256], %swap3A_259 {strides = array<i32>} : memref<2x80xi32, #tpu.memory_space<vmem>>, vector<1x16xi32>,
      %get3A_260 = arith.constant 1 : index
      %get3A_261 = arith.constant 64 : index
      %get3A_262 = tpu.vector_load %arg6[%get3A_260, %get3A_261] {strides = array<i32>} : memref<2x80xi32, #tpu.memory_space<vmem>>, vector<1x16xi32>,
      %get3A_263 = vector.shape_cast %get3A_262 : vector<1x16xi32> to vector<1x16xi32>
      %swap3A_264 = arith.constant 0 : index
      %swap3A_265 = arith.constant 64 : index
      %swap3A_266 = tpu.vector_load %arg8[%swap3A_264, %swap3A_265] {strides = array<i32>} : memref<2x80xi32, #tpu.memory_space<vmem>>, vector<1x16xi32>,
      %swap3A_267 = vector.shape_cast %swap3A_266 : vector<1x16xi32> to vector<1x16xi32>
      %swap3A_268 = vector.shape_cast %get3A_263 : vector<1x16xi32> to vector<1x16xi32>
      tpu.vector_store %arg8[%swap3A_264, %swap3A_265], %swap3A_268 {strides = array<i32>} : memref<2x80xi32, #tpu.memory_space<vmem>>, vector<1x16xi32>,
      %scan3A_269 = arith.constant 0 : i32
      %scan3A_270 = arith.constant 80 : i32
      %scan3A_271 = arith.addi %scan3A_269, %scan3A_270 : i32
      %scan3A_272 = arith.constant 1 : i32
      scf.for %scan3A_373 = %scan3A_269 to %scan3A_271 step %scan3A_272  : i32 {
        %mul3A_374 = arith.constant 1 : i32
        %mul3A_375 = arith.muli %scan3A_373, %mul3A_374 : i32
        %add3A_376 = arith.constant 0 : i32
        %add3A_377 = arith.addi %add3A_376, %mul3A_375 : i32
        %get3A_378 = arith.index_cast %add3A_377 : i32 to index
        %get3A_379 = arith.constant 0 : index
        %get3A_380 = tpu.vector_load %arg9[%get3A_378, %get3A_379] {strides = array<i32>} : memref<80x128xf32, #tpu.memory_space<vmem>>, vector<1x16xf32>,
        %get3A_381 = vector.shape_cast %get3A_380 : vector<1x16xf32> to vector<1x16xf32>
        %get3A_382 = arith.index_cast %add3A_377 : i32 to index
        %get3A_383 = arith.constant 0 : index
        %get3A_384 = tpu.vector_load %arg11[%get3A_382, %get3A_383] {strides = array<i32>} : memref<80x128xf32, #tpu.memory_space<vmem>>, vector<1x16xf32>,
        %get3A_385 = vector.shape_cast %get3A_384 : vector<1x16xf32> to vector<1x16xf32>
        %add3A_386 = arith.addf %get3A_381, %get3A_385 : vector<1x16xf32>
        %max3A = arith.constant 0.000000e+00 : f32
        %max3A_387 = vector.broadcast %max3A : f32 to vector<1x16xf32>
        %max3A_388 = arith.maximumf %add3A_386, %max3A_387 : vector<1x16xf32>
        %swap3A_389 = arith.index_cast %add3A_377 : i32 to index
        %swap3A_390 = arith.constant 0 : index
        %swap3A_391 = tpu.vector_load %arg9[%swap3A_389, %swap3A_390] {strides = array<i32>} : memref<80x128xf32, #tpu.memory_space<vmem>>, vector<1x16xf32>,
        %swap3A_392 = vector.shape_cast %swap3A_391 : vector<1x16xf32> to vector<1x16xf32>
        %swap3A_393 = vector.shape_cast %max3A_388 : vector<1x16xf32> to vector<1x16xf32>
        tpu.vector_store %arg9[%swap3A_389, %swap3A_390], %swap3A_393 {strides = array<i32>} : memref<80x128xf32, #tpu.memory_space<vmem>>, vector<1x16xf32>,
        %get3A_394 = arith.index_cast %add3A_377 : i32 to index
        %get3A_395 = arith.constant 16 : index
        %get3A_396 = tpu.vector_load %arg9[%get3A_394, %get3A_395] {strides = array<i32>} : memref<80x128xf32, #tpu.memory_space<vmem>>, vector<1x16xf32>,
        %get3A_397 = vector.shape_cast %get3A_396 : vector<1x16xf32> to vector<1x16xf32>
        %get3A_398 = arith.index_cast %add3A_377 : i32 to index
        %get3A_399 = arith.constant 16 : index
        %get3A_400 = tpu.vector_load %arg11[%get3A_398, %get3A_399] {strides = array<i32>} : memref<80x128xf32, #tpu.memory_space<vmem>>, vector<1x16xf32>,
        %get3A_401 = vector.shape_cast %get3A_400 : vector<1x16xf32> to vector<1x16xf32>
        %add3A_402 = arith.addf %get3A_397, %get3A_401 : vector<1x16xf32>
        %max3A_403 = arith.constant 0.000000e+00 : f32
        %max3A_404 = vector.broadcast %max3A_403 : f32 to vector<1x16xf32>
        %max3A_405 = arith.maximumf %add3A_402, %max3A_404 : vector<1x16xf32>
        %swap3A_406 = arith.index_cast %add3A_377 : i32 to index
        %swap3A_407 = arith.constant 16 : index
        %swap3A_408 = tpu.vector_load %arg9[%swap3A_406, %swap3A_407] {strides = array<i32>} : memref<80x128xf32, #tpu.memory_space<vmem>>, vector<1x16xf32>,
        %swap3A_409 = vector.shape_cast %swap3A_408 : vector<1x16xf32> to vector<1x16xf32>
        %swap3A_410 = vector.shape_cast %max3A_405 : vector<1x16xf32> to vector<1x16xf32>
        tpu.vector_store %arg9[%swap3A_406, %swap3A_407], %swap3A_410 {strides = array<i32>} : memref<80x128xf32, #tpu.memory_space<vmem>>, vector<1x16xf32>,
        %get3A_411 = arith.index_cast %add3A_377 : i32 to index
        %get3A_412 = arith.constant 32 : index
        %get3A_413 = tpu.vector_load %arg9[%get3A_411, %get3A_412] {strides = array<i32>} : memref<80x128xf32, #tpu.memory_space<vmem>>, vector<1x16xf32>,
        %get3A_414 = vector.shape_cast %get3A_413 : vector<1x16xf32> to vector<1x16xf32>
        %get3A_415 = arith.index_cast %add3A_377 : i32 to index
        %get3A_416 = arith.constant 32 : index
        %get3A_417 = tpu.vector_load %arg11[%get3A_415, %get3A_416] {strides = array<i32>} : memref<80x128xf32, #tpu.memory_space<vmem>>, vector<1x16xf32>,
        %get3A_418 = vector.shape_cast %get3A_417 : vector<1x16xf32> to vector<1x16xf32>
        %add3A_419 = arith.addf %get3A_414, %get3A_418 : vector<1x16xf32>
        %max3A_420 = arith.constant 0.000000e+00 : f32
        %max3A_421 = vector.broadcast %max3A_420 : f32 to vector<1x16xf32>
        %max3A_422 = arith.maximumf %add3A_419, %max3A_421 : vector<1x16xf32>
        %swap3A_423 = arith.index_cast %add3A_377 : i32 to index
        %swap3A_424 = arith.constant 32 : index
        %swap3A_425 = tpu.vector_load %arg9[%swap3A_423, %swap3A_424] {strides = array<i32>} : memref<80x128xf32, #tpu.memory_space<vmem>>, vector<1x16xf32>,
        %swap3A_426 = vector.shape_cast %swap3A_425 : vector<1x16xf32> to vector<1x16xf32>
        %swap3A_427 = vector.shape_cast %max3A_422 : vector<1x16xf32> to vector<1x16xf32>
        tpu.vector_store %arg9[%swap3A_423, %swap3A_424], %swap3A_427 {strides = array<i32>} : memref<80x128xf32, #tpu.memory_space<vmem>>, vector<1x16xf32>,
        %get3A_428 = arith.index_cast %add3A_377 : i32 to index
        %get3A_429 = arith.constant 48 : index
        %get3A_430 = tpu.vector_load %arg9[%get3A_428, %get3A_429] {strides = array<i32>} : memref<80x128xf32, #tpu.memory_space<vmem>>, vector<1x16xf32>,
        %get3A_431 = vector.shape_cast %get3A_430 : vector<1x16xf32> to vector<1x16xf32>
        %get3A_432 = arith.index_cast %add3A_377 : i32 to index
        %get3A_433 = arith.constant 48 : index
        %get3A_434 = tpu.vector_load %arg11[%get3A_432, %get3A_433] {strides = array<i32>} : memref<80x128xf32, #tpu.memory_space<vmem>>, vector<1x16xf32>,
        %get3A_435 = vector.shape_cast %get3A_434 : vector<1x16xf32> to vector<1x16xf32>
        %add3A_436 = arith.addf %get3A_431, %get3A_435 : vector<1x16xf32>
        %max3A_437 = arith.constant 0.000000e+00 : f32
        %max3A_438 = vector.broadcast %max3A_437 : f32 to vector<1x16xf32>
        %max3A_439 = arith.maximumf %add3A_436, %max3A_438 : vector<1x16xf32>
        %swap3A_440 = arith.index_cast %add3A_377 : i32 to index
        %swap3A_441 = arith.constant 48 : index
        %swap3A_442 = tpu.vector_load %arg9[%swap3A_440, %swap3A_441] {strides = array<i32>} : memref<80x128xf32, #tpu.memory_space<vmem>>, vector<1x16xf32>,
        %swap3A_443 = vector.shape_cast %swap3A_442 : vector<1x16xf32> to vector<1x16xf32>
        %swap3A_444 = vector.shape_cast %max3A_439 : vector<1x16xf32> to vector<1x16xf32>
        tpu.vector_store %arg9[%swap3A_440, %swap3A_441], %swap3A_444 {strides = array<i32>} : memref<80x128xf32, #tpu.memory_space<vmem>>, vector<1x16xf32>,
        %get3A_445 = arith.index_cast %add3A_377 : i32 to index
        %get3A_446 = arith.constant 64 : index
        %get3A_447 = tpu.vector_load %arg9[%get3A_445, %get3A_446] {strides = array<i32>} : memref<80x128xf32, #tpu.memory_space<vmem>>, vector<1x16xf32>,
        %get3A_448 = vector.shape_cast %get3A_447 : vector<1x16xf32> to vector<1x16xf32>
        %get3A_449 = arith.index_cast %add3A_377 : i32 to index
        %get3A_450 = arith.constant 64 : index
        %get3A_451 = tpu.vector_load %arg11[%get3A_449, %get3A_450] {strides = array<i32>} : memref<80x128xf32, #tpu.memory_space<vmem>>, vector<1x16xf32>,
        %get3A_452 = vector.shape_cast %get3A_451 : vector<1x16xf32> to vector<1x16xf32>
        %add3A_453 = arith.addf %get3A_448, %get3A_452 : vector<1x16xf32>
        %max3A_454 = arith.constant 0.000000e+00 : f32
        %max3A_455 = vector.broadcast %max3A_454 : f32 to vector<1x16xf32>
        %max3A_456 = arith.maximumf %add3A_453, %max3A_455 : vector<1x16xf32>
        %swap3A_457 = arith.index_cast %add3A_377 : i32 to index
        %swap3A_458 = arith.constant 64 : index
        %swap3A_459 = tpu.vector_load %arg9[%swap3A_457, %swap3A_458] {strides = array<i32>} : memref<80x128xf32, #tpu.memory_space<vmem>>, vector<1x16xf32>,
        %swap3A_460 = vector.shape_cast %swap3A_459 : vector<1x16xf32> to vector<1x16xf32>
        %swap3A_461 = vector.shape_cast %max3A_456 : vector<1x16xf32> to vector<1x16xf32>
        tpu.vector_store %arg9[%swap3A_457, %swap3A_458], %swap3A_461 {strides = array<i32>} : memref<80x128xf32, #tpu.memory_space<vmem>>, vector<1x16xf32>,
        %get3A_462 = arith.index_cast %add3A_377 : i32 to index
        %get3A_463 = arith.constant 80 : index
        %get3A_464 = tpu.vector_load %arg9[%get3A_462, %get3A_463] {strides = array<i32>} : memref<80x128xf32, #tpu.memory_space<vmem>>, vector<1x16xf32>,
        %get3A_465 = vector.shape_cast %get3A_464 : vector<1x16xf32> to vector<1x16xf32>
        %get3A_466 = arith.index_cast %add3A_377 : i32 to index
        %get3A_467 = arith.constant 80 : index
        %get3A_468 = tpu.vector_load %arg11[%get3A_466, %get3A_467] {strides = array<i32>} : memref<80x128xf32, #tpu.memory_space<vmem>>, vector<1x16xf32>,
        %get3A_469 = vector.shape_cast %get3A_468 : vector<1x16xf32> to vector<1x16xf32>
        %add3A_470 = arith.addf %get3A_465, %get3A_469 : vector<1x16xf32>
        %max3A_471 = arith.constant 0.000000e+00 : f32
        %max3A_472 = vector.broadcast %max3A_471 : f32 to vector<1x16xf32>
        %max3A_473 = arith.maximumf %add3A_470, %max3A_472 : vector<1x16xf32>
        %swap3A_474 = arith.index_cast %add3A_377 : i32 to index
        %swap3A_475 = arith.constant 80 : index
        %swap3A_476 = tpu.vector_load %arg9[%swap3A_474, %swap3A_475] {strides = array<i32>} : memref<80x128xf32, #tpu.memory_space<vmem>>, vector<1x16xf32>,
        %swap3A_477 = vector.shape_cast %swap3A_476 : vector<1x16xf32> to vector<1x16xf32>
        %swap3A_478 = vector.shape_cast %max3A_473 : vector<1x16xf32> to vector<1x16xf32>
        tpu.vector_store %arg9[%swap3A_474, %swap3A_475], %swap3A_478 {strides = array<i32>} : memref<80x128xf32, #tpu.memory_space<vmem>>, vector<1x16xf32>,
        %get3A_479 = arith.index_cast %add3A_377 : i32 to index
        %get3A_480 = arith.constant 96 : index
        %get3A_481 = tpu.vector_load %arg9[%get3A_479, %get3A_480] {strides = array<i32>} : memref<80x128xf32, #tpu.memory_space<vmem>>, vector<1x16xf32>,
        %get3A_482 = vector.shape_cast %get3A_481 : vector<1x16xf32> to vector<1x16xf32>
        %get3A_483 = arith.index_cast %add3A_377 : i32 to index
        %get3A_484 = arith.constant 96 : index
        %get3A_485 = tpu.vector_load %arg11[%get3A_483, %get3A_484] {strides = array<i32>} : memref<80x128xf32, #tpu.memory_space<vmem>>, vector<1x16xf32>,
        %get3A_486 = vector.shape_cast %get3A_485 : vector<1x16xf32> to vector<1x16xf32>
        %add3A_487 = arith.addf %get3A_482, %get3A_486 : vector<1x16xf32>
        %max3A_488 = arith.constant 0.000000e+00 : f32
        %max3A_489 = vector.broadcast %max3A_488 : f32 to vector<1x16xf32>
        %max3A_490 = arith.maximumf %add3A_487, %max3A_489 : vector<1x16xf32>
        %swap3A_491 = arith.index_cast %add3A_377 : i32 to index
        %swap3A_492 = arith.constant 96 : index
        %swap3A_493 = tpu.vector_load %arg9[%swap3A_491, %swap3A_492] {strides = array<i32>} : memref<80x128xf32, #tpu.memory_space<vmem>>, vector<1x16xf32>,
        %swap3A_494 = vector.shape_cast %swap3A_493 : vector<1x16xf32> to vector<1x16xf32>
        %swap3A_495 = vector.shape_cast %max3A_490 : vector<1x16xf32> to vector<1x16xf32>
        tpu.vector_store %arg9[%swap3A_491, %swap3A_492], %swap3A_495 {strides = array<i32>} : memref<80x128xf32, #tpu.memory_space<vmem>>, vector<1x16xf32>,
        %get3A_496 = arith.index_cast %add3A_377 : i32 to index
        %get3A_497 = arith.constant 112 : index
        %get3A_498 = tpu.vector_load %arg9[%get3A_496, %get3A_497] {strides = array<i32>} : memref<80x128xf32, #tpu.memory_space<vmem>>, vector<1x16xf32>,
        %get3A_499 = vector.shape_cast %get3A_498 : vector<1x16xf32> to vector<1x16xf32>
        %get3A_500 = arith.index_cast %add3A_377 : i32 to index
        %get3A_501 = arith.constant 112 : index
        %get3A_502 = tpu.vector_load %arg11[%get3A_500, %get3A_501] {strides = array<i32>} : memref<80x128xf32, #tpu.memory_space<vmem>>, vector<1x16xf32>,
        %get3A_503 = vector.shape_cast %get3A_502 : vector<1x16xf32> to vector<1x16xf32>
        %add3A_504 = arith.addf %get3A_499, %get3A_503 : vector<1x16xf32>
        %max3A_505 = arith.constant 0.000000e+00 : f32
        %max3A_506 = vector.broadcast %max3A_505 : f32 to vector<1x16xf32>
        %max3A_507 = arith.maximumf %add3A_504, %max3A_506 : vector<1x16xf32>
        %swap3A_508 = arith.index_cast %add3A_377 : i32 to index
        %swap3A_509 = arith.constant 112 : index
        %swap3A_510 = tpu.vector_load %arg9[%swap3A_508, %swap3A_509] {strides = array<i32>} : memref<80x128xf32, #tpu.memory_space<vmem>>, vector<1x16xf32>,
        %swap3A_511 = vector.shape_cast %swap3A_510 : vector<1x16xf32> to vector<1x16xf32>
        %swap3A_512 = vector.shape_cast %max3A_507 : vector<1x16xf32> to vector<1x16xf32>
        tpu.vector_store %arg9[%swap3A_508, %swap3A_509], %swap3A_512 {strides = array<i32>} : memref<80x128xf32, #tpu.memory_space<vmem>>, vector<1x16xf32>,
      }
      %scan3A_273 = arith.constant 80 : i32
      %dma_start3A_274 = arith.constant 0 : i32
      %dma_start3A_275 = arith.constant 0 : i32
      %dma_start3A_276 = tpu.memref_slice %arg8[%dma_start3A_274, %dma_start3A_275] : memref<2x80xi32, #tpu.memory_space<vmem>> -> memref<1x80xi32, #tpu.memory_space<vmem>>
      %dma_start3A_277 = tpu.memref_squeeze %dma_start3A_276 : memref<1x80xi32, #tpu.memory_space<vmem>> -> memref<80xi32, #tpu.memory_space<vmem>>
      %dma_start3A_278 = arith.constant 0 : i32
      %dma_start3A_279 = arith.constant 0 : i32
      %dma_start3A_280 = tpu.memref_slice %arg13[%dma_start3A_278, %dma_start3A_279] : memref<10000x128xf32, #tpu.memory_space<vmem_shared>> -> memref<10000x128xf32, #tpu.memory_space<vmem_shared>>
      tpu.enqueue_indirect_dma source(%arg9 : memref<80x128xf32, #tpu.memory_space<vmem>>) target(%dma_start3A_280 : memref<10000x128xf32, #tpu.memory_space<vmem_shared>>) offsets(%dma_start3A_277 : memref<80xi32, #tpu.memory_space<vmem>>) semaphore(%arg20 : memref<!tpu.dma_semaphore, #tpu.memory_space<semaphore_mem>>) {add = true}
      %mul3A_281 = arith.constant 2 : i32
      %mul3A_282 = arith.muli %mul3A_281, %add3A_194 : i32
      %add3A_283 = arith.constant 1 : i32
      %add3A_284 = arith.addi %mul3A_282, %add3A_283 : i32
      %dma_wait3A_285 = arith.constant 0 : i32
      %dma_wait3A_286 = arith.constant 0 : i32
      %dma_wait3A_287 = tpu.memref_slice %arg8[%dma_wait3A_285, %dma_wait3A_286] : memref<2x80xi32, #tpu.memory_space<vmem>> -> memref<1x80xi32, #tpu.memory_space<vmem>>
      %dma_wait3A_288 = tpu.memref_squeeze %dma_wait3A_287 : memref<1x80xi32, #tpu.memory_space<vmem>> -> memref<80xi32, #tpu.memory_space<vmem>>
      %dma_wait3A_289 = arith.constant 0 : i32
      %dma_wait3A_290 = arith.constant 0 : i32
      %dma_wait3A_291 = tpu.memref_slice %arg13[%dma_wait3A_289, %dma_wait3A_290] : memref<10000x128xf32, #tpu.memory_space<vmem_shared>> -> memref<10000x128xf32, #tpu.memory_space<vmem_shared>>
      tpu.wait_indirect_dma semaphore(%arg20 : memref<!tpu.dma_semaphore, #tpu.memory_space<semaphore_mem>>) src(%arg9 : memref<80x128xf32, #tpu.memory_space<vmem>>) dst(%dma_wait3A_291 : memref<10000x128xf32, #tpu.memory_space<vmem_shared>>)
      %lt3A_292 = arith.constant 124 : i32
      %lt3A_293 = arith.cmpi slt, %add3A_284, %lt3A_292 : i32
      %convert_element_type3A_294 = arith.extui %lt3A_293 : i1 to i32
      %cond3A_295 = arith.constant 0 : i32
      %cond3A_296 = arith.cmpi ne, %convert_element_type3A_294, %cond3A_295 : i32
      scf.if %cond3A_296 {
        %add3A_373 = arith.constant 1 : i32
        %add3A_374 = arith.addi %add3A_284, %add3A_373 : i32
        %mul3A_375 = arith.constant 80 : i32
        %mul3A_376 = arith.muli %add3A_374, %mul3A_375 : i32
        %add3A_377 = arith.addi %mul3A_2, %mul3A_376 : i32
        %dma_wait3A_378 = arith.constant 0 : i32
        %dma_wait3A_379 = tpu.memref_slice %arg3[%dma_wait3A_378, %add3A_377] : memref<2x320000xi32, #tpu.memory_space<hbm>> -> memref<2x80xi32, #tpu.memory_space<hbm>>
        %dma_wait3A_380 = arith.constant 0 : i32
        %dma_wait3A_381 = tpu.memref_slice %arg3[%dma_wait3A_380, %add3A_377] : memref<2x320000xi32, #tpu.memory_space<hbm>> -> memref<2x80xi32, #tpu.memory_space<hbm>>
        tpu.wait_dma2 semaphore(%arg14 : memref<!tpu.dma_semaphore, #tpu.memory_space<semaphore_mem>>) src(%dma_wait3A_381 : memref<2x80xi32, #tpu.memory_space<hbm>>) dst(%arg6 : memref<2x80xi32, #tpu.memory_space<vmem>>)
        %add3A_382 = arith.constant 1 : i32
        %add3A_383 = arith.addi %add3A_284, %add3A_382 : i32
        %dma_start3A_384 = arith.constant 0 : i32
        %dma_start3A_385 = arith.constant 0 : i32
        %dma_start3A_386 = tpu.memref_slice %arg6[%dma_start3A_384, %dma_start3A_385] : memref<2x80xi32, #tpu.memory_space<vmem>> -> memref<1x80xi32, #tpu.memory_space<vmem>>
        %dma_start3A_387 = tpu.memref_squeeze %dma_start3A_386 : memref<1x80xi32, #tpu.memory_space<vmem>> -> memref<80xi32, #tpu.memory_space<vmem>>
        %dma_start3A_388 = arith.constant 0 : i32
        %dma_start3A_389 = arith.constant 0 : i32
        %dma_start3A_390 = tpu.memref_slice %arg2[%dma_start3A_388, %dma_start3A_389] : memref<10000x128xf32, #tpu.memory_space<hbm>> -> memref<10000x128xf32, #tpu.memory_space<hbm>>
        tpu.enqueue_indirect_dma source(%dma_start3A_390 : memref<10000x128xf32, #tpu.memory_space<hbm>>) target(%arg9 : memref<80x128xf32, #tpu.memory_space<vmem>>) offsets(%dma_start3A_387 : memref<80xi32, #tpu.memory_space<vmem>>) semaphore(%arg16 : memref<!tpu.dma_semaphore, #tpu.memory_space<semaphore_mem>>)
        %mul3A_391 = arith.constant 80 : i32
        %mul3A_392 = arith.muli %add3A_383, %mul3A_391 : i32
        %add3A_393 = arith.addi %mul3A_2, %mul3A_392 : i32
        %dma_start3A_394 = arith.constant 0 : i32
        %dma_start3A_395 = tpu.memref_slice %arg4[%add3A_393, %dma_start3A_394] : memref<320000x128xf32, #tpu.memory_space<hbm>> -> memref<80x128xf32, #tpu.memory_space<hbm>>
        %dma_start3A_396 = arith.constant 0 : i32
        %dma_start3A_397 = tpu.memref_slice %arg4[%add3A_393, %dma_start3A_396] : memref<320000x128xf32, #tpu.memory_space<hbm>> -> memref<80x128xf32, #tpu.memory_space<hbm>>
        tpu.enqueue_dma source(%dma_start3A_397 : memref<80x128xf32, #tpu.memory_space<hbm>>) target(%arg11 : memref<80x128xf32, #tpu.memory_space<vmem>>) target_semaphore(%arg18 : memref<!tpu.dma_semaphore, #tpu.memory_space<semaphore_mem>>)
      } else {
      }
      %dma_wait3A_297 = arith.constant 0 : i32
      %dma_wait3A_298 = arith.constant 0 : i32
      %dma_wait3A_299 = tpu.memref_slice %arg7[%dma_wait3A_297, %dma_wait3A_298] : memref<2x80xi32, #tpu.memory_space<vmem>> -> memref<1x80xi32, #tpu.memory_space<vmem>>
      %dma_wait3A_300 = tpu.memref_squeeze %dma_wait3A_299 : memref<1x80xi32, #tpu.memory_space<vmem>> -> memref<80xi32, #tpu.memory_space<vmem>>
      %dma_wait3A_301 = arith.constant 0 : i32
      %dma_wait3A_302 = arith.constant 0 : i32
      %dma_wait3A_303 = tpu.memref_slice %arg2[%dma_wait3A_301, %dma_wait3A_302] : memref<10000x128xf32, #tpu.memory_space<hbm>> -> memref<10000x128xf32, #tpu.memory_space<hbm>>
      tpu.wait_indirect_dma semaphore(%arg17 : memref<!tpu.dma_semaphore, #tpu.memory_space<semaphore_mem>>) src(%dma_wait3A_303 : memref<10000x128xf32, #tpu.memory_space<hbm>>) dst(%arg10 : memref<80x128xf32, #tpu.memory_space<vmem>>)
      %mul3A_304 = arith.constant 80 : i32
      %mul3A_305 = arith.muli %add3A_284, %mul3A_304 : i32
      %add3A_306 = arith.addi %mul3A_2, %mul3A_305 : i32
      %dma_wait3A_307 = arith.constant 0 : i32
      %dma_wait3A_308 = tpu.memref_slice %arg4[%add3A_306, %dma_wait3A_307] : memref<320000x128xf32, #tpu.memory_space<hbm>> -> memref<80x128xf32, #tpu.memory_space<hbm>>
      %dma_wait3A_309 = arith.constant 0 : i32
      %dma_wait3A_310 = tpu.memref_slice %arg4[%add3A_306, %dma_wait3A_309] : memref<320000x128xf32, #tpu.memory_space<hbm>> -> memref<80x128xf32, #tpu.memory_space<hbm>>
      tpu.wait_dma2 semaphore(%arg19 : memref<!tpu.dma_semaphore, #tpu.memory_space<semaphore_mem>>) src(%dma_wait3A_310 : memref<80x128xf32, #tpu.memory_space<hbm>>) dst(%arg12 : memref<80x128xf32, #tpu.memory_space<vmem>>)
      %lt3A_311 = arith.constant 123 : i32
      %lt3A_312 = arith.cmpi slt, %add3A_284, %lt3A_311 : i32
      %convert_element_type3A_313 = arith.extui %lt3A_312 : i1 to i32
      %cond3A_314 = arith.constant 0 : i32
      %cond3A_315 = arith.cmpi ne, %convert_element_type3A_313, %cond3A_314 : i32
      scf.if %cond3A_315 {
        %add3A_373 = arith.constant 2 : i32
        %add3A_374 = arith.addi %add3A_284, %add3A_373 : i32
        %mul3A_375 = arith.constant 80 : i32
        %mul3A_376 = arith.muli %add3A_374, %mul3A_375 : i32
        %add3A_377 = arith.addi %mul3A_2, %mul3A_376 : i32
        %dma_start3A_378 = arith.constant 0 : i32
        %dma_start3A_379 = tpu.memref_slice %arg3[%dma_start3A_378, %add3A_377] : memref<2x320000xi32, #tpu.memory_space<hbm>> -> memref<2x80xi32, #tpu.memory_space<hbm>>
        %dma_start3A_380 = arith.constant 0 : i32
        %dma_start3A_381 = tpu.memref_slice %arg3[%dma_start3A_380, %add3A_377] : memref<2x320000xi32, #tpu.memory_space<hbm>> -> memref<2x80xi32, #tpu.memory_space<hbm>>
        tpu.enqueue_dma source(%dma_start3A_381 : memref<2x80xi32, #tpu.memory_space<hbm>>) target(%arg7 : memref<2x80xi32, #tpu.memory_space<vmem>>) target_semaphore(%arg15 : memref<!tpu.dma_semaphore, #tpu.memory_space<semaphore_mem>>)
      } else {
      }
      %get3A_316 = arith.constant 1 : index
      %get3A_317 = arith.constant 0 : index
      %get3A_318 = tpu.vector_load %arg7[%get3A_316, %get3A_317] {strides = array<i32>} : memref<2x80xi32, #tpu.memory_space<vmem>>, vector<1x16xi32>,
      %get3A_319 = vector.shape_cast %get3A_318 : vector<1x16xi32> to vector<1x16xi32>
      %swap3A_320 = arith.constant 1 : index
      %swap3A_321 = arith.constant 0 : index
      %swap3A_322 = tpu.vector_load %arg8[%swap3A_320, %swap3A_321] {strides = array<i32>} : memref<2x80xi32, #tpu.memory_space<vmem>>, vector<1x16xi32>,
      %swap3A_323 = vector.shape_cast %swap3A_322 : vector<1x16xi32> to vector<1x16xi32>
      %swap3A_324 = vector.shape_cast %get3A_319 : vector<1x16xi32> to vector<1x16xi32>
      tpu.vector_store %arg8[%swap3A_320, %swap3A_321], %swap3A_324 {strides = array<i32>} : memref<2x80xi32, #tpu.memory_space<vmem>>, vector<1x16xi32>,
      %get3A_325 = arith.constant 1 : index
      %get3A_326 = arith.constant 16 : index
      %get3A_327 = tpu.vector_load %arg7[%get3A_325, %get3A_326] {strides = array<i32>} : memref<2x80xi32, #tpu.memory_space<vmem>>, vector<1x16xi32>,
      %get3A_328 = vector.shape_cast %get3A_327 : vector<1x16xi32> to vector<1x16xi32>
      %swap3A_329 = arith.constant 1 : index
      %swap3A_330 = arith.constant 16 : index
      %swap3A_331 = tpu.vector_load %arg8[%swap3A_329, %swap3A_330] {strides = array<i32>} : memref<2x80xi32, #tpu.memory_space<vmem>>, vector<1x16xi32>,
      %swap3A_332 = vector.shape_cast %swap3A_331 : vector<1x16xi32> to vector<1x16xi32>
      %swap3A_333 = vector.shape_cast %get3A_328 : vector<1x16xi32> to vector<1x16xi32>
      tpu.vector_store %arg8[%swap3A_329, %swap3A_330], %swap3A_333 {strides = array<i32>} : memref<2x80xi32, #tpu.memory_space<vmem>>, vector<1x16xi32>,
      %get3A_334 = arith.constant 1 : index
      %get3A_335 = arith.constant 32 : index
      %get3A_336 = tpu.vector_load %arg7[%get3A_334, %get3A_335] {strides = array<i32>} : memref<2x80xi32, #tpu.memory_space<vmem>>, vector<1x16xi32>,
      %get3A_337 = vector.shape_cast %get3A_336 : vector<1x16xi32> to vector<1x16xi32>
      %swap3A_338 = arith.constant 1 : index
      %swap3A_339 = arith.constant 32 : index
      %swap3A_340 = tpu.vector_load %arg8[%swap3A_338, %swap3A_339] {strides = array<i32>} : memref<2x80xi32, #tpu.memory_space<vmem>>, vector<1x16xi32>,
      %swap3A_341 = vector.shape_cast %swap3A_340 : vector<1x16xi32> to vector<1x16xi32>
      %swap3A_342 = vector.shape_cast %get3A_337 : vector<1x16xi32> to vector<1x16xi32>
      tpu.vector_store %arg8[%swap3A_338, %swap3A_339], %swap3A_342 {strides = array<i32>} : memref<2x80xi32, #tpu.memory_space<vmem>>, vector<1x16xi32>,
      %get3A_343 = arith.constant 1 : index
      %get3A_344 = arith.constant 48 : index
      %get3A_345 = tpu.vector_load %arg7[%get3A_343, %get3A_344] {strides = array<i32>} : memref<2x80xi32, #tpu.memory_space<vmem>>, vector<1x16xi32>,
      %get3A_346 = vector.shape_cast %get3A_345 : vector<1x16xi32> to vector<1x16xi32>
      %swap3A_347 = arith.constant 1 : index
      %swap3A_348 = arith.constant 48 : index
      %swap3A_349 = tpu.vector_load %arg8[%swap3A_347, %swap3A_348] {strides = array<i32>} : memref<2x80xi32, #tpu.memory_space<vmem>>, vector<1x16xi32>,
      %swap3A_350 = vector.shape_cast %swap3A_349 : vector<1x16xi32> to vector<1x16xi32>
      %swap3A_351 = vector.shape_cast %get3A_346 : vector<1x16xi32> to vector<1x16xi32>
      tpu.vector_store %arg8[%swap3A_347, %swap3A_348], %swap3A_351 {strides = array<i32>} : memref<2x80xi32, #tpu.memory_space<vmem>>, vector<1x16xi32>,
      %get3A_352 = arith.constant 1 : index
      %get3A_353 = arith.constant 64 : index
      %get3A_354 = tpu.vector_load %arg7[%get3A_352, %get3A_353] {strides = array<i32>} : memref<2x80xi32, #tpu.memory_space<vmem>>, vector<1x16xi32>,
      %get3A_355 = vector.shape_cast %get3A_354 : vector<1x16xi32> to vector<1x16xi32>
      %swap3A_356 = arith.constant 1 : index
      %swap3A_357 = arith.constant 64 : index
      %swap3A_358 = tpu.vector_load %arg8[%swap3A_356, %swap3A_357] {strides = array<i32>} : memref<2x80xi32, #tpu.memory_space<vmem>>, vector<1x16xi32>,
      %swap3A_359 = vector.shape_cast %swap3A_358 : vector<1x16xi32> to vector<1x16xi32>
      %swap3A_360 = vector.shape_cast %get3A_355 : vector<1x16xi32> to vector<1x16xi32>
      tpu.vector_store %arg8[%swap3A_356, %swap3A_357], %swap3A_360 {strides = array<i32>} : memref<2x80xi32, #tpu.memory_space<vmem>>, vector<1x16xi32>,
      %scan3A_361 = arith.constant 0 : i32
      %scan3A_362 = arith.constant 80 : i32
      %scan3A_363 = arith.addi %scan3A_361, %scan3A_362 : i32
      %scan3A_364 = arith.constant 1 : i32
      scf.for %scan3A_373 = %scan3A_361 to %scan3A_363 step %scan3A_364  : i32 {
        %mul3A_374 = arith.constant 1 : i32
        %mul3A_375 = arith.muli %scan3A_373, %mul3A_374 : i32
        %add3A_376 = arith.constant 0 : i32
        %add3A_377 = arith.addi %add3A_376, %mul3A_375 : i32
        %get3A_378 = arith.index_cast %add3A_377 : i32 to index
        %get3A_379 = arith.constant 0 : index
        %get3A_380 = tpu.vector_load %arg10[%get3A_378, %get3A_379] {strides = array<i32>} : memref<80x128xf32, #tpu.memory_space<vmem>>, vector<1x16xf32>,
        %get3A_381 = vector.shape_cast %get3A_380 : vector<1x16xf32> to vector<1x16xf32>
        %get3A_382 = arith.index_cast %add3A_377 : i32 to index
        %get3A_383 = arith.constant 0 : index
        %get3A_384 = tpu.vector_load %arg12[%get3A_382, %get3A_383] {strides = array<i32>} : memref<80x128xf32, #tpu.memory_space<vmem>>, vector<1x16xf32>,
        %get3A_385 = vector.shape_cast %get3A_384 : vector<1x16xf32> to vector<1x16xf32>
        %add3A_386 = arith.addf %get3A_381, %get3A_385 : vector<1x16xf32>
        %max3A = arith.constant 0.000000e+00 : f32
        %max3A_387 = vector.broadcast %max3A : f32 to vector<1x16xf32>
        %max3A_388 = arith.maximumf %add3A_386, %max3A_387 : vector<1x16xf32>
        %swap3A_389 = arith.index_cast %add3A_377 : i32 to index
        %swap3A_390 = arith.constant 0 : index
        %swap3A_391 = tpu.vector_load %arg10[%swap3A_389, %swap3A_390] {strides = array<i32>} : memref<80x128xf32, #tpu.memory_space<vmem>>, vector<1x16xf32>,
        %swap3A_392 = vector.shape_cast %swap3A_391 : vector<1x16xf32> to vector<1x16xf32>
        %swap3A_393 = vector.shape_cast %max3A_388 : vector<1x16xf32> to vector<1x16xf32>
        tpu.vector_store %arg10[%swap3A_389, %swap3A_390], %swap3A_393 {strides = array<i32>} : memref<80x128xf32, #tpu.memory_space<vmem>>, vector<1x16xf32>,
        %get3A_394 = arith.index_cast %add3A_377 : i32 to index
        %get3A_395 = arith.constant 16 : index
        %get3A_396 = tpu.vector_load %arg10[%get3A_394, %get3A_395] {strides = array<i32>} : memref<80x128xf32, #tpu.memory_space<vmem>>, vector<1x16xf32>,
        %get3A_397 = vector.shape_cast %get3A_396 : vector<1x16xf32> to vector<1x16xf32>
        %get3A_398 = arith.index_cast %add3A_377 : i32 to index
        %get3A_399 = arith.constant 16 : index
        %get3A_400 = tpu.vector_load %arg12[%get3A_398, %get3A_399] {strides = array<i32>} : memref<80x128xf32, #tpu.memory_space<vmem>>, vector<1x16xf32>,
        %get3A_401 = vector.shape_cast %get3A_400 : vector<1x16xf32> to vector<1x16xf32>
        %add3A_402 = arith.addf %get3A_397, %get3A_401 : vector<1x16xf32>
        %max3A_403 = arith.constant 0.000000e+00 : f32
        %max3A_404 = vector.broadcast %max3A_403 : f32 to vector<1x16xf32>
        %max3A_405 = arith.maximumf %add3A_402, %max3A_404 : vector<1x16xf32>
        %swap3A_406 = arith.index_cast %add3A_377 : i32 to index
        %swap3A_407 = arith.constant 16 : index
        %swap3A_408 = tpu.vector_load %arg10[%swap3A_406, %swap3A_407] {strides = array<i32>} : memref<80x128xf32, #tpu.memory_space<vmem>>, vector<1x16xf32>,
        %swap3A_409 = vector.shape_cast %swap3A_408 : vector<1x16xf32> to vector<1x16xf32>
        %swap3A_410 = vector.shape_cast %max3A_405 : vector<1x16xf32> to vector<1x16xf32>
        tpu.vector_store %arg10[%swap3A_406, %swap3A_407], %swap3A_410 {strides = array<i32>} : memref<80x128xf32, #tpu.memory_space<vmem>>, vector<1x16xf32>,
        %get3A_411 = arith.index_cast %add3A_377 : i32 to index
        %get3A_412 = arith.constant 32 : index
        %get3A_413 = tpu.vector_load %arg10[%get3A_411, %get3A_412] {strides = array<i32>} : memref<80x128xf32, #tpu.memory_space<vmem>>, vector<1x16xf32>,
        %get3A_414 = vector.shape_cast %get3A_413 : vector<1x16xf32> to vector<1x16xf32>
        %get3A_415 = arith.index_cast %add3A_377 : i32 to index
        %get3A_416 = arith.constant 32 : index
        %get3A_417 = tpu.vector_load %arg12[%get3A_415, %get3A_416] {strides = array<i32>} : memref<80x128xf32, #tpu.memory_space<vmem>>, vector<1x16xf32>,
        %get3A_418 = vector.shape_cast %get3A_417 : vector<1x16xf32> to vector<1x16xf32>
        %add3A_419 = arith.addf %get3A_414, %get3A_418 : vector<1x16xf32>
        %max3A_420 = arith.constant 0.000000e+00 : f32
        %max3A_421 = vector.broadcast %max3A_420 : f32 to vector<1x16xf32>
        %max3A_422 = arith.maximumf %add3A_419, %max3A_421 : vector<1x16xf32>
        %swap3A_423 = arith.index_cast %add3A_377 : i32 to index
        %swap3A_424 = arith.constant 32 : index
        %swap3A_425 = tpu.vector_load %arg10[%swap3A_423, %swap3A_424] {strides = array<i32>} : memref<80x128xf32, #tpu.memory_space<vmem>>, vector<1x16xf32>,
        %swap3A_426 = vector.shape_cast %swap3A_425 : vector<1x16xf32> to vector<1x16xf32>
        %swap3A_427 = vector.shape_cast %max3A_422 : vector<1x16xf32> to vector<1x16xf32>
        tpu.vector_store %arg10[%swap3A_423, %swap3A_424], %swap3A_427 {strides = array<i32>} : memref<80x128xf32, #tpu.memory_space<vmem>>, vector<1x16xf32>,
        %get3A_428 = arith.index_cast %add3A_377 : i32 to index
        %get3A_429 = arith.constant 48 : index
        %get3A_430 = tpu.vector_load %arg10[%get3A_428, %get3A_429] {strides = array<i32>} : memref<80x128xf32, #tpu.memory_space<vmem>>, vector<1x16xf32>,
        %get3A_431 = vector.shape_cast %get3A_430 : vector<1x16xf32> to vector<1x16xf32>
        %get3A_432 = arith.index_cast %add3A_377 : i32 to index
        %get3A_433 = arith.constant 48 : index
        %get3A_434 = tpu.vector_load %arg12[%get3A_432, %get3A_433] {strides = array<i32>} : memref<80x128xf32, #tpu.memory_space<vmem>>, vector<1x16xf32>,
        %get3A_435 = vector.shape_cast %get3A_434 : vector<1x16xf32> to vector<1x16xf32>
        %add3A_436 = arith.addf %get3A_431, %get3A_435 : vector<1x16xf32>
        %max3A_437 = arith.constant 0.000000e+00 : f32
        %max3A_438 = vector.broadcast %max3A_437 : f32 to vector<1x16xf32>
        %max3A_439 = arith.maximumf %add3A_436, %max3A_438 : vector<1x16xf32>
        %swap3A_440 = arith.index_cast %add3A_377 : i32 to index
        %swap3A_441 = arith.constant 48 : index
        %swap3A_442 = tpu.vector_load %arg10[%swap3A_440, %swap3A_441] {strides = array<i32>} : memref<80x128xf32, #tpu.memory_space<vmem>>, vector<1x16xf32>,
        %swap3A_443 = vector.shape_cast %swap3A_442 : vector<1x16xf32> to vector<1x16xf32>
        %swap3A_444 = vector.shape_cast %max3A_439 : vector<1x16xf32> to vector<1x16xf32>
        tpu.vector_store %arg10[%swap3A_440, %swap3A_441], %swap3A_444 {strides = array<i32>} : memref<80x128xf32, #tpu.memory_space<vmem>>, vector<1x16xf32>,
        %get3A_445 = arith.index_cast %add3A_377 : i32 to index
        %get3A_446 = arith.constant 64 : index
        %get3A_447 = tpu.vector_load %arg10[%get3A_445, %get3A_446] {strides = array<i32>} : memref<80x128xf32, #tpu.memory_space<vmem>>, vector<1x16xf32>,
        %get3A_448 = vector.shape_cast %get3A_447 : vector<1x16xf32> to vector<1x16xf32>
        %get3A_449 = arith.index_cast %add3A_377 : i32 to index
        %get3A_450 = arith.constant 64 : index
        %get3A_451 = tpu.vector_load %arg12[%get3A_449, %get3A_450] {strides = array<i32>} : memref<80x128xf32, #tpu.memory_space<vmem>>, vector<1x16xf32>,
        %get3A_452 = vector.shape_cast %get3A_451 : vector<1x16xf32> to vector<1x16xf32>
        %add3A_453 = arith.addf %get3A_448, %get3A_452 : vector<1x16xf32>
        %max3A_454 = arith.constant 0.000000e+00 : f32
        %max3A_455 = vector.broadcast %max3A_454 : f32 to vector<1x16xf32>
        %max3A_456 = arith.maximumf %add3A_453, %max3A_455 : vector<1x16xf32>
        %swap3A_457 = arith.index_cast %add3A_377 : i32 to index
        %swap3A_458 = arith.constant 64 : index
        %swap3A_459 = tpu.vector_load %arg10[%swap3A_457, %swap3A_458] {strides = array<i32>} : memref<80x128xf32, #tpu.memory_space<vmem>>, vector<1x16xf32>,
        %swap3A_460 = vector.shape_cast %swap3A_459 : vector<1x16xf32> to vector<1x16xf32>
        %swap3A_461 = vector.shape_cast %max3A_456 : vector<1x16xf32> to vector<1x16xf32>
        tpu.vector_store %arg10[%swap3A_457, %swap3A_458], %swap3A_461 {strides = array<i32>} : memref<80x128xf32, #tpu.memory_space<vmem>>, vector<1x16xf32>,
        %get3A_462 = arith.index_cast %add3A_377 : i32 to index
        %get3A_463 = arith.constant 80 : index
        %get3A_464 = tpu.vector_load %arg10[%get3A_462, %get3A_463] {strides = array<i32>} : memref<80x128xf32, #tpu.memory_space<vmem>>, vector<1x16xf32>,
        %get3A_465 = vector.shape_cast %get3A_464 : vector<1x16xf32> to vector<1x16xf32>
        %get3A_466 = arith.index_cast %add3A_377 : i32 to index
        %get3A_467 = arith.constant 80 : index
        %get3A_468 = tpu.vector_load %arg12[%get3A_466, %get3A_467] {strides = array<i32>} : memref<80x128xf32, #tpu.memory_space<vmem>>, vector<1x16xf32>,
        %get3A_469 = vector.shape_cast %get3A_468 : vector<1x16xf32> to vector<1x16xf32>
        %add3A_470 = arith.addf %get3A_465, %get3A_469 : vector<1x16xf32>
        %max3A_471 = arith.constant 0.000000e+00 : f32
        %max3A_472 = vector.broadcast %max3A_471 : f32 to vector<1x16xf32>
        %max3A_473 = arith.maximumf %add3A_470, %max3A_472 : vector<1x16xf32>
        %swap3A_474 = arith.index_cast %add3A_377 : i32 to index
        %swap3A_475 = arith.constant 80 : index
        %swap3A_476 = tpu.vector_load %arg10[%swap3A_474, %swap3A_475] {strides = array<i32>} : memref<80x128xf32, #tpu.memory_space<vmem>>, vector<1x16xf32>,
        %swap3A_477 = vector.shape_cast %swap3A_476 : vector<1x16xf32> to vector<1x16xf32>
        %swap3A_478 = vector.shape_cast %max3A_473 : vector<1x16xf32> to vector<1x16xf32>
        tpu.vector_store %arg10[%swap3A_474, %swap3A_475], %swap3A_478 {strides = array<i32>} : memref<80x128xf32, #tpu.memory_space<vmem>>, vector<1x16xf32>,
        %get3A_479 = arith.index_cast %add3A_377 : i32 to index
        %get3A_480 = arith.constant 96 : index
        %get3A_481 = tpu.vector_load %arg10[%get3A_479, %get3A_480] {strides = array<i32>} : memref<80x128xf32, #tpu.memory_space<vmem>>, vector<1x16xf32>,
        %get3A_482 = vector.shape_cast %get3A_481 : vector<1x16xf32> to vector<1x16xf32>
        %get3A_483 = arith.index_cast %add3A_377 : i32 to index
        %get3A_484 = arith.constant 96 : index
        %get3A_485 = tpu.vector_load %arg12[%get3A_483, %get3A_484] {strides = array<i32>} : memref<80x128xf32, #tpu.memory_space<vmem>>, vector<1x16xf32>,
        %get3A_486 = vector.shape_cast %get3A_485 : vector<1x16xf32> to vector<1x16xf32>
        %add3A_487 = arith.addf %get3A_482, %get3A_486 : vector<1x16xf32>
        %max3A_488 = arith.constant 0.000000e+00 : f32
        %max3A_489 = vector.broadcast %max3A_488 : f32 to vector<1x16xf32>
        %max3A_490 = arith.maximumf %add3A_487, %max3A_489 : vector<1x16xf32>
        %swap3A_491 = arith.index_cast %add3A_377 : i32 to index
        %swap3A_492 = arith.constant 96 : index
        %swap3A_493 = tpu.vector_load %arg10[%swap3A_491, %swap3A_492] {strides = array<i32>} : memref<80x128xf32, #tpu.memory_space<vmem>>, vector<1x16xf32>,
        %swap3A_494 = vector.shape_cast %swap3A_493 : vector<1x16xf32> to vector<1x16xf32>
        %swap3A_495 = vector.shape_cast %max3A_490 : vector<1x16xf32> to vector<1x16xf32>
        tpu.vector_store %arg10[%swap3A_491, %swap3A_492], %swap3A_495 {strides = array<i32>} : memref<80x128xf32, #tpu.memory_space<vmem>>, vector<1x16xf32>,
        %get3A_496 = arith.index_cast %add3A_377 : i32 to index
        %get3A_497 = arith.constant 112 : index
        %get3A_498 = tpu.vector_load %arg10[%get3A_496, %get3A_497] {strides = array<i32>} : memref<80x128xf32, #tpu.memory_space<vmem>>, vector<1x16xf32>,
        %get3A_499 = vector.shape_cast %get3A_498 : vector<1x16xf32> to vector<1x16xf32>
        %get3A_500 = arith.index_cast %add3A_377 : i32 to index
        %get3A_501 = arith.constant 112 : index
        %get3A_502 = tpu.vector_load %arg12[%get3A_500, %get3A_501] {strides = array<i32>} : memref<80x128xf32, #tpu.memory_space<vmem>>, vector<1x16xf32>,
        %get3A_503 = vector.shape_cast %get3A_502 : vector<1x16xf32> to vector<1x16xf32>
        %add3A_504 = arith.addf %get3A_499, %get3A_503 : vector<1x16xf32>
        %max3A_505 = arith.constant 0.000000e+00 : f32
        %max3A_506 = vector.broadcast %max3A_505 : f32 to vector<1x16xf32>
        %max3A_507 = arith.maximumf %add3A_504, %max3A_506 : vector<1x16xf32>
        %swap3A_508 = arith.index_cast %add3A_377 : i32 to index
        %swap3A_509 = arith.constant 112 : index
        %swap3A_510 = tpu.vector_load %arg10[%swap3A_508, %swap3A_509] {strides = array<i32>} : memref<80x128xf32, #tpu.memory_space<vmem>>, vector<1x16xf32>,
        %swap3A_511 = vector.shape_cast %swap3A_510 : vector<1x16xf32> to vector<1x16xf32>
        %swap3A_512 = vector.shape_cast %max3A_507 : vector<1x16xf32> to vector<1x16xf32>
        tpu.vector_store %arg10[%swap3A_508, %swap3A_509], %swap3A_512 {strides = array<i32>} : memref<80x128xf32, #tpu.memory_space<vmem>>, vector<1x16xf32>,
      }
      %scan3A_365 = arith.constant 80 : i32
      %dma_start3A_366 = arith.constant 1 : i32
      %dma_start3A_367 = arith.constant 0 : i32
      %dma_start3A_368 = tpu.memref_slice %arg8[%dma_start3A_366, %dma_start3A_367] : memref<2x80xi32, #tpu.memory_space<vmem>> -> memref<1x80xi32, #tpu.memory_space<vmem>>
      %dma_start3A_369 = tpu.memref_squeeze %dma_start3A_368 : memref<1x80xi32, #tpu.memory_space<vmem>> -> memref<80xi32, #tpu.memory_space<vmem>>
      %dma_start3A_370 = arith.constant 0 : i32
      %dma_start3A_371 = arith.constant 0 : i32
      %dma_start3A_372 = tpu.memref_slice %arg13[%dma_start3A_370, %dma_start3A_371] : memref<10000x128xf32, #tpu.memory_space<vmem_shared>> -> memref<10000x128xf32, #tpu.memory_space<vmem_shared>>
      tpu.enqueue_indirect_dma source(%arg10 : memref<80x128xf32, #tpu.memory_space<vmem>>) target(%dma_start3A_372 : memref<10000x128xf32, #tpu.memory_space<vmem_shared>>) offsets(%dma_start3A_369 : memref<80xi32, #tpu.memory_space<vmem>>) semaphore(%arg21 : memref<!tpu.dma_semaphore, #tpu.memory_space<semaphore_mem>>) {add = true}
    }
    %scan3A_72 = arith.constant 62 : i32
    %dma_wait3A_73 = arith.constant 0 : i32
    %dma_wait3A_74 = arith.constant 0 : i32
    %dma_wait3A_75 = tpu.memref_slice %arg6[%dma_wait3A_73, %dma_wait3A_74] : memref<2x80xi32, #tpu.memory_space<vmem>> -> memref<1x80xi32, #tpu.memory_space<vmem>>
    %dma_wait3A_76 = tpu.memref_squeeze %dma_wait3A_75 : memref<1x80xi32, #tpu.memory_space<vmem>> -> memref<80xi32, #tpu.memory_space<vmem>>
    %dma_wait3A_77 = arith.constant 0 : i32
    %dma_wait3A_78 = arith.constant 0 : i32
    %dma_wait3A_79 = tpu.memref_slice %arg2[%dma_wait3A_77, %dma_wait3A_78] : memref<10000x128xf32, #tpu.memory_space<hbm>> -> memref<10000x128xf32, #tpu.memory_space<hbm>>
    tpu.wait_indirect_dma semaphore(%arg16 : memref<!tpu.dma_semaphore, #tpu.memory_space<semaphore_mem>>) src(%dma_wait3A_79 : memref<10000x128xf32, #tpu.memory_space<hbm>>) dst(%arg9 : memref<80x128xf32, #tpu.memory_space<vmem>>)
    %add3A_80 = arith.constant 9920 : i32
    %add3A_81 = arith.addi %mul3A_2, %add3A_80 : i32
    %dma_wait3A_82 = arith.constant 0 : i32
    %dma_wait3A_83 = tpu.memref_slice %arg4[%add3A_81, %dma_wait3A_82] : memref<320000x128xf32, #tpu.memory_space<hbm>> -> memref<80x128xf32, #tpu.memory_space<hbm>>
    %dma_wait3A_84 = arith.constant 0 : i32
    %dma_wait3A_85 = tpu.memref_slice %arg4[%add3A_81, %dma_wait3A_84] : memref<320000x128xf32, #tpu.memory_space<hbm>> -> memref<80x128xf32, #tpu.memory_space<hbm>>
    tpu.wait_dma2 semaphore(%arg18 : memref<!tpu.dma_semaphore, #tpu.memory_space<semaphore_mem>>) src(%dma_wait3A_85 : memref<80x128xf32, #tpu.memory_space<hbm>>) dst(%arg11 : memref<80x128xf32, #tpu.memory_space<vmem>>)
    %get3A = arith.constant 1 : index
    %get3A_86 = arith.constant 0 : index
    %get3A_87 = tpu.vector_load %arg6[%get3A, %get3A_86] {strides = array<i32>} : memref<2x80xi32, #tpu.memory_space<vmem>>, vector<1x16xi32>,
    %get3A_88 = vector.shape_cast %get3A_87 : vector<1x16xi32> to vector<1x16xi32>
    %swap3A = arith.constant 0 : index
    %swap3A_89 = arith.constant 0 : index
    %swap3A_90 = tpu.vector_load %arg8[%swap3A, %swap3A_89] {strides = array<i32>} : memref<2x80xi32, #tpu.memory_space<vmem>>, vector<1x16xi32>,
    %swap3A_91 = vector.shape_cast %swap3A_90 : vector<1x16xi32> to vector<1x16xi32>
    %swap3A_92 = vector.shape_cast %get3A_88 : vector<1x16xi32> to vector<1x16xi32>
    tpu.vector_store %arg8[%swap3A, %swap3A_89], %swap3A_92 {strides = array<i32>} : memref<2x80xi32, #tpu.memory_space<vmem>>, vector<1x16xi32>,
    %get3A_93 = arith.constant 1 : index
    %get3A_94 = arith.constant 16 : index
    %get3A_95 = tpu.vector_load %arg6[%get3A_93, %get3A_94] {strides = array<i32>} : memref<2x80xi32, #tpu.memory_space<vmem>>, vector<1x16xi32>,
    %get3A_96 = vector.shape_cast %get3A_95 : vector<1x16xi32> to vector<1x16xi32>
    %swap3A_97 = arith.constant 0 : index
    %swap3A_98 = arith.constant 16 : index
    %swap3A_99 = tpu.vector_load %arg8[%swap3A_97, %swap3A_98] {strides = array<i32>} : memref<2x80xi32, #tpu.memory_space<vmem>>, vector<1x16xi32>,
    %swap3A_100 = vector.shape_cast %swap3A_99 : vector<1x16xi32> to vector<1x16xi32>
    %swap3A_101 = vector.shape_cast %get3A_96 : vector<1x16xi32> to vector<1x16xi32>
    tpu.vector_store %arg8[%swap3A_97, %swap3A_98], %swap3A_101 {strides = array<i32>} : memref<2x80xi32, #tpu.memory_space<vmem>>, vector<1x16xi32>,
    %get3A_102 = arith.constant 1 : index
    %get3A_103 = arith.constant 32 : index
    %get3A_104 = tpu.vector_load %arg6[%get3A_102, %get3A_103] {strides = array<i32>} : memref<2x80xi32, #tpu.memory_space<vmem>>, vector<1x16xi32>,
    %get3A_105 = vector.shape_cast %get3A_104 : vector<1x16xi32> to vector<1x16xi32>
    %swap3A_106 = arith.constant 0 : index
    %swap3A_107 = arith.constant 32 : index
    %swap3A_108 = tpu.vector_load %arg8[%swap3A_106, %swap3A_107] {strides = array<i32>} : memref<2x80xi32, #tpu.memory_space<vmem>>, vector<1x16xi32>,
    %swap3A_109 = vector.shape_cast %swap3A_108 : vector<1x16xi32> to vector<1x16xi32>
    %swap3A_110 = vector.shape_cast %get3A_105 : vector<1x16xi32> to vector<1x16xi32>
    tpu.vector_store %arg8[%swap3A_106, %swap3A_107], %swap3A_110 {strides = array<i32>} : memref<2x80xi32, #tpu.memory_space<vmem>>, vector<1x16xi32>,
    %get3A_111 = arith.constant 1 : index
    %get3A_112 = arith.constant 48 : index
    %get3A_113 = tpu.vector_load %arg6[%get3A_111, %get3A_112] {strides = array<i32>} : memref<2x80xi32, #tpu.memory_space<vmem>>, vector<1x16xi32>,
    %get3A_114 = vector.shape_cast %get3A_113 : vector<1x16xi32> to vector<1x16xi32>
    %swap3A_115 = arith.constant 0 : index
    %swap3A_116 = arith.constant 48 : index
    %swap3A_117 = tpu.vector_load %arg8[%swap3A_115, %swap3A_116] {strides = array<i32>} : memref<2x80xi32, #tpu.memory_space<vmem>>, vector<1x16xi32>,
    %swap3A_118 = vector.shape_cast %swap3A_117 : vector<1x16xi32> to vector<1x16xi32>
    %swap3A_119 = vector.shape_cast %get3A_114 : vector<1x16xi32> to vector<1x16xi32>
    tpu.vector_store %arg8[%swap3A_115, %swap3A_116], %swap3A_119 {strides = array<i32>} : memref<2x80xi32, #tpu.memory_space<vmem>>, vector<1x16xi32>,
    %get3A_120 = arith.constant 1 : index
    %get3A_121 = arith.constant 64 : index
    %get3A_122 = tpu.vector_load %arg6[%get3A_120, %get3A_121] {strides = array<i32>} : memref<2x80xi32, #tpu.memory_space<vmem>>, vector<1x16xi32>,
    %get3A_123 = vector.shape_cast %get3A_122 : vector<1x16xi32> to vector<1x16xi32>
    %swap3A_124 = arith.constant 0 : index
    %swap3A_125 = arith.constant 64 : index
    %swap3A_126 = tpu.vector_load %arg8[%swap3A_124, %swap3A_125] {strides = array<i32>} : memref<2x80xi32, #tpu.memory_space<vmem>>, vector<1x16xi32>,
    %swap3A_127 = vector.shape_cast %swap3A_126 : vector<1x16xi32> to vector<1x16xi32>
    %swap3A_128 = vector.shape_cast %get3A_123 : vector<1x16xi32> to vector<1x16xi32>
    tpu.vector_store %arg8[%swap3A_124, %swap3A_125], %swap3A_128 {strides = array<i32>} : memref<2x80xi32, #tpu.memory_space<vmem>>, vector<1x16xi32>,
    %scan3A_129 = arith.constant 0 : i32
    %scan3A_130 = arith.constant 80 : i32
    %scan3A_131 = arith.addi %scan3A_129, %scan3A_130 : i32
    %scan3A_132 = arith.constant 1 : i32
    scf.for %scan3A_190 = %scan3A_129 to %scan3A_131 step %scan3A_132  : i32 {
      %mul3A_191 = arith.constant 1 : i32
      %mul3A_192 = arith.muli %scan3A_190, %mul3A_191 : i32
      %add3A_193 = arith.constant 0 : i32
      %add3A_194 = arith.addi %add3A_193, %mul3A_192 : i32
      %get3A_195 = arith.index_cast %add3A_194 : i32 to index
      %get3A_196 = arith.constant 0 : index
      %get3A_197 = tpu.vector_load %arg9[%get3A_195, %get3A_196] {strides = array<i32>} : memref<80x128xf32, #tpu.memory_space<vmem>>, vector<1x16xf32>,
      %get3A_198 = vector.shape_cast %get3A_197 : vector<1x16xf32> to vector<1x16xf32>
      %get3A_199 = arith.index_cast %add3A_194 : i32 to index
      %get3A_200 = arith.constant 0 : index
      %get3A_201 = tpu.vector_load %arg11[%get3A_199, %get3A_200] {strides = array<i32>} : memref<80x128xf32, #tpu.memory_space<vmem>>, vector<1x16xf32>,
      %get3A_202 = vector.shape_cast %get3A_201 : vector<1x16xf32> to vector<1x16xf32>
      %add3A_203 = arith.addf %get3A_198, %get3A_202 : vector<1x16xf32>
      %max3A = arith.constant 0.000000e+00 : f32
      %max3A_204 = vector.broadcast %max3A : f32 to vector<1x16xf32>
      %max3A_205 = arith.maximumf %add3A_203, %max3A_204 : vector<1x16xf32>
      %swap3A_206 = arith.index_cast %add3A_194 : i32 to index
      %swap3A_207 = arith.constant 0 : index
      %swap3A_208 = tpu.vector_load %arg9[%swap3A_206, %swap3A_207] {strides = array<i32>} : memref<80x128xf32, #tpu.memory_space<vmem>>, vector<1x16xf32>,
      %swap3A_209 = vector.shape_cast %swap3A_208 : vector<1x16xf32> to vector<1x16xf32>
      %swap3A_210 = vector.shape_cast %max3A_205 : vector<1x16xf32> to vector<1x16xf32>
      tpu.vector_store %arg9[%swap3A_206, %swap3A_207], %swap3A_210 {strides = array<i32>} : memref<80x128xf32, #tpu.memory_space<vmem>>, vector<1x16xf32>,
      %get3A_211 = arith.index_cast %add3A_194 : i32 to index
      %get3A_212 = arith.constant 16 : index
      %get3A_213 = tpu.vector_load %arg9[%get3A_211, %get3A_212] {strides = array<i32>} : memref<80x128xf32, #tpu.memory_space<vmem>>, vector<1x16xf32>,
      %get3A_214 = vector.shape_cast %get3A_213 : vector<1x16xf32> to vector<1x16xf32>
      %get3A_215 = arith.index_cast %add3A_194 : i32 to index
      %get3A_216 = arith.constant 16 : index
      %get3A_217 = tpu.vector_load %arg11[%get3A_215, %get3A_216] {strides = array<i32>} : memref<80x128xf32, #tpu.memory_space<vmem>>, vector<1x16xf32>,
      %get3A_218 = vector.shape_cast %get3A_217 : vector<1x16xf32> to vector<1x16xf32>
      %add3A_219 = arith.addf %get3A_214, %get3A_218 : vector<1x16xf32>
      %max3A_220 = arith.constant 0.000000e+00 : f32
      %max3A_221 = vector.broadcast %max3A_220 : f32 to vector<1x16xf32>
      %max3A_222 = arith.maximumf %add3A_219, %max3A_221 : vector<1x16xf32>
      %swap3A_223 = arith.index_cast %add3A_194 : i32 to index
      %swap3A_224 = arith.constant 16 : index
      %swap3A_225 = tpu.vector_load %arg9[%swap3A_223, %swap3A_224] {strides = array<i32>} : memref<80x128xf32, #tpu.memory_space<vmem>>, vector<1x16xf32>,
      %swap3A_226 = vector.shape_cast %swap3A_225 : vector<1x16xf32> to vector<1x16xf32>
      %swap3A_227 = vector.shape_cast %max3A_222 : vector<1x16xf32> to vector<1x16xf32>
      tpu.vector_store %arg9[%swap3A_223, %swap3A_224], %swap3A_227 {strides = array<i32>} : memref<80x128xf32, #tpu.memory_space<vmem>>, vector<1x16xf32>,
      %get3A_228 = arith.index_cast %add3A_194 : i32 to index
      %get3A_229 = arith.constant 32 : index
      %get3A_230 = tpu.vector_load %arg9[%get3A_228, %get3A_229] {strides = array<i32>} : memref<80x128xf32, #tpu.memory_space<vmem>>, vector<1x16xf32>,
      %get3A_231 = vector.shape_cast %get3A_230 : vector<1x16xf32> to vector<1x16xf32>
      %get3A_232 = arith.index_cast %add3A_194 : i32 to index
      %get3A_233 = arith.constant 32 : index
      %get3A_234 = tpu.vector_load %arg11[%get3A_232, %get3A_233] {strides = array<i32>} : memref<80x128xf32, #tpu.memory_space<vmem>>, vector<1x16xf32>,
      %get3A_235 = vector.shape_cast %get3A_234 : vector<1x16xf32> to vector<1x16xf32>
      %add3A_236 = arith.addf %get3A_231, %get3A_235 : vector<1x16xf32>
      %max3A_237 = arith.constant 0.000000e+00 : f32
      %max3A_238 = vector.broadcast %max3A_237 : f32 to vector<1x16xf32>
      %max3A_239 = arith.maximumf %add3A_236, %max3A_238 : vector<1x16xf32>
      %swap3A_240 = arith.index_cast %add3A_194 : i32 to index
      %swap3A_241 = arith.constant 32 : index
      %swap3A_242 = tpu.vector_load %arg9[%swap3A_240, %swap3A_241] {strides = array<i32>} : memref<80x128xf32, #tpu.memory_space<vmem>>, vector<1x16xf32>,
      %swap3A_243 = vector.shape_cast %swap3A_242 : vector<1x16xf32> to vector<1x16xf32>
      %swap3A_244 = vector.shape_cast %max3A_239 : vector<1x16xf32> to vector<1x16xf32>
      tpu.vector_store %arg9[%swap3A_240, %swap3A_241], %swap3A_244 {strides = array<i32>} : memref<80x128xf32, #tpu.memory_space<vmem>>, vector<1x16xf32>,
      %get3A_245 = arith.index_cast %add3A_194 : i32 to index
      %get3A_246 = arith.constant 48 : index
      %get3A_247 = tpu.vector_load %arg9[%get3A_245, %get3A_246] {strides = array<i32>} : memref<80x128xf32, #tpu.memory_space<vmem>>, vector<1x16xf32>,
      %get3A_248 = vector.shape_cast %get3A_247 : vector<1x16xf32> to vector<1x16xf32>
      %get3A_249 = arith.index_cast %add3A_194 : i32 to index
      %get3A_250 = arith.constant 48 : index
      %get3A_251 = tpu.vector_load %arg11[%get3A_249, %get3A_250] {strides = array<i32>} : memref<80x128xf32, #tpu.memory_space<vmem>>, vector<1x16xf32>,
      %get3A_252 = vector.shape_cast %get3A_251 : vector<1x16xf32> to vector<1x16xf32>
      %add3A_253 = arith.addf %get3A_248, %get3A_252 : vector<1x16xf32>
      %max3A_254 = arith.constant 0.000000e+00 : f32
      %max3A_255 = vector.broadcast %max3A_254 : f32 to vector<1x16xf32>
      %max3A_256 = arith.maximumf %add3A_253, %max3A_255 : vector<1x16xf32>
      %swap3A_257 = arith.index_cast %add3A_194 : i32 to index
      %swap3A_258 = arith.constant 48 : index
      %swap3A_259 = tpu.vector_load %arg9[%swap3A_257, %swap3A_258] {strides = array<i32>} : memref<80x128xf32, #tpu.memory_space<vmem>>, vector<1x16xf32>,
      %swap3A_260 = vector.shape_cast %swap3A_259 : vector<1x16xf32> to vector<1x16xf32>
      %swap3A_261 = vector.shape_cast %max3A_256 : vector<1x16xf32> to vector<1x16xf32>
      tpu.vector_store %arg9[%swap3A_257, %swap3A_258], %swap3A_261 {strides = array<i32>} : memref<80x128xf32, #tpu.memory_space<vmem>>, vector<1x16xf32>,
      %get3A_262 = arith.index_cast %add3A_194 : i32 to index
      %get3A_263 = arith.constant 64 : index
      %get3A_264 = tpu.vector_load %arg9[%get3A_262, %get3A_263] {strides = array<i32>} : memref<80x128xf32, #tpu.memory_space<vmem>>, vector<1x16xf32>,
      %get3A_265 = vector.shape_cast %get3A_264 : vector<1x16xf32> to vector<1x16xf32>
      %get3A_266 = arith.index_cast %add3A_194 : i32 to index
      %get3A_267 = arith.constant 64 : index
      %get3A_268 = tpu.vector_load %arg11[%get3A_266, %get3A_267] {strides = array<i32>} : memref<80x128xf32, #tpu.memory_space<vmem>>, vector<1x16xf32>,
      %get3A_269 = vector.shape_cast %get3A_268 : vector<1x16xf32> to vector<1x16xf32>
      %add3A_270 = arith.addf %get3A_265, %get3A_269 : vector<1x16xf32>
      %max3A_271 = arith.constant 0.000000e+00 : f32
      %max3A_272 = vector.broadcast %max3A_271 : f32 to vector<1x16xf32>
      %max3A_273 = arith.maximumf %add3A_270, %max3A_272 : vector<1x16xf32>
      %swap3A_274 = arith.index_cast %add3A_194 : i32 to index
      %swap3A_275 = arith.constant 64 : index
      %swap3A_276 = tpu.vector_load %arg9[%swap3A_274, %swap3A_275] {strides = array<i32>} : memref<80x128xf32, #tpu.memory_space<vmem>>, vector<1x16xf32>,
      %swap3A_277 = vector.shape_cast %swap3A_276 : vector<1x16xf32> to vector<1x16xf32>
      %swap3A_278 = vector.shape_cast %max3A_273 : vector<1x16xf32> to vector<1x16xf32>
      tpu.vector_store %arg9[%swap3A_274, %swap3A_275], %swap3A_278 {strides = array<i32>} : memref<80x128xf32, #tpu.memory_space<vmem>>, vector<1x16xf32>,
      %get3A_279 = arith.index_cast %add3A_194 : i32 to index
      %get3A_280 = arith.constant 80 : index
      %get3A_281 = tpu.vector_load %arg9[%get3A_279, %get3A_280] {strides = array<i32>} : memref<80x128xf32, #tpu.memory_space<vmem>>, vector<1x16xf32>,
      %get3A_282 = vector.shape_cast %get3A_281 : vector<1x16xf32> to vector<1x16xf32>
      %get3A_283 = arith.index_cast %add3A_194 : i32 to index
      %get3A_284 = arith.constant 80 : index
      %get3A_285 = tpu.vector_load %arg11[%get3A_283, %get3A_284] {strides = array<i32>} : memref<80x128xf32, #tpu.memory_space<vmem>>, vector<1x16xf32>,
      %get3A_286 = vector.shape_cast %get3A_285 : vector<1x16xf32> to vector<1x16xf32>
      %add3A_287 = arith.addf %get3A_282, %get3A_286 : vector<1x16xf32>
      %max3A_288 = arith.constant 0.000000e+00 : f32
      %max3A_289 = vector.broadcast %max3A_288 : f32 to vector<1x16xf32>
      %max3A_290 = arith.maximumf %add3A_287, %max3A_289 : vector<1x16xf32>
      %swap3A_291 = arith.index_cast %add3A_194 : i32 to index
      %swap3A_292 = arith.constant 80 : index
      %swap3A_293 = tpu.vector_load %arg9[%swap3A_291, %swap3A_292] {strides = array<i32>} : memref<80x128xf32, #tpu.memory_space<vmem>>, vector<1x16xf32>,
      %swap3A_294 = vector.shape_cast %swap3A_293 : vector<1x16xf32> to vector<1x16xf32>
      %swap3A_295 = vector.shape_cast %max3A_290 : vector<1x16xf32> to vector<1x16xf32>
      tpu.vector_store %arg9[%swap3A_291, %swap3A_292], %swap3A_295 {strides = array<i32>} : memref<80x128xf32, #tpu.memory_space<vmem>>, vector<1x16xf32>,
      %get3A_296 = arith.index_cast %add3A_194 : i32 to index
      %get3A_297 = arith.constant 96 : index
      %get3A_298 = tpu.vector_load %arg9[%get3A_296, %get3A_297] {strides = array<i32>} : memref<80x128xf32, #tpu.memory_space<vmem>>, vector<1x16xf32>,
      %get3A_299 = vector.shape_cast %get3A_298 : vector<1x16xf32> to vector<1x16xf32>
      %get3A_300 = arith.index_cast %add3A_194 : i32 to index
      %get3A_301 = arith.constant 96 : index
      %get3A_302 = tpu.vector_load %arg11[%get3A_300, %get3A_301] {strides = array<i32>} : memref<80x128xf32, #tpu.memory_space<vmem>>, vector<1x16xf32>,
      %get3A_303 = vector.shape_cast %get3A_302 : vector<1x16xf32> to vector<1x16xf32>
      %add3A_304 = arith.addf %get3A_299, %get3A_303 : vector<1x16xf32>
      %max3A_305 = arith.constant 0.000000e+00 : f32
      %max3A_306 = vector.broadcast %max3A_305 : f32 to vector<1x16xf32>
      %max3A_307 = arith.maximumf %add3A_304, %max3A_306 : vector<1x16xf32>
      %swap3A_308 = arith.index_cast %add3A_194 : i32 to index
      %swap3A_309 = arith.constant 96 : index
      %swap3A_310 = tpu.vector_load %arg9[%swap3A_308, %swap3A_309] {strides = array<i32>} : memref<80x128xf32, #tpu.memory_space<vmem>>, vector<1x16xf32>,
      %swap3A_311 = vector.shape_cast %swap3A_310 : vector<1x16xf32> to vector<1x16xf32>
      %swap3A_312 = vector.shape_cast %max3A_307 : vector<1x16xf32> to vector<1x16xf32>
      tpu.vector_store %arg9[%swap3A_308, %swap3A_309], %swap3A_312 {strides = array<i32>} : memref<80x128xf32, #tpu.memory_space<vmem>>, vector<1x16xf32>,
      %get3A_313 = arith.index_cast %add3A_194 : i32 to index
      %get3A_314 = arith.constant 112 : index
      %get3A_315 = tpu.vector_load %arg9[%get3A_313, %get3A_314] {strides = array<i32>} : memref<80x128xf32, #tpu.memory_space<vmem>>, vector<1x16xf32>,
      %get3A_316 = vector.shape_cast %get3A_315 : vector<1x16xf32> to vector<1x16xf32>
      %get3A_317 = arith.index_cast %add3A_194 : i32 to index
      %get3A_318 = arith.constant 112 : index
      %get3A_319 = tpu.vector_load %arg11[%get3A_317, %get3A_318] {strides = array<i32>} : memref<80x128xf32, #tpu.memory_space<vmem>>, vector<1x16xf32>,
      %get3A_320 = vector.shape_cast %get3A_319 : vector<1x16xf32> to vector<1x16xf32>
      %add3A_321 = arith.addf %get3A_316, %get3A_320 : vector<1x16xf32>
      %max3A_322 = arith.constant 0.000000e+00 : f32
      %max3A_323 = vector.broadcast %max3A_322 : f32 to vector<1x16xf32>
      %max3A_324 = arith.maximumf %add3A_321, %max3A_323 : vector<1x16xf32>
      %swap3A_325 = arith.index_cast %add3A_194 : i32 to index
      %swap3A_326 = arith.constant 112 : index
      %swap3A_327 = tpu.vector_load %arg9[%swap3A_325, %swap3A_326] {strides = array<i32>} : memref<80x128xf32, #tpu.memory_space<vmem>>, vector<1x16xf32>,
      %swap3A_328 = vector.shape_cast %swap3A_327 : vector<1x16xf32> to vector<1x16xf32>
      %swap3A_329 = vector.shape_cast %max3A_324 : vector<1x16xf32> to vector<1x16xf32>
      tpu.vector_store %arg9[%swap3A_325, %swap3A_326], %swap3A_329 {strides = array<i32>} : memref<80x128xf32, #tpu.memory_space<vmem>>, vector<1x16xf32>,
    }
    %scan3A_133 = arith.constant 80 : i32
    %dma_wait3A_134 = arith.constant 1 : i32
    %dma_wait3A_135 = arith.constant 0 : i32
    %dma_wait3A_136 = tpu.memref_slice %arg8[%dma_wait3A_134, %dma_wait3A_135] : memref<2x80xi32, #tpu.memory_space<vmem>> -> memref<1x80xi32, #tpu.memory_space<vmem>>
    %dma_wait3A_137 = tpu.memref_squeeze %dma_wait3A_136 : memref<1x80xi32, #tpu.memory_space<vmem>> -> memref<80xi32, #tpu.memory_space<vmem>>
    %dma_wait3A_138 = arith.constant 0 : i32
    %dma_wait3A_139 = arith.constant 0 : i32
    %dma_wait3A_140 = tpu.memref_slice %arg13[%dma_wait3A_138, %dma_wait3A_139] : memref<10000x128xf32, #tpu.memory_space<vmem_shared>> -> memref<10000x128xf32, #tpu.memory_space<vmem_shared>>
    tpu.wait_indirect_dma semaphore(%arg21 : memref<!tpu.dma_semaphore, #tpu.memory_space<semaphore_mem>>) src(%arg10 : memref<80x128xf32, #tpu.memory_space<vmem>>) dst(%dma_wait3A_140 : memref<10000x128xf32, #tpu.memory_space<vmem_shared>>)
    %dma_start3A_141 = arith.constant 0 : i32
    %dma_start3A_142 = arith.constant 0 : i32
    %dma_start3A_143 = tpu.memref_slice %arg8[%dma_start3A_141, %dma_start3A_142] : memref<2x80xi32, #tpu.memory_space<vmem>> -> memref<1x80xi32, #tpu.memory_space<vmem>>
    %dma_start3A_144 = tpu.memref_squeeze %dma_start3A_143 : memref<1x80xi32, #tpu.memory_space<vmem>> -> memref<80xi32, #tpu.memory_space<vmem>>
    %dma_start3A_145 = arith.constant 0 : i32
    %dma_start3A_146 = arith.constant 0 : i32
    %dma_start3A_147 = tpu.memref_slice %arg13[%dma_start3A_145, %dma_start3A_146] : memref<10000x128xf32, #tpu.memory_space<vmem_shared>> -> memref<10000x128xf32, #tpu.memory_space<vmem_shared>>
    tpu.enqueue_indirect_dma source(%arg9 : memref<80x128xf32, #tpu.memory_space<vmem>>) target(%dma_start3A_147 : memref<10000x128xf32, #tpu.memory_space<vmem_shared>>) offsets(%dma_start3A_144 : memref<80xi32, #tpu.memory_space<vmem>>) semaphore(%arg20 : memref<!tpu.dma_semaphore, #tpu.memory_space<semaphore_mem>>) {add = true}
    %dma_wait3A_148 = arith.constant 0 : i32
    %dma_wait3A_149 = arith.constant 0 : i32
    %dma_wait3A_150 = tpu.memref_slice %arg8[%dma_wait3A_148, %dma_wait3A_149] : memref<2x80xi32, #tpu.memory_space<vmem>> -> memref<1x80xi32, #tpu.memory_space<vmem>>
    %dma_wait3A_151 = tpu.memref_squeeze %dma_wait3A_150 : memref<1x80xi32, #tpu.memory_space<vmem>> -> memref<80xi32, #tpu.memory_space<vmem>>
    %dma_wait3A_152 = arith.constant 0 : i32
    %dma_wait3A_153 = arith.constant 0 : i32
    %dma_wait3A_154 = tpu.memref_slice %arg13[%dma_wait3A_152, %dma_wait3A_153] : memref<10000x128xf32, #tpu.memory_space<vmem_shared>> -> memref<10000x128xf32, #tpu.memory_space<vmem_shared>>
    tpu.wait_indirect_dma semaphore(%arg20 : memref<!tpu.dma_semaphore, #tpu.memory_space<semaphore_mem>>) src(%arg9 : memref<80x128xf32, #tpu.memory_space<vmem>>) dst(%dma_wait3A_154 : memref<10000x128xf32, #tpu.memory_space<vmem_shared>>)
    %barrier3A_155 = arith.constant 0 : index
    tpu.barrier barrier_id(%barrier3A_155)
    %mul3A_156 = arith.constant 625 : i32
    %mul3A_157 = arith.muli %arg1, %mul3A_156 : i32
    %add3A_158 = arith.constant 0 : i32
    %add3A_159 = arith.addi %mul3A_157, %add3A_158 : i32
    %add3A_160 = arith.constant 0 : i32
    %add3A_161 = arith.addi %mul3A_157, %add3A_160 : i32
    "tpu.region"() ({
      %run_scoped3A = tpu.sem_alloc : memref<!tpu.dma_semaphore, #tpu.memory_space<semaphore_mem>>
      %dma_start3A_190 = arith.constant 0 : i32
      %dma_start3A_191 = tpu.memref_slice %arg5[%arg0, %add3A_161, %dma_start3A_190] : memref<2x10000x128xf32, #tpu.memory_space<hbm>> -> memref<1x80x128xf32, #tpu.memory_space<hbm>>
      %dma_start3A_192 = tpu.memref_squeeze %dma_start3A_191 : memref<1x80x128xf32, #tpu.memory_space<hbm>> -> memref<80x128xf32, #tpu.memory_space<hbm>>
      %dma_start3A_193 = arith.constant 0 : i32
      %dma_start3A_194 = tpu.memref_slice %arg13[%add3A_159, %dma_start3A_193] : memref<10000x128xf32, #tpu.memory_space<vmem_shared>> -> memref<80x128xf32, #tpu.memory_space<vmem_shared>>
      tpu.enqueue_dma source(%dma_start3A_194 : memref<80x128xf32, #tpu.memory_space<vmem_shared>>) target(%dma_start3A_192 : memref<80x128xf32, #tpu.memory_space<hbm>>) target_semaphore(%run_scoped3A : memref<!tpu.dma_semaphore, #tpu.memory_space<semaphore_mem>>)
      %dma_wait3A_195 = arith.constant 0 : i32
      %dma_wait3A_196 = tpu.memref_slice %arg5[%arg0, %add3A_161, %dma_wait3A_195] : memref<2x10000x128xf32, #tpu.memory_space<hbm>> -> memref<1x80x128xf32, #tpu.memory_space<hbm>>
      %dma_wait3A_197 = tpu.memref_squeeze %dma_wait3A_196 : memref<1x80x128xf32, #tpu.memory_space<hbm>> -> memref<80x128xf32, #tpu.memory_space<hbm>>
      %dma_wait3A_198 = arith.constant 0 : i32
      %dma_wait3A_199 = tpu.memref_slice %arg13[%add3A_159, %dma_wait3A_198] : memref<10000x128xf32, #tpu.memory_space<vmem_shared>> -> memref<80x128xf32, #tpu.memory_space<vmem_shared>>
      tpu.wait_dma2 semaphore(%run_scoped3A : memref<!tpu.dma_semaphore, #tpu.memory_space<semaphore_mem>>) src(%dma_wait3A_199 : memref<80x128xf32, #tpu.memory_space<vmem_shared>>) dst(%dma_wait3A_197 : memref<80x128xf32, #tpu.memory_space<hbm>>)
      tpu.yield
    }) : () -> ()
    %add3A_162 = arith.constant 80 : i32
    %add3A_163 = arith.addi %mul3A_157, %add3A_162 : i32
    %add3A_164 = arith.constant 80 : i32
    %add3A_165 = arith.addi %mul3A_157, %add3A_164 : i32
    "tpu.region"() ({
      %run_scoped3A = tpu.sem_alloc : memref<!tpu.dma_semaphore, #tpu.memory_space<semaphore_mem>>
      %dma_start3A_190 = arith.constant 0 : i32
      %dma_start3A_191 = tpu.memref_slice %arg5[%arg0, %add3A_165, %dma_start3A_190] : memref<2x10000x128xf32, #tpu.memory_space<hbm>> -> memref<1x80x128xf32, #tpu.memory_space<hbm>>
      %dma_start3A_192 = tpu.memref_squeeze %dma_start3A_191 : memref<1x80x128xf32, #tpu.memory_space<hbm>> -> memref<80x128xf32, #tpu.memory_space<hbm>>
      %dma_start3A_193 = arith.constant 0 : i32
      %dma_start3A_194 = tpu.memref_slice %arg13[%add3A_163, %dma_start3A_193] : memref<10000x128xf32, #tpu.memory_space<vmem_shared>> -> memref<80x128xf32, #tpu.memory_space<vmem_shared>>
      tpu.enqueue_dma source(%dma_start3A_194 : memref<80x128xf32, #tpu.memory_space<vmem_shared>>) target(%dma_start3A_192 : memref<80x128xf32, #tpu.memory_space<hbm>>) target_semaphore(%run_scoped3A : memref<!tpu.dma_semaphore, #tpu.memory_space<semaphore_mem>>)
      %dma_wait3A_195 = arith.constant 0 : i32
      %dma_wait3A_196 = tpu.memref_slice %arg5[%arg0, %add3A_165, %dma_wait3A_195] : memref<2x10000x128xf32, #tpu.memory_space<hbm>> -> memref<1x80x128xf32, #tpu.memory_space<hbm>>
      %dma_wait3A_197 = tpu.memref_squeeze %dma_wait3A_196 : memref<1x80x128xf32, #tpu.memory_space<hbm>> -> memref<80x128xf32, #tpu.memory_space<hbm>>
      %dma_wait3A_198 = arith.constant 0 : i32
      %dma_wait3A_199 = tpu.memref_slice %arg13[%add3A_163, %dma_wait3A_198] : memref<10000x128xf32, #tpu.memory_space<vmem_shared>> -> memref<80x128xf32, #tpu.memory_space<vmem_shared>>
      tpu.wait_dma2 semaphore(%run_scoped3A : memref<!tpu.dma_semaphore, #tpu.memory_space<semaphore_mem>>) src(%dma_wait3A_199 : memref<80x128xf32, #tpu.memory_space<vmem_shared>>) dst(%dma_wait3A_197 : memref<80x128xf32, #tpu.memory_space<hbm>>)
      tpu.yield
    }) : () -> ()
    %add3A_166 = arith.constant 160 : i32
    %add3A_167 = arith.addi %mul3A_157, %add3A_166 : i32
    %add3A_168 = arith.constant 160 : i32
    %add3A_169 = arith.addi %mul3A_157, %add3A_168 : i32
    "tpu.region"() ({
      %run_scoped3A = tpu.sem_alloc : memref<!tpu.dma_semaphore, #tpu.memory_space<semaphore_mem>>
      %dma_start3A_190 = arith.constant 0 : i32
      %dma_start3A_191 = tpu.memref_slice %arg5[%arg0, %add3A_169, %dma_start3A_190] : memref<2x10000x128xf32, #tpu.memory_space<hbm>> -> memref<1x80x128xf32, #tpu.memory_space<hbm>>
      %dma_start3A_192 = tpu.memref_squeeze %dma_start3A_191 : memref<1x80x128xf32, #tpu.memory_space<hbm>> -> memref<80x128xf32, #tpu.memory_space<hbm>>
      %dma_start3A_193 = arith.constant 0 : i32
      %dma_start3A_194 = tpu.memref_slice %arg13[%add3A_167, %dma_start3A_193] : memref<10000x128xf32, #tpu.memory_space<vmem_shared>> -> memref<80x128xf32, #tpu.memory_space<vmem_shared>>
      tpu.enqueue_dma source(%dma_start3A_194 : memref<80x128xf32, #tpu.memory_space<vmem_shared>>) target(%dma_start3A_192 : memref<80x128xf32, #tpu.memory_space<hbm>>) target_semaphore(%run_scoped3A : memref<!tpu.dma_semaphore, #tpu.memory_space<semaphore_mem>>)
      %dma_wait3A_195 = arith.constant 0 : i32
      %dma_wait3A_196 = tpu.memref_slice %arg5[%arg0, %add3A_169, %dma_wait3A_195] : memref<2x10000x128xf32, #tpu.memory_space<hbm>> -> memref<1x80x128xf32, #tpu.memory_space<hbm>>
      %dma_wait3A_197 = tpu.memref_squeeze %dma_wait3A_196 : memref<1x80x128xf32, #tpu.memory_space<hbm>> -> memref<80x128xf32, #tpu.memory_space<hbm>>
      %dma_wait3A_198 = arith.constant 0 : i32
      %dma_wait3A_199 = tpu.memref_slice %arg13[%add3A_167, %dma_wait3A_198] : memref<10000x128xf32, #tpu.memory_space<vmem_shared>> -> memref<80x128xf32, #tpu.memory_space<vmem_shared>>
      tpu.wait_dma2 semaphore(%run_scoped3A : memref<!tpu.dma_semaphore, #tpu.memory_space<semaphore_mem>>) src(%dma_wait3A_199 : memref<80x128xf32, #tpu.memory_space<vmem_shared>>) dst(%dma_wait3A_197 : memref<80x128xf32, #tpu.memory_space<hbm>>)
      tpu.yield
    }) : () -> ()
    %add3A_170 = arith.constant 240 : i32
    %add3A_171 = arith.addi %mul3A_157, %add3A_170 : i32
    %add3A_172 = arith.constant 240 : i32
    %add3A_173 = arith.addi %mul3A_157, %add3A_172 : i32
    "tpu.region"() ({
      %run_scoped3A = tpu.sem_alloc : memref<!tpu.dma_semaphore, #tpu.memory_space<semaphore_mem>>
      %dma_start3A_190 = arith.constant 0 : i32
      %dma_start3A_191 = tpu.memref_slice %arg5[%arg0, %add3A_173, %dma_start3A_190] : memref<2x10000x128xf32, #tpu.memory_space<hbm>> -> memref<1x80x128xf32, #tpu.memory_space<hbm>>
      %dma_start3A_192 = tpu.memref_squeeze %dma_start3A_191 : memref<1x80x128xf32, #tpu.memory_space<hbm>> -> memref<80x128xf32, #tpu.memory_space<hbm>>
      %dma_start3A_193 = arith.constant 0 : i32
      %dma_start3A_194 = tpu.memref_slice %arg13[%add3A_171, %dma_start3A_193] : memref<10000x128xf32, #tpu.memory_space<vmem_shared>> -> memref<80x128xf32, #tpu.memory_space<vmem_shared>>
      tpu.enqueue_dma source(%dma_start3A_194 : memref<80x128xf32, #tpu.memory_space<vmem_shared>>) target(%dma_start3A_192 : memref<80x128xf32, #tpu.memory_space<hbm>>) target_semaphore(%run_scoped3A : memref<!tpu.dma_semaphore, #tpu.memory_space<semaphore_mem>>)
      %dma_wait3A_195 = arith.constant 0 : i32
      %dma_wait3A_196 = tpu.memref_slice %arg5[%arg0, %add3A_173, %dma_wait3A_195] : memref<2x10000x128xf32, #tpu.memory_space<hbm>> -> memref<1x80x128xf32, #tpu.memory_space<hbm>>
      %dma_wait3A_197 = tpu.memref_squeeze %dma_wait3A_196 : memref<1x80x128xf32, #tpu.memory_space<hbm>> -> memref<80x128xf32, #tpu.memory_space<hbm>>
      %dma_wait3A_198 = arith.constant 0 : i32
      %dma_wait3A_199 = tpu.memref_slice %arg13[%add3A_171, %dma_wait3A_198] : memref<10000x128xf32, #tpu.memory_space<vmem_shared>> -> memref<80x128xf32, #tpu.memory_space<vmem_shared>>
      tpu.wait_dma2 semaphore(%run_scoped3A : memref<!tpu.dma_semaphore, #tpu.memory_space<semaphore_mem>>) src(%dma_wait3A_199 : memref<80x128xf32, #tpu.memory_space<vmem_shared>>) dst(%dma_wait3A_197 : memref<80x128xf32, #tpu.memory_space<hbm>>)
      tpu.yield
    }) : () -> ()
    %add3A_174 = arith.constant 320 : i32
    %add3A_175 = arith.addi %mul3A_157, %add3A_174 : i32
    %add3A_176 = arith.constant 320 : i32
    %add3A_177 = arith.addi %mul3A_157, %add3A_176 : i32
    "tpu.region"() ({
      %run_scoped3A = tpu.sem_alloc : memref<!tpu.dma_semaphore, #tpu.memory_space<semaphore_mem>>
      %dma_start3A_190 = arith.constant 0 : i32
      %dma_start3A_191 = tpu.memref_slice %arg5[%arg0, %add3A_177, %dma_start3A_190] : memref<2x10000x128xf32, #tpu.memory_space<hbm>> -> memref<1x80x128xf32, #tpu.memory_space<hbm>>
      %dma_start3A_192 = tpu.memref_squeeze %dma_start3A_191 : memref<1x80x128xf32, #tpu.memory_space<hbm>> -> memref<80x128xf32, #tpu.memory_space<hbm>>
      %dma_start3A_193 = arith.constant 0 : i32
      %dma_start3A_194 = tpu.memref_slice %arg13[%add3A_175, %dma_start3A_193] : memref<10000x128xf32, #tpu.memory_space<vmem_shared>> -> memref<80x128xf32, #tpu.memory_space<vmem_shared>>
      tpu.enqueue_dma source(%dma_start3A_194 : memref<80x128xf32, #tpu.memory_space<vmem_shared>>) target(%dma_start3A_192 : memref<80x128xf32, #tpu.memory_space<hbm>>) target_semaphore(%run_scoped3A : memref<!tpu.dma_semaphore, #tpu.memory_space<semaphore_mem>>)
      %dma_wait3A_195 = arith.constant 0 : i32
      %dma_wait3A_196 = tpu.memref_slice %arg5[%arg0, %add3A_177, %dma_wait3A_195] : memref<2x10000x128xf32, #tpu.memory_space<hbm>> -> memref<1x80x128xf32, #tpu.memory_space<hbm>>
      %dma_wait3A_197 = tpu.memref_squeeze %dma_wait3A_196 : memref<1x80x128xf32, #tpu.memory_space<hbm>> -> memref<80x128xf32, #tpu.memory_space<hbm>>
      %dma_wait3A_198 = arith.constant 0 : i32
      %dma_wait3A_199 = tpu.memref_slice %arg13[%add3A_175, %dma_wait3A_198] : memref<10000x128xf32, #tpu.memory_space<vmem_shared>> -> memref<80x128xf32, #tpu.memory_space<vmem_shared>>
      tpu.wait_dma2 semaphore(%run_scoped3A : memref<!tpu.dma_semaphore, #tpu.memory_space<semaphore_mem>>) src(%dma_wait3A_199 : memref<80x128xf32, #tpu.memory_space<vmem_shared>>) dst(%dma_wait3A_197 : memref<80x128xf32, #tpu.memory_space<hbm>>)
      tpu.yield
    }) : () -> ()
    %add3A_178 = arith.constant 400 : i32
    %add3A_179 = arith.addi %mul3A_157, %add3A_178 : i32
    %add3A_180 = arith.constant 400 : i32
    %add3A_181 = arith.addi %mul3A_157, %add3A_180 : i32
    "tpu.region"() ({
      %run_scoped3A = tpu.sem_alloc : memref<!tpu.dma_semaphore, #tpu.memory_space<semaphore_mem>>
      %dma_start3A_190 = arith.constant 0 : i32
      %dma_start3A_191 = tpu.memref_slice %arg5[%arg0, %add3A_181, %dma_start3A_190] : memref<2x10000x128xf32, #tpu.memory_space<hbm>> -> memref<1x80x128xf32, #tpu.memory_space<hbm>>
      %dma_start3A_192 = tpu.memref_squeeze %dma_start3A_191 : memref<1x80x128xf32, #tpu.memory_space<hbm>> -> memref<80x128xf32, #tpu.memory_space<hbm>>
      %dma_start3A_193 = arith.constant 0 : i32
      %dma_start3A_194 = tpu.memref_slice %arg13[%add3A_179, %dma_start3A_193] : memref<10000x128xf32, #tpu.memory_space<vmem_shared>> -> memref<80x128xf32, #tpu.memory_space<vmem_shared>>
      tpu.enqueue_dma source(%dma_start3A_194 : memref<80x128xf32, #tpu.memory_space<vmem_shared>>) target(%dma_start3A_192 : memref<80x128xf32, #tpu.memory_space<hbm>>) target_semaphore(%run_scoped3A : memref<!tpu.dma_semaphore, #tpu.memory_space<semaphore_mem>>)
      %dma_wait3A_195 = arith.constant 0 : i32
      %dma_wait3A_196 = tpu.memref_slice %arg5[%arg0, %add3A_181, %dma_wait3A_195] : memref<2x10000x128xf32, #tpu.memory_space<hbm>> -> memref<1x80x128xf32, #tpu.memory_space<hbm>>
      %dma_wait3A_197 = tpu.memref_squeeze %dma_wait3A_196 : memref<1x80x128xf32, #tpu.memory_space<hbm>> -> memref<80x128xf32, #tpu.memory_space<hbm>>
      %dma_wait3A_198 = arith.constant 0 : i32
      %dma_wait3A_199 = tpu.memref_slice %arg13[%add3A_179, %dma_wait3A_198] : memref<10000x128xf32, #tpu.memory_space<vmem_shared>> -> memref<80x128xf32, #tpu.memory_space<vmem_shared>>
      tpu.wait_dma2 semaphore(%run_scoped3A : memref<!tpu.dma_semaphore, #tpu.memory_space<semaphore_mem>>) src(%dma_wait3A_199 : memref<80x128xf32, #tpu.memory_space<vmem_shared>>) dst(%dma_wait3A_197 : memref<80x128xf32, #tpu.memory_space<hbm>>)
      tpu.yield
    }) : () -> ()
    %add3A_182 = arith.constant 480 : i32
    %add3A_183 = arith.addi %mul3A_157, %add3A_182 : i32
    %add3A_184 = arith.constant 480 : i32
    %add3A_185 = arith.addi %mul3A_157, %add3A_184 : i32
    "tpu.region"() ({
      %run_scoped3A = tpu.sem_alloc : memref<!tpu.dma_semaphore, #tpu.memory_space<semaphore_mem>>
      %dma_start3A_190 = arith.constant 0 : i32
      %dma_start3A_191 = tpu.memref_slice %arg5[%arg0, %add3A_185, %dma_start3A_190] : memref<2x10000x128xf32, #tpu.memory_space<hbm>> -> memref<1x80x128xf32, #tpu.memory_space<hbm>>
      %dma_start3A_192 = tpu.memref_squeeze %dma_start3A_191 : memref<1x80x128xf32, #tpu.memory_space<hbm>> -> memref<80x128xf32, #tpu.memory_space<hbm>>
      %dma_start3A_193 = arith.constant 0 : i32
      %dma_start3A_194 = tpu.memref_slice %arg13[%add3A_183, %dma_start3A_193] : memref<10000x128xf32, #tpu.memory_space<vmem_shared>> -> memref<80x128xf32, #tpu.memory_space<vmem_shared>>
      tpu.enqueue_dma source(%dma_start3A_194 : memref<80x128xf32, #tpu.memory_space<vmem_shared>>) target(%dma_start3A_192 : memref<80x128xf32, #tpu.memory_space<hbm>>) target_semaphore(%run_scoped3A : memref<!tpu.dma_semaphore, #tpu.memory_space<semaphore_mem>>)
      %dma_wait3A_195 = arith.constant 0 : i32
      %dma_wait3A_196 = tpu.memref_slice %arg5[%arg0, %add3A_185, %dma_wait3A_195] : memref<2x10000x128xf32, #tpu.memory_space<hbm>> -> memref<1x80x128xf32, #tpu.memory_space<hbm>>
      %dma_wait3A_197 = tpu.memref_squeeze %dma_wait3A_196 : memref<1x80x128xf32, #tpu.memory_space<hbm>> -> memref<80x128xf32, #tpu.memory_space<hbm>>
      %dma_wait3A_198 = arith.constant 0 : i32
      %dma_wait3A_199 = tpu.memref_slice %arg13[%add3A_183, %dma_wait3A_198] : memref<10000x128xf32, #tpu.memory_space<vmem_shared>> -> memref<80x128xf32, #tpu.memory_space<vmem_shared>>
      tpu.wait_dma2 semaphore(%run_scoped3A : memref<!tpu.dma_semaphore, #tpu.memory_space<semaphore_mem>>) src(%dma_wait3A_199 : memref<80x128xf32, #tpu.memory_space<vmem_shared>>) dst(%dma_wait3A_197 : memref<80x128xf32, #tpu.memory_space<hbm>>)
      tpu.yield
    }) : () -> ()
    %add3A_186 = arith.constant 560 : i32
    %add3A_187 = arith.addi %mul3A_157, %add3A_186 : i32
    %add3A_188 = arith.constant 560 : i32
    %add3A_189 = arith.addi %mul3A_157, %add3A_188 : i32
    "tpu.region"() ({
      %run_scoped3A = tpu.sem_alloc : memref<!tpu.dma_semaphore, #tpu.memory_space<semaphore_mem>>
      %dma_start3A_190 = arith.constant 0 : i32
      %dma_start3A_191 = tpu.memref_slice %arg5[%arg0, %add3A_189, %dma_start3A_190] : memref<2x10000x128xf32, #tpu.memory_space<hbm>> -> memref<1x65x128xf32, #tpu.memory_space<hbm>>
      %dma_start3A_192 = tpu.memref_squeeze %dma_start3A_191 : memref<1x65x128xf32, #tpu.memory_space<hbm>> -> memref<65x128xf32, #tpu.memory_space<hbm>>
      %dma_start3A_193 = arith.constant 0 : i32
      %dma_start3A_194 = tpu.memref_slice %arg13[%add3A_187, %dma_start3A_193] : memref<10000x128xf32, #tpu.memory_space<vmem_shared>> -> memref<65x128xf32, #tpu.memory_space<vmem_shared>>
      tpu.enqueue_dma source(%dma_start3A_194 : memref<65x128xf32, #tpu.memory_space<vmem_shared>>) target(%dma_start3A_192 : memref<65x128xf32, #tpu.memory_space<hbm>>) target_semaphore(%run_scoped3A : memref<!tpu.dma_semaphore, #tpu.memory_space<semaphore_mem>>)
      %dma_wait3A_195 = arith.constant 0 : i32
      %dma_wait3A_196 = tpu.memref_slice %arg5[%arg0, %add3A_189, %dma_wait3A_195] : memref<2x10000x128xf32, #tpu.memory_space<hbm>> -> memref<1x65x128xf32, #tpu.memory_space<hbm>>
      %dma_wait3A_197 = tpu.memref_squeeze %dma_wait3A_196 : memref<1x65x128xf32, #tpu.memory_space<hbm>> -> memref<65x128xf32, #tpu.memory_space<hbm>>
      %dma_wait3A_198 = arith.constant 0 : i32
      %dma_wait3A_199 = tpu.memref_slice %arg13[%add3A_187, %dma_wait3A_198] : memref<10000x128xf32, #tpu.memory_space<vmem_shared>> -> memref<65x128xf32, #tpu.memory_space<vmem_shared>>
      tpu.wait_dma2 semaphore(%run_scoped3A : memref<!tpu.dma_semaphore, #tpu.memory_space<semaphore_mem>>) src(%dma_wait3A_199 : memref<65x128xf32, #tpu.memory_space<vmem_shared>>) dst(%dma_wait3A_197 : memref<65x128xf32, #tpu.memory_space<hbm>>)
      tpu.yield
    }) : () -> ()
    return
  }
}

#map = affine_map<(d0, d1) -> (0, 0)>
#map1 = affine_map<(d0, d1) -> (0, 0, 0)>
module attributes {stable_mosaic.version = 14 : i64} {
  func.func @_sc_agg(%arg0: i32, %arg1: i32, %arg2: memref<10000x128xf32, #tpu.memory_space<hbm>>, %arg3: memref<2x320000xi32, #tpu.memory_space<hbm>>, %arg4: memref<320000x128xf32, #tpu.memory_space<hbm>>, %arg5: memref<2x10000x128xf32, #tpu.memory_space<hbm>>, %arg6: memref<2x80xi32, #tpu.memory_space<vmem>>, %arg7: memref<2x80xi32, #tpu.memory_space<vmem>>, %arg8: memref<2x80xi32, #tpu.memory_space<vmem>>, %arg9: memref<80x128xf32, #tpu.memory_space<vmem>>, %arg10: memref<80x128xf32, #tpu.memory_space<vmem>>, %arg11: memref<80x128xf32, #tpu.memory_space<vmem>>, %arg12: memref<80x128xf32, #tpu.memory_space<vmem>>, %arg13: memref<10000x128xf32, #tpu.memory_space<vmem_shared>>, %arg14: memref<!tpu.dma_semaphore, #tpu.memory_space<semaphore_mem>>, %arg15: memref<!tpu.dma_semaphore, #tpu.memory_space<semaphore_mem>>, %arg16: memref<!tpu.dma_semaphore, #tpu.memory_space<semaphore_mem>>, %arg17: memref<!tpu.dma_semaphore, #tpu.memory_space<semaphore_mem>>, %arg18: memref<!tpu.dma_semaphore, #tpu.memory_space<semaphore_mem>>, %arg19: memref<!tpu.dma_semaphore, #tpu.memory_space<semaphore_mem>>, %arg20: memref<!tpu.dma_semaphore, #tpu.memory_space<semaphore_mem>>, %arg21: memref<!tpu.dma_semaphore, #tpu.memory_space<semaphore_mem>>) attributes {dimension_semantics = [#tpu.dimension_semantics<core_parallel>, #tpu.dimension_semantics<subcore_parallel>], iteration_bounds = array<i64: 2, 16>, scalar_prefetch = 0 : i64, scratch_operands = 16 : i64, tpu.core_type = #tpu.core_type<sc_vector_subcore>, window_params = [{transform_indices = #map}, {transform_indices = #map}, {transform_indices = #map}, {transform_indices = #map1}]} {
    %mul3A = arith.constant 16 : i32
    %mul3A_0 = arith.muli %arg0, %mul3A : i32
    %add3A = arith.addi %mul3A_0, %arg1 : i32
    %mul3A_1 = arith.constant 10000 : i32
    %mul3A_2 = arith.muli %add3A, %mul3A_1 : i32
    %scan3A = arith.constant 0 : i32
    %scan3A_3 = arith.constant 80 : i32
    %scan3A_4 = arith.addi %scan3A, %scan3A_3 : i32
    %scan3A_5 = arith.constant 1 : i32
    scf.for %scan3A_190 = %scan3A to %scan3A_4 step %scan3A_5  : i32 {
      %mul3A_191 = arith.constant 1 : i32
      %mul3A_192 = arith.muli %scan3A_190, %mul3A_191 : i32
      %add3A_193 = arith.constant 0 : i32
      %add3A_194 = arith.addi %add3A_193, %mul3A_192 : i32
      %broadcast_in_dim3A = arith.constant 0.000000e+00 : f32
      %broadcast_in_dim3A_195 = vector.broadcast %broadcast_in_dim3A : f32 to vector<1x16xf32>
      %swap3A_196 = arith.index_cast %add3A_194 : i32 to index
      %swap3A_197 = arith.constant 0 : index
      %swap3A_198 = tpu.vector_load %arg11[%swap3A_196, %swap3A_197] {strides = array<i32>} : memref<80x128xf32, #tpu.memory_space<vmem>>, vector<1x16xf32>,
      %swap3A_199 = vector.shape_cast %swap3A_198 : vector<1x16xf32> to vector<1x16xf32>
      %swap3A_200 = vector.shape_cast %broadcast_in_dim3A_195 : vector<1x16xf32> to vector<1x16xf32>
      tpu.vector_store %arg11[%swap3A_196, %swap3A_197], %swap3A_200 {strides = array<i32>} : memref<80x128xf32, #tpu.memory_space<vmem>>, vector<1x16xf32>,
      %broadcast_in_dim3A_201 = arith.constant 0.000000e+00 : f32
      %broadcast_in_dim3A_202 = vector.broadcast %broadcast_in_dim3A_201 : f32 to vector<1x16xf32>
      %swap3A_203 = arith.index_cast %add3A_194 : i32 to index
      %swap3A_204 = arith.constant 16 : index
      %swap3A_205 = tpu.vector_load %arg11[%swap3A_203, %swap3A_204] {strides = array<i32>} : memref<80x128xf32, #tpu.memory_space<vmem>>, vector<1x16xf32>,
      %swap3A_206 = vector.shape_cast %swap3A_205 : vector<1x16xf32> to vector<1x16xf32>
      %swap3A_207 = vector.shape_cast %broadcast_in_dim3A_202 : vector<1x16xf32> to vector<1x16xf32>
      tpu.vector_store %arg11[%swap3A_203, %swap3A_204], %swap3A_207 {strides = array<i32>} : memref<80x128xf32, #tpu.memory_space<vmem>>, vector<1x16xf32>,
      %broadcast_in_dim3A_208 = arith.constant 0.000000e+00 : f32
      %broadcast_in_dim3A_209 = vector.broadcast %broadcast_in_dim3A_208 : f32 to vector<1x16xf32>
      %swap3A_210 = arith.index_cast %add3A_194 : i32 to index
      %swap3A_211 = arith.constant 32 : index
      %swap3A_212 = tpu.vector_load %arg11[%swap3A_210, %swap3A_211] {strides = array<i32>} : memref<80x128xf32, #tpu.memory_space<vmem>>, vector<1x16xf32>,
      %swap3A_213 = vector.shape_cast %swap3A_212 : vector<1x16xf32> to vector<1x16xf32>
      %swap3A_214 = vector.shape_cast %broadcast_in_dim3A_209 : vector<1x16xf32> to vector<1x16xf32>
      tpu.vector_store %arg11[%swap3A_210, %swap3A_211], %swap3A_214 {strides = array<i32>} : memref<80x128xf32, #tpu.memory_space<vmem>>, vector<1x16xf32>,
      %broadcast_in_dim3A_215 = arith.constant 0.000000e+00 : f32
      %broadcast_in_dim3A_216 = vector.broadcast %broadcast_in_dim3A_215 : f32 to vector<1x16xf32>
      %swap3A_217 = arith.index_cast %add3A_194 : i32 to index
      %swap3A_218 = arith.constant 48 : index
      %swap3A_219 = tpu.vector_load %arg11[%swap3A_217, %swap3A_218] {strides = array<i32>} : memref<80x128xf32, #tpu.memory_space<vmem>>, vector<1x16xf32>,
      %swap3A_220 = vector.shape_cast %swap3A_219 : vector<1x16xf32> to vector<1x16xf32>
      %swap3A_221 = vector.shape_cast %broadcast_in_dim3A_216 : vector<1x16xf32> to vector<1x16xf32>
      tpu.vector_store %arg11[%swap3A_217, %swap3A_218], %swap3A_221 {strides = array<i32>} : memref<80x128xf32, #tpu.memory_space<vmem>>, vector<1x16xf32>,
      %broadcast_in_dim3A_222 = arith.constant 0.000000e+00 : f32
      %broadcast_in_dim3A_223 = vector.broadcast %broadcast_in_dim3A_222 : f32 to vector<1x16xf32>
      %swap3A_224 = arith.index_cast %add3A_194 : i32 to index
      %swap3A_225 = arith.constant 64 : index
      %swap3A_226 = tpu.vector_load %arg11[%swap3A_224, %swap3A_225] {strides = array<i32>} : memref<80x128xf32, #tpu.memory_space<vmem>>, vector<1x16xf32>,
      %swap3A_227 = vector.shape_cast %swap3A_226 : vector<1x16xf32> to vector<1x16xf32>
      %swap3A_228 = vector.shape_cast %broadcast_in_dim3A_223 : vector<1x16xf32> to vector<1x16xf32>
      tpu.vector_store %arg11[%swap3A_224, %swap3A_225], %swap3A_228 {strides = array<i32>} : memref<80x128xf32, #tpu.memory_space<vmem>>, vector<1x16xf32>,
      %broadcast_in_dim3A_229 = arith.constant 0.000000e+00 : f32
      %broadcast_in_dim3A_230 = vector.broadcast %broadcast_in_dim3A_229 : f32 to vector<1x16xf32>
      %swap3A_231 = arith.index_cast %add3A_194 : i32 to index
      %swap3A_232 = arith.constant 80 : index
      %swap3A_233 = tpu.vector_load %arg11[%swap3A_231, %swap3A_232] {strides = array<i32>} : memref<80x128xf32, #tpu.memory_space<vmem>>, vector<1x16xf32>,
      %swap3A_234 = vector.shape_cast %swap3A_233 : vector<1x16xf32> to vector<1x16xf32>
      %swap3A_235 = vector.shape_cast %broadcast_in_dim3A_230 : vector<1x16xf32> to vector<1x16xf32>
      tpu.vector_store %arg11[%swap3A_231, %swap3A_232], %swap3A_235 {strides = array<i32>} : memref<80x128xf32, #tpu.memory_space<vmem>>, vector<1x16xf32>,
      %broadcast_in_dim3A_236 = arith.constant 0.000000e+00 : f32
      %broadcast_in_dim3A_237 = vector.broadcast %broadcast_in_dim3A_236 : f32 to vector<1x16xf32>
      %swap3A_238 = arith.index_cast %add3A_194 : i32 to index
      %swap3A_239 = arith.constant 96 : index
      %swap3A_240 = tpu.vector_load %arg11[%swap3A_238, %swap3A_239] {strides = array<i32>} : memref<80x128xf32, #tpu.memory_space<vmem>>, vector<1x16xf32>,
      %swap3A_241 = vector.shape_cast %swap3A_240 : vector<1x16xf32> to vector<1x16xf32>
      %swap3A_242 = vector.shape_cast %broadcast_in_dim3A_237 : vector<1x16xf32> to vector<1x16xf32>
      tpu.vector_store %arg11[%swap3A_238, %swap3A_239], %swap3A_242 {strides = array<i32>} : memref<80x128xf32, #tpu.memory_space<vmem>>, vector<1x16xf32>,
      %broadcast_in_dim3A_243 = arith.constant 0.000000e+00 : f32
      %broadcast_in_dim3A_244 = vector.broadcast %broadcast_in_dim3A_243 : f32 to vector<1x16xf32>
      %swap3A_245 = arith.index_cast %add3A_194 : i32 to index
      %swap3A_246 = arith.constant 112 : index
      %swap3A_247 = tpu.vector_load %arg11[%swap3A_245, %swap3A_246] {strides = array<i32>} : memref<80x128xf32, #tpu.memory_space<vmem>>, vector<1x16xf32>,
      %swap3A_248 = vector.shape_cast %swap3A_247 : vector<1x16xf32> to vector<1x16xf32>
      %swap3A_249 = vector.shape_cast %broadcast_in_dim3A_244 : vector<1x16xf32> to vector<1x16xf32>
      tpu.vector_store %arg11[%swap3A_245, %swap3A_246], %swap3A_249 {strides = array<i32>} : memref<80x128xf32, #tpu.memory_space<vmem>>, vector<1x16xf32>,
    }
    %scan3A_6 = arith.constant 80 : i32
    %mul3A_7 = arith.constant 625 : i32
    %mul3A_8 = arith.muli %arg1, %mul3A_7 : i32
    %add3A_9 = arith.constant 0 : i32
    %add3A_10 = arith.addi %mul3A_8, %add3A_9 : i32
    "tpu.region"() ({
      %run_scoped3A = tpu.sem_alloc : memref<!tpu.dma_semaphore, #tpu.memory_space<semaphore_mem>>
      %dma_start3A_190 = arith.constant 0 : i32
      %dma_start3A_191 = tpu.memref_slice %arg13[%add3A_10, %dma_start3A_190] : memref<10000x128xf32, #tpu.memory_space<vmem_shared>> -> memref<80x128xf32, #tpu.memory_space<vmem_shared>>
      %dma_start3A_192 = arith.constant 0 : i32
      %dma_start3A_193 = tpu.memref_slice %arg13[%add3A_10, %dma_start3A_192] : memref<10000x128xf32, #tpu.memory_space<vmem_shared>> -> memref<80x128xf32, #tpu.memory_space<vmem_shared>>
      tpu.enqueue_dma source(%arg11 : memref<80x128xf32, #tpu.memory_space<vmem>>) target(%dma_start3A_193 : memref<80x128xf32, #tpu.memory_space<vmem_shared>>) target_semaphore(%run_scoped3A : memref<!tpu.dma_semaphore, #tpu.memory_space<semaphore_mem>>)
      %dma_wait3A_194 = arith.constant 0 : i32
      %dma_wait3A_195 = tpu.memref_slice %arg13[%add3A_10, %dma_wait3A_194] : memref<10000x128xf32, #tpu.memory_space<vmem_shared>> -> memref<80x128xf32, #tpu.memory_space<vmem_shared>>
      %dma_wait3A_196 = arith.constant 0 : i32
      %dma_wait3A_197 = tpu.memref_slice %arg13[%add3A_10, %dma_wait3A_196] : memref<10000x128xf32, #tpu.memory_space<vmem_shared>> -> memref<80x128xf32, #tpu.memory_space<vmem_shared>>
      tpu.wait_dma2 semaphore(%run_scoped3A : memref<!tpu.dma_semaphore, #tpu.memory_space<semaphore_mem>>) src(%arg11 : memref<80x128xf32, #tpu.memory_space<vmem>>) dst(%dma_wait3A_197 : memref<80x128xf32, #tpu.memory_space<vmem_shared>>)
      tpu.yield
    }) : () -> ()
    %mul3A_11 = arith.constant 625 : i32
    %mul3A_12 = arith.muli %arg1, %mul3A_11 : i32
    %add3A_13 = arith.constant 80 : i32
    %add3A_14 = arith.addi %mul3A_12, %add3A_13 : i32
    "tpu.region"() ({
      %run_scoped3A = tpu.sem_alloc : memref<!tpu.dma_semaphore, #tpu.memory_space<semaphore_mem>>
      %dma_start3A_190 = arith.constant 0 : i32
      %dma_start3A_191 = tpu.memref_slice %arg13[%add3A_14, %dma_start3A_190] : memref<10000x128xf32, #tpu.memory_space<vmem_shared>> -> memref<80x128xf32, #tpu.memory_space<vmem_shared>>
      %dma_start3A_192 = arith.constant 0 : i32
      %dma_start3A_193 = tpu.memref_slice %arg13[%add3A_14, %dma_start3A_192] : memref<10000x128xf32, #tpu.memory_space<vmem_shared>> -> memref<80x128xf32, #tpu.memory_space<vmem_shared>>
      tpu.enqueue_dma source(%arg11 : memref<80x128xf32, #tpu.memory_space<vmem>>) target(%dma_start3A_193 : memref<80x128xf32, #tpu.memory_space<vmem_shared>>) target_semaphore(%run_scoped3A : memref<!tpu.dma_semaphore, #tpu.memory_space<semaphore_mem>>)
      %dma_wait3A_194 = arith.constant 0 : i32
      %dma_wait3A_195 = tpu.memref_slice %arg13[%add3A_14, %dma_wait3A_194] : memref<10000x128xf32, #tpu.memory_space<vmem_shared>> -> memref<80x128xf32, #tpu.memory_space<vmem_shared>>
      %dma_wait3A_196 = arith.constant 0 : i32
      %dma_wait3A_197 = tpu.memref_slice %arg13[%add3A_14, %dma_wait3A_196] : memref<10000x128xf32, #tpu.memory_space<vmem_shared>> -> memref<80x128xf32, #tpu.memory_space<vmem_shared>>
      tpu.wait_dma2 semaphore(%run_scoped3A : memref<!tpu.dma_semaphore, #tpu.memory_space<semaphore_mem>>) src(%arg11 : memref<80x128xf32, #tpu.memory_space<vmem>>) dst(%dma_wait3A_197 : memref<80x128xf32, #tpu.memory_space<vmem_shared>>)
      tpu.yield
    }) : () -> ()
    %mul3A_15 = arith.constant 625 : i32
    %mul3A_16 = arith.muli %arg1, %mul3A_15 : i32
    %add3A_17 = arith.constant 160 : i32
    %add3A_18 = arith.addi %mul3A_16, %add3A_17 : i32
    "tpu.region"() ({
      %run_scoped3A = tpu.sem_alloc : memref<!tpu.dma_semaphore, #tpu.memory_space<semaphore_mem>>
      %dma_start3A_190 = arith.constant 0 : i32
      %dma_start3A_191 = tpu.memref_slice %arg13[%add3A_18, %dma_start3A_190] : memref<10000x128xf32, #tpu.memory_space<vmem_shared>> -> memref<80x128xf32, #tpu.memory_space<vmem_shared>>
      %dma_start3A_192 = arith.constant 0 : i32
      %dma_start3A_193 = tpu.memref_slice %arg13[%add3A_18, %dma_start3A_192] : memref<10000x128xf32, #tpu.memory_space<vmem_shared>> -> memref<80x128xf32, #tpu.memory_space<vmem_shared>>
      tpu.enqueue_dma source(%arg11 : memref<80x128xf32, #tpu.memory_space<vmem>>) target(%dma_start3A_193 : memref<80x128xf32, #tpu.memory_space<vmem_shared>>) target_semaphore(%run_scoped3A : memref<!tpu.dma_semaphore, #tpu.memory_space<semaphore_mem>>)
      %dma_wait3A_194 = arith.constant 0 : i32
      %dma_wait3A_195 = tpu.memref_slice %arg13[%add3A_18, %dma_wait3A_194] : memref<10000x128xf32, #tpu.memory_space<vmem_shared>> -> memref<80x128xf32, #tpu.memory_space<vmem_shared>>
      %dma_wait3A_196 = arith.constant 0 : i32
      %dma_wait3A_197 = tpu.memref_slice %arg13[%add3A_18, %dma_wait3A_196] : memref<10000x128xf32, #tpu.memory_space<vmem_shared>> -> memref<80x128xf32, #tpu.memory_space<vmem_shared>>
      tpu.wait_dma2 semaphore(%run_scoped3A : memref<!tpu.dma_semaphore, #tpu.memory_space<semaphore_mem>>) src(%arg11 : memref<80x128xf32, #tpu.memory_space<vmem>>) dst(%dma_wait3A_197 : memref<80x128xf32, #tpu.memory_space<vmem_shared>>)
      tpu.yield
    }) : () -> ()
    %mul3A_19 = arith.constant 625 : i32
    %mul3A_20 = arith.muli %arg1, %mul3A_19 : i32
    %add3A_21 = arith.constant 240 : i32
    %add3A_22 = arith.addi %mul3A_20, %add3A_21 : i32
    "tpu.region"() ({
      %run_scoped3A = tpu.sem_alloc : memref<!tpu.dma_semaphore, #tpu.memory_space<semaphore_mem>>
      %dma_start3A_190 = arith.constant 0 : i32
      %dma_start3A_191 = tpu.memref_slice %arg13[%add3A_22, %dma_start3A_190] : memref<10000x128xf32, #tpu.memory_space<vmem_shared>> -> memref<80x128xf32, #tpu.memory_space<vmem_shared>>
      %dma_start3A_192 = arith.constant 0 : i32
      %dma_start3A_193 = tpu.memref_slice %arg13[%add3A_22, %dma_start3A_192] : memref<10000x128xf32, #tpu.memory_space<vmem_shared>> -> memref<80x128xf32, #tpu.memory_space<vmem_shared>>
      tpu.enqueue_dma source(%arg11 : memref<80x128xf32, #tpu.memory_space<vmem>>) target(%dma_start3A_193 : memref<80x128xf32, #tpu.memory_space<vmem_shared>>) target_semaphore(%run_scoped3A : memref<!tpu.dma_semaphore, #tpu.memory_space<semaphore_mem>>)
      %dma_wait3A_194 = arith.constant 0 : i32
      %dma_wait3A_195 = tpu.memref_slice %arg13[%add3A_22, %dma_wait3A_194] : memref<10000x128xf32, #tpu.memory_space<vmem_shared>> -> memref<80x128xf32, #tpu.memory_space<vmem_shared>>
      %dma_wait3A_196 = arith.constant 0 : i32
      %dma_wait3A_197 = tpu.memref_slice %arg13[%add3A_22, %dma_wait3A_196] : memref<10000x128xf32, #tpu.memory_space<vmem_shared>> -> memref<80x128xf32, #tpu.memory_space<vmem_shared>>
      tpu.wait_dma2 semaphore(%run_scoped3A : memref<!tpu.dma_semaphore, #tpu.memory_space<semaphore_mem>>) src(%arg11 : memref<80x128xf32, #tpu.memory_space<vmem>>) dst(%dma_wait3A_197 : memref<80x128xf32, #tpu.memory_space<vmem_shared>>)
      tpu.yield
    }) : () -> ()
    %mul3A_23 = arith.constant 625 : i32
    %mul3A_24 = arith.muli %arg1, %mul3A_23 : i32
    %add3A_25 = arith.constant 320 : i32
    %add3A_26 = arith.addi %mul3A_24, %add3A_25 : i32
    "tpu.region"() ({
      %run_scoped3A = tpu.sem_alloc : memref<!tpu.dma_semaphore, #tpu.memory_space<semaphore_mem>>
      %dma_start3A_190 = arith.constant 0 : i32
      %dma_start3A_191 = tpu.memref_slice %arg13[%add3A_26, %dma_start3A_190] : memref<10000x128xf32, #tpu.memory_space<vmem_shared>> -> memref<80x128xf32, #tpu.memory_space<vmem_shared>>
      %dma_start3A_192 = arith.constant 0 : i32
      %dma_start3A_193 = tpu.memref_slice %arg13[%add3A_26, %dma_start3A_192] : memref<10000x128xf32, #tpu.memory_space<vmem_shared>> -> memref<80x128xf32, #tpu.memory_space<vmem_shared>>
      tpu.enqueue_dma source(%arg11 : memref<80x128xf32, #tpu.memory_space<vmem>>) target(%dma_start3A_193 : memref<80x128xf32, #tpu.memory_space<vmem_shared>>) target_semaphore(%run_scoped3A : memref<!tpu.dma_semaphore, #tpu.memory_space<semaphore_mem>>)
      %dma_wait3A_194 = arith.constant 0 : i32
      %dma_wait3A_195 = tpu.memref_slice %arg13[%add3A_26, %dma_wait3A_194] : memref<10000x128xf32, #tpu.memory_space<vmem_shared>> -> memref<80x128xf32, #tpu.memory_space<vmem_shared>>
      %dma_wait3A_196 = arith.constant 0 : i32
      %dma_wait3A_197 = tpu.memref_slice %arg13[%add3A_26, %dma_wait3A_196] : memref<10000x128xf32, #tpu.memory_space<vmem_shared>> -> memref<80x128xf32, #tpu.memory_space<vmem_shared>>
      tpu.wait_dma2 semaphore(%run_scoped3A : memref<!tpu.dma_semaphore, #tpu.memory_space<semaphore_mem>>) src(%arg11 : memref<80x128xf32, #tpu.memory_space<vmem>>) dst(%dma_wait3A_197 : memref<80x128xf32, #tpu.memory_space<vmem_shared>>)
      tpu.yield
    }) : () -> ()
    %mul3A_27 = arith.constant 625 : i32
    %mul3A_28 = arith.muli %arg1, %mul3A_27 : i32
    %add3A_29 = arith.constant 400 : i32
    %add3A_30 = arith.addi %mul3A_28, %add3A_29 : i32
    "tpu.region"() ({
      %run_scoped3A = tpu.sem_alloc : memref<!tpu.dma_semaphore, #tpu.memory_space<semaphore_mem>>
      %dma_start3A_190 = arith.constant 0 : i32
      %dma_start3A_191 = tpu.memref_slice %arg13[%add3A_30, %dma_start3A_190] : memref<10000x128xf32, #tpu.memory_space<vmem_shared>> -> memref<80x128xf32, #tpu.memory_space<vmem_shared>>
      %dma_start3A_192 = arith.constant 0 : i32
      %dma_start3A_193 = tpu.memref_slice %arg13[%add3A_30, %dma_start3A_192] : memref<10000x128xf32, #tpu.memory_space<vmem_shared>> -> memref<80x128xf32, #tpu.memory_space<vmem_shared>>
      tpu.enqueue_dma source(%arg11 : memref<80x128xf32, #tpu.memory_space<vmem>>) target(%dma_start3A_193 : memref<80x128xf32, #tpu.memory_space<vmem_shared>>) target_semaphore(%run_scoped3A : memref<!tpu.dma_semaphore, #tpu.memory_space<semaphore_mem>>)
      %dma_wait3A_194 = arith.constant 0 : i32
      %dma_wait3A_195 = tpu.memref_slice %arg13[%add3A_30, %dma_wait3A_194] : memref<10000x128xf32, #tpu.memory_space<vmem_shared>> -> memref<80x128xf32, #tpu.memory_space<vmem_shared>>
      %dma_wait3A_196 = arith.constant 0 : i32
      %dma_wait3A_197 = tpu.memref_slice %arg13[%add3A_30, %dma_wait3A_196] : memref<10000x128xf32, #tpu.memory_space<vmem_shared>> -> memref<80x128xf32, #tpu.memory_space<vmem_shared>>
      tpu.wait_dma2 semaphore(%run_scoped3A : memref<!tpu.dma_semaphore, #tpu.memory_space<semaphore_mem>>) src(%arg11 : memref<80x128xf32, #tpu.memory_space<vmem>>) dst(%dma_wait3A_197 : memref<80x128xf32, #tpu.memory_space<vmem_shared>>)
      tpu.yield
    }) : () -> ()
    %mul3A_31 = arith.constant 625 : i32
    %mul3A_32 = arith.muli %arg1, %mul3A_31 : i32
    %add3A_33 = arith.constant 480 : i32
    %add3A_34 = arith.addi %mul3A_32, %add3A_33 : i32
    "tpu.region"() ({
      %run_scoped3A = tpu.sem_alloc : memref<!tpu.dma_semaphore, #tpu.memory_space<semaphore_mem>>
      %dma_start3A_190 = arith.constant 0 : i32
      %dma_start3A_191 = tpu.memref_slice %arg13[%add3A_34, %dma_start3A_190] : memref<10000x128xf32, #tpu.memory_space<vmem_shared>> -> memref<80x128xf32, #tpu.memory_space<vmem_shared>>
      %dma_start3A_192 = arith.constant 0 : i32
      %dma_start3A_193 = tpu.memref_slice %arg13[%add3A_34, %dma_start3A_192] : memref<10000x128xf32, #tpu.memory_space<vmem_shared>> -> memref<80x128xf32, #tpu.memory_space<vmem_shared>>
      tpu.enqueue_dma source(%arg11 : memref<80x128xf32, #tpu.memory_space<vmem>>) target(%dma_start3A_193 : memref<80x128xf32, #tpu.memory_space<vmem_shared>>) target_semaphore(%run_scoped3A : memref<!tpu.dma_semaphore, #tpu.memory_space<semaphore_mem>>)
      %dma_wait3A_194 = arith.constant 0 : i32
      %dma_wait3A_195 = tpu.memref_slice %arg13[%add3A_34, %dma_wait3A_194] : memref<10000x128xf32, #tpu.memory_space<vmem_shared>> -> memref<80x128xf32, #tpu.memory_space<vmem_shared>>
      %dma_wait3A_196 = arith.constant 0 : i32
      %dma_wait3A_197 = tpu.memref_slice %arg13[%add3A_34, %dma_wait3A_196] : memref<10000x128xf32, #tpu.memory_space<vmem_shared>> -> memref<80x128xf32, #tpu.memory_space<vmem_shared>>
      tpu.wait_dma2 semaphore(%run_scoped3A : memref<!tpu.dma_semaphore, #tpu.memory_space<semaphore_mem>>) src(%arg11 : memref<80x128xf32, #tpu.memory_space<vmem>>) dst(%dma_wait3A_197 : memref<80x128xf32, #tpu.memory_space<vmem_shared>>)
      tpu.yield
    }) : () -> ()
    %mul3A_35 = arith.constant 625 : i32
    %mul3A_36 = arith.muli %arg1, %mul3A_35 : i32
    %add3A_37 = arith.constant 560 : i32
    %add3A_38 = arith.addi %mul3A_36, %add3A_37 : i32
    "tpu.region"() ({
      %run_scoped3A = tpu.sem_alloc : memref<!tpu.dma_semaphore, #tpu.memory_space<semaphore_mem>>
      %dma_start3A_190 = arith.constant 0 : i32
      %dma_start3A_191 = arith.constant 0 : i32
      %dma_start3A_192 = tpu.memref_slice %arg11[%dma_start3A_190, %dma_start3A_191] : memref<80x128xf32, #tpu.memory_space<vmem>> -> memref<65x128xf32, #tpu.memory_space<vmem>>
      %dma_start3A_193 = arith.constant 0 : i32
      %dma_start3A_194 = tpu.memref_slice %arg13[%add3A_38, %dma_start3A_193] : memref<10000x128xf32, #tpu.memory_space<vmem_shared>> -> memref<65x128xf32, #tpu.memory_space<vmem_shared>>
      %dma_start3A_195 = arith.constant 0 : i32
      %dma_start3A_196 = tpu.memref_slice %arg13[%add3A_38, %dma_start3A_195] : memref<10000x128xf32, #tpu.memory_space<vmem_shared>> -> memref<65x128xf32, #tpu.memory_space<vmem_shared>>
      %dma_start3A_197 = arith.constant 0 : i32
      %dma_start3A_198 = arith.constant 0 : i32
      %dma_start3A_199 = tpu.memref_slice %arg11[%dma_start3A_197, %dma_start3A_198] : memref<80x128xf32, #tpu.memory_space<vmem>> -> memref<65x128xf32, #tpu.memory_space<vmem>>
      tpu.enqueue_dma source(%dma_start3A_199 : memref<65x128xf32, #tpu.memory_space<vmem>>) target(%dma_start3A_196 : memref<65x128xf32, #tpu.memory_space<vmem_shared>>) target_semaphore(%run_scoped3A : memref<!tpu.dma_semaphore, #tpu.memory_space<semaphore_mem>>)
      %dma_wait3A_200 = arith.constant 0 : i32
      %dma_wait3A_201 = arith.constant 0 : i32
      %dma_wait3A_202 = tpu.memref_slice %arg11[%dma_wait3A_200, %dma_wait3A_201] : memref<80x128xf32, #tpu.memory_space<vmem>> -> memref<65x128xf32, #tpu.memory_space<vmem>>
      %dma_wait3A_203 = arith.constant 0 : i32
      %dma_wait3A_204 = tpu.memref_slice %arg13[%add3A_38, %dma_wait3A_203] : memref<10000x128xf32, #tpu.memory_space<vmem_shared>> -> memref<65x128xf32, #tpu.memory_space<vmem_shared>>
      %dma_wait3A_205 = arith.constant 0 : i32
      %dma_wait3A_206 = tpu.memref_slice %arg13[%add3A_38, %dma_wait3A_205] : memref<10000x128xf32, #tpu.memory_space<vmem_shared>> -> memref<65x128xf32, #tpu.memory_space<vmem_shared>>
      %dma_wait3A_207 = arith.constant 0 : i32
      %dma_wait3A_208 = arith.constant 0 : i32
      %dma_wait3A_209 = tpu.memref_slice %arg11[%dma_wait3A_207, %dma_wait3A_208] : memref<80x128xf32, #tpu.memory_space<vmem>> -> memref<65x128xf32, #tpu.memory_space<vmem>>
      tpu.wait_dma2 semaphore(%run_scoped3A : memref<!tpu.dma_semaphore, #tpu.memory_space<semaphore_mem>>) src(%dma_wait3A_209 : memref<65x128xf32, #tpu.memory_space<vmem>>) dst(%dma_wait3A_206 : memref<65x128xf32, #tpu.memory_space<vmem_shared>>)
      tpu.yield
    }) : () -> ()
    %barrier3A = arith.constant 0 : index
    tpu.barrier barrier_id(%barrier3A)
    %add3A_39 = arith.constant 0 : i32
    %add3A_40 = arith.addi %mul3A_2, %add3A_39 : i32
    %dma_start3A = arith.constant 0 : i32
    %dma_start3A_41 = tpu.memref_slice %arg3[%dma_start3A, %add3A_40] : memref<2x320000xi32, #tpu.memory_space<hbm>> -> memref<2x80xi32, #tpu.memory_space<hbm>>
    %dma_start3A_42 = arith.constant 0 : i32
    %dma_start3A_43 = tpu.memref_slice %arg3[%dma_start3A_42, %add3A_40] : memref<2x320000xi32, #tpu.memory_space<hbm>> -> memref<2x80xi32, #tpu.memory_space<hbm>>
    tpu.enqueue_dma source(%dma_start3A_43 : memref<2x80xi32, #tpu.memory_space<hbm>>) target(%arg6 : memref<2x80xi32, #tpu.memory_space<vmem>>) target_semaphore(%arg14 : memref<!tpu.dma_semaphore, #tpu.memory_space<semaphore_mem>>)
    %add3A_44 = arith.constant 80 : i32
    %add3A_45 = arith.addi %mul3A_2, %add3A_44 : i32
    %dma_start3A_46 = arith.constant 0 : i32
    %dma_start3A_47 = tpu.memref_slice %arg3[%dma_start3A_46, %add3A_45] : memref<2x320000xi32, #tpu.memory_space<hbm>> -> memref<2x80xi32, #tpu.memory_space<hbm>>
    %dma_start3A_48 = arith.constant 0 : i32
    %dma_start3A_49 = tpu.memref_slice %arg3[%dma_start3A_48, %add3A_45] : memref<2x320000xi32, #tpu.memory_space<hbm>> -> memref<2x80xi32, #tpu.memory_space<hbm>>
    tpu.enqueue_dma source(%dma_start3A_49 : memref<2x80xi32, #tpu.memory_space<hbm>>) target(%arg7 : memref<2x80xi32, #tpu.memory_space<vmem>>) target_semaphore(%arg15 : memref<!tpu.dma_semaphore, #tpu.memory_space<semaphore_mem>>)
    %add3A_50 = arith.constant 0 : i32
    %add3A_51 = arith.addi %mul3A_2, %add3A_50 : i32
    %dma_wait3A = arith.constant 0 : i32
    %dma_wait3A_52 = tpu.memref_slice %arg3[%dma_wait3A, %add3A_51] : memref<2x320000xi32, #tpu.memory_space<hbm>> -> memref<2x80xi32, #tpu.memory_space<hbm>>
    %dma_wait3A_53 = arith.constant 0 : i32
    %dma_wait3A_54 = tpu.memref_slice %arg3[%dma_wait3A_53, %add3A_51] : memref<2x320000xi32, #tpu.memory_space<hbm>> -> memref<2x80xi32, #tpu.memory_space<hbm>>
    tpu.wait_dma2 semaphore(%arg14 : memref<!tpu.dma_semaphore, #tpu.memory_space<semaphore_mem>>) src(%dma_wait3A_54 : memref<2x80xi32, #tpu.memory_space<hbm>>) dst(%arg6 : memref<2x80xi32, #tpu.memory_space<vmem>>)
    %dma_start3A_55 = arith.constant 0 : i32
    %dma_start3A_56 = arith.constant 0 : i32
    %dma_start3A_57 = tpu.memref_slice %arg6[%dma_start3A_55, %dma_start3A_56] : memref<2x80xi32, #tpu.memory_space<vmem>> -> memref<1x80xi32, #tpu.memory_space<vmem>>
    %dma_start3A_58 = tpu.memref_squeeze %dma_start3A_57 : memref<1x80xi32, #tpu.memory_space<vmem>> -> memref<80xi32, #tpu.memory_space<vmem>>
    %dma_start3A_59 = arith.constant 0 : i32
    %dma_start3A_60 = arith.constant 0 : i32
    %dma_start3A_61 = tpu.memref_slice %arg2[%dma_start3A_59, %dma_start3A_60] : memref<10000x128xf32, #tpu.memory_space<hbm>> -> memref<10000x128xf32, #tpu.memory_space<hbm>>
    tpu.enqueue_indirect_dma source(%dma_start3A_61 : memref<10000x128xf32, #tpu.memory_space<hbm>>) target(%arg9 : memref<80x128xf32, #tpu.memory_space<vmem>>) offsets(%dma_start3A_58 : memref<80xi32, #tpu.memory_space<vmem>>) semaphore(%arg16 : memref<!tpu.dma_semaphore, #tpu.memory_space<semaphore_mem>>)
    %add3A_62 = arith.constant 0 : i32
    %add3A_63 = arith.addi %mul3A_2, %add3A_62 : i32
    %dma_start3A_64 = arith.constant 0 : i32
    %dma_start3A_65 = tpu.memref_slice %arg4[%add3A_63, %dma_start3A_64] : memref<320000x128xf32, #tpu.memory_space<hbm>> -> memref<80x128xf32, #tpu.memory_space<hbm>>
    %dma_start3A_66 = arith.constant 0 : i32
    %dma_start3A_67 = tpu.memref_slice %arg4[%add3A_63, %dma_start3A_66] : memref<320000x128xf32, #tpu.memory_space<hbm>> -> memref<80x128xf32, #tpu.memory_space<hbm>>
    tpu.enqueue_dma source(%dma_start3A_67 : memref<80x128xf32, #tpu.memory_space<hbm>>) target(%arg11 : memref<80x128xf32, #tpu.memory_space<vmem>>) target_semaphore(%arg18 : memref<!tpu.dma_semaphore, #tpu.memory_space<semaphore_mem>>)
    %scan3A_68 = arith.constant 0 : i32
    %scan3A_69 = arith.constant 62 : i32
    %scan3A_70 = arith.addi %scan3A_68, %scan3A_69 : i32
    %scan3A_71 = arith.constant 1 : i32
    scf.for %scan3A_190 = %scan3A_68 to %scan3A_70 step %scan3A_71  : i32 {
      %mul3A_191 = arith.constant 1 : i32
      %mul3A_192 = arith.muli %scan3A_190, %mul3A_191 : i32
      %add3A_193 = arith.constant 0 : i32
      %add3A_194 = arith.addi %add3A_193, %mul3A_192 : i32
      %mul3A_195 = arith.constant 2 : i32
      %mul3A_196 = arith.muli %mul3A_195, %add3A_194 : i32
      %add3A_197 = arith.constant 0 : i32
      %add3A_198 = arith.addi %mul3A_196, %add3A_197 : i32
      %gt3A = arith.constant 0 : i32
      %gt3A_199 = arith.cmpi sgt, %add3A_194, %gt3A : i32
      %convert_element_type3A = arith.extui %gt3A_199 : i1 to i32
      %cond3A = arith.constant 0 : i32
      %cond3A_200 = arith.cmpi ne, %convert_element_type3A, %cond3A : i32
      scf.if %cond3A_200 {
        %dma_wait3A_373 = arith.constant 1 : i32
        %dma_wait3A_374 = arith.constant 0 : i32
        %dma_wait3A_375 = tpu.memref_slice %arg8[%dma_wait3A_373, %dma_wait3A_374] : memref<2x80xi32, #tpu.memory_space<vmem>> -> memref<1x80xi32, #tpu.memory_space<vmem>>
        %dma_wait3A_376 = tpu.memref_squeeze %dma_wait3A_375 : memref<1x80xi32, #tpu.memory_space<vmem>> -> memref<80xi32, #tpu.memory_space<vmem>>
        %dma_wait3A_377 = arith.constant 0 : i32
        %dma_wait3A_378 = arith.constant 0 : i32
        %dma_wait3A_379 = tpu.memref_slice %arg13[%dma_wait3A_377, %dma_wait3A_378] : memref<10000x128xf32, #tpu.memory_space<vmem_shared>> -> memref<10000x128xf32, #tpu.memory_space<vmem_shared>>
        tpu.wait_indirect_dma semaphore(%arg21 : memref<!tpu.dma_semaphore, #tpu.memory_space<semaphore_mem>>) src(%arg10 : memref<80x128xf32, #tpu.memory_space<vmem>>) dst(%dma_wait3A_379 : memref<10000x128xf32, #tpu.memory_space<vmem_shared>>)
      } else {
      }
      %lt3A = arith.constant 124 : i32
      %lt3A_201 = arith.cmpi slt, %add3A_198, %lt3A : i32
      %convert_element_type3A_202 = arith.extui %lt3A_201 : i1 to i32
      %cond3A_203 = arith.constant 0 : i32
      %cond3A_204 = arith.cmpi ne, %convert_element_type3A_202, %cond3A_203 : i32
      scf.if %cond3A_204 {
        %add3A_373 = arith.constant 1 : i32
        %add3A_374 = arith.addi %add3A_198, %add3A_373 : i32
        %mul3A_375 = arith.constant 80 : i32
        %mul3A_376 = arith.muli %add3A_374, %mul3A_375 : i32
        %add3A_377 = arith.addi %mul3A_2, %mul3A_376 : i32
        %dma_wait3A_378 = arith.constant 0 : i32
        %dma_wait3A_379 = tpu.memref_slice %arg3[%dma_wait3A_378, %add3A_377] : memref<2x320000xi32, #tpu.memory_space<hbm>> -> memref<2x80xi32, #tpu.memory_space<hbm>>
        %dma_wait3A_380 = arith.constant 0 : i32
        %dma_wait3A_381 = tpu.memref_slice %arg3[%dma_wait3A_380, %add3A_377] : memref<2x320000xi32, #tpu.memory_space<hbm>> -> memref<2x80xi32, #tpu.memory_space<hbm>>
        tpu.wait_dma2 semaphore(%arg15 : memref<!tpu.dma_semaphore, #tpu.memory_space<semaphore_mem>>) src(%dma_wait3A_381 : memref<2x80xi32, #tpu.memory_space<hbm>>) dst(%arg7 : memref<2x80xi32, #tpu.memory_space<vmem>>)
        %add3A_382 = arith.constant 1 : i32
        %add3A_383 = arith.addi %add3A_198, %add3A_382 : i32
        %dma_start3A_384 = arith.constant 0 : i32
        %dma_start3A_385 = arith.constant 0 : i32
        %dma_start3A_386 = tpu.memref_slice %arg7[%dma_start3A_384, %dma_start3A_385] : memref<2x80xi32, #tpu.memory_space<vmem>> -> memref<1x80xi32, #tpu.memory_space<vmem>>
        %dma_start3A_387 = tpu.memref_squeeze %dma_start3A_386 : memref<1x80xi32, #tpu.memory_space<vmem>> -> memref<80xi32, #tpu.memory_space<vmem>>
        %dma_start3A_388 = arith.constant 0 : i32
        %dma_start3A_389 = arith.constant 0 : i32
        %dma_start3A_390 = tpu.memref_slice %arg2[%dma_start3A_388, %dma_start3A_389] : memref<10000x128xf32, #tpu.memory_space<hbm>> -> memref<10000x128xf32, #tpu.memory_space<hbm>>
        tpu.enqueue_indirect_dma source(%dma_start3A_390 : memref<10000x128xf32, #tpu.memory_space<hbm>>) target(%arg10 : memref<80x128xf32, #tpu.memory_space<vmem>>) offsets(%dma_start3A_387 : memref<80xi32, #tpu.memory_space<vmem>>) semaphore(%arg17 : memref<!tpu.dma_semaphore, #tpu.memory_space<semaphore_mem>>)
        %mul3A_391 = arith.constant 80 : i32
        %mul3A_392 = arith.muli %add3A_383, %mul3A_391 : i32
        %add3A_393 = arith.addi %mul3A_2, %mul3A_392 : i32
        %dma_start3A_394 = arith.constant 0 : i32
        %dma_start3A_395 = tpu.memref_slice %arg4[%add3A_393, %dma_start3A_394] : memref<320000x128xf32, #tpu.memory_space<hbm>> -> memref<80x128xf32, #tpu.memory_space<hbm>>
        %dma_start3A_396 = arith.constant 0 : i32
        %dma_start3A_397 = tpu.memref_slice %arg4[%add3A_393, %dma_start3A_396] : memref<320000x128xf32, #tpu.memory_space<hbm>> -> memref<80x128xf32, #tpu.memory_space<hbm>>
        tpu.enqueue_dma source(%dma_start3A_397 : memref<80x128xf32, #tpu.memory_space<hbm>>) target(%arg12 : memref<80x128xf32, #tpu.memory_space<vmem>>) target_semaphore(%arg19 : memref<!tpu.dma_semaphore, #tpu.memory_space<semaphore_mem>>)
      } else {
      }
      %dma_wait3A_205 = arith.constant 0 : i32
      %dma_wait3A_206 = arith.constant 0 : i32
      %dma_wait3A_207 = tpu.memref_slice %arg6[%dma_wait3A_205, %dma_wait3A_206] : memref<2x80xi32, #tpu.memory_space<vmem>> -> memref<1x80xi32, #tpu.memory_space<vmem>>
      %dma_wait3A_208 = tpu.memref_squeeze %dma_wait3A_207 : memref<1x80xi32, #tpu.memory_space<vmem>> -> memref<80xi32, #tpu.memory_space<vmem>>
      %dma_wait3A_209 = arith.constant 0 : i32
      %dma_wait3A_210 = arith.constant 0 : i32
      %dma_wait3A_211 = tpu.memref_slice %arg2[%dma_wait3A_209, %dma_wait3A_210] : memref<10000x128xf32, #tpu.memory_space<hbm>> -> memref<10000x128xf32, #tpu.memory_space<hbm>>
      tpu.wait_indirect_dma semaphore(%arg16 : memref<!tpu.dma_semaphore, #tpu.memory_space<semaphore_mem>>) src(%dma_wait3A_211 : memref<10000x128xf32, #tpu.memory_space<hbm>>) dst(%arg9 : memref<80x128xf32, #tpu.memory_space<vmem>>)
      %mul3A_212 = arith.constant 80 : i32
      %mul3A_213 = arith.muli %add3A_198, %mul3A_212 : i32
      %add3A_214 = arith.addi %mul3A_2, %mul3A_213 : i32
      %dma_wait3A_215 = arith.constant 0 : i32
      %dma_wait3A_216 = tpu.memref_slice %arg4[%add3A_214, %dma_wait3A_215] : memref<320000x128xf32, #tpu.memory_space<hbm>> -> memref<80x128xf32, #tpu.memory_space<hbm>>
      %dma_wait3A_217 = arith.constant 0 : i32
      %dma_wait3A_218 = tpu.memref_slice %arg4[%add3A_214, %dma_wait3A_217] : memref<320000x128xf32, #tpu.memory_space<hbm>> -> memref<80x128xf32, #tpu.memory_space<hbm>>
      tpu.wait_dma2 semaphore(%arg18 : memref<!tpu.dma_semaphore, #tpu.memory_space<semaphore_mem>>) src(%dma_wait3A_218 : memref<80x128xf32, #tpu.memory_space<hbm>>) dst(%arg11 : memref<80x128xf32, #tpu.memory_space<vmem>>)
      %lt3A_219 = arith.constant 123 : i32
      %lt3A_220 = arith.cmpi slt, %add3A_198, %lt3A_219 : i32
      %convert_element_type3A_221 = arith.extui %lt3A_220 : i1 to i32
      %cond3A_222 = arith.constant 0 : i32
      %cond3A_223 = arith.cmpi ne, %convert_element_type3A_221, %cond3A_222 : i32
      scf.if %cond3A_223 {
        %add3A_373 = arith.constant 2 : i32
        %add3A_374 = arith.addi %add3A_198, %add3A_373 : i32
        %mul3A_375 = arith.constant 80 : i32
        %mul3A_376 = arith.muli %add3A_374, %mul3A_375 : i32
        %add3A_377 = arith.addi %mul3A_2, %mul3A_376 : i32
        %dma_start3A_378 = arith.constant 0 : i32
        %dma_start3A_379 = tpu.memref_slice %arg3[%dma_start3A_378, %add3A_377] : memref<2x320000xi32, #tpu.memory_space<hbm>> -> memref<2x80xi32, #tpu.memory_space<hbm>>
        %dma_start3A_380 = arith.constant 0 : i32
        %dma_start3A_381 = tpu.memref_slice %arg3[%dma_start3A_380, %add3A_377] : memref<2x320000xi32, #tpu.memory_space<hbm>> -> memref<2x80xi32, #tpu.memory_space<hbm>>
        tpu.enqueue_dma source(%dma_start3A_381 : memref<2x80xi32, #tpu.memory_space<hbm>>) target(%arg6 : memref<2x80xi32, #tpu.memory_space<vmem>>) target_semaphore(%arg14 : memref<!tpu.dma_semaphore, #tpu.memory_space<semaphore_mem>>)
      } else {
      }
      %get3A_224 = arith.constant 1 : index
      %get3A_225 = arith.constant 0 : index
      %get3A_226 = tpu.vector_load %arg6[%get3A_224, %get3A_225] {strides = array<i32>} : memref<2x80xi32, #tpu.memory_space<vmem>>, vector<1x16xi32>,
      %get3A_227 = vector.shape_cast %get3A_226 : vector<1x16xi32> to vector<1x16xi32>
      %swap3A_228 = arith.constant 0 : index
      %swap3A_229 = arith.constant 0 : index
      %swap3A_230 = tpu.vector_load %arg8[%swap3A_228, %swap3A_229] {strides = array<i32>} : memref<2x80xi32, #tpu.memory_space<vmem>>, vector<1x16xi32>,
      %swap3A_231 = vector.shape_cast %swap3A_230 : vector<1x16xi32> to vector<1x16xi32>
      %swap3A_232 = vector.shape_cast %get3A_227 : vector<1x16xi32> to vector<1x16xi32>
      tpu.vector_store %arg8[%swap3A_228, %swap3A_229], %swap3A_232 {strides = array<i32>} : memref<2x80xi32, #tpu.memory_space<vmem>>, vector<1x16xi32>,
      %get3A_233 = arith.constant 1 : index
      %get3A_234 = arith.constant 16 : index
      %get3A_235 = tpu.vector_load %arg6[%get3A_233, %get3A_234] {strides = array<i32>} : memref<2x80xi32, #tpu.memory_space<vmem>>, vector<1x16xi32>,
      %get3A_236 = vector.shape_cast %get3A_235 : vector<1x16xi32> to vector<1x16xi32>
      %swap3A_237 = arith.constant 0 : index
      %swap3A_238 = arith.constant 16 : index
      %swap3A_239 = tpu.vector_load %arg8[%swap3A_237, %swap3A_238] {strides = array<i32>} : memref<2x80xi32, #tpu.memory_space<vmem>>, vector<1x16xi32>,
      %swap3A_240 = vector.shape_cast %swap3A_239 : vector<1x16xi32> to vector<1x16xi32>
      %swap3A_241 = vector.shape_cast %get3A_236 : vector<1x16xi32> to vector<1x16xi32>
      tpu.vector_store %arg8[%swap3A_237, %swap3A_238], %swap3A_241 {strides = array<i32>} : memref<2x80xi32, #tpu.memory_space<vmem>>, vector<1x16xi32>,
      %get3A_242 = arith.constant 1 : index
      %get3A_243 = arith.constant 32 : index
      %get3A_244 = tpu.vector_load %arg6[%get3A_242, %get3A_243] {strides = array<i32>} : memref<2x80xi32, #tpu.memory_space<vmem>>, vector<1x16xi32>,
      %get3A_245 = vector.shape_cast %get3A_244 : vector<1x16xi32> to vector<1x16xi32>
      %swap3A_246 = arith.constant 0 : index
      %swap3A_247 = arith.constant 32 : index
      %swap3A_248 = tpu.vector_load %arg8[%swap3A_246, %swap3A_247] {strides = array<i32>} : memref<2x80xi32, #tpu.memory_space<vmem>>, vector<1x16xi32>,
      %swap3A_249 = vector.shape_cast %swap3A_248 : vector<1x16xi32> to vector<1x16xi32>
      %swap3A_250 = vector.shape_cast %get3A_245 : vector<1x16xi32> to vector<1x16xi32>
      tpu.vector_store %arg8[%swap3A_246, %swap3A_247], %swap3A_250 {strides = array<i32>} : memref<2x80xi32, #tpu.memory_space<vmem>>, vector<1x16xi32>,
      %get3A_251 = arith.constant 1 : index
      %get3A_252 = arith.constant 48 : index
      %get3A_253 = tpu.vector_load %arg6[%get3A_251, %get3A_252] {strides = array<i32>} : memref<2x80xi32, #tpu.memory_space<vmem>>, vector<1x16xi32>,
      %get3A_254 = vector.shape_cast %get3A_253 : vector<1x16xi32> to vector<1x16xi32>
      %swap3A_255 = arith.constant 0 : index
      %swap3A_256 = arith.constant 48 : index
      %swap3A_257 = tpu.vector_load %arg8[%swap3A_255, %swap3A_256] {strides = array<i32>} : memref<2x80xi32, #tpu.memory_space<vmem>>, vector<1x16xi32>,
      %swap3A_258 = vector.shape_cast %swap3A_257 : vector<1x16xi32> to vector<1x16xi32>
      %swap3A_259 = vector.shape_cast %get3A_254 : vector<1x16xi32> to vector<1x16xi32>
      tpu.vector_store %arg8[%swap3A_255, %swap3A_256], %swap3A_259 {strides = array<i32>} : memref<2x80xi32, #tpu.memory_space<vmem>>, vector<1x16xi32>,
      %get3A_260 = arith.constant 1 : index
      %get3A_261 = arith.constant 64 : index
      %get3A_262 = tpu.vector_load %arg6[%get3A_260, %get3A_261] {strides = array<i32>} : memref<2x80xi32, #tpu.memory_space<vmem>>, vector<1x16xi32>,
      %get3A_263 = vector.shape_cast %get3A_262 : vector<1x16xi32> to vector<1x16xi32>
      %swap3A_264 = arith.constant 0 : index
      %swap3A_265 = arith.constant 64 : index
      %swap3A_266 = tpu.vector_load %arg8[%swap3A_264, %swap3A_265] {strides = array<i32>} : memref<2x80xi32, #tpu.memory_space<vmem>>, vector<1x16xi32>,
      %swap3A_267 = vector.shape_cast %swap3A_266 : vector<1x16xi32> to vector<1x16xi32>
      %swap3A_268 = vector.shape_cast %get3A_263 : vector<1x16xi32> to vector<1x16xi32>
      tpu.vector_store %arg8[%swap3A_264, %swap3A_265], %swap3A_268 {strides = array<i32>} : memref<2x80xi32, #tpu.memory_space<vmem>>, vector<1x16xi32>,
      %scan3A_269 = arith.constant 0 : i32
      %scan3A_270 = arith.constant 80 : i32
      %scan3A_271 = arith.addi %scan3A_269, %scan3A_270 : i32
      %scan3A_272 = arith.constant 1 : i32
      scf.for %scan3A_373 = %scan3A_269 to %scan3A_271 step %scan3A_272  : i32 {
        %mul3A_374 = arith.constant 1 : i32
        %mul3A_375 = arith.muli %scan3A_373, %mul3A_374 : i32
        %add3A_376 = arith.constant 0 : i32
        %add3A_377 = arith.addi %add3A_376, %mul3A_375 : i32
        %get3A_378 = arith.index_cast %add3A_377 : i32 to index
        %get3A_379 = arith.constant 0 : index
        %get3A_380 = tpu.vector_load %arg9[%get3A_378, %get3A_379] {strides = array<i32>} : memref<80x128xf32, #tpu.memory_space<vmem>>, vector<1x16xf32>,
        %get3A_381 = vector.shape_cast %get3A_380 : vector<1x16xf32> to vector<1x16xf32>
        %get3A_382 = arith.index_cast %add3A_377 : i32 to index
        %get3A_383 = arith.constant 0 : index
        %get3A_384 = tpu.vector_load %arg11[%get3A_382, %get3A_383] {strides = array<i32>} : memref<80x128xf32, #tpu.memory_space<vmem>>, vector<1x16xf32>,
        %get3A_385 = vector.shape_cast %get3A_384 : vector<1x16xf32> to vector<1x16xf32>
        %add3A_386 = arith.addf %get3A_381, %get3A_385 : vector<1x16xf32>
        %max3A = arith.constant 0.000000e+00 : f32
        %max3A_387 = vector.broadcast %max3A : f32 to vector<1x16xf32>
        %max3A_388 = arith.maximumf %add3A_386, %max3A_387 : vector<1x16xf32>
        %swap3A_389 = arith.index_cast %add3A_377 : i32 to index
        %swap3A_390 = arith.constant 0 : index
        %swap3A_391 = tpu.vector_load %arg9[%swap3A_389, %swap3A_390] {strides = array<i32>} : memref<80x128xf32, #tpu.memory_space<vmem>>, vector<1x16xf32>,
        %swap3A_392 = vector.shape_cast %swap3A_391 : vector<1x16xf32> to vector<1x16xf32>
        %swap3A_393 = vector.shape_cast %max3A_388 : vector<1x16xf32> to vector<1x16xf32>
        tpu.vector_store %arg9[%swap3A_389, %swap3A_390], %swap3A_393 {strides = array<i32>} : memref<80x128xf32, #tpu.memory_space<vmem>>, vector<1x16xf32>,
        %get3A_394 = arith.index_cast %add3A_377 : i32 to index
        %get3A_395 = arith.constant 16 : index
        %get3A_396 = tpu.vector_load %arg9[%get3A_394, %get3A_395] {strides = array<i32>} : memref<80x128xf32, #tpu.memory_space<vmem>>, vector<1x16xf32>,
        %get3A_397 = vector.shape_cast %get3A_396 : vector<1x16xf32> to vector<1x16xf32>
        %get3A_398 = arith.index_cast %add3A_377 : i32 to index
        %get3A_399 = arith.constant 16 : index
        %get3A_400 = tpu.vector_load %arg11[%get3A_398, %get3A_399] {strides = array<i32>} : memref<80x128xf32, #tpu.memory_space<vmem>>, vector<1x16xf32>,
        %get3A_401 = vector.shape_cast %get3A_400 : vector<1x16xf32> to vector<1x16xf32>
        %add3A_402 = arith.addf %get3A_397, %get3A_401 : vector<1x16xf32>
        %max3A_403 = arith.constant 0.000000e+00 : f32
        %max3A_404 = vector.broadcast %max3A_403 : f32 to vector<1x16xf32>
        %max3A_405 = arith.maximumf %add3A_402, %max3A_404 : vector<1x16xf32>
        %swap3A_406 = arith.index_cast %add3A_377 : i32 to index
        %swap3A_407 = arith.constant 16 : index
        %swap3A_408 = tpu.vector_load %arg9[%swap3A_406, %swap3A_407] {strides = array<i32>} : memref<80x128xf32, #tpu.memory_space<vmem>>, vector<1x16xf32>,
        %swap3A_409 = vector.shape_cast %swap3A_408 : vector<1x16xf32> to vector<1x16xf32>
        %swap3A_410 = vector.shape_cast %max3A_405 : vector<1x16xf32> to vector<1x16xf32>
        tpu.vector_store %arg9[%swap3A_406, %swap3A_407], %swap3A_410 {strides = array<i32>} : memref<80x128xf32, #tpu.memory_space<vmem>>, vector<1x16xf32>,
        %get3A_411 = arith.index_cast %add3A_377 : i32 to index
        %get3A_412 = arith.constant 32 : index
        %get3A_413 = tpu.vector_load %arg9[%get3A_411, %get3A_412] {strides = array<i32>} : memref<80x128xf32, #tpu.memory_space<vmem>>, vector<1x16xf32>,
        %get3A_414 = vector.shape_cast %get3A_413 : vector<1x16xf32> to vector<1x16xf32>
        %get3A_415 = arith.index_cast %add3A_377 : i32 to index
        %get3A_416 = arith.constant 32 : index
        %get3A_417 = tpu.vector_load %arg11[%get3A_415, %get3A_416] {strides = array<i32>} : memref<80x128xf32, #tpu.memory_space<vmem>>, vector<1x16xf32>,
        %get3A_418 = vector.shape_cast %get3A_417 : vector<1x16xf32> to vector<1x16xf32>
        %add3A_419 = arith.addf %get3A_414, %get3A_418 : vector<1x16xf32>
        %max3A_420 = arith.constant 0.000000e+00 : f32
        %max3A_421 = vector.broadcast %max3A_420 : f32 to vector<1x16xf32>
        %max3A_422 = arith.maximumf %add3A_419, %max3A_421 : vector<1x16xf32>
        %swap3A_423 = arith.index_cast %add3A_377 : i32 to index
        %swap3A_424 = arith.constant 32 : index
        %swap3A_425 = tpu.vector_load %arg9[%swap3A_423, %swap3A_424] {strides = array<i32>} : memref<80x128xf32, #tpu.memory_space<vmem>>, vector<1x16xf32>,
        %swap3A_426 = vector.shape_cast %swap3A_425 : vector<1x16xf32> to vector<1x16xf32>
        %swap3A_427 = vector.shape_cast %max3A_422 : vector<1x16xf32> to vector<1x16xf32>
        tpu.vector_store %arg9[%swap3A_423, %swap3A_424], %swap3A_427 {strides = array<i32>} : memref<80x128xf32, #tpu.memory_space<vmem>>, vector<1x16xf32>,
        %get3A_428 = arith.index_cast %add3A_377 : i32 to index
        %get3A_429 = arith.constant 48 : index
        %get3A_430 = tpu.vector_load %arg9[%get3A_428, %get3A_429] {strides = array<i32>} : memref<80x128xf32, #tpu.memory_space<vmem>>, vector<1x16xf32>,
        %get3A_431 = vector.shape_cast %get3A_430 : vector<1x16xf32> to vector<1x16xf32>
        %get3A_432 = arith.index_cast %add3A_377 : i32 to index
        %get3A_433 = arith.constant 48 : index
        %get3A_434 = tpu.vector_load %arg11[%get3A_432, %get3A_433] {strides = array<i32>} : memref<80x128xf32, #tpu.memory_space<vmem>>, vector<1x16xf32>,
        %get3A_435 = vector.shape_cast %get3A_434 : vector<1x16xf32> to vector<1x16xf32>
        %add3A_436 = arith.addf %get3A_431, %get3A_435 : vector<1x16xf32>
        %max3A_437 = arith.constant 0.000000e+00 : f32
        %max3A_438 = vector.broadcast %max3A_437 : f32 to vector<1x16xf32>
        %max3A_439 = arith.maximumf %add3A_436, %max3A_438 : vector<1x16xf32>
        %swap3A_440 = arith.index_cast %add3A_377 : i32 to index
        %swap3A_441 = arith.constant 48 : index
        %swap3A_442 = tpu.vector_load %arg9[%swap3A_440, %swap3A_441] {strides = array<i32>} : memref<80x128xf32, #tpu.memory_space<vmem>>, vector<1x16xf32>,
        %swap3A_443 = vector.shape_cast %swap3A_442 : vector<1x16xf32> to vector<1x16xf32>
        %swap3A_444 = vector.shape_cast %max3A_439 : vector<1x16xf32> to vector<1x16xf32>
        tpu.vector_store %arg9[%swap3A_440, %swap3A_441], %swap3A_444 {strides = array<i32>} : memref<80x128xf32, #tpu.memory_space<vmem>>, vector<1x16xf32>,
        %get3A_445 = arith.index_cast %add3A_377 : i32 to index
        %get3A_446 = arith.constant 64 : index
        %get3A_447 = tpu.vector_load %arg9[%get3A_445, %get3A_446] {strides = array<i32>} : memref<80x128xf32, #tpu.memory_space<vmem>>, vector<1x16xf32>,
        %get3A_448 = vector.shape_cast %get3A_447 : vector<1x16xf32> to vector<1x16xf32>
        %get3A_449 = arith.index_cast %add3A_377 : i32 to index
        %get3A_450 = arith.constant 64 : index
        %get3A_451 = tpu.vector_load %arg11[%get3A_449, %get3A_450] {strides = array<i32>} : memref<80x128xf32, #tpu.memory_space<vmem>>, vector<1x16xf32>,
        %get3A_452 = vector.shape_cast %get3A_451 : vector<1x16xf32> to vector<1x16xf32>
        %add3A_453 = arith.addf %get3A_448, %get3A_452 : vector<1x16xf32>
        %max3A_454 = arith.constant 0.000000e+00 : f32
        %max3A_455 = vector.broadcast %max3A_454 : f32 to vector<1x16xf32>
        %max3A_456 = arith.maximumf %add3A_453, %max3A_455 : vector<1x16xf32>
        %swap3A_457 = arith.index_cast %add3A_377 : i32 to index
        %swap3A_458 = arith.constant 64 : index
        %swap3A_459 = tpu.vector_load %arg9[%swap3A_457, %swap3A_458] {strides = array<i32>} : memref<80x128xf32, #tpu.memory_space<vmem>>, vector<1x16xf32>,
        %swap3A_460 = vector.shape_cast %swap3A_459 : vector<1x16xf32> to vector<1x16xf32>
        %swap3A_461 = vector.shape_cast %max3A_456 : vector<1x16xf32> to vector<1x16xf32>
        tpu.vector_store %arg9[%swap3A_457, %swap3A_458], %swap3A_461 {strides = array<i32>} : memref<80x128xf32, #tpu.memory_space<vmem>>, vector<1x16xf32>,
        %get3A_462 = arith.index_cast %add3A_377 : i32 to index
        %get3A_463 = arith.constant 80 : index
        %get3A_464 = tpu.vector_load %arg9[%get3A_462, %get3A_463] {strides = array<i32>} : memref<80x128xf32, #tpu.memory_space<vmem>>, vector<1x16xf32>,
        %get3A_465 = vector.shape_cast %get3A_464 : vector<1x16xf32> to vector<1x16xf32>
        %get3A_466 = arith.index_cast %add3A_377 : i32 to index
        %get3A_467 = arith.constant 80 : index
        %get3A_468 = tpu.vector_load %arg11[%get3A_466, %get3A_467] {strides = array<i32>} : memref<80x128xf32, #tpu.memory_space<vmem>>, vector<1x16xf32>,
        %get3A_469 = vector.shape_cast %get3A_468 : vector<1x16xf32> to vector<1x16xf32>
        %add3A_470 = arith.addf %get3A_465, %get3A_469 : vector<1x16xf32>
        %max3A_471 = arith.constant 0.000000e+00 : f32
        %max3A_472 = vector.broadcast %max3A_471 : f32 to vector<1x16xf32>
        %max3A_473 = arith.maximumf %add3A_470, %max3A_472 : vector<1x16xf32>
        %swap3A_474 = arith.index_cast %add3A_377 : i32 to index
        %swap3A_475 = arith.constant 80 : index
        %swap3A_476 = tpu.vector_load %arg9[%swap3A_474, %swap3A_475] {strides = array<i32>} : memref<80x128xf32, #tpu.memory_space<vmem>>, vector<1x16xf32>,
        %swap3A_477 = vector.shape_cast %swap3A_476 : vector<1x16xf32> to vector<1x16xf32>
        %swap3A_478 = vector.shape_cast %max3A_473 : vector<1x16xf32> to vector<1x16xf32>
        tpu.vector_store %arg9[%swap3A_474, %swap3A_475], %swap3A_478 {strides = array<i32>} : memref<80x128xf32, #tpu.memory_space<vmem>>, vector<1x16xf32>,
        %get3A_479 = arith.index_cast %add3A_377 : i32 to index
        %get3A_480 = arith.constant 96 : index
        %get3A_481 = tpu.vector_load %arg9[%get3A_479, %get3A_480] {strides = array<i32>} : memref<80x128xf32, #tpu.memory_space<vmem>>, vector<1x16xf32>,
        %get3A_482 = vector.shape_cast %get3A_481 : vector<1x16xf32> to vector<1x16xf32>
        %get3A_483 = arith.index_cast %add3A_377 : i32 to index
        %get3A_484 = arith.constant 96 : index
        %get3A_485 = tpu.vector_load %arg11[%get3A_483, %get3A_484] {strides = array<i32>} : memref<80x128xf32, #tpu.memory_space<vmem>>, vector<1x16xf32>,
        %get3A_486 = vector.shape_cast %get3A_485 : vector<1x16xf32> to vector<1x16xf32>
        %add3A_487 = arith.addf %get3A_482, %get3A_486 : vector<1x16xf32>
        %max3A_488 = arith.constant 0.000000e+00 : f32
        %max3A_489 = vector.broadcast %max3A_488 : f32 to vector<1x16xf32>
        %max3A_490 = arith.maximumf %add3A_487, %max3A_489 : vector<1x16xf32>
        %swap3A_491 = arith.index_cast %add3A_377 : i32 to index
        %swap3A_492 = arith.constant 96 : index
        %swap3A_493 = tpu.vector_load %arg9[%swap3A_491, %swap3A_492] {strides = array<i32>} : memref<80x128xf32, #tpu.memory_space<vmem>>, vector<1x16xf32>,
        %swap3A_494 = vector.shape_cast %swap3A_493 : vector<1x16xf32> to vector<1x16xf32>
        %swap3A_495 = vector.shape_cast %max3A_490 : vector<1x16xf32> to vector<1x16xf32>
        tpu.vector_store %arg9[%swap3A_491, %swap3A_492], %swap3A_495 {strides = array<i32>} : memref<80x128xf32, #tpu.memory_space<vmem>>, vector<1x16xf32>,
        %get3A_496 = arith.index_cast %add3A_377 : i32 to index
        %get3A_497 = arith.constant 112 : index
        %get3A_498 = tpu.vector_load %arg9[%get3A_496, %get3A_497] {strides = array<i32>} : memref<80x128xf32, #tpu.memory_space<vmem>>, vector<1x16xf32>,
        %get3A_499 = vector.shape_cast %get3A_498 : vector<1x16xf32> to vector<1x16xf32>
        %get3A_500 = arith.index_cast %add3A_377 : i32 to index
        %get3A_501 = arith.constant 112 : index
        %get3A_502 = tpu.vector_load %arg11[%get3A_500, %get3A_501] {strides = array<i32>} : memref<80x128xf32, #tpu.memory_space<vmem>>, vector<1x16xf32>,
        %get3A_503 = vector.shape_cast %get3A_502 : vector<1x16xf32> to vector<1x16xf32>
        %add3A_504 = arith.addf %get3A_499, %get3A_503 : vector<1x16xf32>
        %max3A_505 = arith.constant 0.000000e+00 : f32
        %max3A_506 = vector.broadcast %max3A_505 : f32 to vector<1x16xf32>
        %max3A_507 = arith.maximumf %add3A_504, %max3A_506 : vector<1x16xf32>
        %swap3A_508 = arith.index_cast %add3A_377 : i32 to index
        %swap3A_509 = arith.constant 112 : index
        %swap3A_510 = tpu.vector_load %arg9[%swap3A_508, %swap3A_509] {strides = array<i32>} : memref<80x128xf32, #tpu.memory_space<vmem>>, vector<1x16xf32>,
        %swap3A_511 = vector.shape_cast %swap3A_510 : vector<1x16xf32> to vector<1x16xf32>
        %swap3A_512 = vector.shape_cast %max3A_507 : vector<1x16xf32> to vector<1x16xf32>
        tpu.vector_store %arg9[%swap3A_508, %swap3A_509], %swap3A_512 {strides = array<i32>} : memref<80x128xf32, #tpu.memory_space<vmem>>, vector<1x16xf32>,
      }
      %scan3A_273 = arith.constant 80 : i32
      %dma_start3A_274 = arith.constant 0 : i32
      %dma_start3A_275 = arith.constant 0 : i32
      %dma_start3A_276 = tpu.memref_slice %arg8[%dma_start3A_274, %dma_start3A_275] : memref<2x80xi32, #tpu.memory_space<vmem>> -> memref<1x80xi32, #tpu.memory_space<vmem>>
      %dma_start3A_277 = tpu.memref_squeeze %dma_start3A_276 : memref<1x80xi32, #tpu.memory_space<vmem>> -> memref<80xi32, #tpu.memory_space<vmem>>
      %dma_start3A_278 = arith.constant 0 : i32
      %dma_start3A_279 = arith.constant 0 : i32
      %dma_start3A_280 = tpu.memref_slice %arg13[%dma_start3A_278, %dma_start3A_279] : memref<10000x128xf32, #tpu.memory_space<vmem_shared>> -> memref<10000x128xf32, #tpu.memory_space<vmem_shared>>
      tpu.enqueue_indirect_dma source(%arg9 : memref<80x128xf32, #tpu.memory_space<vmem>>) target(%dma_start3A_280 : memref<10000x128xf32, #tpu.memory_space<vmem_shared>>) offsets(%dma_start3A_277 : memref<80xi32, #tpu.memory_space<vmem>>) semaphore(%arg20 : memref<!tpu.dma_semaphore, #tpu.memory_space<semaphore_mem>>) {add = true}
      %mul3A_281 = arith.constant 2 : i32
      %mul3A_282 = arith.muli %mul3A_281, %add3A_194 : i32
      %add3A_283 = arith.constant 1 : i32
      %add3A_284 = arith.addi %mul3A_282, %add3A_283 : i32
      %dma_wait3A_285 = arith.constant 0 : i32
      %dma_wait3A_286 = arith.constant 0 : i32
      %dma_wait3A_287 = tpu.memref_slice %arg8[%dma_wait3A_285, %dma_wait3A_286] : memref<2x80xi32, #tpu.memory_space<vmem>> -> memref<1x80xi32, #tpu.memory_space<vmem>>
      %dma_wait3A_288 = tpu.memref_squeeze %dma_wait3A_287 : memref<1x80xi32, #tpu.memory_space<vmem>> -> memref<80xi32, #tpu.memory_space<vmem>>
      %dma_wait3A_289 = arith.constant 0 : i32
      %dma_wait3A_290 = arith.constant 0 : i32
      %dma_wait3A_291 = tpu.memref_slice %arg13[%dma_wait3A_289, %dma_wait3A_290] : memref<10000x128xf32, #tpu.memory_space<vmem_shared>> -> memref<10000x128xf32, #tpu.memory_space<vmem_shared>>
      tpu.wait_indirect_dma semaphore(%arg20 : memref<!tpu.dma_semaphore, #tpu.memory_space<semaphore_mem>>) src(%arg9 : memref<80x128xf32, #tpu.memory_space<vmem>>) dst(%dma_wait3A_291 : memref<10000x128xf32, #tpu.memory_space<vmem_shared>>)
      %lt3A_292 = arith.constant 124 : i32
      %lt3A_293 = arith.cmpi slt, %add3A_284, %lt3A_292 : i32
      %convert_element_type3A_294 = arith.extui %lt3A_293 : i1 to i32
      %cond3A_295 = arith.constant 0 : i32
      %cond3A_296 = arith.cmpi ne, %convert_element_type3A_294, %cond3A_295 : i32
      scf.if %cond3A_296 {
        %add3A_373 = arith.constant 1 : i32
        %add3A_374 = arith.addi %add3A_284, %add3A_373 : i32
        %mul3A_375 = arith.constant 80 : i32
        %mul3A_376 = arith.muli %add3A_374, %mul3A_375 : i32
        %add3A_377 = arith.addi %mul3A_2, %mul3A_376 : i32
        %dma_wait3A_378 = arith.constant 0 : i32
        %dma_wait3A_379 = tpu.memref_slice %arg3[%dma_wait3A_378, %add3A_377] : memref<2x320000xi32, #tpu.memory_space<hbm>> -> memref<2x80xi32, #tpu.memory_space<hbm>>
        %dma_wait3A_380 = arith.constant 0 : i32
        %dma_wait3A_381 = tpu.memref_slice %arg3[%dma_wait3A_380, %add3A_377] : memref<2x320000xi32, #tpu.memory_space<hbm>> -> memref<2x80xi32, #tpu.memory_space<hbm>>
        tpu.wait_dma2 semaphore(%arg14 : memref<!tpu.dma_semaphore, #tpu.memory_space<semaphore_mem>>) src(%dma_wait3A_381 : memref<2x80xi32, #tpu.memory_space<hbm>>) dst(%arg6 : memref<2x80xi32, #tpu.memory_space<vmem>>)
        %add3A_382 = arith.constant 1 : i32
        %add3A_383 = arith.addi %add3A_284, %add3A_382 : i32
        %dma_start3A_384 = arith.constant 0 : i32
        %dma_start3A_385 = arith.constant 0 : i32
        %dma_start3A_386 = tpu.memref_slice %arg6[%dma_start3A_384, %dma_start3A_385] : memref<2x80xi32, #tpu.memory_space<vmem>> -> memref<1x80xi32, #tpu.memory_space<vmem>>
        %dma_start3A_387 = tpu.memref_squeeze %dma_start3A_386 : memref<1x80xi32, #tpu.memory_space<vmem>> -> memref<80xi32, #tpu.memory_space<vmem>>
        %dma_start3A_388 = arith.constant 0 : i32
        %dma_start3A_389 = arith.constant 0 : i32
        %dma_start3A_390 = tpu.memref_slice %arg2[%dma_start3A_388, %dma_start3A_389] : memref<10000x128xf32, #tpu.memory_space<hbm>> -> memref<10000x128xf32, #tpu.memory_space<hbm>>
        tpu.enqueue_indirect_dma source(%dma_start3A_390 : memref<10000x128xf32, #tpu.memory_space<hbm>>) target(%arg9 : memref<80x128xf32, #tpu.memory_space<vmem>>) offsets(%dma_start3A_387 : memref<80xi32, #tpu.memory_space<vmem>>) semaphore(%arg16 : memref<!tpu.dma_semaphore, #tpu.memory_space<semaphore_mem>>)
        %mul3A_391 = arith.constant 80 : i32
        %mul3A_392 = arith.muli %add3A_383, %mul3A_391 : i32
        %add3A_393 = arith.addi %mul3A_2, %mul3A_392 : i32
        %dma_start3A_394 = arith.constant 0 : i32
        %dma_start3A_395 = tpu.memref_slice %arg4[%add3A_393, %dma_start3A_394] : memref<320000x128xf32, #tpu.memory_space<hbm>> -> memref<80x128xf32, #tpu.memory_space<hbm>>
        %dma_start3A_396 = arith.constant 0 : i32
        %dma_start3A_397 = tpu.memref_slice %arg4[%add3A_393, %dma_start3A_396] : memref<320000x128xf32, #tpu.memory_space<hbm>> -> memref<80x128xf32, #tpu.memory_space<hbm>>
        tpu.enqueue_dma source(%dma_start3A_397 : memref<80x128xf32, #tpu.memory_space<hbm>>) target(%arg11 : memref<80x128xf32, #tpu.memory_space<vmem>>) target_semaphore(%arg18 : memref<!tpu.dma_semaphore, #tpu.memory_space<semaphore_mem>>)
      } else {
      }
      %dma_wait3A_297 = arith.constant 0 : i32
      %dma_wait3A_298 = arith.constant 0 : i32
      %dma_wait3A_299 = tpu.memref_slice %arg7[%dma_wait3A_297, %dma_wait3A_298] : memref<2x80xi32, #tpu.memory_space<vmem>> -> memref<1x80xi32, #tpu.memory_space<vmem>>
      %dma_wait3A_300 = tpu.memref_squeeze %dma_wait3A_299 : memref<1x80xi32, #tpu.memory_space<vmem>> -> memref<80xi32, #tpu.memory_space<vmem>>
      %dma_wait3A_301 = arith.constant 0 : i32
      %dma_wait3A_302 = arith.constant 0 : i32
      %dma_wait3A_303 = tpu.memref_slice %arg2[%dma_wait3A_301, %dma_wait3A_302] : memref<10000x128xf32, #tpu.memory_space<hbm>> -> memref<10000x128xf32, #tpu.memory_space<hbm>>
      tpu.wait_indirect_dma semaphore(%arg17 : memref<!tpu.dma_semaphore, #tpu.memory_space<semaphore_mem>>) src(%dma_wait3A_303 : memref<10000x128xf32, #tpu.memory_space<hbm>>) dst(%arg10 : memref<80x128xf32, #tpu.memory_space<vmem>>)
      %mul3A_304 = arith.constant 80 : i32
      %mul3A_305 = arith.muli %add3A_284, %mul3A_304 : i32
      %add3A_306 = arith.addi %mul3A_2, %mul3A_305 : i32
      %dma_wait3A_307 = arith.constant 0 : i32
      %dma_wait3A_308 = tpu.memref_slice %arg4[%add3A_306, %dma_wait3A_307] : memref<320000x128xf32, #tpu.memory_space<hbm>> -> memref<80x128xf32, #tpu.memory_space<hbm>>
      %dma_wait3A_309 = arith.constant 0 : i32
      %dma_wait3A_310 = tpu.memref_slice %arg4[%add3A_306, %dma_wait3A_309] : memref<320000x128xf32, #tpu.memory_space<hbm>> -> memref<80x128xf32, #tpu.memory_space<hbm>>
      tpu.wait_dma2 semaphore(%arg19 : memref<!tpu.dma_semaphore, #tpu.memory_space<semaphore_mem>>) src(%dma_wait3A_310 : memref<80x128xf32, #tpu.memory_space<hbm>>) dst(%arg12 : memref<80x128xf32, #tpu.memory_space<vmem>>)
      %lt3A_311 = arith.constant 123 : i32
      %lt3A_312 = arith.cmpi slt, %add3A_284, %lt3A_311 : i32
      %convert_element_type3A_313 = arith.extui %lt3A_312 : i1 to i32
      %cond3A_314 = arith.constant 0 : i32
      %cond3A_315 = arith.cmpi ne, %convert_element_type3A_313, %cond3A_314 : i32
      scf.if %cond3A_315 {
        %add3A_373 = arith.constant 2 : i32
        %add3A_374 = arith.addi %add3A_284, %add3A_373 : i32
        %mul3A_375 = arith.constant 80 : i32
        %mul3A_376 = arith.muli %add3A_374, %mul3A_375 : i32
        %add3A_377 = arith.addi %mul3A_2, %mul3A_376 : i32
        %dma_start3A_378 = arith.constant 0 : i32
        %dma_start3A_379 = tpu.memref_slice %arg3[%dma_start3A_378, %add3A_377] : memref<2x320000xi32, #tpu.memory_space<hbm>> -> memref<2x80xi32, #tpu.memory_space<hbm>>
        %dma_start3A_380 = arith.constant 0 : i32
        %dma_start3A_381 = tpu.memref_slice %arg3[%dma_start3A_380, %add3A_377] : memref<2x320000xi32, #tpu.memory_space<hbm>> -> memref<2x80xi32, #tpu.memory_space<hbm>>
        tpu.enqueue_dma source(%dma_start3A_381 : memref<2x80xi32, #tpu.memory_space<hbm>>) target(%arg7 : memref<2x80xi32, #tpu.memory_space<vmem>>) target_semaphore(%arg15 : memref<!tpu.dma_semaphore, #tpu.memory_space<semaphore_mem>>)
      } else {
      }
      %get3A_316 = arith.constant 1 : index
      %get3A_317 = arith.constant 0 : index
      %get3A_318 = tpu.vector_load %arg7[%get3A_316, %get3A_317] {strides = array<i32>} : memref<2x80xi32, #tpu.memory_space<vmem>>, vector<1x16xi32>,
      %get3A_319 = vector.shape_cast %get3A_318 : vector<1x16xi32> to vector<1x16xi32>
      %swap3A_320 = arith.constant 1 : index
      %swap3A_321 = arith.constant 0 : index
      %swap3A_322 = tpu.vector_load %arg8[%swap3A_320, %swap3A_321] {strides = array<i32>} : memref<2x80xi32, #tpu.memory_space<vmem>>, vector<1x16xi32>,
      %swap3A_323 = vector.shape_cast %swap3A_322 : vector<1x16xi32> to vector<1x16xi32>
      %swap3A_324 = vector.shape_cast %get3A_319 : vector<1x16xi32> to vector<1x16xi32>
      tpu.vector_store %arg8[%swap3A_320, %swap3A_321], %swap3A_324 {strides = array<i32>} : memref<2x80xi32, #tpu.memory_space<vmem>>, vector<1x16xi32>,
      %get3A_325 = arith.constant 1 : index
      %get3A_326 = arith.constant 16 : index
      %get3A_327 = tpu.vector_load %arg7[%get3A_325, %get3A_326] {strides = array<i32>} : memref<2x80xi32, #tpu.memory_space<vmem>>, vector<1x16xi32>,
      %get3A_328 = vector.shape_cast %get3A_327 : vector<1x16xi32> to vector<1x16xi32>
      %swap3A_329 = arith.constant 1 : index
      %swap3A_330 = arith.constant 16 : index
      %swap3A_331 = tpu.vector_load %arg8[%swap3A_329, %swap3A_330] {strides = array<i32>} : memref<2x80xi32, #tpu.memory_space<vmem>>, vector<1x16xi32>,
      %swap3A_332 = vector.shape_cast %swap3A_331 : vector<1x16xi32> to vector<1x16xi32>
      %swap3A_333 = vector.shape_cast %get3A_328 : vector<1x16xi32> to vector<1x16xi32>
      tpu.vector_store %arg8[%swap3A_329, %swap3A_330], %swap3A_333 {strides = array<i32>} : memref<2x80xi32, #tpu.memory_space<vmem>>, vector<1x16xi32>,
      %get3A_334 = arith.constant 1 : index
      %get3A_335 = arith.constant 32 : index
      %get3A_336 = tpu.vector_load %arg7[%get3A_334, %get3A_335] {strides = array<i32>} : memref<2x80xi32, #tpu.memory_space<vmem>>, vector<1x16xi32>,
      %get3A_337 = vector.shape_cast %get3A_336 : vector<1x16xi32> to vector<1x16xi32>
      %swap3A_338 = arith.constant 1 : index
      %swap3A_339 = arith.constant 32 : index
      %swap3A_340 = tpu.vector_load %arg8[%swap3A_338, %swap3A_339] {strides = array<i32>} : memref<2x80xi32, #tpu.memory_space<vmem>>, vector<1x16xi32>,
      %swap3A_341 = vector.shape_cast %swap3A_340 : vector<1x16xi32> to vector<1x16xi32>
      %swap3A_342 = vector.shape_cast %get3A_337 : vector<1x16xi32> to vector<1x16xi32>
      tpu.vector_store %arg8[%swap3A_338, %swap3A_339], %swap3A_342 {strides = array<i32>} : memref<2x80xi32, #tpu.memory_space<vmem>>, vector<1x16xi32>,
      %get3A_343 = arith.constant 1 : index
      %get3A_344 = arith.constant 48 : index
      %get3A_345 = tpu.vector_load %arg7[%get3A_343, %get3A_344] {strides = array<i32>} : memref<2x80xi32, #tpu.memory_space<vmem>>, vector<1x16xi32>,
      %get3A_346 = vector.shape_cast %get3A_345 : vector<1x16xi32> to vector<1x16xi32>
      %swap3A_347 = arith.constant 1 : index
      %swap3A_348 = arith.constant 48 : index
      %swap3A_349 = tpu.vector_load %arg8[%swap3A_347, %swap3A_348] {strides = array<i32>} : memref<2x80xi32, #tpu.memory_space<vmem>>, vector<1x16xi32>,
      %swap3A_350 = vector.shape_cast %swap3A_349 : vector<1x16xi32> to vector<1x16xi32>
      %swap3A_351 = vector.shape_cast %get3A_346 : vector<1x16xi32> to vector<1x16xi32>
      tpu.vector_store %arg8[%swap3A_347, %swap3A_348], %swap3A_351 {strides = array<i32>} : memref<2x80xi32, #tpu.memory_space<vmem>>, vector<1x16xi32>,
      %get3A_352 = arith.constant 1 : index
      %get3A_353 = arith.constant 64 : index
      %get3A_354 = tpu.vector_load %arg7[%get3A_352, %get3A_353] {strides = array<i32>} : memref<2x80xi32, #tpu.memory_space<vmem>>, vector<1x16xi32>,
      %get3A_355 = vector.shape_cast %get3A_354 : vector<1x16xi32> to vector<1x16xi32>
      %swap3A_356 = arith.constant 1 : index
      %swap3A_357 = arith.constant 64 : index
      %swap3A_358 = tpu.vector_load %arg8[%swap3A_356, %swap3A_357] {strides = array<i32>} : memref<2x80xi32, #tpu.memory_space<vmem>>, vector<1x16xi32>,
      %swap3A_359 = vector.shape_cast %swap3A_358 : vector<1x16xi32> to vector<1x16xi32>
      %swap3A_360 = vector.shape_cast %get3A_355 : vector<1x16xi32> to vector<1x16xi32>
      tpu.vector_store %arg8[%swap3A_356, %swap3A_357], %swap3A_360 {strides = array<i32>} : memref<2x80xi32, #tpu.memory_space<vmem>>, vector<1x16xi32>,
      %scan3A_361 = arith.constant 0 : i32
      %scan3A_362 = arith.constant 80 : i32
      %scan3A_363 = arith.addi %scan3A_361, %scan3A_362 : i32
      %scan3A_364 = arith.constant 1 : i32
      scf.for %scan3A_373 = %scan3A_361 to %scan3A_363 step %scan3A_364  : i32 {
        %mul3A_374 = arith.constant 1 : i32
        %mul3A_375 = arith.muli %scan3A_373, %mul3A_374 : i32
        %add3A_376 = arith.constant 0 : i32
        %add3A_377 = arith.addi %add3A_376, %mul3A_375 : i32
        %get3A_378 = arith.index_cast %add3A_377 : i32 to index
        %get3A_379 = arith.constant 0 : index
        %get3A_380 = tpu.vector_load %arg10[%get3A_378, %get3A_379] {strides = array<i32>} : memref<80x128xf32, #tpu.memory_space<vmem>>, vector<1x16xf32>,
        %get3A_381 = vector.shape_cast %get3A_380 : vector<1x16xf32> to vector<1x16xf32>
        %get3A_382 = arith.index_cast %add3A_377 : i32 to index
        %get3A_383 = arith.constant 0 : index
        %get3A_384 = tpu.vector_load %arg12[%get3A_382, %get3A_383] {strides = array<i32>} : memref<80x128xf32, #tpu.memory_space<vmem>>, vector<1x16xf32>,
        %get3A_385 = vector.shape_cast %get3A_384 : vector<1x16xf32> to vector<1x16xf32>
        %add3A_386 = arith.addf %get3A_381, %get3A_385 : vector<1x16xf32>
        %max3A = arith.constant 0.000000e+00 : f32
        %max3A_387 = vector.broadcast %max3A : f32 to vector<1x16xf32>
        %max3A_388 = arith.maximumf %add3A_386, %max3A_387 : vector<1x16xf32>
        %swap3A_389 = arith.index_cast %add3A_377 : i32 to index
        %swap3A_390 = arith.constant 0 : index
        %swap3A_391 = tpu.vector_load %arg10[%swap3A_389, %swap3A_390] {strides = array<i32>} : memref<80x128xf32, #tpu.memory_space<vmem>>, vector<1x16xf32>,
        %swap3A_392 = vector.shape_cast %swap3A_391 : vector<1x16xf32> to vector<1x16xf32>
        %swap3A_393 = vector.shape_cast %max3A_388 : vector<1x16xf32> to vector<1x16xf32>
        tpu.vector_store %arg10[%swap3A_389, %swap3A_390], %swap3A_393 {strides = array<i32>} : memref<80x128xf32, #tpu.memory_space<vmem>>, vector<1x16xf32>,
        %get3A_394 = arith.index_cast %add3A_377 : i32 to index
        %get3A_395 = arith.constant 16 : index
        %get3A_396 = tpu.vector_load %arg10[%get3A_394, %get3A_395] {strides = array<i32>} : memref<80x128xf32, #tpu.memory_space<vmem>>, vector<1x16xf32>,
        %get3A_397 = vector.shape_cast %get3A_396 : vector<1x16xf32> to vector<1x16xf32>
        %get3A_398 = arith.index_cast %add3A_377 : i32 to index
        %get3A_399 = arith.constant 16 : index
        %get3A_400 = tpu.vector_load %arg12[%get3A_398, %get3A_399] {strides = array<i32>} : memref<80x128xf32, #tpu.memory_space<vmem>>, vector<1x16xf32>,
        %get3A_401 = vector.shape_cast %get3A_400 : vector<1x16xf32> to vector<1x16xf32>
        %add3A_402 = arith.addf %get3A_397, %get3A_401 : vector<1x16xf32>
        %max3A_403 = arith.constant 0.000000e+00 : f32
        %max3A_404 = vector.broadcast %max3A_403 : f32 to vector<1x16xf32>
        %max3A_405 = arith.maximumf %add3A_402, %max3A_404 : vector<1x16xf32>
        %swap3A_406 = arith.index_cast %add3A_377 : i32 to index
        %swap3A_407 = arith.constant 16 : index
        %swap3A_408 = tpu.vector_load %arg10[%swap3A_406, %swap3A_407] {strides = array<i32>} : memref<80x128xf32, #tpu.memory_space<vmem>>, vector<1x16xf32>,
        %swap3A_409 = vector.shape_cast %swap3A_408 : vector<1x16xf32> to vector<1x16xf32>
        %swap3A_410 = vector.shape_cast %max3A_405 : vector<1x16xf32> to vector<1x16xf32>
        tpu.vector_store %arg10[%swap3A_406, %swap3A_407], %swap3A_410 {strides = array<i32>} : memref<80x128xf32, #tpu.memory_space<vmem>>, vector<1x16xf32>,
        %get3A_411 = arith.index_cast %add3A_377 : i32 to index
        %get3A_412 = arith.constant 32 : index
        %get3A_413 = tpu.vector_load %arg10[%get3A_411, %get3A_412] {strides = array<i32>} : memref<80x128xf32, #tpu.memory_space<vmem>>, vector<1x16xf32>,
        %get3A_414 = vector.shape_cast %get3A_413 : vector<1x16xf32> to vector<1x16xf32>
        %get3A_415 = arith.index_cast %add3A_377 : i32 to index
        %get3A_416 = arith.constant 32 : index
        %get3A_417 = tpu.vector_load %arg12[%get3A_415, %get3A_416] {strides = array<i32>} : memref<80x128xf32, #tpu.memory_space<vmem>>, vector<1x16xf32>,
        %get3A_418 = vector.shape_cast %get3A_417 : vector<1x16xf32> to vector<1x16xf32>
        %add3A_419 = arith.addf %get3A_414, %get3A_418 : vector<1x16xf32>
        %max3A_420 = arith.constant 0.000000e+00 : f32
        %max3A_421 = vector.broadcast %max3A_420 : f32 to vector<1x16xf32>
        %max3A_422 = arith.maximumf %add3A_419, %max3A_421 : vector<1x16xf32>
        %swap3A_423 = arith.index_cast %add3A_377 : i32 to index
        %swap3A_424 = arith.constant 32 : index
        %swap3A_425 = tpu.vector_load %arg10[%swap3A_423, %swap3A_424] {strides = array<i32>} : memref<80x128xf32, #tpu.memory_space<vmem>>, vector<1x16xf32>,
        %swap3A_426 = vector.shape_cast %swap3A_425 : vector<1x16xf32> to vector<1x16xf32>
        %swap3A_427 = vector.shape_cast %max3A_422 : vector<1x16xf32> to vector<1x16xf32>
        tpu.vector_store %arg10[%swap3A_423, %swap3A_424], %swap3A_427 {strides = array<i32>} : memref<80x128xf32, #tpu.memory_space<vmem>>, vector<1x16xf32>,
        %get3A_428 = arith.index_cast %add3A_377 : i32 to index
        %get3A_429 = arith.constant 48 : index
        %get3A_430 = tpu.vector_load %arg10[%get3A_428, %get3A_429] {strides = array<i32>} : memref<80x128xf32, #tpu.memory_space<vmem>>, vector<1x16xf32>,
        %get3A_431 = vector.shape_cast %get3A_430 : vector<1x16xf32> to vector<1x16xf32>
        %get3A_432 = arith.index_cast %add3A_377 : i32 to index
        %get3A_433 = arith.constant 48 : index
        %get3A_434 = tpu.vector_load %arg12[%get3A_432, %get3A_433] {strides = array<i32>} : memref<80x128xf32, #tpu.memory_space<vmem>>, vector<1x16xf32>,
        %get3A_435 = vector.shape_cast %get3A_434 : vector<1x16xf32> to vector<1x16xf32>
        %add3A_436 = arith.addf %get3A_431, %get3A_435 : vector<1x16xf32>
        %max3A_437 = arith.constant 0.000000e+00 : f32
        %max3A_438 = vector.broadcast %max3A_437 : f32 to vector<1x16xf32>
        %max3A_439 = arith.maximumf %add3A_436, %max3A_438 : vector<1x16xf32>
        %swap3A_440 = arith.index_cast %add3A_377 : i32 to index
        %swap3A_441 = arith.constant 48 : index
        %swap3A_442 = tpu.vector_load %arg10[%swap3A_440, %swap3A_441] {strides = array<i32>} : memref<80x128xf32, #tpu.memory_space<vmem>>, vector<1x16xf32>,
        %swap3A_443 = vector.shape_cast %swap3A_442 : vector<1x16xf32> to vector<1x16xf32>
        %swap3A_444 = vector.shape_cast %max3A_439 : vector<1x16xf32> to vector<1x16xf32>
        tpu.vector_store %arg10[%swap3A_440, %swap3A_441], %swap3A_444 {strides = array<i32>} : memref<80x128xf32, #tpu.memory_space<vmem>>, vector<1x16xf32>,
        %get3A_445 = arith.index_cast %add3A_377 : i32 to index
        %get3A_446 = arith.constant 64 : index
        %get3A_447 = tpu.vector_load %arg10[%get3A_445, %get3A_446] {strides = array<i32>} : memref<80x128xf32, #tpu.memory_space<vmem>>, vector<1x16xf32>,
        %get3A_448 = vector.shape_cast %get3A_447 : vector<1x16xf32> to vector<1x16xf32>
        %get3A_449 = arith.index_cast %add3A_377 : i32 to index
        %get3A_450 = arith.constant 64 : index
        %get3A_451 = tpu.vector_load %arg12[%get3A_449, %get3A_450] {strides = array<i32>} : memref<80x128xf32, #tpu.memory_space<vmem>>, vector<1x16xf32>,
        %get3A_452 = vector.shape_cast %get3A_451 : vector<1x16xf32> to vector<1x16xf32>
        %add3A_453 = arith.addf %get3A_448, %get3A_452 : vector<1x16xf32>
        %max3A_454 = arith.constant 0.000000e+00 : f32
        %max3A_455 = vector.broadcast %max3A_454 : f32 to vector<1x16xf32>
        %max3A_456 = arith.maximumf %add3A_453, %max3A_455 : vector<1x16xf32>
        %swap3A_457 = arith.index_cast %add3A_377 : i32 to index
        %swap3A_458 = arith.constant 64 : index
        %swap3A_459 = tpu.vector_load %arg10[%swap3A_457, %swap3A_458] {strides = array<i32>} : memref<80x128xf32, #tpu.memory_space<vmem>>, vector<1x16xf32>,
        %swap3A_460 = vector.shape_cast %swap3A_459 : vector<1x16xf32> to vector<1x16xf32>
        %swap3A_461 = vector.shape_cast %max3A_456 : vector<1x16xf32> to vector<1x16xf32>
        tpu.vector_store %arg10[%swap3A_457, %swap3A_458], %swap3A_461 {strides = array<i32>} : memref<80x128xf32, #tpu.memory_space<vmem>>, vector<1x16xf32>,
        %get3A_462 = arith.index_cast %add3A_377 : i32 to index
        %get3A_463 = arith.constant 80 : index
        %get3A_464 = tpu.vector_load %arg10[%get3A_462, %get3A_463] {strides = array<i32>} : memref<80x128xf32, #tpu.memory_space<vmem>>, vector<1x16xf32>,
        %get3A_465 = vector.shape_cast %get3A_464 : vector<1x16xf32> to vector<1x16xf32>
        %get3A_466 = arith.index_cast %add3A_377 : i32 to index
        %get3A_467 = arith.constant 80 : index
        %get3A_468 = tpu.vector_load %arg12[%get3A_466, %get3A_467] {strides = array<i32>} : memref<80x128xf32, #tpu.memory_space<vmem>>, vector<1x16xf32>,
        %get3A_469 = vector.shape_cast %get3A_468 : vector<1x16xf32> to vector<1x16xf32>
        %add3A_470 = arith.addf %get3A_465, %get3A_469 : vector<1x16xf32>
        %max3A_471 = arith.constant 0.000000e+00 : f32
        %max3A_472 = vector.broadcast %max3A_471 : f32 to vector<1x16xf32>
        %max3A_473 = arith.maximumf %add3A_470, %max3A_472 : vector<1x16xf32>
        %swap3A_474 = arith.index_cast %add3A_377 : i32 to index
        %swap3A_475 = arith.constant 80 : index
        %swap3A_476 = tpu.vector_load %arg10[%swap3A_474, %swap3A_475] {strides = array<i32>} : memref<80x128xf32, #tpu.memory_space<vmem>>, vector<1x16xf32>,
        %swap3A_477 = vector.shape_cast %swap3A_476 : vector<1x16xf32> to vector<1x16xf32>
        %swap3A_478 = vector.shape_cast %max3A_473 : vector<1x16xf32> to vector<1x16xf32>
        tpu.vector_store %arg10[%swap3A_474, %swap3A_475], %swap3A_478 {strides = array<i32>} : memref<80x128xf32, #tpu.memory_space<vmem>>, vector<1x16xf32>,
        %get3A_479 = arith.index_cast %add3A_377 : i32 to index
        %get3A_480 = arith.constant 96 : index
        %get3A_481 = tpu.vector_load %arg10[%get3A_479, %get3A_480] {strides = array<i32>} : memref<80x128xf32, #tpu.memory_space<vmem>>, vector<1x16xf32>,
        %get3A_482 = vector.shape_cast %get3A_481 : vector<1x16xf32> to vector<1x16xf32>
        %get3A_483 = arith.index_cast %add3A_377 : i32 to index
        %get3A_484 = arith.constant 96 : index
        %get3A_485 = tpu.vector_load %arg12[%get3A_483, %get3A_484] {strides = array<i32>} : memref<80x128xf32, #tpu.memory_space<vmem>>, vector<1x16xf32>,
        %get3A_486 = vector.shape_cast %get3A_485 : vector<1x16xf32> to vector<1x16xf32>
        %add3A_487 = arith.addf %get3A_482, %get3A_486 : vector<1x16xf32>
        %max3A_488 = arith.constant 0.000000e+00 : f32
        %max3A_489 = vector.broadcast %max3A_488 : f32 to vector<1x16xf32>
        %max3A_490 = arith.maximumf %add3A_487, %max3A_489 : vector<1x16xf32>
        %swap3A_491 = arith.index_cast %add3A_377 : i32 to index
        %swap3A_492 = arith.constant 96 : index
        %swap3A_493 = tpu.vector_load %arg10[%swap3A_491, %swap3A_492] {strides = array<i32>} : memref<80x128xf32, #tpu.memory_space<vmem>>, vector<1x16xf32>,
        %swap3A_494 = vector.shape_cast %swap3A_493 : vector<1x16xf32> to vector<1x16xf32>
        %swap3A_495 = vector.shape_cast %max3A_490 : vector<1x16xf32> to vector<1x16xf32>
        tpu.vector_store %arg10[%swap3A_491, %swap3A_492], %swap3A_495 {strides = array<i32>} : memref<80x128xf32, #tpu.memory_space<vmem>>, vector<1x16xf32>,
        %get3A_496 = arith.index_cast %add3A_377 : i32 to index
        %get3A_497 = arith.constant 112 : index
        %get3A_498 = tpu.vector_load %arg10[%get3A_496, %get3A_497] {strides = array<i32>} : memref<80x128xf32, #tpu.memory_space<vmem>>, vector<1x16xf32>,
        %get3A_499 = vector.shape_cast %get3A_498 : vector<1x16xf32> to vector<1x16xf32>
        %get3A_500 = arith.index_cast %add3A_377 : i32 to index
        %get3A_501 = arith.constant 112 : index
        %get3A_502 = tpu.vector_load %arg12[%get3A_500, %get3A_501] {strides = array<i32>} : memref<80x128xf32, #tpu.memory_space<vmem>>, vector<1x16xf32>,
        %get3A_503 = vector.shape_cast %get3A_502 : vector<1x16xf32> to vector<1x16xf32>
        %add3A_504 = arith.addf %get3A_499, %get3A_503 : vector<1x16xf32>
        %max3A_505 = arith.constant 0.000000e+00 : f32
        %max3A_506 = vector.broadcast %max3A_505 : f32 to vector<1x16xf32>
        %max3A_507 = arith.maximumf %add3A_504, %max3A_506 : vector<1x16xf32>
        %swap3A_508 = arith.index_cast %add3A_377 : i32 to index
        %swap3A_509 = arith.constant 112 : index
        %swap3A_510 = tpu.vector_load %arg10[%swap3A_508, %swap3A_509] {strides = array<i32>} : memref<80x128xf32, #tpu.memory_space<vmem>>, vector<1x16xf32>,
        %swap3A_511 = vector.shape_cast %swap3A_510 : vector<1x16xf32> to vector<1x16xf32>
        %swap3A_512 = vector.shape_cast %max3A_507 : vector<1x16xf32> to vector<1x16xf32>
        tpu.vector_store %arg10[%swap3A_508, %swap3A_509], %swap3A_512 {strides = array<i32>} : memref<80x128xf32, #tpu.memory_space<vmem>>, vector<1x16xf32>,
      }
      %scan3A_365 = arith.constant 80 : i32
      %dma_start3A_366 = arith.constant 1 : i32
      %dma_start3A_367 = arith.constant 0 : i32
      %dma_start3A_368 = tpu.memref_slice %arg8[%dma_start3A_366, %dma_start3A_367] : memref<2x80xi32, #tpu.memory_space<vmem>> -> memref<1x80xi32, #tpu.memory_space<vmem>>
      %dma_start3A_369 = tpu.memref_squeeze %dma_start3A_368 : memref<1x80xi32, #tpu.memory_space<vmem>> -> memref<80xi32, #tpu.memory_space<vmem>>
      %dma_start3A_370 = arith.constant 0 : i32
      %dma_start3A_371 = arith.constant 0 : i32
      %dma_start3A_372 = tpu.memref_slice %arg13[%dma_start3A_370, %dma_start3A_371] : memref<10000x128xf32, #tpu.memory_space<vmem_shared>> -> memref<10000x128xf32, #tpu.memory_space<vmem_shared>>
      tpu.enqueue_indirect_dma source(%arg10 : memref<80x128xf32, #tpu.memory_space<vmem>>) target(%dma_start3A_372 : memref<10000x128xf32, #tpu.memory_space<vmem_shared>>) offsets(%dma_start3A_369 : memref<80xi32, #tpu.memory_space<vmem>>) semaphore(%arg21 : memref<!tpu.dma_semaphore, #tpu.memory_space<semaphore_mem>>) {add = true}
    }
    %scan3A_72 = arith.constant 62 : i32
    %dma_wait3A_73 = arith.constant 0 : i32
    %dma_wait3A_74 = arith.constant 0 : i32
    %dma_wait3A_75 = tpu.memref_slice %arg6[%dma_wait3A_73, %dma_wait3A_74] : memref<2x80xi32, #tpu.memory_space<vmem>> -> memref<1x80xi32, #tpu.memory_space<vmem>>
    %dma_wait3A_76 = tpu.memref_squeeze %dma_wait3A_75 : memref<1x80xi32, #tpu.memory_space<vmem>> -> memref<80xi32, #tpu.memory_space<vmem>>
    %dma_wait3A_77 = arith.constant 0 : i32
    %dma_wait3A_78 = arith.constant 0 : i32
    %dma_wait3A_79 = tpu.memref_slice %arg2[%dma_wait3A_77, %dma_wait3A_78] : memref<10000x128xf32, #tpu.memory_space<hbm>> -> memref<10000x128xf32, #tpu.memory_space<hbm>>
    tpu.wait_indirect_dma semaphore(%arg16 : memref<!tpu.dma_semaphore, #tpu.memory_space<semaphore_mem>>) src(%dma_wait3A_79 : memref<10000x128xf32, #tpu.memory_space<hbm>>) dst(%arg9 : memref<80x128xf32, #tpu.memory_space<vmem>>)
    %add3A_80 = arith.constant 9920 : i32
    %add3A_81 = arith.addi %mul3A_2, %add3A_80 : i32
    %dma_wait3A_82 = arith.constant 0 : i32
    %dma_wait3A_83 = tpu.memref_slice %arg4[%add3A_81, %dma_wait3A_82] : memref<320000x128xf32, #tpu.memory_space<hbm>> -> memref<80x128xf32, #tpu.memory_space<hbm>>
    %dma_wait3A_84 = arith.constant 0 : i32
    %dma_wait3A_85 = tpu.memref_slice %arg4[%add3A_81, %dma_wait3A_84] : memref<320000x128xf32, #tpu.memory_space<hbm>> -> memref<80x128xf32, #tpu.memory_space<hbm>>
    tpu.wait_dma2 semaphore(%arg18 : memref<!tpu.dma_semaphore, #tpu.memory_space<semaphore_mem>>) src(%dma_wait3A_85 : memref<80x128xf32, #tpu.memory_space<hbm>>) dst(%arg11 : memref<80x128xf32, #tpu.memory_space<vmem>>)
    %get3A = arith.constant 1 : index
    %get3A_86 = arith.constant 0 : index
    %get3A_87 = tpu.vector_load %arg6[%get3A, %get3A_86] {strides = array<i32>} : memref<2x80xi32, #tpu.memory_space<vmem>>, vector<1x16xi32>,
    %get3A_88 = vector.shape_cast %get3A_87 : vector<1x16xi32> to vector<1x16xi32>
    %swap3A = arith.constant 0 : index
    %swap3A_89 = arith.constant 0 : index
    %swap3A_90 = tpu.vector_load %arg8[%swap3A, %swap3A_89] {strides = array<i32>} : memref<2x80xi32, #tpu.memory_space<vmem>>, vector<1x16xi32>,
    %swap3A_91 = vector.shape_cast %swap3A_90 : vector<1x16xi32> to vector<1x16xi32>
    %swap3A_92 = vector.shape_cast %get3A_88 : vector<1x16xi32> to vector<1x16xi32>
    tpu.vector_store %arg8[%swap3A, %swap3A_89], %swap3A_92 {strides = array<i32>} : memref<2x80xi32, #tpu.memory_space<vmem>>, vector<1x16xi32>,
    %get3A_93 = arith.constant 1 : index
    %get3A_94 = arith.constant 16 : index
    %get3A_95 = tpu.vector_load %arg6[%get3A_93, %get3A_94] {strides = array<i32>} : memref<2x80xi32, #tpu.memory_space<vmem>>, vector<1x16xi32>,
    %get3A_96 = vector.shape_cast %get3A_95 : vector<1x16xi32> to vector<1x16xi32>
    %swap3A_97 = arith.constant 0 : index
    %swap3A_98 = arith.constant 16 : index
    %swap3A_99 = tpu.vector_load %arg8[%swap3A_97, %swap3A_98] {strides = array<i32>} : memref<2x80xi32, #tpu.memory_space<vmem>>, vector<1x16xi32>,
    %swap3A_100 = vector.shape_cast %swap3A_99 : vector<1x16xi32> to vector<1x16xi32>
    %swap3A_101 = vector.shape_cast %get3A_96 : vector<1x16xi32> to vector<1x16xi32>
    tpu.vector_store %arg8[%swap3A_97, %swap3A_98], %swap3A_101 {strides = array<i32>} : memref<2x80xi32, #tpu.memory_space<vmem>>, vector<1x16xi32>,
    %get3A_102 = arith.constant 1 : index
    %get3A_103 = arith.constant 32 : index
    %get3A_104 = tpu.vector_load %arg6[%get3A_102, %get3A_103] {strides = array<i32>} : memref<2x80xi32, #tpu.memory_space<vmem>>, vector<1x16xi32>,
    %get3A_105 = vector.shape_cast %get3A_104 : vector<1x16xi32> to vector<1x16xi32>
    %swap3A_106 = arith.constant 0 : index
    %swap3A_107 = arith.constant 32 : index
    %swap3A_108 = tpu.vector_load %arg8[%swap3A_106, %swap3A_107] {strides = array<i32>} : memref<2x80xi32, #tpu.memory_space<vmem>>, vector<1x16xi32>,
    %swap3A_109 = vector.shape_cast %swap3A_108 : vector<1x16xi32> to vector<1x16xi32>
    %swap3A_110 = vector.shape_cast %get3A_105 : vector<1x16xi32> to vector<1x16xi32>
    tpu.vector_store %arg8[%swap3A_106, %swap3A_107], %swap3A_110 {strides = array<i32>} : memref<2x80xi32, #tpu.memory_space<vmem>>, vector<1x16xi32>,
    %get3A_111 = arith.constant 1 : index
    %get3A_112 = arith.constant 48 : index
    %get3A_113 = tpu.vector_load %arg6[%get3A_111, %get3A_112] {strides = array<i32>} : memref<2x80xi32, #tpu.memory_space<vmem>>, vector<1x16xi32>,
    %get3A_114 = vector.shape_cast %get3A_113 : vector<1x16xi32> to vector<1x16xi32>
    %swap3A_115 = arith.constant 0 : index
    %swap3A_116 = arith.constant 48 : index
    %swap3A_117 = tpu.vector_load %arg8[%swap3A_115, %swap3A_116] {strides = array<i32>} : memref<2x80xi32, #tpu.memory_space<vmem>>, vector<1x16xi32>,
    %swap3A_118 = vector.shape_cast %swap3A_117 : vector<1x16xi32> to vector<1x16xi32>
    %swap3A_119 = vector.shape_cast %get3A_114 : vector<1x16xi32> to vector<1x16xi32>
    tpu.vector_store %arg8[%swap3A_115, %swap3A_116], %swap3A_119 {strides = array<i32>} : memref<2x80xi32, #tpu.memory_space<vmem>>, vector<1x16xi32>,
    %get3A_120 = arith.constant 1 : index
    %get3A_121 = arith.constant 64 : index
    %get3A_122 = tpu.vector_load %arg6[%get3A_120, %get3A_121] {strides = array<i32>} : memref<2x80xi32, #tpu.memory_space<vmem>>, vector<1x16xi32>,
    %get3A_123 = vector.shape_cast %get3A_122 : vector<1x16xi32> to vector<1x16xi32>
    %swap3A_124 = arith.constant 0 : index
    %swap3A_125 = arith.constant 64 : index
    %swap3A_126 = tpu.vector_load %arg8[%swap3A_124, %swap3A_125] {strides = array<i32>} : memref<2x80xi32, #tpu.memory_space<vmem>>, vector<1x16xi32>,
    %swap3A_127 = vector.shape_cast %swap3A_126 : vector<1x16xi32> to vector<1x16xi32>
    %swap3A_128 = vector.shape_cast %get3A_123 : vector<1x16xi32> to vector<1x16xi32>
    tpu.vector_store %arg8[%swap3A_124, %swap3A_125], %swap3A_128 {strides = array<i32>} : memref<2x80xi32, #tpu.memory_space<vmem>>, vector<1x16xi32>,
    %scan3A_129 = arith.constant 0 : i32
    %scan3A_130 = arith.constant 80 : i32
    %scan3A_131 = arith.addi %scan3A_129, %scan3A_130 : i32
    %scan3A_132 = arith.constant 1 : i32
    scf.for %scan3A_190 = %scan3A_129 to %scan3A_131 step %scan3A_132  : i32 {
      %mul3A_191 = arith.constant 1 : i32
      %mul3A_192 = arith.muli %scan3A_190, %mul3A_191 : i32
      %add3A_193 = arith.constant 0 : i32
      %add3A_194 = arith.addi %add3A_193, %mul3A_192 : i32
      %get3A_195 = arith.index_cast %add3A_194 : i32 to index
      %get3A_196 = arith.constant 0 : index
      %get3A_197 = tpu.vector_load %arg9[%get3A_195, %get3A_196] {strides = array<i32>} : memref<80x128xf32, #tpu.memory_space<vmem>>, vector<1x16xf32>,
      %get3A_198 = vector.shape_cast %get3A_197 : vector<1x16xf32> to vector<1x16xf32>
      %get3A_199 = arith.index_cast %add3A_194 : i32 to index
      %get3A_200 = arith.constant 0 : index
      %get3A_201 = tpu.vector_load %arg11[%get3A_199, %get3A_200] {strides = array<i32>} : memref<80x128xf32, #tpu.memory_space<vmem>>, vector<1x16xf32>,
      %get3A_202 = vector.shape_cast %get3A_201 : vector<1x16xf32> to vector<1x16xf32>
      %add3A_203 = arith.addf %get3A_198, %get3A_202 : vector<1x16xf32>
      %max3A = arith.constant 0.000000e+00 : f32
      %max3A_204 = vector.broadcast %max3A : f32 to vector<1x16xf32>
      %max3A_205 = arith.maximumf %add3A_203, %max3A_204 : vector<1x16xf32>
      %swap3A_206 = arith.index_cast %add3A_194 : i32 to index
      %swap3A_207 = arith.constant 0 : index
      %swap3A_208 = tpu.vector_load %arg9[%swap3A_206, %swap3A_207] {strides = array<i32>} : memref<80x128xf32, #tpu.memory_space<vmem>>, vector<1x16xf32>,
      %swap3A_209 = vector.shape_cast %swap3A_208 : vector<1x16xf32> to vector<1x16xf32>
      %swap3A_210 = vector.shape_cast %max3A_205 : vector<1x16xf32> to vector<1x16xf32>
      tpu.vector_store %arg9[%swap3A_206, %swap3A_207], %swap3A_210 {strides = array<i32>} : memref<80x128xf32, #tpu.memory_space<vmem>>, vector<1x16xf32>,
      %get3A_211 = arith.index_cast %add3A_194 : i32 to index
      %get3A_212 = arith.constant 16 : index
      %get3A_213 = tpu.vector_load %arg9[%get3A_211, %get3A_212] {strides = array<i32>} : memref<80x128xf32, #tpu.memory_space<vmem>>, vector<1x16xf32>,
      %get3A_214 = vector.shape_cast %get3A_213 : vector<1x16xf32> to vector<1x16xf32>
      %get3A_215 = arith.index_cast %add3A_194 : i32 to index
      %get3A_216 = arith.constant 16 : index
      %get3A_217 = tpu.vector_load %arg11[%get3A_215, %get3A_216] {strides = array<i32>} : memref<80x128xf32, #tpu.memory_space<vmem>>, vector<1x16xf32>,
      %get3A_218 = vector.shape_cast %get3A_217 : vector<1x16xf32> to vector<1x16xf32>
      %add3A_219 = arith.addf %get3A_214, %get3A_218 : vector<1x16xf32>
      %max3A_220 = arith.constant 0.000000e+00 : f32
      %max3A_221 = vector.broadcast %max3A_220 : f32 to vector<1x16xf32>
      %max3A_222 = arith.maximumf %add3A_219, %max3A_221 : vector<1x16xf32>
      %swap3A_223 = arith.index_cast %add3A_194 : i32 to index
      %swap3A_224 = arith.constant 16 : index
      %swap3A_225 = tpu.vector_load %arg9[%swap3A_223, %swap3A_224] {strides = array<i32>} : memref<80x128xf32, #tpu.memory_space<vmem>>, vector<1x16xf32>,
      %swap3A_226 = vector.shape_cast %swap3A_225 : vector<1x16xf32> to vector<1x16xf32>
      %swap3A_227 = vector.shape_cast %max3A_222 : vector<1x16xf32> to vector<1x16xf32>
      tpu.vector_store %arg9[%swap3A_223, %swap3A_224], %swap3A_227 {strides = array<i32>} : memref<80x128xf32, #tpu.memory_space<vmem>>, vector<1x16xf32>,
      %get3A_228 = arith.index_cast %add3A_194 : i32 to index
      %get3A_229 = arith.constant 32 : index
      %get3A_230 = tpu.vector_load %arg9[%get3A_228, %get3A_229] {strides = array<i32>} : memref<80x128xf32, #tpu.memory_space<vmem>>, vector<1x16xf32>,
      %get3A_231 = vector.shape_cast %get3A_230 : vector<1x16xf32> to vector<1x16xf32>
      %get3A_232 = arith.index_cast %add3A_194 : i32 to index
      %get3A_233 = arith.constant 32 : index
      %get3A_234 = tpu.vector_load %arg11[%get3A_232, %get3A_233] {strides = array<i32>} : memref<80x128xf32, #tpu.memory_space<vmem>>, vector<1x16xf32>,
      %get3A_235 = vector.shape_cast %get3A_234 : vector<1x16xf32> to vector<1x16xf32>
      %add3A_236 = arith.addf %get3A_231, %get3A_235 : vector<1x16xf32>
      %max3A_237 = arith.constant 0.000000e+00 : f32
      %max3A_238 = vector.broadcast %max3A_237 : f32 to vector<1x16xf32>
      %max3A_239 = arith.maximumf %add3A_236, %max3A_238 : vector<1x16xf32>
      %swap3A_240 = arith.index_cast %add3A_194 : i32 to index
      %swap3A_241 = arith.constant 32 : index
      %swap3A_242 = tpu.vector_load %arg9[%swap3A_240, %swap3A_241] {strides = array<i32>} : memref<80x128xf32, #tpu.memory_space<vmem>>, vector<1x16xf32>,
      %swap3A_243 = vector.shape_cast %swap3A_242 : vector<1x16xf32> to vector<1x16xf32>
      %swap3A_244 = vector.shape_cast %max3A_239 : vector<1x16xf32> to vector<1x16xf32>
      tpu.vector_store %arg9[%swap3A_240, %swap3A_241], %swap3A_244 {strides = array<i32>} : memref<80x128xf32, #tpu.memory_space<vmem>>, vector<1x16xf32>,
      %get3A_245 = arith.index_cast %add3A_194 : i32 to index
      %get3A_246 = arith.constant 48 : index
      %get3A_247 = tpu.vector_load %arg9[%get3A_245, %get3A_246] {strides = array<i32>} : memref<80x128xf32, #tpu.memory_space<vmem>>, vector<1x16xf32>,
      %get3A_248 = vector.shape_cast %get3A_247 : vector<1x16xf32> to vector<1x16xf32>
      %get3A_249 = arith.index_cast %add3A_194 : i32 to index
      %get3A_250 = arith.constant 48 : index
      %get3A_251 = tpu.vector_load %arg11[%get3A_249, %get3A_250] {strides = array<i32>} : memref<80x128xf32, #tpu.memory_space<vmem>>, vector<1x16xf32>,
      %get3A_252 = vector.shape_cast %get3A_251 : vector<1x16xf32> to vector<1x16xf32>
      %add3A_253 = arith.addf %get3A_248, %get3A_252 : vector<1x16xf32>
      %max3A_254 = arith.constant 0.000000e+00 : f32
      %max3A_255 = vector.broadcast %max3A_254 : f32 to vector<1x16xf32>
      %max3A_256 = arith.maximumf %add3A_253, %max3A_255 : vector<1x16xf32>
      %swap3A_257 = arith.index_cast %add3A_194 : i32 to index
      %swap3A_258 = arith.constant 48 : index
      %swap3A_259 = tpu.vector_load %arg9[%swap3A_257, %swap3A_258] {strides = array<i32>} : memref<80x128xf32, #tpu.memory_space<vmem>>, vector<1x16xf32>,
      %swap3A_260 = vector.shape_cast %swap3A_259 : vector<1x16xf32> to vector<1x16xf32>
      %swap3A_261 = vector.shape_cast %max3A_256 : vector<1x16xf32> to vector<1x16xf32>
      tpu.vector_store %arg9[%swap3A_257, %swap3A_258], %swap3A_261 {strides = array<i32>} : memref<80x128xf32, #tpu.memory_space<vmem>>, vector<1x16xf32>,
      %get3A_262 = arith.index_cast %add3A_194 : i32 to index
      %get3A_263 = arith.constant 64 : index
      %get3A_264 = tpu.vector_load %arg9[%get3A_262, %get3A_263] {strides = array<i32>} : memref<80x128xf32, #tpu.memory_space<vmem>>, vector<1x16xf32>,
      %get3A_265 = vector.shape_cast %get3A_264 : vector<1x16xf32> to vector<1x16xf32>
      %get3A_266 = arith.index_cast %add3A_194 : i32 to index
      %get3A_267 = arith.constant 64 : index
      %get3A_268 = tpu.vector_load %arg11[%get3A_266, %get3A_267] {strides = array<i32>} : memref<80x128xf32, #tpu.memory_space<vmem>>, vector<1x16xf32>,
      %get3A_269 = vector.shape_cast %get3A_268 : vector<1x16xf32> to vector<1x16xf32>
      %add3A_270 = arith.addf %get3A_265, %get3A_269 : vector<1x16xf32>
      %max3A_271 = arith.constant 0.000000e+00 : f32
      %max3A_272 = vector.broadcast %max3A_271 : f32 to vector<1x16xf32>
      %max3A_273 = arith.maximumf %add3A_270, %max3A_272 : vector<1x16xf32>
      %swap3A_274 = arith.index_cast %add3A_194 : i32 to index
      %swap3A_275 = arith.constant 64 : index
      %swap3A_276 = tpu.vector_load %arg9[%swap3A_274, %swap3A_275] {strides = array<i32>} : memref<80x128xf32, #tpu.memory_space<vmem>>, vector<1x16xf32>,
      %swap3A_277 = vector.shape_cast %swap3A_276 : vector<1x16xf32> to vector<1x16xf32>
      %swap3A_278 = vector.shape_cast %max3A_273 : vector<1x16xf32> to vector<1x16xf32>
      tpu.vector_store %arg9[%swap3A_274, %swap3A_275], %swap3A_278 {strides = array<i32>} : memref<80x128xf32, #tpu.memory_space<vmem>>, vector<1x16xf32>,
      %get3A_279 = arith.index_cast %add3A_194 : i32 to index
      %get3A_280 = arith.constant 80 : index
      %get3A_281 = tpu.vector_load %arg9[%get3A_279, %get3A_280] {strides = array<i32>} : memref<80x128xf32, #tpu.memory_space<vmem>>, vector<1x16xf32>,
      %get3A_282 = vector.shape_cast %get3A_281 : vector<1x16xf32> to vector<1x16xf32>
      %get3A_283 = arith.index_cast %add3A_194 : i32 to index
      %get3A_284 = arith.constant 80 : index
      %get3A_285 = tpu.vector_load %arg11[%get3A_283, %get3A_284] {strides = array<i32>} : memref<80x128xf32, #tpu.memory_space<vmem>>, vector<1x16xf32>,
      %get3A_286 = vector.shape_cast %get3A_285 : vector<1x16xf32> to vector<1x16xf32>
      %add3A_287 = arith.addf %get3A_282, %get3A_286 : vector<1x16xf32>
      %max3A_288 = arith.constant 0.000000e+00 : f32
      %max3A_289 = vector.broadcast %max3A_288 : f32 to vector<1x16xf32>
      %max3A_290 = arith.maximumf %add3A_287, %max3A_289 : vector<1x16xf32>
      %swap3A_291 = arith.index_cast %add3A_194 : i32 to index
      %swap3A_292 = arith.constant 80 : index
      %swap3A_293 = tpu.vector_load %arg9[%swap3A_291, %swap3A_292] {strides = array<i32>} : memref<80x128xf32, #tpu.memory_space<vmem>>, vector<1x16xf32>,
      %swap3A_294 = vector.shape_cast %swap3A_293 : vector<1x16xf32> to vector<1x16xf32>
      %swap3A_295 = vector.shape_cast %max3A_290 : vector<1x16xf32> to vector<1x16xf32>
      tpu.vector_store %arg9[%swap3A_291, %swap3A_292], %swap3A_295 {strides = array<i32>} : memref<80x128xf32, #tpu.memory_space<vmem>>, vector<1x16xf32>,
      %get3A_296 = arith.index_cast %add3A_194 : i32 to index
      %get3A_297 = arith.constant 96 : index
      %get3A_298 = tpu.vector_load %arg9[%get3A_296, %get3A_297] {strides = array<i32>} : memref<80x128xf32, #tpu.memory_space<vmem>>, vector<1x16xf32>,
      %get3A_299 = vector.shape_cast %get3A_298 : vector<1x16xf32> to vector<1x16xf32>
      %get3A_300 = arith.index_cast %add3A_194 : i32 to index
      %get3A_301 = arith.constant 96 : index
      %get3A_302 = tpu.vector_load %arg11[%get3A_300, %get3A_301] {strides = array<i32>} : memref<80x128xf32, #tpu.memory_space<vmem>>, vector<1x16xf32>,
      %get3A_303 = vector.shape_cast %get3A_302 : vector<1x16xf32> to vector<1x16xf32>
      %add3A_304 = arith.addf %get3A_299, %get3A_303 : vector<1x16xf32>
      %max3A_305 = arith.constant 0.000000e+00 : f32
      %max3A_306 = vector.broadcast %max3A_305 : f32 to vector<1x16xf32>
      %max3A_307 = arith.maximumf %add3A_304, %max3A_306 : vector<1x16xf32>
      %swap3A_308 = arith.index_cast %add3A_194 : i32 to index
      %swap3A_309 = arith.constant 96 : index
      %swap3A_310 = tpu.vector_load %arg9[%swap3A_308, %swap3A_309] {strides = array<i32>} : memref<80x128xf32, #tpu.memory_space<vmem>>, vector<1x16xf32>,
      %swap3A_311 = vector.shape_cast %swap3A_310 : vector<1x16xf32> to vector<1x16xf32>
      %swap3A_312 = vector.shape_cast %max3A_307 : vector<1x16xf32> to vector<1x16xf32>
      tpu.vector_store %arg9[%swap3A_308, %swap3A_309], %swap3A_312 {strides = array<i32>} : memref<80x128xf32, #tpu.memory_space<vmem>>, vector<1x16xf32>,
      %get3A_313 = arith.index_cast %add3A_194 : i32 to index
      %get3A_314 = arith.constant 112 : index
      %get3A_315 = tpu.vector_load %arg9[%get3A_313, %get3A_314] {strides = array<i32>} : memref<80x128xf32, #tpu.memory_space<vmem>>, vector<1x16xf32>,
      %get3A_316 = vector.shape_cast %get3A_315 : vector<1x16xf32> to vector<1x16xf32>
      %get3A_317 = arith.index_cast %add3A_194 : i32 to index
      %get3A_318 = arith.constant 112 : index
      %get3A_319 = tpu.vector_load %arg11[%get3A_317, %get3A_318] {strides = array<i32>} : memref<80x128xf32, #tpu.memory_space<vmem>>, vector<1x16xf32>,
      %get3A_320 = vector.shape_cast %get3A_319 : vector<1x16xf32> to vector<1x16xf32>
      %add3A_321 = arith.addf %get3A_316, %get3A_320 : vector<1x16xf32>
      %max3A_322 = arith.constant 0.000000e+00 : f32
      %max3A_323 = vector.broadcast %max3A_322 : f32 to vector<1x16xf32>
      %max3A_324 = arith.maximumf %add3A_321, %max3A_323 : vector<1x16xf32>
      %swap3A_325 = arith.index_cast %add3A_194 : i32 to index
      %swap3A_326 = arith.constant 112 : index
      %swap3A_327 = tpu.vector_load %arg9[%swap3A_325, %swap3A_326] {strides = array<i32>} : memref<80x128xf32, #tpu.memory_space<vmem>>, vector<1x16xf32>,
      %swap3A_328 = vector.shape_cast %swap3A_327 : vector<1x16xf32> to vector<1x16xf32>
      %swap3A_329 = vector.shape_cast %max3A_324 : vector<1x16xf32> to vector<1x16xf32>
      tpu.vector_store %arg9[%swap3A_325, %swap3A_326], %swap3A_329 {strides = array<i32>} : memref<80x128xf32, #tpu.memory_space<vmem>>, vector<1x16xf32>,
    }
    %scan3A_133 = arith.constant 80 : i32
    %dma_wait3A_134 = arith.constant 1 : i32
    %dma_wait3A_135 = arith.constant 0 : i32
    %dma_wait3A_136 = tpu.memref_slice %arg8[%dma_wait3A_134, %dma_wait3A_135] : memref<2x80xi32, #tpu.memory_space<vmem>> -> memref<1x80xi32, #tpu.memory_space<vmem>>
    %dma_wait3A_137 = tpu.memref_squeeze %dma_wait3A_136 : memref<1x80xi32, #tpu.memory_space<vmem>> -> memref<80xi32, #tpu.memory_space<vmem>>
    %dma_wait3A_138 = arith.constant 0 : i32
    %dma_wait3A_139 = arith.constant 0 : i32
    %dma_wait3A_140 = tpu.memref_slice %arg13[%dma_wait3A_138, %dma_wait3A_139] : memref<10000x128xf32, #tpu.memory_space<vmem_shared>> -> memref<10000x128xf32, #tpu.memory_space<vmem_shared>>
    tpu.wait_indirect_dma semaphore(%arg21 : memref<!tpu.dma_semaphore, #tpu.memory_space<semaphore_mem>>) src(%arg10 : memref<80x128xf32, #tpu.memory_space<vmem>>) dst(%dma_wait3A_140 : memref<10000x128xf32, #tpu.memory_space<vmem_shared>>)
    %dma_start3A_141 = arith.constant 0 : i32
    %dma_start3A_142 = arith.constant 0 : i32
    %dma_start3A_143 = tpu.memref_slice %arg8[%dma_start3A_141, %dma_start3A_142] : memref<2x80xi32, #tpu.memory_space<vmem>> -> memref<1x80xi32, #tpu.memory_space<vmem>>
    %dma_start3A_144 = tpu.memref_squeeze %dma_start3A_143 : memref<1x80xi32, #tpu.memory_space<vmem>> -> memref<80xi32, #tpu.memory_space<vmem>>
    %dma_start3A_145 = arith.constant 0 : i32
    %dma_start3A_146 = arith.constant 0 : i32
    %dma_start3A_147 = tpu.memref_slice %arg13[%dma_start3A_145, %dma_start3A_146] : memref<10000x128xf32, #tpu.memory_space<vmem_shared>> -> memref<10000x128xf32, #tpu.memory_space<vmem_shared>>
    tpu.enqueue_indirect_dma source(%arg9 : memref<80x128xf32, #tpu.memory_space<vmem>>) target(%dma_start3A_147 : memref<10000x128xf32, #tpu.memory_space<vmem_shared>>) offsets(%dma_start3A_144 : memref<80xi32, #tpu.memory_space<vmem>>) semaphore(%arg20 : memref<!tpu.dma_semaphore, #tpu.memory_space<semaphore_mem>>) {add = true}
    %dma_wait3A_148 = arith.constant 0 : i32
    %dma_wait3A_149 = arith.constant 0 : i32
    %dma_wait3A_150 = tpu.memref_slice %arg8[%dma_wait3A_148, %dma_wait3A_149] : memref<2x80xi32, #tpu.memory_space<vmem>> -> memref<1x80xi32, #tpu.memory_space<vmem>>
    %dma_wait3A_151 = tpu.memref_squeeze %dma_wait3A_150 : memref<1x80xi32, #tpu.memory_space<vmem>> -> memref<80xi32, #tpu.memory_space<vmem>>
    %dma_wait3A_152 = arith.constant 0 : i32
    %dma_wait3A_153 = arith.constant 0 : i32
    %dma_wait3A_154 = tpu.memref_slice %arg13[%dma_wait3A_152, %dma_wait3A_153] : memref<10000x128xf32, #tpu.memory_space<vmem_shared>> -> memref<10000x128xf32, #tpu.memory_space<vmem_shared>>
    tpu.wait_indirect_dma semaphore(%arg20 : memref<!tpu.dma_semaphore, #tpu.memory_space<semaphore_mem>>) src(%arg9 : memref<80x128xf32, #tpu.memory_space<vmem>>) dst(%dma_wait3A_154 : memref<10000x128xf32, #tpu.memory_space<vmem_shared>>)
    %barrier3A_155 = arith.constant 0 : index
    tpu.barrier barrier_id(%barrier3A_155)
    %mul3A_156 = arith.constant 625 : i32
    %mul3A_157 = arith.muli %arg1, %mul3A_156 : i32
    %add3A_158 = arith.constant 0 : i32
    %add3A_159 = arith.addi %mul3A_157, %add3A_158 : i32
    %add3A_160 = arith.constant 0 : i32
    %add3A_161 = arith.addi %mul3A_157, %add3A_160 : i32
    "tpu.region"() ({
      %run_scoped3A = tpu.sem_alloc : memref<!tpu.dma_semaphore, #tpu.memory_space<semaphore_mem>>
      %dma_start3A_190 = arith.constant 0 : i32
      %dma_start3A_191 = tpu.memref_slice %arg5[%arg0, %add3A_161, %dma_start3A_190] : memref<2x10000x128xf32, #tpu.memory_space<hbm>> -> memref<1x80x128xf32, #tpu.memory_space<hbm>>
      %dma_start3A_192 = tpu.memref_squeeze %dma_start3A_191 : memref<1x80x128xf32, #tpu.memory_space<hbm>> -> memref<80x128xf32, #tpu.memory_space<hbm>>
      %dma_start3A_193 = arith.constant 0 : i32
      %dma_start3A_194 = tpu.memref_slice %arg13[%add3A_159, %dma_start3A_193] : memref<10000x128xf32, #tpu.memory_space<vmem_shared>> -> memref<80x128xf32, #tpu.memory_space<vmem_shared>>
      tpu.enqueue_dma source(%dma_start3A_194 : memref<80x128xf32, #tpu.memory_space<vmem_shared>>) target(%dma_start3A_192 : memref<80x128xf32, #tpu.memory_space<hbm>>) target_semaphore(%run_scoped3A : memref<!tpu.dma_semaphore, #tpu.memory_space<semaphore_mem>>)
      %dma_wait3A_195 = arith.constant 0 : i32
      %dma_wait3A_196 = tpu.memref_slice %arg5[%arg0, %add3A_161, %dma_wait3A_195] : memref<2x10000x128xf32, #tpu.memory_space<hbm>> -> memref<1x80x128xf32, #tpu.memory_space<hbm>>
      %dma_wait3A_197 = tpu.memref_squeeze %dma_wait3A_196 : memref<1x80x128xf32, #tpu.memory_space<hbm>> -> memref<80x128xf32, #tpu.memory_space<hbm>>
      %dma_wait3A_198 = arith.constant 0 : i32
      %dma_wait3A_199 = tpu.memref_slice %arg13[%add3A_159, %dma_wait3A_198] : memref<10000x128xf32, #tpu.memory_space<vmem_shared>> -> memref<80x128xf32, #tpu.memory_space<vmem_shared>>
      tpu.wait_dma2 semaphore(%run_scoped3A : memref<!tpu.dma_semaphore, #tpu.memory_space<semaphore_mem>>) src(%dma_wait3A_199 : memref<80x128xf32, #tpu.memory_space<vmem_shared>>) dst(%dma_wait3A_197 : memref<80x128xf32, #tpu.memory_space<hbm>>)
      tpu.yield
    }) : () -> ()
    %add3A_162 = arith.constant 80 : i32
    %add3A_163 = arith.addi %mul3A_157, %add3A_162 : i32
    %add3A_164 = arith.constant 80 : i32
    %add3A_165 = arith.addi %mul3A_157, %add3A_164 : i32
    "tpu.region"() ({
      %run_scoped3A = tpu.sem_alloc : memref<!tpu.dma_semaphore, #tpu.memory_space<semaphore_mem>>
      %dma_start3A_190 = arith.constant 0 : i32
      %dma_start3A_191 = tpu.memref_slice %arg5[%arg0, %add3A_165, %dma_start3A_190] : memref<2x10000x128xf32, #tpu.memory_space<hbm>> -> memref<1x80x128xf32, #tpu.memory_space<hbm>>
      %dma_start3A_192 = tpu.memref_squeeze %dma_start3A_191 : memref<1x80x128xf32, #tpu.memory_space<hbm>> -> memref<80x128xf32, #tpu.memory_space<hbm>>
      %dma_start3A_193 = arith.constant 0 : i32
      %dma_start3A_194 = tpu.memref_slice %arg13[%add3A_163, %dma_start3A_193] : memref<10000x128xf32, #tpu.memory_space<vmem_shared>> -> memref<80x128xf32, #tpu.memory_space<vmem_shared>>
      tpu.enqueue_dma source(%dma_start3A_194 : memref<80x128xf32, #tpu.memory_space<vmem_shared>>) target(%dma_start3A_192 : memref<80x128xf32, #tpu.memory_space<hbm>>) target_semaphore(%run_scoped3A : memref<!tpu.dma_semaphore, #tpu.memory_space<semaphore_mem>>)
      %dma_wait3A_195 = arith.constant 0 : i32
      %dma_wait3A_196 = tpu.memref_slice %arg5[%arg0, %add3A_165, %dma_wait3A_195] : memref<2x10000x128xf32, #tpu.memory_space<hbm>> -> memref<1x80x128xf32, #tpu.memory_space<hbm>>
      %dma_wait3A_197 = tpu.memref_squeeze %dma_wait3A_196 : memref<1x80x128xf32, #tpu.memory_space<hbm>> -> memref<80x128xf32, #tpu.memory_space<hbm>>
      %dma_wait3A_198 = arith.constant 0 : i32
      %dma_wait3A_199 = tpu.memref_slice %arg13[%add3A_163, %dma_wait3A_198] : memref<10000x128xf32, #tpu.memory_space<vmem_shared>> -> memref<80x128xf32, #tpu.memory_space<vmem_shared>>
      tpu.wait_dma2 semaphore(%run_scoped3A : memref<!tpu.dma_semaphore, #tpu.memory_space<semaphore_mem>>) src(%dma_wait3A_199 : memref<80x128xf32, #tpu.memory_space<vmem_shared>>) dst(%dma_wait3A_197 : memref<80x128xf32, #tpu.memory_space<hbm>>)
      tpu.yield
    }) : () -> ()
    %add3A_166 = arith.constant 160 : i32
    %add3A_167 = arith.addi %mul3A_157, %add3A_166 : i32
    %add3A_168 = arith.constant 160 : i32
    %add3A_169 = arith.addi %mul3A_157, %add3A_168 : i32
    "tpu.region"() ({
      %run_scoped3A = tpu.sem_alloc : memref<!tpu.dma_semaphore, #tpu.memory_space<semaphore_mem>>
      %dma_start3A_190 = arith.constant 0 : i32
      %dma_start3A_191 = tpu.memref_slice %arg5[%arg0, %add3A_169, %dma_start3A_190] : memref<2x10000x128xf32, #tpu.memory_space<hbm>> -> memref<1x80x128xf32, #tpu.memory_space<hbm>>
      %dma_start3A_192 = tpu.memref_squeeze %dma_start3A_191 : memref<1x80x128xf32, #tpu.memory_space<hbm>> -> memref<80x128xf32, #tpu.memory_space<hbm>>
      %dma_start3A_193 = arith.constant 0 : i32
      %dma_start3A_194 = tpu.memref_slice %arg13[%add3A_167, %dma_start3A_193] : memref<10000x128xf32, #tpu.memory_space<vmem_shared>> -> memref<80x128xf32, #tpu.memory_space<vmem_shared>>
      tpu.enqueue_dma source(%dma_start3A_194 : memref<80x128xf32, #tpu.memory_space<vmem_shared>>) target(%dma_start3A_192 : memref<80x128xf32, #tpu.memory_space<hbm>>) target_semaphore(%run_scoped3A : memref<!tpu.dma_semaphore, #tpu.memory_space<semaphore_mem>>)
      %dma_wait3A_195 = arith.constant 0 : i32
      %dma_wait3A_196 = tpu.memref_slice %arg5[%arg0, %add3A_169, %dma_wait3A_195] : memref<2x10000x128xf32, #tpu.memory_space<hbm>> -> memref<1x80x128xf32, #tpu.memory_space<hbm>>
      %dma_wait3A_197 = tpu.memref_squeeze %dma_wait3A_196 : memref<1x80x128xf32, #tpu.memory_space<hbm>> -> memref<80x128xf32, #tpu.memory_space<hbm>>
      %dma_wait3A_198 = arith.constant 0 : i32
      %dma_wait3A_199 = tpu.memref_slice %arg13[%add3A_167, %dma_wait3A_198] : memref<10000x128xf32, #tpu.memory_space<vmem_shared>> -> memref<80x128xf32, #tpu.memory_space<vmem_shared>>
      tpu.wait_dma2 semaphore(%run_scoped3A : memref<!tpu.dma_semaphore, #tpu.memory_space<semaphore_mem>>) src(%dma_wait3A_199 : memref<80x128xf32, #tpu.memory_space<vmem_shared>>) dst(%dma_wait3A_197 : memref<80x128xf32, #tpu.memory_space<hbm>>)
      tpu.yield
    }) : () -> ()
    %add3A_170 = arith.constant 240 : i32
    %add3A_171 = arith.addi %mul3A_157, %add3A_170 : i32
    %add3A_172 = arith.constant 240 : i32
    %add3A_173 = arith.addi %mul3A_157, %add3A_172 : i32
    "tpu.region"() ({
      %run_scoped3A = tpu.sem_alloc : memref<!tpu.dma_semaphore, #tpu.memory_space<semaphore_mem>>
      %dma_start3A_190 = arith.constant 0 : i32
      %dma_start3A_191 = tpu.memref_slice %arg5[%arg0, %add3A_173, %dma_start3A_190] : memref<2x10000x128xf32, #tpu.memory_space<hbm>> -> memref<1x80x128xf32, #tpu.memory_space<hbm>>
      %dma_start3A_192 = tpu.memref_squeeze %dma_start3A_191 : memref<1x80x128xf32, #tpu.memory_space<hbm>> -> memref<80x128xf32, #tpu.memory_space<hbm>>
      %dma_start3A_193 = arith.constant 0 : i32
      %dma_start3A_194 = tpu.memref_slice %arg13[%add3A_171, %dma_start3A_193] : memref<10000x128xf32, #tpu.memory_space<vmem_shared>> -> memref<80x128xf32, #tpu.memory_space<vmem_shared>>
      tpu.enqueue_dma source(%dma_start3A_194 : memref<80x128xf32, #tpu.memory_space<vmem_shared>>) target(%dma_start3A_192 : memref<80x128xf32, #tpu.memory_space<hbm>>) target_semaphore(%run_scoped3A : memref<!tpu.dma_semaphore, #tpu.memory_space<semaphore_mem>>)
      %dma_wait3A_195 = arith.constant 0 : i32
      %dma_wait3A_196 = tpu.memref_slice %arg5[%arg0, %add3A_173, %dma_wait3A_195] : memref<2x10000x128xf32, #tpu.memory_space<hbm>> -> memref<1x80x128xf32, #tpu.memory_space<hbm>>
      %dma_wait3A_197 = tpu.memref_squeeze %dma_wait3A_196 : memref<1x80x128xf32, #tpu.memory_space<hbm>> -> memref<80x128xf32, #tpu.memory_space<hbm>>
      %dma_wait3A_198 = arith.constant 0 : i32
      %dma_wait3A_199 = tpu.memref_slice %arg13[%add3A_171, %dma_wait3A_198] : memref<10000x128xf32, #tpu.memory_space<vmem_shared>> -> memref<80x128xf32, #tpu.memory_space<vmem_shared>>
      tpu.wait_dma2 semaphore(%run_scoped3A : memref<!tpu.dma_semaphore, #tpu.memory_space<semaphore_mem>>) src(%dma_wait3A_199 : memref<80x128xf32, #tpu.memory_space<vmem_shared>>) dst(%dma_wait3A_197 : memref<80x128xf32, #tpu.memory_space<hbm>>)
      tpu.yield
    }) : () -> ()
    %add3A_174 = arith.constant 320 : i32
    %add3A_175 = arith.addi %mul3A_157, %add3A_174 : i32
    %add3A_176 = arith.constant 320 : i32
    %add3A_177 = arith.addi %mul3A_157, %add3A_176 : i32
    "tpu.region"() ({
      %run_scoped3A = tpu.sem_alloc : memref<!tpu.dma_semaphore, #tpu.memory_space<semaphore_mem>>
      %dma_start3A_190 = arith.constant 0 : i32
      %dma_start3A_191 = tpu.memref_slice %arg5[%arg0, %add3A_177, %dma_start3A_190] : memref<2x10000x128xf32, #tpu.memory_space<hbm>> -> memref<1x80x128xf32, #tpu.memory_space<hbm>>
      %dma_start3A_192 = tpu.memref_squeeze %dma_start3A_191 : memref<1x80x128xf32, #tpu.memory_space<hbm>> -> memref<80x128xf32, #tpu.memory_space<hbm>>
      %dma_start3A_193 = arith.constant 0 : i32
      %dma_start3A_194 = tpu.memref_slice %arg13[%add3A_175, %dma_start3A_193] : memref<10000x128xf32, #tpu.memory_space<vmem_shared>> -> memref<80x128xf32, #tpu.memory_space<vmem_shared>>
      tpu.enqueue_dma source(%dma_start3A_194 : memref<80x128xf32, #tpu.memory_space<vmem_shared>>) target(%dma_start3A_192 : memref<80x128xf32, #tpu.memory_space<hbm>>) target_semaphore(%run_scoped3A : memref<!tpu.dma_semaphore, #tpu.memory_space<semaphore_mem>>)
      %dma_wait3A_195 = arith.constant 0 : i32
      %dma_wait3A_196 = tpu.memref_slice %arg5[%arg0, %add3A_177, %dma_wait3A_195] : memref<2x10000x128xf32, #tpu.memory_space<hbm>> -> memref<1x80x128xf32, #tpu.memory_space<hbm>>
      %dma_wait3A_197 = tpu.memref_squeeze %dma_wait3A_196 : memref<1x80x128xf32, #tpu.memory_space<hbm>> -> memref<80x128xf32, #tpu.memory_space<hbm>>
      %dma_wait3A_198 = arith.constant 0 : i32
      %dma_wait3A_199 = tpu.memref_slice %arg13[%add3A_175, %dma_wait3A_198] : memref<10000x128xf32, #tpu.memory_space<vmem_shared>> -> memref<80x128xf32, #tpu.memory_space<vmem_shared>>
      tpu.wait_dma2 semaphore(%run_scoped3A : memref<!tpu.dma_semaphore, #tpu.memory_space<semaphore_mem>>) src(%dma_wait3A_199 : memref<80x128xf32, #tpu.memory_space<vmem_shared>>) dst(%dma_wait3A_197 : memref<80x128xf32, #tpu.memory_space<hbm>>)
      tpu.yield
    }) : () -> ()
    %add3A_178 = arith.constant 400 : i32
    %add3A_179 = arith.addi %mul3A_157, %add3A_178 : i32
    %add3A_180 = arith.constant 400 : i32
    %add3A_181 = arith.addi %mul3A_157, %add3A_180 : i32
    "tpu.region"() ({
      %run_scoped3A = tpu.sem_alloc : memref<!tpu.dma_semaphore, #tpu.memory_space<semaphore_mem>>
      %dma_start3A_190 = arith.constant 0 : i32
      %dma_start3A_191 = tpu.memref_slice %arg5[%arg0, %add3A_181, %dma_start3A_190] : memref<2x10000x128xf32, #tpu.memory_space<hbm>> -> memref<1x80x128xf32, #tpu.memory_space<hbm>>
      %dma_start3A_192 = tpu.memref_squeeze %dma_start3A_191 : memref<1x80x128xf32, #tpu.memory_space<hbm>> -> memref<80x128xf32, #tpu.memory_space<hbm>>
      %dma_start3A_193 = arith.constant 0 : i32
      %dma_start3A_194 = tpu.memref_slice %arg13[%add3A_179, %dma_start3A_193] : memref<10000x128xf32, #tpu.memory_space<vmem_shared>> -> memref<80x128xf32, #tpu.memory_space<vmem_shared>>
      tpu.enqueue_dma source(%dma_start3A_194 : memref<80x128xf32, #tpu.memory_space<vmem_shared>>) target(%dma_start3A_192 : memref<80x128xf32, #tpu.memory_space<hbm>>) target_semaphore(%run_scoped3A : memref<!tpu.dma_semaphore, #tpu.memory_space<semaphore_mem>>)
      %dma_wait3A_195 = arith.constant 0 : i32
      %dma_wait3A_196 = tpu.memref_slice %arg5[%arg0, %add3A_181, %dma_wait3A_195] : memref<2x10000x128xf32, #tpu.memory_space<hbm>> -> memref<1x80x128xf32, #tpu.memory_space<hbm>>
      %dma_wait3A_197 = tpu.memref_squeeze %dma_wait3A_196 : memref<1x80x128xf32, #tpu.memory_space<hbm>> -> memref<80x128xf32, #tpu.memory_space<hbm>>
      %dma_wait3A_198 = arith.constant 0 : i32
      %dma_wait3A_199 = tpu.memref_slice %arg13[%add3A_179, %dma_wait3A_198] : memref<10000x128xf32, #tpu.memory_space<vmem_shared>> -> memref<80x128xf32, #tpu.memory_space<vmem_shared>>
      tpu.wait_dma2 semaphore(%run_scoped3A : memref<!tpu.dma_semaphore, #tpu.memory_space<semaphore_mem>>) src(%dma_wait3A_199 : memref<80x128xf32, #tpu.memory_space<vmem_shared>>) dst(%dma_wait3A_197 : memref<80x128xf32, #tpu.memory_space<hbm>>)
      tpu.yield
    }) : () -> ()
    %add3A_182 = arith.constant 480 : i32
    %add3A_183 = arith.addi %mul3A_157, %add3A_182 : i32
    %add3A_184 = arith.constant 480 : i32
    %add3A_185 = arith.addi %mul3A_157, %add3A_184 : i32
    "tpu.region"() ({
      %run_scoped3A = tpu.sem_alloc : memref<!tpu.dma_semaphore, #tpu.memory_space<semaphore_mem>>
      %dma_start3A_190 = arith.constant 0 : i32
      %dma_start3A_191 = tpu.memref_slice %arg5[%arg0, %add3A_185, %dma_start3A_190] : memref<2x10000x128xf32, #tpu.memory_space<hbm>> -> memref<1x80x128xf32, #tpu.memory_space<hbm>>
      %dma_start3A_192 = tpu.memref_squeeze %dma_start3A_191 : memref<1x80x128xf32, #tpu.memory_space<hbm>> -> memref<80x128xf32, #tpu.memory_space<hbm>>
      %dma_start3A_193 = arith.constant 0 : i32
      %dma_start3A_194 = tpu.memref_slice %arg13[%add3A_183, %dma_start3A_193] : memref<10000x128xf32, #tpu.memory_space<vmem_shared>> -> memref<80x128xf32, #tpu.memory_space<vmem_shared>>
      tpu.enqueue_dma source(%dma_start3A_194 : memref<80x128xf32, #tpu.memory_space<vmem_shared>>) target(%dma_start3A_192 : memref<80x128xf32, #tpu.memory_space<hbm>>) target_semaphore(%run_scoped3A : memref<!tpu.dma_semaphore, #tpu.memory_space<semaphore_mem>>)
      %dma_wait3A_195 = arith.constant 0 : i32
      %dma_wait3A_196 = tpu.memref_slice %arg5[%arg0, %add3A_185, %dma_wait3A_195] : memref<2x10000x128xf32, #tpu.memory_space<hbm>> -> memref<1x80x128xf32, #tpu.memory_space<hbm>>
      %dma_wait3A_197 = tpu.memref_squeeze %dma_wait3A_196 : memref<1x80x128xf32, #tpu.memory_space<hbm>> -> memref<80x128xf32, #tpu.memory_space<hbm>>
      %dma_wait3A_198 = arith.constant 0 : i32
      %dma_wait3A_199 = tpu.memref_slice %arg13[%add3A_183, %dma_wait3A_198] : memref<10000x128xf32, #tpu.memory_space<vmem_shared>> -> memref<80x128xf32, #tpu.memory_space<vmem_shared>>
      tpu.wait_dma2 semaphore(%run_scoped3A : memref<!tpu.dma_semaphore, #tpu.memory_space<semaphore_mem>>) src(%dma_wait3A_199 : memref<80x128xf32, #tpu.memory_space<vmem_shared>>) dst(%dma_wait3A_197 : memref<80x128xf32, #tpu.memory_space<hbm>>)
      tpu.yield
    }) : () -> ()
    %add3A_186 = arith.constant 560 : i32
    %add3A_187 = arith.addi %mul3A_157, %add3A_186 : i32
    %add3A_188 = arith.constant 560 : i32
    %add3A_189 = arith.addi %mul3A_157, %add3A_188 : i32
    "tpu.region"() ({
      %run_scoped3A = tpu.sem_alloc : memref<!tpu.dma_semaphore, #tpu.memory_space<semaphore_mem>>
      %dma_start3A_190 = arith.constant 0 : i32
      %dma_start3A_191 = tpu.memref_slice %arg5[%arg0, %add3A_189, %dma_start3A_190] : memref<2x10000x128xf32, #tpu.memory_space<hbm>> -> memref<1x65x128xf32, #tpu.memory_space<hbm>>
      %dma_start3A_192 = tpu.memref_squeeze %dma_start3A_191 : memref<1x65x128xf32, #tpu.memory_space<hbm>> -> memref<65x128xf32, #tpu.memory_space<hbm>>
      %dma_start3A_193 = arith.constant 0 : i32
      %dma_start3A_194 = tpu.memref_slice %arg13[%add3A_187, %dma_start3A_193] : memref<10000x128xf32, #tpu.memory_space<vmem_shared>> -> memref<65x128xf32, #tpu.memory_space<vmem_shared>>
      tpu.enqueue_dma source(%dma_start3A_194 : memref<65x128xf32, #tpu.memory_space<vmem_shared>>) target(%dma_start3A_192 : memref<65x128xf32, #tpu.memory_space<hbm>>) target_semaphore(%run_scoped3A : memref<!tpu.dma_semaphore, #tpu.memory_space<semaphore_mem>>)
      %dma_wait3A_195 = arith.constant 0 : i32
      %dma_wait3A_196 = tpu.memref_slice %arg5[%arg0, %add3A_189, %dma_wait3A_195] : memref<2x10000x128xf32, #tpu.memory_space<hbm>> -> memref<1x65x128xf32, #tpu.memory_space<hbm>>
      %dma_wait3A_197 = tpu.memref_squeeze %dma_wait3A_196 : memref<1x65x128xf32, #tpu.memory_space<hbm>> -> memref<65x128xf32, #tpu.memory_space<hbm>>
      %dma_wait3A_198 = arith.constant 0 : i32
      %dma_wait3A_199 = tpu.memref_slice %arg13[%add3A_187, %dma_wait3A_198] : memref<10000x128xf32, #tpu.memory_space<vmem_shared>> -> memref<65x128xf32, #tpu.memory_space<vmem_shared>>
      tpu.wait_dma2 semaphore(%run_scoped3A : memref<!tpu.dma_semaphore, #tpu.memory_space<semaphore_mem>>) src(%dma_wait3A_199 : memref<65x128xf32, #tpu.memory_space<vmem_shared>>) dst(%dma_wait3A_197 : memref<65x128xf32, #tpu.memory_space<hbm>>)
      tpu.yield
    }) : () -> ()
    return
  }
}

#map = affine_map<(d0, d1) -> (0, 0)>
#map1 = affine_map<(d0, d1) -> (0, 0, 0)>
module attributes {stable_mosaic.version = 14 : i64} {
  func.func @_sc_agg(%arg0: i32, %arg1: i32, %arg2: memref<10000x128xf32, #tpu.memory_space<hbm>>, %arg3: memref<2x320000xi32, #tpu.memory_space<hbm>>, %arg4: memref<320000x128xf32, #tpu.memory_space<hbm>>, %arg5: memref<2x10000x128xf32, #tpu.memory_space<hbm>>, %arg6: memref<2x80xi32, #tpu.memory_space<vmem>>, %arg7: memref<2x80xi32, #tpu.memory_space<vmem>>, %arg8: memref<2x80xi32, #tpu.memory_space<vmem>>, %arg9: memref<80x128xf32, #tpu.memory_space<vmem>>, %arg10: memref<80x128xf32, #tpu.memory_space<vmem>>, %arg11: memref<80x128xf32, #tpu.memory_space<vmem>>, %arg12: memref<80x128xf32, #tpu.memory_space<vmem>>, %arg13: memref<10000x128xf32, #tpu.memory_space<vmem_shared>>, %arg14: memref<!tpu.dma_semaphore, #tpu.memory_space<semaphore_mem>>, %arg15: memref<!tpu.dma_semaphore, #tpu.memory_space<semaphore_mem>>, %arg16: memref<!tpu.dma_semaphore, #tpu.memory_space<semaphore_mem>>, %arg17: memref<!tpu.dma_semaphore, #tpu.memory_space<semaphore_mem>>, %arg18: memref<!tpu.dma_semaphore, #tpu.memory_space<semaphore_mem>>, %arg19: memref<!tpu.dma_semaphore, #tpu.memory_space<semaphore_mem>>, %arg20: memref<!tpu.dma_semaphore, #tpu.memory_space<semaphore_mem>>, %arg21: memref<!tpu.dma_semaphore, #tpu.memory_space<semaphore_mem>>) attributes {dimension_semantics = [#tpu.dimension_semantics<core_parallel>, #tpu.dimension_semantics<subcore_parallel>], iteration_bounds = array<i64: 2, 16>, scalar_prefetch = 0 : i64, scratch_operands = 16 : i64, tpu.core_type = #tpu.core_type<sc_vector_subcore>, window_params = [{transform_indices = #map}, {transform_indices = #map}, {transform_indices = #map}, {transform_indices = #map1}]} {
    %mul3A = arith.constant 16 : i32
    %mul3A_0 = arith.muli %arg0, %mul3A : i32
    %add3A = arith.addi %mul3A_0, %arg1 : i32
    %mul3A_1 = arith.constant 10000 : i32
    %mul3A_2 = arith.muli %add3A, %mul3A_1 : i32
    %scan3A = arith.constant 0 : i32
    %scan3A_3 = arith.constant 80 : i32
    %scan3A_4 = arith.addi %scan3A, %scan3A_3 : i32
    %scan3A_5 = arith.constant 1 : i32
    scf.for %scan3A_190 = %scan3A to %scan3A_4 step %scan3A_5  : i32 {
      %mul3A_191 = arith.constant 1 : i32
      %mul3A_192 = arith.muli %scan3A_190, %mul3A_191 : i32
      %add3A_193 = arith.constant 0 : i32
      %add3A_194 = arith.addi %add3A_193, %mul3A_192 : i32
      %broadcast_in_dim3A = arith.constant 0.000000e+00 : f32
      %broadcast_in_dim3A_195 = vector.broadcast %broadcast_in_dim3A : f32 to vector<1x16xf32>
      %swap3A_196 = arith.index_cast %add3A_194 : i32 to index
      %swap3A_197 = arith.constant 0 : index
      %swap3A_198 = tpu.vector_load %arg11[%swap3A_196, %swap3A_197] {strides = array<i32>} : memref<80x128xf32, #tpu.memory_space<vmem>>, vector<1x16xf32>,
      %swap3A_199 = vector.shape_cast %swap3A_198 : vector<1x16xf32> to vector<1x16xf32>
      %swap3A_200 = vector.shape_cast %broadcast_in_dim3A_195 : vector<1x16xf32> to vector<1x16xf32>
      tpu.vector_store %arg11[%swap3A_196, %swap3A_197], %swap3A_200 {strides = array<i32>} : memref<80x128xf32, #tpu.memory_space<vmem>>, vector<1x16xf32>,
      %broadcast_in_dim3A_201 = arith.constant 0.000000e+00 : f32
      %broadcast_in_dim3A_202 = vector.broadcast %broadcast_in_dim3A_201 : f32 to vector<1x16xf32>
      %swap3A_203 = arith.index_cast %add3A_194 : i32 to index
      %swap3A_204 = arith.constant 16 : index
      %swap3A_205 = tpu.vector_load %arg11[%swap3A_203, %swap3A_204] {strides = array<i32>} : memref<80x128xf32, #tpu.memory_space<vmem>>, vector<1x16xf32>,
      %swap3A_206 = vector.shape_cast %swap3A_205 : vector<1x16xf32> to vector<1x16xf32>
      %swap3A_207 = vector.shape_cast %broadcast_in_dim3A_202 : vector<1x16xf32> to vector<1x16xf32>
      tpu.vector_store %arg11[%swap3A_203, %swap3A_204], %swap3A_207 {strides = array<i32>} : memref<80x128xf32, #tpu.memory_space<vmem>>, vector<1x16xf32>,
      %broadcast_in_dim3A_208 = arith.constant 0.000000e+00 : f32
      %broadcast_in_dim3A_209 = vector.broadcast %broadcast_in_dim3A_208 : f32 to vector<1x16xf32>
      %swap3A_210 = arith.index_cast %add3A_194 : i32 to index
      %swap3A_211 = arith.constant 32 : index
      %swap3A_212 = tpu.vector_load %arg11[%swap3A_210, %swap3A_211] {strides = array<i32>} : memref<80x128xf32, #tpu.memory_space<vmem>>, vector<1x16xf32>,
      %swap3A_213 = vector.shape_cast %swap3A_212 : vector<1x16xf32> to vector<1x16xf32>
      %swap3A_214 = vector.shape_cast %broadcast_in_dim3A_209 : vector<1x16xf32> to vector<1x16xf32>
      tpu.vector_store %arg11[%swap3A_210, %swap3A_211], %swap3A_214 {strides = array<i32>} : memref<80x128xf32, #tpu.memory_space<vmem>>, vector<1x16xf32>,
      %broadcast_in_dim3A_215 = arith.constant 0.000000e+00 : f32
      %broadcast_in_dim3A_216 = vector.broadcast %broadcast_in_dim3A_215 : f32 to vector<1x16xf32>
      %swap3A_217 = arith.index_cast %add3A_194 : i32 to index
      %swap3A_218 = arith.constant 48 : index
      %swap3A_219 = tpu.vector_load %arg11[%swap3A_217, %swap3A_218] {strides = array<i32>} : memref<80x128xf32, #tpu.memory_space<vmem>>, vector<1x16xf32>,
      %swap3A_220 = vector.shape_cast %swap3A_219 : vector<1x16xf32> to vector<1x16xf32>
      %swap3A_221 = vector.shape_cast %broadcast_in_dim3A_216 : vector<1x16xf32> to vector<1x16xf32>
      tpu.vector_store %arg11[%swap3A_217, %swap3A_218], %swap3A_221 {strides = array<i32>} : memref<80x128xf32, #tpu.memory_space<vmem>>, vector<1x16xf32>,
      %broadcast_in_dim3A_222 = arith.constant 0.000000e+00 : f32
      %broadcast_in_dim3A_223 = vector.broadcast %broadcast_in_dim3A_222 : f32 to vector<1x16xf32>
      %swap3A_224 = arith.index_cast %add3A_194 : i32 to index
      %swap3A_225 = arith.constant 64 : index
      %swap3A_226 = tpu.vector_load %arg11[%swap3A_224, %swap3A_225] {strides = array<i32>} : memref<80x128xf32, #tpu.memory_space<vmem>>, vector<1x16xf32>,
      %swap3A_227 = vector.shape_cast %swap3A_226 : vector<1x16xf32> to vector<1x16xf32>
      %swap3A_228 = vector.shape_cast %broadcast_in_dim3A_223 : vector<1x16xf32> to vector<1x16xf32>
      tpu.vector_store %arg11[%swap3A_224, %swap3A_225], %swap3A_228 {strides = array<i32>} : memref<80x128xf32, #tpu.memory_space<vmem>>, vector<1x16xf32>,
      %broadcast_in_dim3A_229 = arith.constant 0.000000e+00 : f32
      %broadcast_in_dim3A_230 = vector.broadcast %broadcast_in_dim3A_229 : f32 to vector<1x16xf32>
      %swap3A_231 = arith.index_cast %add3A_194 : i32 to index
      %swap3A_232 = arith.constant 80 : index
      %swap3A_233 = tpu.vector_load %arg11[%swap3A_231, %swap3A_232] {strides = array<i32>} : memref<80x128xf32, #tpu.memory_space<vmem>>, vector<1x16xf32>,
      %swap3A_234 = vector.shape_cast %swap3A_233 : vector<1x16xf32> to vector<1x16xf32>
      %swap3A_235 = vector.shape_cast %broadcast_in_dim3A_230 : vector<1x16xf32> to vector<1x16xf32>
      tpu.vector_store %arg11[%swap3A_231, %swap3A_232], %swap3A_235 {strides = array<i32>} : memref<80x128xf32, #tpu.memory_space<vmem>>, vector<1x16xf32>,
      %broadcast_in_dim3A_236 = arith.constant 0.000000e+00 : f32
      %broadcast_in_dim3A_237 = vector.broadcast %broadcast_in_dim3A_236 : f32 to vector<1x16xf32>
      %swap3A_238 = arith.index_cast %add3A_194 : i32 to index
      %swap3A_239 = arith.constant 96 : index
      %swap3A_240 = tpu.vector_load %arg11[%swap3A_238, %swap3A_239] {strides = array<i32>} : memref<80x128xf32, #tpu.memory_space<vmem>>, vector<1x16xf32>,
      %swap3A_241 = vector.shape_cast %swap3A_240 : vector<1x16xf32> to vector<1x16xf32>
      %swap3A_242 = vector.shape_cast %broadcast_in_dim3A_237 : vector<1x16xf32> to vector<1x16xf32>
      tpu.vector_store %arg11[%swap3A_238, %swap3A_239], %swap3A_242 {strides = array<i32>} : memref<80x128xf32, #tpu.memory_space<vmem>>, vector<1x16xf32>,
      %broadcast_in_dim3A_243 = arith.constant 0.000000e+00 : f32
      %broadcast_in_dim3A_244 = vector.broadcast %broadcast_in_dim3A_243 : f32 to vector<1x16xf32>
      %swap3A_245 = arith.index_cast %add3A_194 : i32 to index
      %swap3A_246 = arith.constant 112 : index
      %swap3A_247 = tpu.vector_load %arg11[%swap3A_245, %swap3A_246] {strides = array<i32>} : memref<80x128xf32, #tpu.memory_space<vmem>>, vector<1x16xf32>,
      %swap3A_248 = vector.shape_cast %swap3A_247 : vector<1x16xf32> to vector<1x16xf32>
      %swap3A_249 = vector.shape_cast %broadcast_in_dim3A_244 : vector<1x16xf32> to vector<1x16xf32>
      tpu.vector_store %arg11[%swap3A_245, %swap3A_246], %swap3A_249 {strides = array<i32>} : memref<80x128xf32, #tpu.memory_space<vmem>>, vector<1x16xf32>,
    }
    %scan3A_6 = arith.constant 80 : i32
    %mul3A_7 = arith.constant 625 : i32
    %mul3A_8 = arith.muli %arg1, %mul3A_7 : i32
    %add3A_9 = arith.constant 0 : i32
    %add3A_10 = arith.addi %mul3A_8, %add3A_9 : i32
    "tpu.region"() ({
      %run_scoped3A = tpu.sem_alloc : memref<!tpu.dma_semaphore, #tpu.memory_space<semaphore_mem>>
      %dma_start3A_190 = arith.constant 0 : i32
      %dma_start3A_191 = tpu.memref_slice %arg13[%add3A_10, %dma_start3A_190] : memref<10000x128xf32, #tpu.memory_space<vmem_shared>> -> memref<80x128xf32, #tpu.memory_space<vmem_shared>>
      %dma_start3A_192 = arith.constant 0 : i32
      %dma_start3A_193 = tpu.memref_slice %arg13[%add3A_10, %dma_start3A_192] : memref<10000x128xf32, #tpu.memory_space<vmem_shared>> -> memref<80x128xf32, #tpu.memory_space<vmem_shared>>
      tpu.enqueue_dma source(%arg11 : memref<80x128xf32, #tpu.memory_space<vmem>>) target(%dma_start3A_193 : memref<80x128xf32, #tpu.memory_space<vmem_shared>>) target_semaphore(%run_scoped3A : memref<!tpu.dma_semaphore, #tpu.memory_space<semaphore_mem>>)
      %dma_wait3A_194 = arith.constant 0 : i32
      %dma_wait3A_195 = tpu.memref_slice %arg13[%add3A_10, %dma_wait3A_194] : memref<10000x128xf32, #tpu.memory_space<vmem_shared>> -> memref<80x128xf32, #tpu.memory_space<vmem_shared>>
      %dma_wait3A_196 = arith.constant 0 : i32
      %dma_wait3A_197 = tpu.memref_slice %arg13[%add3A_10, %dma_wait3A_196] : memref<10000x128xf32, #tpu.memory_space<vmem_shared>> -> memref<80x128xf32, #tpu.memory_space<vmem_shared>>
      tpu.wait_dma2 semaphore(%run_scoped3A : memref<!tpu.dma_semaphore, #tpu.memory_space<semaphore_mem>>) src(%arg11 : memref<80x128xf32, #tpu.memory_space<vmem>>) dst(%dma_wait3A_197 : memref<80x128xf32, #tpu.memory_space<vmem_shared>>)
      tpu.yield
    }) : () -> ()
    %mul3A_11 = arith.constant 625 : i32
    %mul3A_12 = arith.muli %arg1, %mul3A_11 : i32
    %add3A_13 = arith.constant 80 : i32
    %add3A_14 = arith.addi %mul3A_12, %add3A_13 : i32
    "tpu.region"() ({
      %run_scoped3A = tpu.sem_alloc : memref<!tpu.dma_semaphore, #tpu.memory_space<semaphore_mem>>
      %dma_start3A_190 = arith.constant 0 : i32
      %dma_start3A_191 = tpu.memref_slice %arg13[%add3A_14, %dma_start3A_190] : memref<10000x128xf32, #tpu.memory_space<vmem_shared>> -> memref<80x128xf32, #tpu.memory_space<vmem_shared>>
      %dma_start3A_192 = arith.constant 0 : i32
      %dma_start3A_193 = tpu.memref_slice %arg13[%add3A_14, %dma_start3A_192] : memref<10000x128xf32, #tpu.memory_space<vmem_shared>> -> memref<80x128xf32, #tpu.memory_space<vmem_shared>>
      tpu.enqueue_dma source(%arg11 : memref<80x128xf32, #tpu.memory_space<vmem>>) target(%dma_start3A_193 : memref<80x128xf32, #tpu.memory_space<vmem_shared>>) target_semaphore(%run_scoped3A : memref<!tpu.dma_semaphore, #tpu.memory_space<semaphore_mem>>)
      %dma_wait3A_194 = arith.constant 0 : i32
      %dma_wait3A_195 = tpu.memref_slice %arg13[%add3A_14, %dma_wait3A_194] : memref<10000x128xf32, #tpu.memory_space<vmem_shared>> -> memref<80x128xf32, #tpu.memory_space<vmem_shared>>
      %dma_wait3A_196 = arith.constant 0 : i32
      %dma_wait3A_197 = tpu.memref_slice %arg13[%add3A_14, %dma_wait3A_196] : memref<10000x128xf32, #tpu.memory_space<vmem_shared>> -> memref<80x128xf32, #tpu.memory_space<vmem_shared>>
      tpu.wait_dma2 semaphore(%run_scoped3A : memref<!tpu.dma_semaphore, #tpu.memory_space<semaphore_mem>>) src(%arg11 : memref<80x128xf32, #tpu.memory_space<vmem>>) dst(%dma_wait3A_197 : memref<80x128xf32, #tpu.memory_space<vmem_shared>>)
      tpu.yield
    }) : () -> ()
    %mul3A_15 = arith.constant 625 : i32
    %mul3A_16 = arith.muli %arg1, %mul3A_15 : i32
    %add3A_17 = arith.constant 160 : i32
    %add3A_18 = arith.addi %mul3A_16, %add3A_17 : i32
    "tpu.region"() ({
      %run_scoped3A = tpu.sem_alloc : memref<!tpu.dma_semaphore, #tpu.memory_space<semaphore_mem>>
      %dma_start3A_190 = arith.constant 0 : i32
      %dma_start3A_191 = tpu.memref_slice %arg13[%add3A_18, %dma_start3A_190] : memref<10000x128xf32, #tpu.memory_space<vmem_shared>> -> memref<80x128xf32, #tpu.memory_space<vmem_shared>>
      %dma_start3A_192 = arith.constant 0 : i32
      %dma_start3A_193 = tpu.memref_slice %arg13[%add3A_18, %dma_start3A_192] : memref<10000x128xf32, #tpu.memory_space<vmem_shared>> -> memref<80x128xf32, #tpu.memory_space<vmem_shared>>
      tpu.enqueue_dma source(%arg11 : memref<80x128xf32, #tpu.memory_space<vmem>>) target(%dma_start3A_193 : memref<80x128xf32, #tpu.memory_space<vmem_shared>>) target_semaphore(%run_scoped3A : memref<!tpu.dma_semaphore, #tpu.memory_space<semaphore_mem>>)
      %dma_wait3A_194 = arith.constant 0 : i32
      %dma_wait3A_195 = tpu.memref_slice %arg13[%add3A_18, %dma_wait3A_194] : memref<10000x128xf32, #tpu.memory_space<vmem_shared>> -> memref<80x128xf32, #tpu.memory_space<vmem_shared>>
      %dma_wait3A_196 = arith.constant 0 : i32
      %dma_wait3A_197 = tpu.memref_slice %arg13[%add3A_18, %dma_wait3A_196] : memref<10000x128xf32, #tpu.memory_space<vmem_shared>> -> memref<80x128xf32, #tpu.memory_space<vmem_shared>>
      tpu.wait_dma2 semaphore(%run_scoped3A : memref<!tpu.dma_semaphore, #tpu.memory_space<semaphore_mem>>) src(%arg11 : memref<80x128xf32, #tpu.memory_space<vmem>>) dst(%dma_wait3A_197 : memref<80x128xf32, #tpu.memory_space<vmem_shared>>)
      tpu.yield
    }) : () -> ()
    %mul3A_19 = arith.constant 625 : i32
    %mul3A_20 = arith.muli %arg1, %mul3A_19 : i32
    %add3A_21 = arith.constant 240 : i32
    %add3A_22 = arith.addi %mul3A_20, %add3A_21 : i32
    "tpu.region"() ({
      %run_scoped3A = tpu.sem_alloc : memref<!tpu.dma_semaphore, #tpu.memory_space<semaphore_mem>>
      %dma_start3A_190 = arith.constant 0 : i32
      %dma_start3A_191 = tpu.memref_slice %arg13[%add3A_22, %dma_start3A_190] : memref<10000x128xf32, #tpu.memory_space<vmem_shared>> -> memref<80x128xf32, #tpu.memory_space<vmem_shared>>
      %dma_start3A_192 = arith.constant 0 : i32
      %dma_start3A_193 = tpu.memref_slice %arg13[%add3A_22, %dma_start3A_192] : memref<10000x128xf32, #tpu.memory_space<vmem_shared>> -> memref<80x128xf32, #tpu.memory_space<vmem_shared>>
      tpu.enqueue_dma source(%arg11 : memref<80x128xf32, #tpu.memory_space<vmem>>) target(%dma_start3A_193 : memref<80x128xf32, #tpu.memory_space<vmem_shared>>) target_semaphore(%run_scoped3A : memref<!tpu.dma_semaphore, #tpu.memory_space<semaphore_mem>>)
      %dma_wait3A_194 = arith.constant 0 : i32
      %dma_wait3A_195 = tpu.memref_slice %arg13[%add3A_22, %dma_wait3A_194] : memref<10000x128xf32, #tpu.memory_space<vmem_shared>> -> memref<80x128xf32, #tpu.memory_space<vmem_shared>>
      %dma_wait3A_196 = arith.constant 0 : i32
      %dma_wait3A_197 = tpu.memref_slice %arg13[%add3A_22, %dma_wait3A_196] : memref<10000x128xf32, #tpu.memory_space<vmem_shared>> -> memref<80x128xf32, #tpu.memory_space<vmem_shared>>
      tpu.wait_dma2 semaphore(%run_scoped3A : memref<!tpu.dma_semaphore, #tpu.memory_space<semaphore_mem>>) src(%arg11 : memref<80x128xf32, #tpu.memory_space<vmem>>) dst(%dma_wait3A_197 : memref<80x128xf32, #tpu.memory_space<vmem_shared>>)
      tpu.yield
    }) : () -> ()
    %mul3A_23 = arith.constant 625 : i32
    %mul3A_24 = arith.muli %arg1, %mul3A_23 : i32
    %add3A_25 = arith.constant 320 : i32
    %add3A_26 = arith.addi %mul3A_24, %add3A_25 : i32
    "tpu.region"() ({
      %run_scoped3A = tpu.sem_alloc : memref<!tpu.dma_semaphore, #tpu.memory_space<semaphore_mem>>
      %dma_start3A_190 = arith.constant 0 : i32
      %dma_start3A_191 = tpu.memref_slice %arg13[%add3A_26, %dma_start3A_190] : memref<10000x128xf32, #tpu.memory_space<vmem_shared>> -> memref<80x128xf32, #tpu.memory_space<vmem_shared>>
      %dma_start3A_192 = arith.constant 0 : i32
      %dma_start3A_193 = tpu.memref_slice %arg13[%add3A_26, %dma_start3A_192] : memref<10000x128xf32, #tpu.memory_space<vmem_shared>> -> memref<80x128xf32, #tpu.memory_space<vmem_shared>>
      tpu.enqueue_dma source(%arg11 : memref<80x128xf32, #tpu.memory_space<vmem>>) target(%dma_start3A_193 : memref<80x128xf32, #tpu.memory_space<vmem_shared>>) target_semaphore(%run_scoped3A : memref<!tpu.dma_semaphore, #tpu.memory_space<semaphore_mem>>)
      %dma_wait3A_194 = arith.constant 0 : i32
      %dma_wait3A_195 = tpu.memref_slice %arg13[%add3A_26, %dma_wait3A_194] : memref<10000x128xf32, #tpu.memory_space<vmem_shared>> -> memref<80x128xf32, #tpu.memory_space<vmem_shared>>
      %dma_wait3A_196 = arith.constant 0 : i32
      %dma_wait3A_197 = tpu.memref_slice %arg13[%add3A_26, %dma_wait3A_196] : memref<10000x128xf32, #tpu.memory_space<vmem_shared>> -> memref<80x128xf32, #tpu.memory_space<vmem_shared>>
      tpu.wait_dma2 semaphore(%run_scoped3A : memref<!tpu.dma_semaphore, #tpu.memory_space<semaphore_mem>>) src(%arg11 : memref<80x128xf32, #tpu.memory_space<vmem>>) dst(%dma_wait3A_197 : memref<80x128xf32, #tpu.memory_space<vmem_shared>>)
      tpu.yield
    }) : () -> ()
    %mul3A_27 = arith.constant 625 : i32
    %mul3A_28 = arith.muli %arg1, %mul3A_27 : i32
    %add3A_29 = arith.constant 400 : i32
    %add3A_30 = arith.addi %mul3A_28, %add3A_29 : i32
    "tpu.region"() ({
      %run_scoped3A = tpu.sem_alloc : memref<!tpu.dma_semaphore, #tpu.memory_space<semaphore_mem>>
      %dma_start3A_190 = arith.constant 0 : i32
      %dma_start3A_191 = tpu.memref_slice %arg13[%add3A_30, %dma_start3A_190] : memref<10000x128xf32, #tpu.memory_space<vmem_shared>> -> memref<80x128xf32, #tpu.memory_space<vmem_shared>>
      %dma_start3A_192 = arith.constant 0 : i32
      %dma_start3A_193 = tpu.memref_slice %arg13[%add3A_30, %dma_start3A_192] : memref<10000x128xf32, #tpu.memory_space<vmem_shared>> -> memref<80x128xf32, #tpu.memory_space<vmem_shared>>
      tpu.enqueue_dma source(%arg11 : memref<80x128xf32, #tpu.memory_space<vmem>>) target(%dma_start3A_193 : memref<80x128xf32, #tpu.memory_space<vmem_shared>>) target_semaphore(%run_scoped3A : memref<!tpu.dma_semaphore, #tpu.memory_space<semaphore_mem>>)
      %dma_wait3A_194 = arith.constant 0 : i32
      %dma_wait3A_195 = tpu.memref_slice %arg13[%add3A_30, %dma_wait3A_194] : memref<10000x128xf32, #tpu.memory_space<vmem_shared>> -> memref<80x128xf32, #tpu.memory_space<vmem_shared>>
      %dma_wait3A_196 = arith.constant 0 : i32
      %dma_wait3A_197 = tpu.memref_slice %arg13[%add3A_30, %dma_wait3A_196] : memref<10000x128xf32, #tpu.memory_space<vmem_shared>> -> memref<80x128xf32, #tpu.memory_space<vmem_shared>>
      tpu.wait_dma2 semaphore(%run_scoped3A : memref<!tpu.dma_semaphore, #tpu.memory_space<semaphore_mem>>) src(%arg11 : memref<80x128xf32, #tpu.memory_space<vmem>>) dst(%dma_wait3A_197 : memref<80x128xf32, #tpu.memory_space<vmem_shared>>)
      tpu.yield
    }) : () -> ()
    %mul3A_31 = arith.constant 625 : i32
    %mul3A_32 = arith.muli %arg1, %mul3A_31 : i32
    %add3A_33 = arith.constant 480 : i32
    %add3A_34 = arith.addi %mul3A_32, %add3A_33 : i32
    "tpu.region"() ({
      %run_scoped3A = tpu.sem_alloc : memref<!tpu.dma_semaphore, #tpu.memory_space<semaphore_mem>>
      %dma_start3A_190 = arith.constant 0 : i32
      %dma_start3A_191 = tpu.memref_slice %arg13[%add3A_34, %dma_start3A_190] : memref<10000x128xf32, #tpu.memory_space<vmem_shared>> -> memref<80x128xf32, #tpu.memory_space<vmem_shared>>
      %dma_start3A_192 = arith.constant 0 : i32
      %dma_start3A_193 = tpu.memref_slice %arg13[%add3A_34, %dma_start3A_192] : memref<10000x128xf32, #tpu.memory_space<vmem_shared>> -> memref<80x128xf32, #tpu.memory_space<vmem_shared>>
      tpu.enqueue_dma source(%arg11 : memref<80x128xf32, #tpu.memory_space<vmem>>) target(%dma_start3A_193 : memref<80x128xf32, #tpu.memory_space<vmem_shared>>) target_semaphore(%run_scoped3A : memref<!tpu.dma_semaphore, #tpu.memory_space<semaphore_mem>>)
      %dma_wait3A_194 = arith.constant 0 : i32
      %dma_wait3A_195 = tpu.memref_slice %arg13[%add3A_34, %dma_wait3A_194] : memref<10000x128xf32, #tpu.memory_space<vmem_shared>> -> memref<80x128xf32, #tpu.memory_space<vmem_shared>>
      %dma_wait3A_196 = arith.constant 0 : i32
      %dma_wait3A_197 = tpu.memref_slice %arg13[%add3A_34, %dma_wait3A_196] : memref<10000x128xf32, #tpu.memory_space<vmem_shared>> -> memref<80x128xf32, #tpu.memory_space<vmem_shared>>
      tpu.wait_dma2 semaphore(%run_scoped3A : memref<!tpu.dma_semaphore, #tpu.memory_space<semaphore_mem>>) src(%arg11 : memref<80x128xf32, #tpu.memory_space<vmem>>) dst(%dma_wait3A_197 : memref<80x128xf32, #tpu.memory_space<vmem_shared>>)
      tpu.yield
    }) : () -> ()
    %mul3A_35 = arith.constant 625 : i32
    %mul3A_36 = arith.muli %arg1, %mul3A_35 : i32
    %add3A_37 = arith.constant 560 : i32
    %add3A_38 = arith.addi %mul3A_36, %add3A_37 : i32
    "tpu.region"() ({
      %run_scoped3A = tpu.sem_alloc : memref<!tpu.dma_semaphore, #tpu.memory_space<semaphore_mem>>
      %dma_start3A_190 = arith.constant 0 : i32
      %dma_start3A_191 = arith.constant 0 : i32
      %dma_start3A_192 = tpu.memref_slice %arg11[%dma_start3A_190, %dma_start3A_191] : memref<80x128xf32, #tpu.memory_space<vmem>> -> memref<65x128xf32, #tpu.memory_space<vmem>>
      %dma_start3A_193 = arith.constant 0 : i32
      %dma_start3A_194 = tpu.memref_slice %arg13[%add3A_38, %dma_start3A_193] : memref<10000x128xf32, #tpu.memory_space<vmem_shared>> -> memref<65x128xf32, #tpu.memory_space<vmem_shared>>
      %dma_start3A_195 = arith.constant 0 : i32
      %dma_start3A_196 = tpu.memref_slice %arg13[%add3A_38, %dma_start3A_195] : memref<10000x128xf32, #tpu.memory_space<vmem_shared>> -> memref<65x128xf32, #tpu.memory_space<vmem_shared>>
      %dma_start3A_197 = arith.constant 0 : i32
      %dma_start3A_198 = arith.constant 0 : i32
      %dma_start3A_199 = tpu.memref_slice %arg11[%dma_start3A_197, %dma_start3A_198] : memref<80x128xf32, #tpu.memory_space<vmem>> -> memref<65x128xf32, #tpu.memory_space<vmem>>
      tpu.enqueue_dma source(%dma_start3A_199 : memref<65x128xf32, #tpu.memory_space<vmem>>) target(%dma_start3A_196 : memref<65x128xf32, #tpu.memory_space<vmem_shared>>) target_semaphore(%run_scoped3A : memref<!tpu.dma_semaphore, #tpu.memory_space<semaphore_mem>>)
      %dma_wait3A_200 = arith.constant 0 : i32
      %dma_wait3A_201 = arith.constant 0 : i32
      %dma_wait3A_202 = tpu.memref_slice %arg11[%dma_wait3A_200, %dma_wait3A_201] : memref<80x128xf32, #tpu.memory_space<vmem>> -> memref<65x128xf32, #tpu.memory_space<vmem>>
      %dma_wait3A_203 = arith.constant 0 : i32
      %dma_wait3A_204 = tpu.memref_slice %arg13[%add3A_38, %dma_wait3A_203] : memref<10000x128xf32, #tpu.memory_space<vmem_shared>> -> memref<65x128xf32, #tpu.memory_space<vmem_shared>>
      %dma_wait3A_205 = arith.constant 0 : i32
      %dma_wait3A_206 = tpu.memref_slice %arg13[%add3A_38, %dma_wait3A_205] : memref<10000x128xf32, #tpu.memory_space<vmem_shared>> -> memref<65x128xf32, #tpu.memory_space<vmem_shared>>
      %dma_wait3A_207 = arith.constant 0 : i32
      %dma_wait3A_208 = arith.constant 0 : i32
      %dma_wait3A_209 = tpu.memref_slice %arg11[%dma_wait3A_207, %dma_wait3A_208] : memref<80x128xf32, #tpu.memory_space<vmem>> -> memref<65x128xf32, #tpu.memory_space<vmem>>
      tpu.wait_dma2 semaphore(%run_scoped3A : memref<!tpu.dma_semaphore, #tpu.memory_space<semaphore_mem>>) src(%dma_wait3A_209 : memref<65x128xf32, #tpu.memory_space<vmem>>) dst(%dma_wait3A_206 : memref<65x128xf32, #tpu.memory_space<vmem_shared>>)
      tpu.yield
    }) : () -> ()
    %barrier3A = arith.constant 0 : index
    tpu.barrier barrier_id(%barrier3A)
    %add3A_39 = arith.constant 0 : i32
    %add3A_40 = arith.addi %mul3A_2, %add3A_39 : i32
    %dma_start3A = arith.constant 0 : i32
    %dma_start3A_41 = tpu.memref_slice %arg3[%dma_start3A, %add3A_40] : memref<2x320000xi32, #tpu.memory_space<hbm>> -> memref<2x80xi32, #tpu.memory_space<hbm>>
    %dma_start3A_42 = arith.constant 0 : i32
    %dma_start3A_43 = tpu.memref_slice %arg3[%dma_start3A_42, %add3A_40] : memref<2x320000xi32, #tpu.memory_space<hbm>> -> memref<2x80xi32, #tpu.memory_space<hbm>>
    tpu.enqueue_dma source(%dma_start3A_43 : memref<2x80xi32, #tpu.memory_space<hbm>>) target(%arg6 : memref<2x80xi32, #tpu.memory_space<vmem>>) target_semaphore(%arg14 : memref<!tpu.dma_semaphore, #tpu.memory_space<semaphore_mem>>)
    %add3A_44 = arith.constant 80 : i32
    %add3A_45 = arith.addi %mul3A_2, %add3A_44 : i32
    %dma_start3A_46 = arith.constant 0 : i32
    %dma_start3A_47 = tpu.memref_slice %arg3[%dma_start3A_46, %add3A_45] : memref<2x320000xi32, #tpu.memory_space<hbm>> -> memref<2x80xi32, #tpu.memory_space<hbm>>
    %dma_start3A_48 = arith.constant 0 : i32
    %dma_start3A_49 = tpu.memref_slice %arg3[%dma_start3A_48, %add3A_45] : memref<2x320000xi32, #tpu.memory_space<hbm>> -> memref<2x80xi32, #tpu.memory_space<hbm>>
    tpu.enqueue_dma source(%dma_start3A_49 : memref<2x80xi32, #tpu.memory_space<hbm>>) target(%arg7 : memref<2x80xi32, #tpu.memory_space<vmem>>) target_semaphore(%arg15 : memref<!tpu.dma_semaphore, #tpu.memory_space<semaphore_mem>>)
    %add3A_50 = arith.constant 0 : i32
    %add3A_51 = arith.addi %mul3A_2, %add3A_50 : i32
    %dma_wait3A = arith.constant 0 : i32
    %dma_wait3A_52 = tpu.memref_slice %arg3[%dma_wait3A, %add3A_51] : memref<2x320000xi32, #tpu.memory_space<hbm>> -> memref<2x80xi32, #tpu.memory_space<hbm>>
    %dma_wait3A_53 = arith.constant 0 : i32
    %dma_wait3A_54 = tpu.memref_slice %arg3[%dma_wait3A_53, %add3A_51] : memref<2x320000xi32, #tpu.memory_space<hbm>> -> memref<2x80xi32, #tpu.memory_space<hbm>>
    tpu.wait_dma2 semaphore(%arg14 : memref<!tpu.dma_semaphore, #tpu.memory_space<semaphore_mem>>) src(%dma_wait3A_54 : memref<2x80xi32, #tpu.memory_space<hbm>>) dst(%arg6 : memref<2x80xi32, #tpu.memory_space<vmem>>)
    %dma_start3A_55 = arith.constant 0 : i32
    %dma_start3A_56 = arith.constant 0 : i32
    %dma_start3A_57 = tpu.memref_slice %arg6[%dma_start3A_55, %dma_start3A_56] : memref<2x80xi32, #tpu.memory_space<vmem>> -> memref<1x80xi32, #tpu.memory_space<vmem>>
    %dma_start3A_58 = tpu.memref_squeeze %dma_start3A_57 : memref<1x80xi32, #tpu.memory_space<vmem>> -> memref<80xi32, #tpu.memory_space<vmem>>
    %dma_start3A_59 = arith.constant 0 : i32
    %dma_start3A_60 = arith.constant 0 : i32
    %dma_start3A_61 = tpu.memref_slice %arg2[%dma_start3A_59, %dma_start3A_60] : memref<10000x128xf32, #tpu.memory_space<hbm>> -> memref<10000x128xf32, #tpu.memory_space<hbm>>
    tpu.enqueue_indirect_dma source(%dma_start3A_61 : memref<10000x128xf32, #tpu.memory_space<hbm>>) target(%arg9 : memref<80x128xf32, #tpu.memory_space<vmem>>) offsets(%dma_start3A_58 : memref<80xi32, #tpu.memory_space<vmem>>) semaphore(%arg16 : memref<!tpu.dma_semaphore, #tpu.memory_space<semaphore_mem>>)
    %add3A_62 = arith.constant 0 : i32
    %add3A_63 = arith.addi %mul3A_2, %add3A_62 : i32
    %dma_start3A_64 = arith.constant 0 : i32
    %dma_start3A_65 = tpu.memref_slice %arg4[%add3A_63, %dma_start3A_64] : memref<320000x128xf32, #tpu.memory_space<hbm>> -> memref<80x128xf32, #tpu.memory_space<hbm>>
    %dma_start3A_66 = arith.constant 0 : i32
    %dma_start3A_67 = tpu.memref_slice %arg4[%add3A_63, %dma_start3A_66] : memref<320000x128xf32, #tpu.memory_space<hbm>> -> memref<80x128xf32, #tpu.memory_space<hbm>>
    tpu.enqueue_dma source(%dma_start3A_67 : memref<80x128xf32, #tpu.memory_space<hbm>>) target(%arg11 : memref<80x128xf32, #tpu.memory_space<vmem>>) target_semaphore(%arg18 : memref<!tpu.dma_semaphore, #tpu.memory_space<semaphore_mem>>)
    %scan3A_68 = arith.constant 0 : i32
    %scan3A_69 = arith.constant 62 : i32
    %scan3A_70 = arith.addi %scan3A_68, %scan3A_69 : i32
    %scan3A_71 = arith.constant 1 : i32
    scf.for %scan3A_190 = %scan3A_68 to %scan3A_70 step %scan3A_71  : i32 {
      %mul3A_191 = arith.constant 1 : i32
      %mul3A_192 = arith.muli %scan3A_190, %mul3A_191 : i32
      %add3A_193 = arith.constant 0 : i32
      %add3A_194 = arith.addi %add3A_193, %mul3A_192 : i32
      %mul3A_195 = arith.constant 2 : i32
      %mul3A_196 = arith.muli %mul3A_195, %add3A_194 : i32
      %add3A_197 = arith.constant 0 : i32
      %add3A_198 = arith.addi %mul3A_196, %add3A_197 : i32
      %gt3A = arith.constant 0 : i32
      %gt3A_199 = arith.cmpi sgt, %add3A_194, %gt3A : i32
      %convert_element_type3A = arith.extui %gt3A_199 : i1 to i32
      %cond3A = arith.constant 0 : i32
      %cond3A_200 = arith.cmpi ne, %convert_element_type3A, %cond3A : i32
      scf.if %cond3A_200 {
        %dma_wait3A_373 = arith.constant 1 : i32
        %dma_wait3A_374 = arith.constant 0 : i32
        %dma_wait3A_375 = tpu.memref_slice %arg8[%dma_wait3A_373, %dma_wait3A_374] : memref<2x80xi32, #tpu.memory_space<vmem>> -> memref<1x80xi32, #tpu.memory_space<vmem>>
        %dma_wait3A_376 = tpu.memref_squeeze %dma_wait3A_375 : memref<1x80xi32, #tpu.memory_space<vmem>> -> memref<80xi32, #tpu.memory_space<vmem>>
        %dma_wait3A_377 = arith.constant 0 : i32
        %dma_wait3A_378 = arith.constant 0 : i32
        %dma_wait3A_379 = tpu.memref_slice %arg13[%dma_wait3A_377, %dma_wait3A_378] : memref<10000x128xf32, #tpu.memory_space<vmem_shared>> -> memref<10000x128xf32, #tpu.memory_space<vmem_shared>>
        tpu.wait_indirect_dma semaphore(%arg21 : memref<!tpu.dma_semaphore, #tpu.memory_space<semaphore_mem>>) src(%arg10 : memref<80x128xf32, #tpu.memory_space<vmem>>) dst(%dma_wait3A_379 : memref<10000x128xf32, #tpu.memory_space<vmem_shared>>)
      } else {
      }
      %lt3A = arith.constant 124 : i32
      %lt3A_201 = arith.cmpi slt, %add3A_198, %lt3A : i32
      %convert_element_type3A_202 = arith.extui %lt3A_201 : i1 to i32
      %cond3A_203 = arith.constant 0 : i32
      %cond3A_204 = arith.cmpi ne, %convert_element_type3A_202, %cond3A_203 : i32
      scf.if %cond3A_204 {
        %add3A_373 = arith.constant 1 : i32
        %add3A_374 = arith.addi %add3A_198, %add3A_373 : i32
        %mul3A_375 = arith.constant 80 : i32
        %mul3A_376 = arith.muli %add3A_374, %mul3A_375 : i32
        %add3A_377 = arith.addi %mul3A_2, %mul3A_376 : i32
        %dma_wait3A_378 = arith.constant 0 : i32
        %dma_wait3A_379 = tpu.memref_slice %arg3[%dma_wait3A_378, %add3A_377] : memref<2x320000xi32, #tpu.memory_space<hbm>> -> memref<2x80xi32, #tpu.memory_space<hbm>>
        %dma_wait3A_380 = arith.constant 0 : i32
        %dma_wait3A_381 = tpu.memref_slice %arg3[%dma_wait3A_380, %add3A_377] : memref<2x320000xi32, #tpu.memory_space<hbm>> -> memref<2x80xi32, #tpu.memory_space<hbm>>
        tpu.wait_dma2 semaphore(%arg15 : memref<!tpu.dma_semaphore, #tpu.memory_space<semaphore_mem>>) src(%dma_wait3A_381 : memref<2x80xi32, #tpu.memory_space<hbm>>) dst(%arg7 : memref<2x80xi32, #tpu.memory_space<vmem>>)
        %add3A_382 = arith.constant 1 : i32
        %add3A_383 = arith.addi %add3A_198, %add3A_382 : i32
        %dma_start3A_384 = arith.constant 0 : i32
        %dma_start3A_385 = arith.constant 0 : i32
        %dma_start3A_386 = tpu.memref_slice %arg7[%dma_start3A_384, %dma_start3A_385] : memref<2x80xi32, #tpu.memory_space<vmem>> -> memref<1x80xi32, #tpu.memory_space<vmem>>
        %dma_start3A_387 = tpu.memref_squeeze %dma_start3A_386 : memref<1x80xi32, #tpu.memory_space<vmem>> -> memref<80xi32, #tpu.memory_space<vmem>>
        %dma_start3A_388 = arith.constant 0 : i32
        %dma_start3A_389 = arith.constant 0 : i32
        %dma_start3A_390 = tpu.memref_slice %arg2[%dma_start3A_388, %dma_start3A_389] : memref<10000x128xf32, #tpu.memory_space<hbm>> -> memref<10000x128xf32, #tpu.memory_space<hbm>>
        tpu.enqueue_indirect_dma source(%dma_start3A_390 : memref<10000x128xf32, #tpu.memory_space<hbm>>) target(%arg10 : memref<80x128xf32, #tpu.memory_space<vmem>>) offsets(%dma_start3A_387 : memref<80xi32, #tpu.memory_space<vmem>>) semaphore(%arg17 : memref<!tpu.dma_semaphore, #tpu.memory_space<semaphore_mem>>)
        %mul3A_391 = arith.constant 80 : i32
        %mul3A_392 = arith.muli %add3A_383, %mul3A_391 : i32
        %add3A_393 = arith.addi %mul3A_2, %mul3A_392 : i32
        %dma_start3A_394 = arith.constant 0 : i32
        %dma_start3A_395 = tpu.memref_slice %arg4[%add3A_393, %dma_start3A_394] : memref<320000x128xf32, #tpu.memory_space<hbm>> -> memref<80x128xf32, #tpu.memory_space<hbm>>
        %dma_start3A_396 = arith.constant 0 : i32
        %dma_start3A_397 = tpu.memref_slice %arg4[%add3A_393, %dma_start3A_396] : memref<320000x128xf32, #tpu.memory_space<hbm>> -> memref<80x128xf32, #tpu.memory_space<hbm>>
        tpu.enqueue_dma source(%dma_start3A_397 : memref<80x128xf32, #tpu.memory_space<hbm>>) target(%arg12 : memref<80x128xf32, #tpu.memory_space<vmem>>) target_semaphore(%arg19 : memref<!tpu.dma_semaphore, #tpu.memory_space<semaphore_mem>>)
      } else {
      }
      %dma_wait3A_205 = arith.constant 0 : i32
      %dma_wait3A_206 = arith.constant 0 : i32
      %dma_wait3A_207 = tpu.memref_slice %arg6[%dma_wait3A_205, %dma_wait3A_206] : memref<2x80xi32, #tpu.memory_space<vmem>> -> memref<1x80xi32, #tpu.memory_space<vmem>>
      %dma_wait3A_208 = tpu.memref_squeeze %dma_wait3A_207 : memref<1x80xi32, #tpu.memory_space<vmem>> -> memref<80xi32, #tpu.memory_space<vmem>>
      %dma_wait3A_209 = arith.constant 0 : i32
      %dma_wait3A_210 = arith.constant 0 : i32
      %dma_wait3A_211 = tpu.memref_slice %arg2[%dma_wait3A_209, %dma_wait3A_210] : memref<10000x128xf32, #tpu.memory_space<hbm>> -> memref<10000x128xf32, #tpu.memory_space<hbm>>
      tpu.wait_indirect_dma semaphore(%arg16 : memref<!tpu.dma_semaphore, #tpu.memory_space<semaphore_mem>>) src(%dma_wait3A_211 : memref<10000x128xf32, #tpu.memory_space<hbm>>) dst(%arg9 : memref<80x128xf32, #tpu.memory_space<vmem>>)
      %mul3A_212 = arith.constant 80 : i32
      %mul3A_213 = arith.muli %add3A_198, %mul3A_212 : i32
      %add3A_214 = arith.addi %mul3A_2, %mul3A_213 : i32
      %dma_wait3A_215 = arith.constant 0 : i32
      %dma_wait3A_216 = tpu.memref_slice %arg4[%add3A_214, %dma_wait3A_215] : memref<320000x128xf32, #tpu.memory_space<hbm>> -> memref<80x128xf32, #tpu.memory_space<hbm>>
      %dma_wait3A_217 = arith.constant 0 : i32
      %dma_wait3A_218 = tpu.memref_slice %arg4[%add3A_214, %dma_wait3A_217] : memref<320000x128xf32, #tpu.memory_space<hbm>> -> memref<80x128xf32, #tpu.memory_space<hbm>>
      tpu.wait_dma2 semaphore(%arg18 : memref<!tpu.dma_semaphore, #tpu.memory_space<semaphore_mem>>) src(%dma_wait3A_218 : memref<80x128xf32, #tpu.memory_space<hbm>>) dst(%arg11 : memref<80x128xf32, #tpu.memory_space<vmem>>)
      %lt3A_219 = arith.constant 123 : i32
      %lt3A_220 = arith.cmpi slt, %add3A_198, %lt3A_219 : i32
      %convert_element_type3A_221 = arith.extui %lt3A_220 : i1 to i32
      %cond3A_222 = arith.constant 0 : i32
      %cond3A_223 = arith.cmpi ne, %convert_element_type3A_221, %cond3A_222 : i32
      scf.if %cond3A_223 {
        %add3A_373 = arith.constant 2 : i32
        %add3A_374 = arith.addi %add3A_198, %add3A_373 : i32
        %mul3A_375 = arith.constant 80 : i32
        %mul3A_376 = arith.muli %add3A_374, %mul3A_375 : i32
        %add3A_377 = arith.addi %mul3A_2, %mul3A_376 : i32
        %dma_start3A_378 = arith.constant 0 : i32
        %dma_start3A_379 = tpu.memref_slice %arg3[%dma_start3A_378, %add3A_377] : memref<2x320000xi32, #tpu.memory_space<hbm>> -> memref<2x80xi32, #tpu.memory_space<hbm>>
        %dma_start3A_380 = arith.constant 0 : i32
        %dma_start3A_381 = tpu.memref_slice %arg3[%dma_start3A_380, %add3A_377] : memref<2x320000xi32, #tpu.memory_space<hbm>> -> memref<2x80xi32, #tpu.memory_space<hbm>>
        tpu.enqueue_dma source(%dma_start3A_381 : memref<2x80xi32, #tpu.memory_space<hbm>>) target(%arg6 : memref<2x80xi32, #tpu.memory_space<vmem>>) target_semaphore(%arg14 : memref<!tpu.dma_semaphore, #tpu.memory_space<semaphore_mem>>)
      } else {
      }
      %get3A_224 = arith.constant 1 : index
      %get3A_225 = arith.constant 0 : index
      %get3A_226 = tpu.vector_load %arg6[%get3A_224, %get3A_225] {strides = array<i32>} : memref<2x80xi32, #tpu.memory_space<vmem>>, vector<1x16xi32>,
      %get3A_227 = vector.shape_cast %get3A_226 : vector<1x16xi32> to vector<1x16xi32>
      %swap3A_228 = arith.constant 0 : index
      %swap3A_229 = arith.constant 0 : index
      %swap3A_230 = tpu.vector_load %arg8[%swap3A_228, %swap3A_229] {strides = array<i32>} : memref<2x80xi32, #tpu.memory_space<vmem>>, vector<1x16xi32>,
      %swap3A_231 = vector.shape_cast %swap3A_230 : vector<1x16xi32> to vector<1x16xi32>
      %swap3A_232 = vector.shape_cast %get3A_227 : vector<1x16xi32> to vector<1x16xi32>
      tpu.vector_store %arg8[%swap3A_228, %swap3A_229], %swap3A_232 {strides = array<i32>} : memref<2x80xi32, #tpu.memory_space<vmem>>, vector<1x16xi32>,
      %get3A_233 = arith.constant 1 : index
      %get3A_234 = arith.constant 16 : index
      %get3A_235 = tpu.vector_load %arg6[%get3A_233, %get3A_234] {strides = array<i32>} : memref<2x80xi32, #tpu.memory_space<vmem>>, vector<1x16xi32>,
      %get3A_236 = vector.shape_cast %get3A_235 : vector<1x16xi32> to vector<1x16xi32>
      %swap3A_237 = arith.constant 0 : index
      %swap3A_238 = arith.constant 16 : index
      %swap3A_239 = tpu.vector_load %arg8[%swap3A_237, %swap3A_238] {strides = array<i32>} : memref<2x80xi32, #tpu.memory_space<vmem>>, vector<1x16xi32>,
      %swap3A_240 = vector.shape_cast %swap3A_239 : vector<1x16xi32> to vector<1x16xi32>
      %swap3A_241 = vector.shape_cast %get3A_236 : vector<1x16xi32> to vector<1x16xi32>
      tpu.vector_store %arg8[%swap3A_237, %swap3A_238], %swap3A_241 {strides = array<i32>} : memref<2x80xi32, #tpu.memory_space<vmem>>, vector<1x16xi32>,
      %get3A_242 = arith.constant 1 : index
      %get3A_243 = arith.constant 32 : index
      %get3A_244 = tpu.vector_load %arg6[%get3A_242, %get3A_243] {strides = array<i32>} : memref<2x80xi32, #tpu.memory_space<vmem>>, vector<1x16xi32>,
      %get3A_245 = vector.shape_cast %get3A_244 : vector<1x16xi32> to vector<1x16xi32>
      %swap3A_246 = arith.constant 0 : index
      %swap3A_247 = arith.constant 32 : index
      %swap3A_248 = tpu.vector_load %arg8[%swap3A_246, %swap3A_247] {strides = array<i32>} : memref<2x80xi32, #tpu.memory_space<vmem>>, vector<1x16xi32>,
      %swap3A_249 = vector.shape_cast %swap3A_248 : vector<1x16xi32> to vector<1x16xi32>
      %swap3A_250 = vector.shape_cast %get3A_245 : vector<1x16xi32> to vector<1x16xi32>
      tpu.vector_store %arg8[%swap3A_246, %swap3A_247], %swap3A_250 {strides = array<i32>} : memref<2x80xi32, #tpu.memory_space<vmem>>, vector<1x16xi32>,
      %get3A_251 = arith.constant 1 : index
      %get3A_252 = arith.constant 48 : index
      %get3A_253 = tpu.vector_load %arg6[%get3A_251, %get3A_252] {strides = array<i32>} : memref<2x80xi32, #tpu.memory_space<vmem>>, vector<1x16xi32>,
      %get3A_254 = vector.shape_cast %get3A_253 : vector<1x16xi32> to vector<1x16xi32>
      %swap3A_255 = arith.constant 0 : index
      %swap3A_256 = arith.constant 48 : index
      %swap3A_257 = tpu.vector_load %arg8[%swap3A_255, %swap3A_256] {strides = array<i32>} : memref<2x80xi32, #tpu.memory_space<vmem>>, vector<1x16xi32>,
      %swap3A_258 = vector.shape_cast %swap3A_257 : vector<1x16xi32> to vector<1x16xi32>
      %swap3A_259 = vector.shape_cast %get3A_254 : vector<1x16xi32> to vector<1x16xi32>
      tpu.vector_store %arg8[%swap3A_255, %swap3A_256], %swap3A_259 {strides = array<i32>} : memref<2x80xi32, #tpu.memory_space<vmem>>, vector<1x16xi32>,
      %get3A_260 = arith.constant 1 : index
      %get3A_261 = arith.constant 64 : index
      %get3A_262 = tpu.vector_load %arg6[%get3A_260, %get3A_261] {strides = array<i32>} : memref<2x80xi32, #tpu.memory_space<vmem>>, vector<1x16xi32>,
      %get3A_263 = vector.shape_cast %get3A_262 : vector<1x16xi32> to vector<1x16xi32>
      %swap3A_264 = arith.constant 0 : index
      %swap3A_265 = arith.constant 64 : index
      %swap3A_266 = tpu.vector_load %arg8[%swap3A_264, %swap3A_265] {strides = array<i32>} : memref<2x80xi32, #tpu.memory_space<vmem>>, vector<1x16xi32>,
      %swap3A_267 = vector.shape_cast %swap3A_266 : vector<1x16xi32> to vector<1x16xi32>
      %swap3A_268 = vector.shape_cast %get3A_263 : vector<1x16xi32> to vector<1x16xi32>
      tpu.vector_store %arg8[%swap3A_264, %swap3A_265], %swap3A_268 {strides = array<i32>} : memref<2x80xi32, #tpu.memory_space<vmem>>, vector<1x16xi32>,
      %scan3A_269 = arith.constant 0 : i32
      %scan3A_270 = arith.constant 80 : i32
      %scan3A_271 = arith.addi %scan3A_269, %scan3A_270 : i32
      %scan3A_272 = arith.constant 1 : i32
      scf.for %scan3A_373 = %scan3A_269 to %scan3A_271 step %scan3A_272  : i32 {
        %mul3A_374 = arith.constant 1 : i32
        %mul3A_375 = arith.muli %scan3A_373, %mul3A_374 : i32
        %add3A_376 = arith.constant 0 : i32
        %add3A_377 = arith.addi %add3A_376, %mul3A_375 : i32
        %get3A_378 = arith.index_cast %add3A_377 : i32 to index
        %get3A_379 = arith.constant 0 : index
        %get3A_380 = tpu.vector_load %arg9[%get3A_378, %get3A_379] {strides = array<i32>} : memref<80x128xf32, #tpu.memory_space<vmem>>, vector<1x16xf32>,
        %get3A_381 = vector.shape_cast %get3A_380 : vector<1x16xf32> to vector<1x16xf32>
        %get3A_382 = arith.index_cast %add3A_377 : i32 to index
        %get3A_383 = arith.constant 0 : index
        %get3A_384 = tpu.vector_load %arg11[%get3A_382, %get3A_383] {strides = array<i32>} : memref<80x128xf32, #tpu.memory_space<vmem>>, vector<1x16xf32>,
        %get3A_385 = vector.shape_cast %get3A_384 : vector<1x16xf32> to vector<1x16xf32>
        %add3A_386 = arith.addf %get3A_381, %get3A_385 : vector<1x16xf32>
        %max3A = arith.constant 0.000000e+00 : f32
        %max3A_387 = vector.broadcast %max3A : f32 to vector<1x16xf32>
        %max3A_388 = arith.maximumf %add3A_386, %max3A_387 : vector<1x16xf32>
        %swap3A_389 = arith.index_cast %add3A_377 : i32 to index
        %swap3A_390 = arith.constant 0 : index
        %swap3A_391 = tpu.vector_load %arg9[%swap3A_389, %swap3A_390] {strides = array<i32>} : memref<80x128xf32, #tpu.memory_space<vmem>>, vector<1x16xf32>,
        %swap3A_392 = vector.shape_cast %swap3A_391 : vector<1x16xf32> to vector<1x16xf32>
        %swap3A_393 = vector.shape_cast %max3A_388 : vector<1x16xf32> to vector<1x16xf32>
        tpu.vector_store %arg9[%swap3A_389, %swap3A_390], %swap3A_393 {strides = array<i32>} : memref<80x128xf32, #tpu.memory_space<vmem>>, vector<1x16xf32>,
        %get3A_394 = arith.index_cast %add3A_377 : i32 to index
        %get3A_395 = arith.constant 16 : index
        %get3A_396 = tpu.vector_load %arg9[%get3A_394, %get3A_395] {strides = array<i32>} : memref<80x128xf32, #tpu.memory_space<vmem>>, vector<1x16xf32>,
        %get3A_397 = vector.shape_cast %get3A_396 : vector<1x16xf32> to vector<1x16xf32>
        %get3A_398 = arith.index_cast %add3A_377 : i32 to index
        %get3A_399 = arith.constant 16 : index
        %get3A_400 = tpu.vector_load %arg11[%get3A_398, %get3A_399] {strides = array<i32>} : memref<80x128xf32, #tpu.memory_space<vmem>>, vector<1x16xf32>,
        %get3A_401 = vector.shape_cast %get3A_400 : vector<1x16xf32> to vector<1x16xf32>
        %add3A_402 = arith.addf %get3A_397, %get3A_401 : vector<1x16xf32>
        %max3A_403 = arith.constant 0.000000e+00 : f32
        %max3A_404 = vector.broadcast %max3A_403 : f32 to vector<1x16xf32>
        %max3A_405 = arith.maximumf %add3A_402, %max3A_404 : vector<1x16xf32>
        %swap3A_406 = arith.index_cast %add3A_377 : i32 to index
        %swap3A_407 = arith.constant 16 : index
        %swap3A_408 = tpu.vector_load %arg9[%swap3A_406, %swap3A_407] {strides = array<i32>} : memref<80x128xf32, #tpu.memory_space<vmem>>, vector<1x16xf32>,
        %swap3A_409 = vector.shape_cast %swap3A_408 : vector<1x16xf32> to vector<1x16xf32>
        %swap3A_410 = vector.shape_cast %max3A_405 : vector<1x16xf32> to vector<1x16xf32>
        tpu.vector_store %arg9[%swap3A_406, %swap3A_407], %swap3A_410 {strides = array<i32>} : memref<80x128xf32, #tpu.memory_space<vmem>>, vector<1x16xf32>,
        %get3A_411 = arith.index_cast %add3A_377 : i32 to index
        %get3A_412 = arith.constant 32 : index
        %get3A_413 = tpu.vector_load %arg9[%get3A_411, %get3A_412] {strides = array<i32>} : memref<80x128xf32, #tpu.memory_space<vmem>>, vector<1x16xf32>,
        %get3A_414 = vector.shape_cast %get3A_413 : vector<1x16xf32> to vector<1x16xf32>
        %get3A_415 = arith.index_cast %add3A_377 : i32 to index
        %get3A_416 = arith.constant 32 : index
        %get3A_417 = tpu.vector_load %arg11[%get3A_415, %get3A_416] {strides = array<i32>} : memref<80x128xf32, #tpu.memory_space<vmem>>, vector<1x16xf32>,
        %get3A_418 = vector.shape_cast %get3A_417 : vector<1x16xf32> to vector<1x16xf32>
        %add3A_419 = arith.addf %get3A_414, %get3A_418 : vector<1x16xf32>
        %max3A_420 = arith.constant 0.000000e+00 : f32
        %max3A_421 = vector.broadcast %max3A_420 : f32 to vector<1x16xf32>
        %max3A_422 = arith.maximumf %add3A_419, %max3A_421 : vector<1x16xf32>
        %swap3A_423 = arith.index_cast %add3A_377 : i32 to index
        %swap3A_424 = arith.constant 32 : index
        %swap3A_425 = tpu.vector_load %arg9[%swap3A_423, %swap3A_424] {strides = array<i32>} : memref<80x128xf32, #tpu.memory_space<vmem>>, vector<1x16xf32>,
        %swap3A_426 = vector.shape_cast %swap3A_425 : vector<1x16xf32> to vector<1x16xf32>
        %swap3A_427 = vector.shape_cast %max3A_422 : vector<1x16xf32> to vector<1x16xf32>
        tpu.vector_store %arg9[%swap3A_423, %swap3A_424], %swap3A_427 {strides = array<i32>} : memref<80x128xf32, #tpu.memory_space<vmem>>, vector<1x16xf32>,
        %get3A_428 = arith.index_cast %add3A_377 : i32 to index
        %get3A_429 = arith.constant 48 : index
        %get3A_430 = tpu.vector_load %arg9[%get3A_428, %get3A_429] {strides = array<i32>} : memref<80x128xf32, #tpu.memory_space<vmem>>, vector<1x16xf32>,
        %get3A_431 = vector.shape_cast %get3A_430 : vector<1x16xf32> to vector<1x16xf32>
        %get3A_432 = arith.index_cast %add3A_377 : i32 to index
        %get3A_433 = arith.constant 48 : index
        %get3A_434 = tpu.vector_load %arg11[%get3A_432, %get3A_433] {strides = array<i32>} : memref<80x128xf32, #tpu.memory_space<vmem>>, vector<1x16xf32>,
        %get3A_435 = vector.shape_cast %get3A_434 : vector<1x16xf32> to vector<1x16xf32>
        %add3A_436 = arith.addf %get3A_431, %get3A_435 : vector<1x16xf32>
        %max3A_437 = arith.constant 0.000000e+00 : f32
        %max3A_438 = vector.broadcast %max3A_437 : f32 to vector<1x16xf32>
        %max3A_439 = arith.maximumf %add3A_436, %max3A_438 : vector<1x16xf32>
        %swap3A_440 = arith.index_cast %add3A_377 : i32 to index
        %swap3A_441 = arith.constant 48 : index
        %swap3A_442 = tpu.vector_load %arg9[%swap3A_440, %swap3A_441] {strides = array<i32>} : memref<80x128xf32, #tpu.memory_space<vmem>>, vector<1x16xf32>,
        %swap3A_443 = vector.shape_cast %swap3A_442 : vector<1x16xf32> to vector<1x16xf32>
        %swap3A_444 = vector.shape_cast %max3A_439 : vector<1x16xf32> to vector<1x16xf32>
        tpu.vector_store %arg9[%swap3A_440, %swap3A_441], %swap3A_444 {strides = array<i32>} : memref<80x128xf32, #tpu.memory_space<vmem>>, vector<1x16xf32>,
        %get3A_445 = arith.index_cast %add3A_377 : i32 to index
        %get3A_446 = arith.constant 64 : index
        %get3A_447 = tpu.vector_load %arg9[%get3A_445, %get3A_446] {strides = array<i32>} : memref<80x128xf32, #tpu.memory_space<vmem>>, vector<1x16xf32>,
        %get3A_448 = vector.shape_cast %get3A_447 : vector<1x16xf32> to vector<1x16xf32>
        %get3A_449 = arith.index_cast %add3A_377 : i32 to index
        %get3A_450 = arith.constant 64 : index
        %get3A_451 = tpu.vector_load %arg11[%get3A_449, %get3A_450] {strides = array<i32>} : memref<80x128xf32, #tpu.memory_space<vmem>>, vector<1x16xf32>,
        %get3A_452 = vector.shape_cast %get3A_451 : vector<1x16xf32> to vector<1x16xf32>
        %add3A_453 = arith.addf %get3A_448, %get3A_452 : vector<1x16xf32>
        %max3A_454 = arith.constant 0.000000e+00 : f32
        %max3A_455 = vector.broadcast %max3A_454 : f32 to vector<1x16xf32>
        %max3A_456 = arith.maximumf %add3A_453, %max3A_455 : vector<1x16xf32>
        %swap3A_457 = arith.index_cast %add3A_377 : i32 to index
        %swap3A_458 = arith.constant 64 : index
        %swap3A_459 = tpu.vector_load %arg9[%swap3A_457, %swap3A_458] {strides = array<i32>} : memref<80x128xf32, #tpu.memory_space<vmem>>, vector<1x16xf32>,
        %swap3A_460 = vector.shape_cast %swap3A_459 : vector<1x16xf32> to vector<1x16xf32>
        %swap3A_461 = vector.shape_cast %max3A_456 : vector<1x16xf32> to vector<1x16xf32>
        tpu.vector_store %arg9[%swap3A_457, %swap3A_458], %swap3A_461 {strides = array<i32>} : memref<80x128xf32, #tpu.memory_space<vmem>>, vector<1x16xf32>,
        %get3A_462 = arith.index_cast %add3A_377 : i32 to index
        %get3A_463 = arith.constant 80 : index
        %get3A_464 = tpu.vector_load %arg9[%get3A_462, %get3A_463] {strides = array<i32>} : memref<80x128xf32, #tpu.memory_space<vmem>>, vector<1x16xf32>,
        %get3A_465 = vector.shape_cast %get3A_464 : vector<1x16xf32> to vector<1x16xf32>
        %get3A_466 = arith.index_cast %add3A_377 : i32 to index
        %get3A_467 = arith.constant 80 : index
        %get3A_468 = tpu.vector_load %arg11[%get3A_466, %get3A_467] {strides = array<i32>} : memref<80x128xf32, #tpu.memory_space<vmem>>, vector<1x16xf32>,
        %get3A_469 = vector.shape_cast %get3A_468 : vector<1x16xf32> to vector<1x16xf32>
        %add3A_470 = arith.addf %get3A_465, %get3A_469 : vector<1x16xf32>
        %max3A_471 = arith.constant 0.000000e+00 : f32
        %max3A_472 = vector.broadcast %max3A_471 : f32 to vector<1x16xf32>
        %max3A_473 = arith.maximumf %add3A_470, %max3A_472 : vector<1x16xf32>
        %swap3A_474 = arith.index_cast %add3A_377 : i32 to index
        %swap3A_475 = arith.constant 80 : index
        %swap3A_476 = tpu.vector_load %arg9[%swap3A_474, %swap3A_475] {strides = array<i32>} : memref<80x128xf32, #tpu.memory_space<vmem>>, vector<1x16xf32>,
        %swap3A_477 = vector.shape_cast %swap3A_476 : vector<1x16xf32> to vector<1x16xf32>
        %swap3A_478 = vector.shape_cast %max3A_473 : vector<1x16xf32> to vector<1x16xf32>
        tpu.vector_store %arg9[%swap3A_474, %swap3A_475], %swap3A_478 {strides = array<i32>} : memref<80x128xf32, #tpu.memory_space<vmem>>, vector<1x16xf32>,
        %get3A_479 = arith.index_cast %add3A_377 : i32 to index
        %get3A_480 = arith.constant 96 : index
        %get3A_481 = tpu.vector_load %arg9[%get3A_479, %get3A_480] {strides = array<i32>} : memref<80x128xf32, #tpu.memory_space<vmem>>, vector<1x16xf32>,
        %get3A_482 = vector.shape_cast %get3A_481 : vector<1x16xf32> to vector<1x16xf32>
        %get3A_483 = arith.index_cast %add3A_377 : i32 to index
        %get3A_484 = arith.constant 96 : index
        %get3A_485 = tpu.vector_load %arg11[%get3A_483, %get3A_484] {strides = array<i32>} : memref<80x128xf32, #tpu.memory_space<vmem>>, vector<1x16xf32>,
        %get3A_486 = vector.shape_cast %get3A_485 : vector<1x16xf32> to vector<1x16xf32>
        %add3A_487 = arith.addf %get3A_482, %get3A_486 : vector<1x16xf32>
        %max3A_488 = arith.constant 0.000000e+00 : f32
        %max3A_489 = vector.broadcast %max3A_488 : f32 to vector<1x16xf32>
        %max3A_490 = arith.maximumf %add3A_487, %max3A_489 : vector<1x16xf32>
        %swap3A_491 = arith.index_cast %add3A_377 : i32 to index
        %swap3A_492 = arith.constant 96 : index
        %swap3A_493 = tpu.vector_load %arg9[%swap3A_491, %swap3A_492] {strides = array<i32>} : memref<80x128xf32, #tpu.memory_space<vmem>>, vector<1x16xf32>,
        %swap3A_494 = vector.shape_cast %swap3A_493 : vector<1x16xf32> to vector<1x16xf32>
        %swap3A_495 = vector.shape_cast %max3A_490 : vector<1x16xf32> to vector<1x16xf32>
        tpu.vector_store %arg9[%swap3A_491, %swap3A_492], %swap3A_495 {strides = array<i32>} : memref<80x128xf32, #tpu.memory_space<vmem>>, vector<1x16xf32>,
        %get3A_496 = arith.index_cast %add3A_377 : i32 to index
        %get3A_497 = arith.constant 112 : index
        %get3A_498 = tpu.vector_load %arg9[%get3A_496, %get3A_497] {strides = array<i32>} : memref<80x128xf32, #tpu.memory_space<vmem>>, vector<1x16xf32>,
        %get3A_499 = vector.shape_cast %get3A_498 : vector<1x16xf32> to vector<1x16xf32>
        %get3A_500 = arith.index_cast %add3A_377 : i32 to index
        %get3A_501 = arith.constant 112 : index
        %get3A_502 = tpu.vector_load %arg11[%get3A_500, %get3A_501] {strides = array<i32>} : memref<80x128xf32, #tpu.memory_space<vmem>>, vector<1x16xf32>,
        %get3A_503 = vector.shape_cast %get3A_502 : vector<1x16xf32> to vector<1x16xf32>
        %add3A_504 = arith.addf %get3A_499, %get3A_503 : vector<1x16xf32>
        %max3A_505 = arith.constant 0.000000e+00 : f32
        %max3A_506 = vector.broadcast %max3A_505 : f32 to vector<1x16xf32>
        %max3A_507 = arith.maximumf %add3A_504, %max3A_506 : vector<1x16xf32>
        %swap3A_508 = arith.index_cast %add3A_377 : i32 to index
        %swap3A_509 = arith.constant 112 : index
        %swap3A_510 = tpu.vector_load %arg9[%swap3A_508, %swap3A_509] {strides = array<i32>} : memref<80x128xf32, #tpu.memory_space<vmem>>, vector<1x16xf32>,
        %swap3A_511 = vector.shape_cast %swap3A_510 : vector<1x16xf32> to vector<1x16xf32>
        %swap3A_512 = vector.shape_cast %max3A_507 : vector<1x16xf32> to vector<1x16xf32>
        tpu.vector_store %arg9[%swap3A_508, %swap3A_509], %swap3A_512 {strides = array<i32>} : memref<80x128xf32, #tpu.memory_space<vmem>>, vector<1x16xf32>,
      }
      %scan3A_273 = arith.constant 80 : i32
      %dma_start3A_274 = arith.constant 0 : i32
      %dma_start3A_275 = arith.constant 0 : i32
      %dma_start3A_276 = tpu.memref_slice %arg8[%dma_start3A_274, %dma_start3A_275] : memref<2x80xi32, #tpu.memory_space<vmem>> -> memref<1x80xi32, #tpu.memory_space<vmem>>
      %dma_start3A_277 = tpu.memref_squeeze %dma_start3A_276 : memref<1x80xi32, #tpu.memory_space<vmem>> -> memref<80xi32, #tpu.memory_space<vmem>>
      %dma_start3A_278 = arith.constant 0 : i32
      %dma_start3A_279 = arith.constant 0 : i32
      %dma_start3A_280 = tpu.memref_slice %arg13[%dma_start3A_278, %dma_start3A_279] : memref<10000x128xf32, #tpu.memory_space<vmem_shared>> -> memref<10000x128xf32, #tpu.memory_space<vmem_shared>>
      tpu.enqueue_indirect_dma source(%arg9 : memref<80x128xf32, #tpu.memory_space<vmem>>) target(%dma_start3A_280 : memref<10000x128xf32, #tpu.memory_space<vmem_shared>>) offsets(%dma_start3A_277 : memref<80xi32, #tpu.memory_space<vmem>>) semaphore(%arg20 : memref<!tpu.dma_semaphore, #tpu.memory_space<semaphore_mem>>) {add = true}
      %mul3A_281 = arith.constant 2 : i32
      %mul3A_282 = arith.muli %mul3A_281, %add3A_194 : i32
      %add3A_283 = arith.constant 1 : i32
      %add3A_284 = arith.addi %mul3A_282, %add3A_283 : i32
      %dma_wait3A_285 = arith.constant 0 : i32
      %dma_wait3A_286 = arith.constant 0 : i32
      %dma_wait3A_287 = tpu.memref_slice %arg8[%dma_wait3A_285, %dma_wait3A_286] : memref<2x80xi32, #tpu.memory_space<vmem>> -> memref<1x80xi32, #tpu.memory_space<vmem>>
      %dma_wait3A_288 = tpu.memref_squeeze %dma_wait3A_287 : memref<1x80xi32, #tpu.memory_space<vmem>> -> memref<80xi32, #tpu.memory_space<vmem>>
      %dma_wait3A_289 = arith.constant 0 : i32
      %dma_wait3A_290 = arith.constant 0 : i32
      %dma_wait3A_291 = tpu.memref_slice %arg13[%dma_wait3A_289, %dma_wait3A_290] : memref<10000x128xf32, #tpu.memory_space<vmem_shared>> -> memref<10000x128xf32, #tpu.memory_space<vmem_shared>>
      tpu.wait_indirect_dma semaphore(%arg20 : memref<!tpu.dma_semaphore, #tpu.memory_space<semaphore_mem>>) src(%arg9 : memref<80x128xf32, #tpu.memory_space<vmem>>) dst(%dma_wait3A_291 : memref<10000x128xf32, #tpu.memory_space<vmem_shared>>)
      %lt3A_292 = arith.constant 124 : i32
      %lt3A_293 = arith.cmpi slt, %add3A_284, %lt3A_292 : i32
      %convert_element_type3A_294 = arith.extui %lt3A_293 : i1 to i32
      %cond3A_295 = arith.constant 0 : i32
      %cond3A_296 = arith.cmpi ne, %convert_element_type3A_294, %cond3A_295 : i32
      scf.if %cond3A_296 {
        %add3A_373 = arith.constant 1 : i32
        %add3A_374 = arith.addi %add3A_284, %add3A_373 : i32
        %mul3A_375 = arith.constant 80 : i32
        %mul3A_376 = arith.muli %add3A_374, %mul3A_375 : i32
        %add3A_377 = arith.addi %mul3A_2, %mul3A_376 : i32
        %dma_wait3A_378 = arith.constant 0 : i32
        %dma_wait3A_379 = tpu.memref_slice %arg3[%dma_wait3A_378, %add3A_377] : memref<2x320000xi32, #tpu.memory_space<hbm>> -> memref<2x80xi32, #tpu.memory_space<hbm>>
        %dma_wait3A_380 = arith.constant 0 : i32
        %dma_wait3A_381 = tpu.memref_slice %arg3[%dma_wait3A_380, %add3A_377] : memref<2x320000xi32, #tpu.memory_space<hbm>> -> memref<2x80xi32, #tpu.memory_space<hbm>>
        tpu.wait_dma2 semaphore(%arg14 : memref<!tpu.dma_semaphore, #tpu.memory_space<semaphore_mem>>) src(%dma_wait3A_381 : memref<2x80xi32, #tpu.memory_space<hbm>>) dst(%arg6 : memref<2x80xi32, #tpu.memory_space<vmem>>)
        %add3A_382 = arith.constant 1 : i32
        %add3A_383 = arith.addi %add3A_284, %add3A_382 : i32
        %dma_start3A_384 = arith.constant 0 : i32
        %dma_start3A_385 = arith.constant 0 : i32
        %dma_start3A_386 = tpu.memref_slice %arg6[%dma_start3A_384, %dma_start3A_385] : memref<2x80xi32, #tpu.memory_space<vmem>> -> memref<1x80xi32, #tpu.memory_space<vmem>>
        %dma_start3A_387 = tpu.memref_squeeze %dma_start3A_386 : memref<1x80xi32, #tpu.memory_space<vmem>> -> memref<80xi32, #tpu.memory_space<vmem>>
        %dma_start3A_388 = arith.constant 0 : i32
        %dma_start3A_389 = arith.constant 0 : i32
        %dma_start3A_390 = tpu.memref_slice %arg2[%dma_start3A_388, %dma_start3A_389] : memref<10000x128xf32, #tpu.memory_space<hbm>> -> memref<10000x128xf32, #tpu.memory_space<hbm>>
        tpu.enqueue_indirect_dma source(%dma_start3A_390 : memref<10000x128xf32, #tpu.memory_space<hbm>>) target(%arg9 : memref<80x128xf32, #tpu.memory_space<vmem>>) offsets(%dma_start3A_387 : memref<80xi32, #tpu.memory_space<vmem>>) semaphore(%arg16 : memref<!tpu.dma_semaphore, #tpu.memory_space<semaphore_mem>>)
        %mul3A_391 = arith.constant 80 : i32
        %mul3A_392 = arith.muli %add3A_383, %mul3A_391 : i32
        %add3A_393 = arith.addi %mul3A_2, %mul3A_392 : i32
        %dma_start3A_394 = arith.constant 0 : i32
        %dma_start3A_395 = tpu.memref_slice %arg4[%add3A_393, %dma_start3A_394] : memref<320000x128xf32, #tpu.memory_space<hbm>> -> memref<80x128xf32, #tpu.memory_space<hbm>>
        %dma_start3A_396 = arith.constant 0 : i32
        %dma_start3A_397 = tpu.memref_slice %arg4[%add3A_393, %dma_start3A_396] : memref<320000x128xf32, #tpu.memory_space<hbm>> -> memref<80x128xf32, #tpu.memory_space<hbm>>
        tpu.enqueue_dma source(%dma_start3A_397 : memref<80x128xf32, #tpu.memory_space<hbm>>) target(%arg11 : memref<80x128xf32, #tpu.memory_space<vmem>>) target_semaphore(%arg18 : memref<!tpu.dma_semaphore, #tpu.memory_space<semaphore_mem>>)
      } else {
      }
      %dma_wait3A_297 = arith.constant 0 : i32
      %dma_wait3A_298 = arith.constant 0 : i32
      %dma_wait3A_299 = tpu.memref_slice %arg7[%dma_wait3A_297, %dma_wait3A_298] : memref<2x80xi32, #tpu.memory_space<vmem>> -> memref<1x80xi32, #tpu.memory_space<vmem>>
      %dma_wait3A_300 = tpu.memref_squeeze %dma_wait3A_299 : memref<1x80xi32, #tpu.memory_space<vmem>> -> memref<80xi32, #tpu.memory_space<vmem>>
      %dma_wait3A_301 = arith.constant 0 : i32
      %dma_wait3A_302 = arith.constant 0 : i32
      %dma_wait3A_303 = tpu.memref_slice %arg2[%dma_wait3A_301, %dma_wait3A_302] : memref<10000x128xf32, #tpu.memory_space<hbm>> -> memref<10000x128xf32, #tpu.memory_space<hbm>>
      tpu.wait_indirect_dma semaphore(%arg17 : memref<!tpu.dma_semaphore, #tpu.memory_space<semaphore_mem>>) src(%dma_wait3A_303 : memref<10000x128xf32, #tpu.memory_space<hbm>>) dst(%arg10 : memref<80x128xf32, #tpu.memory_space<vmem>>)
      %mul3A_304 = arith.constant 80 : i32
      %mul3A_305 = arith.muli %add3A_284, %mul3A_304 : i32
      %add3A_306 = arith.addi %mul3A_2, %mul3A_305 : i32
      %dma_wait3A_307 = arith.constant 0 : i32
      %dma_wait3A_308 = tpu.memref_slice %arg4[%add3A_306, %dma_wait3A_307] : memref<320000x128xf32, #tpu.memory_space<hbm>> -> memref<80x128xf32, #tpu.memory_space<hbm>>
      %dma_wait3A_309 = arith.constant 0 : i32
      %dma_wait3A_310 = tpu.memref_slice %arg4[%add3A_306, %dma_wait3A_309] : memref<320000x128xf32, #tpu.memory_space<hbm>> -> memref<80x128xf32, #tpu.memory_space<hbm>>
      tpu.wait_dma2 semaphore(%arg19 : memref<!tpu.dma_semaphore, #tpu.memory_space<semaphore_mem>>) src(%dma_wait3A_310 : memref<80x128xf32, #tpu.memory_space<hbm>>) dst(%arg12 : memref<80x128xf32, #tpu.memory_space<vmem>>)
      %lt3A_311 = arith.constant 123 : i32
      %lt3A_312 = arith.cmpi slt, %add3A_284, %lt3A_311 : i32
      %convert_element_type3A_313 = arith.extui %lt3A_312 : i1 to i32
      %cond3A_314 = arith.constant 0 : i32
      %cond3A_315 = arith.cmpi ne, %convert_element_type3A_313, %cond3A_314 : i32
      scf.if %cond3A_315 {
        %add3A_373 = arith.constant 2 : i32
        %add3A_374 = arith.addi %add3A_284, %add3A_373 : i32
        %mul3A_375 = arith.constant 80 : i32
        %mul3A_376 = arith.muli %add3A_374, %mul3A_375 : i32
        %add3A_377 = arith.addi %mul3A_2, %mul3A_376 : i32
        %dma_start3A_378 = arith.constant 0 : i32
        %dma_start3A_379 = tpu.memref_slice %arg3[%dma_start3A_378, %add3A_377] : memref<2x320000xi32, #tpu.memory_space<hbm>> -> memref<2x80xi32, #tpu.memory_space<hbm>>
        %dma_start3A_380 = arith.constant 0 : i32
        %dma_start3A_381 = tpu.memref_slice %arg3[%dma_start3A_380, %add3A_377] : memref<2x320000xi32, #tpu.memory_space<hbm>> -> memref<2x80xi32, #tpu.memory_space<hbm>>
        tpu.enqueue_dma source(%dma_start3A_381 : memref<2x80xi32, #tpu.memory_space<hbm>>) target(%arg7 : memref<2x80xi32, #tpu.memory_space<vmem>>) target_semaphore(%arg15 : memref<!tpu.dma_semaphore, #tpu.memory_space<semaphore_mem>>)
      } else {
      }
      %get3A_316 = arith.constant 1 : index
      %get3A_317 = arith.constant 0 : index
      %get3A_318 = tpu.vector_load %arg7[%get3A_316, %get3A_317] {strides = array<i32>} : memref<2x80xi32, #tpu.memory_space<vmem>>, vector<1x16xi32>,
      %get3A_319 = vector.shape_cast %get3A_318 : vector<1x16xi32> to vector<1x16xi32>
      %swap3A_320 = arith.constant 1 : index
      %swap3A_321 = arith.constant 0 : index
      %swap3A_322 = tpu.vector_load %arg8[%swap3A_320, %swap3A_321] {strides = array<i32>} : memref<2x80xi32, #tpu.memory_space<vmem>>, vector<1x16xi32>,
      %swap3A_323 = vector.shape_cast %swap3A_322 : vector<1x16xi32> to vector<1x16xi32>
      %swap3A_324 = vector.shape_cast %get3A_319 : vector<1x16xi32> to vector<1x16xi32>
      tpu.vector_store %arg8[%swap3A_320, %swap3A_321], %swap3A_324 {strides = array<i32>} : memref<2x80xi32, #tpu.memory_space<vmem>>, vector<1x16xi32>,
      %get3A_325 = arith.constant 1 : index
      %get3A_326 = arith.constant 16 : index
      %get3A_327 = tpu.vector_load %arg7[%get3A_325, %get3A_326] {strides = array<i32>} : memref<2x80xi32, #tpu.memory_space<vmem>>, vector<1x16xi32>,
      %get3A_328 = vector.shape_cast %get3A_327 : vector<1x16xi32> to vector<1x16xi32>
      %swap3A_329 = arith.constant 1 : index
      %swap3A_330 = arith.constant 16 : index
      %swap3A_331 = tpu.vector_load %arg8[%swap3A_329, %swap3A_330] {strides = array<i32>} : memref<2x80xi32, #tpu.memory_space<vmem>>, vector<1x16xi32>,
      %swap3A_332 = vector.shape_cast %swap3A_331 : vector<1x16xi32> to vector<1x16xi32>
      %swap3A_333 = vector.shape_cast %get3A_328 : vector<1x16xi32> to vector<1x16xi32>
      tpu.vector_store %arg8[%swap3A_329, %swap3A_330], %swap3A_333 {strides = array<i32>} : memref<2x80xi32, #tpu.memory_space<vmem>>, vector<1x16xi32>,
      %get3A_334 = arith.constant 1 : index
      %get3A_335 = arith.constant 32 : index
      %get3A_336 = tpu.vector_load %arg7[%get3A_334, %get3A_335] {strides = array<i32>} : memref<2x80xi32, #tpu.memory_space<vmem>>, vector<1x16xi32>,
      %get3A_337 = vector.shape_cast %get3A_336 : vector<1x16xi32> to vector<1x16xi32>
      %swap3A_338 = arith.constant 1 : index
      %swap3A_339 = arith.constant 32 : index
      %swap3A_340 = tpu.vector_load %arg8[%swap3A_338, %swap3A_339] {strides = array<i32>} : memref<2x80xi32, #tpu.memory_space<vmem>>, vector<1x16xi32>,
      %swap3A_341 = vector.shape_cast %swap3A_340 : vector<1x16xi32> to vector<1x16xi32>
      %swap3A_342 = vector.shape_cast %get3A_337 : vector<1x16xi32> to vector<1x16xi32>
      tpu.vector_store %arg8[%swap3A_338, %swap3A_339], %swap3A_342 {strides = array<i32>} : memref<2x80xi32, #tpu.memory_space<vmem>>, vector<1x16xi32>,
      %get3A_343 = arith.constant 1 : index
      %get3A_344 = arith.constant 48 : index
      %get3A_345 = tpu.vector_load %arg7[%get3A_343, %get3A_344] {strides = array<i32>} : memref<2x80xi32, #tpu.memory_space<vmem>>, vector<1x16xi32>,
      %get3A_346 = vector.shape_cast %get3A_345 : vector<1x16xi32> to vector<1x16xi32>
      %swap3A_347 = arith.constant 1 : index
      %swap3A_348 = arith.constant 48 : index
      %swap3A_349 = tpu.vector_load %arg8[%swap3A_347, %swap3A_348] {strides = array<i32>} : memref<2x80xi32, #tpu.memory_space<vmem>>, vector<1x16xi32>,
      %swap3A_350 = vector.shape_cast %swap3A_349 : vector<1x16xi32> to vector<1x16xi32>
      %swap3A_351 = vector.shape_cast %get3A_346 : vector<1x16xi32> to vector<1x16xi32>
      tpu.vector_store %arg8[%swap3A_347, %swap3A_348], %swap3A_351 {strides = array<i32>} : memref<2x80xi32, #tpu.memory_space<vmem>>, vector<1x16xi32>,
      %get3A_352 = arith.constant 1 : index
      %get3A_353 = arith.constant 64 : index
      %get3A_354 = tpu.vector_load %arg7[%get3A_352, %get3A_353] {strides = array<i32>} : memref<2x80xi32, #tpu.memory_space<vmem>>, vector<1x16xi32>,
      %get3A_355 = vector.shape_cast %get3A_354 : vector<1x16xi32> to vector<1x16xi32>
      %swap3A_356 = arith.constant 1 : index
      %swap3A_357 = arith.constant 64 : index
      %swap3A_358 = tpu.vector_load %arg8[%swap3A_356, %swap3A_357] {strides = array<i32>} : memref<2x80xi32, #tpu.memory_space<vmem>>, vector<1x16xi32>,
      %swap3A_359 = vector.shape_cast %swap3A_358 : vector<1x16xi32> to vector<1x16xi32>
      %swap3A_360 = vector.shape_cast %get3A_355 : vector<1x16xi32> to vector<1x16xi32>
      tpu.vector_store %arg8[%swap3A_356, %swap3A_357], %swap3A_360 {strides = array<i32>} : memref<2x80xi32, #tpu.memory_space<vmem>>, vector<1x16xi32>,
      %scan3A_361 = arith.constant 0 : i32
      %scan3A_362 = arith.constant 80 : i32
      %scan3A_363 = arith.addi %scan3A_361, %scan3A_362 : i32
      %scan3A_364 = arith.constant 1 : i32
      scf.for %scan3A_373 = %scan3A_361 to %scan3A_363 step %scan3A_364  : i32 {
        %mul3A_374 = arith.constant 1 : i32
        %mul3A_375 = arith.muli %scan3A_373, %mul3A_374 : i32
        %add3A_376 = arith.constant 0 : i32
        %add3A_377 = arith.addi %add3A_376, %mul3A_375 : i32
        %get3A_378 = arith.index_cast %add3A_377 : i32 to index
        %get3A_379 = arith.constant 0 : index
        %get3A_380 = tpu.vector_load %arg10[%get3A_378, %get3A_379] {strides = array<i32>} : memref<80x128xf32, #tpu.memory_space<vmem>>, vector<1x16xf32>,
        %get3A_381 = vector.shape_cast %get3A_380 : vector<1x16xf32> to vector<1x16xf32>
        %get3A_382 = arith.index_cast %add3A_377 : i32 to index
        %get3A_383 = arith.constant 0 : index
        %get3A_384 = tpu.vector_load %arg12[%get3A_382, %get3A_383] {strides = array<i32>} : memref<80x128xf32, #tpu.memory_space<vmem>>, vector<1x16xf32>,
        %get3A_385 = vector.shape_cast %get3A_384 : vector<1x16xf32> to vector<1x16xf32>
        %add3A_386 = arith.addf %get3A_381, %get3A_385 : vector<1x16xf32>
        %max3A = arith.constant 0.000000e+00 : f32
        %max3A_387 = vector.broadcast %max3A : f32 to vector<1x16xf32>
        %max3A_388 = arith.maximumf %add3A_386, %max3A_387 : vector<1x16xf32>
        %swap3A_389 = arith.index_cast %add3A_377 : i32 to index
        %swap3A_390 = arith.constant 0 : index
        %swap3A_391 = tpu.vector_load %arg10[%swap3A_389, %swap3A_390] {strides = array<i32>} : memref<80x128xf32, #tpu.memory_space<vmem>>, vector<1x16xf32>,
        %swap3A_392 = vector.shape_cast %swap3A_391 : vector<1x16xf32> to vector<1x16xf32>
        %swap3A_393 = vector.shape_cast %max3A_388 : vector<1x16xf32> to vector<1x16xf32>
        tpu.vector_store %arg10[%swap3A_389, %swap3A_390], %swap3A_393 {strides = array<i32>} : memref<80x128xf32, #tpu.memory_space<vmem>>, vector<1x16xf32>,
        %get3A_394 = arith.index_cast %add3A_377 : i32 to index
        %get3A_395 = arith.constant 16 : index
        %get3A_396 = tpu.vector_load %arg10[%get3A_394, %get3A_395] {strides = array<i32>} : memref<80x128xf32, #tpu.memory_space<vmem>>, vector<1x16xf32>,
        %get3A_397 = vector.shape_cast %get3A_396 : vector<1x16xf32> to vector<1x16xf32>
        %get3A_398 = arith.index_cast %add3A_377 : i32 to index
        %get3A_399 = arith.constant 16 : index
        %get3A_400 = tpu.vector_load %arg12[%get3A_398, %get3A_399] {strides = array<i32>} : memref<80x128xf32, #tpu.memory_space<vmem>>, vector<1x16xf32>,
        %get3A_401 = vector.shape_cast %get3A_400 : vector<1x16xf32> to vector<1x16xf32>
        %add3A_402 = arith.addf %get3A_397, %get3A_401 : vector<1x16xf32>
        %max3A_403 = arith.constant 0.000000e+00 : f32
        %max3A_404 = vector.broadcast %max3A_403 : f32 to vector<1x16xf32>
        %max3A_405 = arith.maximumf %add3A_402, %max3A_404 : vector<1x16xf32>
        %swap3A_406 = arith.index_cast %add3A_377 : i32 to index
        %swap3A_407 = arith.constant 16 : index
        %swap3A_408 = tpu.vector_load %arg10[%swap3A_406, %swap3A_407] {strides = array<i32>} : memref<80x128xf32, #tpu.memory_space<vmem>>, vector<1x16xf32>,
        %swap3A_409 = vector.shape_cast %swap3A_408 : vector<1x16xf32> to vector<1x16xf32>
        %swap3A_410 = vector.shape_cast %max3A_405 : vector<1x16xf32> to vector<1x16xf32>
        tpu.vector_store %arg10[%swap3A_406, %swap3A_407], %swap3A_410 {strides = array<i32>} : memref<80x128xf32, #tpu.memory_space<vmem>>, vector<1x16xf32>,
        %get3A_411 = arith.index_cast %add3A_377 : i32 to index
        %get3A_412 = arith.constant 32 : index
        %get3A_413 = tpu.vector_load %arg10[%get3A_411, %get3A_412] {strides = array<i32>} : memref<80x128xf32, #tpu.memory_space<vmem>>, vector<1x16xf32>,
        %get3A_414 = vector.shape_cast %get3A_413 : vector<1x16xf32> to vector<1x16xf32>
        %get3A_415 = arith.index_cast %add3A_377 : i32 to index
        %get3A_416 = arith.constant 32 : index
        %get3A_417 = tpu.vector_load %arg12[%get3A_415, %get3A_416] {strides = array<i32>} : memref<80x128xf32, #tpu.memory_space<vmem>>, vector<1x16xf32>,
        %get3A_418 = vector.shape_cast %get3A_417 : vector<1x16xf32> to vector<1x16xf32>
        %add3A_419 = arith.addf %get3A_414, %get3A_418 : vector<1x16xf32>
        %max3A_420 = arith.constant 0.000000e+00 : f32
        %max3A_421 = vector.broadcast %max3A_420 : f32 to vector<1x16xf32>
        %max3A_422 = arith.maximumf %add3A_419, %max3A_421 : vector<1x16xf32>
        %swap3A_423 = arith.index_cast %add3A_377 : i32 to index
        %swap3A_424 = arith.constant 32 : index
        %swap3A_425 = tpu.vector_load %arg10[%swap3A_423, %swap3A_424] {strides = array<i32>} : memref<80x128xf32, #tpu.memory_space<vmem>>, vector<1x16xf32>,
        %swap3A_426 = vector.shape_cast %swap3A_425 : vector<1x16xf32> to vector<1x16xf32>
        %swap3A_427 = vector.shape_cast %max3A_422 : vector<1x16xf32> to vector<1x16xf32>
        tpu.vector_store %arg10[%swap3A_423, %swap3A_424], %swap3A_427 {strides = array<i32>} : memref<80x128xf32, #tpu.memory_space<vmem>>, vector<1x16xf32>,
        %get3A_428 = arith.index_cast %add3A_377 : i32 to index
        %get3A_429 = arith.constant 48 : index
        %get3A_430 = tpu.vector_load %arg10[%get3A_428, %get3A_429] {strides = array<i32>} : memref<80x128xf32, #tpu.memory_space<vmem>>, vector<1x16xf32>,
        %get3A_431 = vector.shape_cast %get3A_430 : vector<1x16xf32> to vector<1x16xf32>
        %get3A_432 = arith.index_cast %add3A_377 : i32 to index
        %get3A_433 = arith.constant 48 : index
        %get3A_434 = tpu.vector_load %arg12[%get3A_432, %get3A_433] {strides = array<i32>} : memref<80x128xf32, #tpu.memory_space<vmem>>, vector<1x16xf32>,
        %get3A_435 = vector.shape_cast %get3A_434 : vector<1x16xf32> to vector<1x16xf32>
        %add3A_436 = arith.addf %get3A_431, %get3A_435 : vector<1x16xf32>
        %max3A_437 = arith.constant 0.000000e+00 : f32
        %max3A_438 = vector.broadcast %max3A_437 : f32 to vector<1x16xf32>
        %max3A_439 = arith.maximumf %add3A_436, %max3A_438 : vector<1x16xf32>
        %swap3A_440 = arith.index_cast %add3A_377 : i32 to index
        %swap3A_441 = arith.constant 48 : index
        %swap3A_442 = tpu.vector_load %arg10[%swap3A_440, %swap3A_441] {strides = array<i32>} : memref<80x128xf32, #tpu.memory_space<vmem>>, vector<1x16xf32>,
        %swap3A_443 = vector.shape_cast %swap3A_442 : vector<1x16xf32> to vector<1x16xf32>
        %swap3A_444 = vector.shape_cast %max3A_439 : vector<1x16xf32> to vector<1x16xf32>
        tpu.vector_store %arg10[%swap3A_440, %swap3A_441], %swap3A_444 {strides = array<i32>} : memref<80x128xf32, #tpu.memory_space<vmem>>, vector<1x16xf32>,
        %get3A_445 = arith.index_cast %add3A_377 : i32 to index
        %get3A_446 = arith.constant 64 : index
        %get3A_447 = tpu.vector_load %arg10[%get3A_445, %get3A_446] {strides = array<i32>} : memref<80x128xf32, #tpu.memory_space<vmem>>, vector<1x16xf32>,
        %get3A_448 = vector.shape_cast %get3A_447 : vector<1x16xf32> to vector<1x16xf32>
        %get3A_449 = arith.index_cast %add3A_377 : i32 to index
        %get3A_450 = arith.constant 64 : index
        %get3A_451 = tpu.vector_load %arg12[%get3A_449, %get3A_450] {strides = array<i32>} : memref<80x128xf32, #tpu.memory_space<vmem>>, vector<1x16xf32>,
        %get3A_452 = vector.shape_cast %get3A_451 : vector<1x16xf32> to vector<1x16xf32>
        %add3A_453 = arith.addf %get3A_448, %get3A_452 : vector<1x16xf32>
        %max3A_454 = arith.constant 0.000000e+00 : f32
        %max3A_455 = vector.broadcast %max3A_454 : f32 to vector<1x16xf32>
        %max3A_456 = arith.maximumf %add3A_453, %max3A_455 : vector<1x16xf32>
        %swap3A_457 = arith.index_cast %add3A_377 : i32 to index
        %swap3A_458 = arith.constant 64 : index
        %swap3A_459 = tpu.vector_load %arg10[%swap3A_457, %swap3A_458] {strides = array<i32>} : memref<80x128xf32, #tpu.memory_space<vmem>>, vector<1x16xf32>,
        %swap3A_460 = vector.shape_cast %swap3A_459 : vector<1x16xf32> to vector<1x16xf32>
        %swap3A_461 = vector.shape_cast %max3A_456 : vector<1x16xf32> to vector<1x16xf32>
        tpu.vector_store %arg10[%swap3A_457, %swap3A_458], %swap3A_461 {strides = array<i32>} : memref<80x128xf32, #tpu.memory_space<vmem>>, vector<1x16xf32>,
        %get3A_462 = arith.index_cast %add3A_377 : i32 to index
        %get3A_463 = arith.constant 80 : index
        %get3A_464 = tpu.vector_load %arg10[%get3A_462, %get3A_463] {strides = array<i32>} : memref<80x128xf32, #tpu.memory_space<vmem>>, vector<1x16xf32>,
        %get3A_465 = vector.shape_cast %get3A_464 : vector<1x16xf32> to vector<1x16xf32>
        %get3A_466 = arith.index_cast %add3A_377 : i32 to index
        %get3A_467 = arith.constant 80 : index
        %get3A_468 = tpu.vector_load %arg12[%get3A_466, %get3A_467] {strides = array<i32>} : memref<80x128xf32, #tpu.memory_space<vmem>>, vector<1x16xf32>,
        %get3A_469 = vector.shape_cast %get3A_468 : vector<1x16xf32> to vector<1x16xf32>
        %add3A_470 = arith.addf %get3A_465, %get3A_469 : vector<1x16xf32>
        %max3A_471 = arith.constant 0.000000e+00 : f32
        %max3A_472 = vector.broadcast %max3A_471 : f32 to vector<1x16xf32>
        %max3A_473 = arith.maximumf %add3A_470, %max3A_472 : vector<1x16xf32>
        %swap3A_474 = arith.index_cast %add3A_377 : i32 to index
        %swap3A_475 = arith.constant 80 : index
        %swap3A_476 = tpu.vector_load %arg10[%swap3A_474, %swap3A_475] {strides = array<i32>} : memref<80x128xf32, #tpu.memory_space<vmem>>, vector<1x16xf32>,
        %swap3A_477 = vector.shape_cast %swap3A_476 : vector<1x16xf32> to vector<1x16xf32>
        %swap3A_478 = vector.shape_cast %max3A_473 : vector<1x16xf32> to vector<1x16xf32>
        tpu.vector_store %arg10[%swap3A_474, %swap3A_475], %swap3A_478 {strides = array<i32>} : memref<80x128xf32, #tpu.memory_space<vmem>>, vector<1x16xf32>,
        %get3A_479 = arith.index_cast %add3A_377 : i32 to index
        %get3A_480 = arith.constant 96 : index
        %get3A_481 = tpu.vector_load %arg10[%get3A_479, %get3A_480] {strides = array<i32>} : memref<80x128xf32, #tpu.memory_space<vmem>>, vector<1x16xf32>,
        %get3A_482 = vector.shape_cast %get3A_481 : vector<1x16xf32> to vector<1x16xf32>
        %get3A_483 = arith.index_cast %add3A_377 : i32 to index
        %get3A_484 = arith.constant 96 : index
        %get3A_485 = tpu.vector_load %arg12[%get3A_483, %get3A_484] {strides = array<i32>} : memref<80x128xf32, #tpu.memory_space<vmem>>, vector<1x16xf32>,
        %get3A_486 = vector.shape_cast %get3A_485 : vector<1x16xf32> to vector<1x16xf32>
        %add3A_487 = arith.addf %get3A_482, %get3A_486 : vector<1x16xf32>
        %max3A_488 = arith.constant 0.000000e+00 : f32
        %max3A_489 = vector.broadcast %max3A_488 : f32 to vector<1x16xf32>
        %max3A_490 = arith.maximumf %add3A_487, %max3A_489 : vector<1x16xf32>
        %swap3A_491 = arith.index_cast %add3A_377 : i32 to index
        %swap3A_492 = arith.constant 96 : index
        %swap3A_493 = tpu.vector_load %arg10[%swap3A_491, %swap3A_492] {strides = array<i32>} : memref<80x128xf32, #tpu.memory_space<vmem>>, vector<1x16xf32>,
        %swap3A_494 = vector.shape_cast %swap3A_493 : vector<1x16xf32> to vector<1x16xf32>
        %swap3A_495 = vector.shape_cast %max3A_490 : vector<1x16xf32> to vector<1x16xf32>
        tpu.vector_store %arg10[%swap3A_491, %swap3A_492], %swap3A_495 {strides = array<i32>} : memref<80x128xf32, #tpu.memory_space<vmem>>, vector<1x16xf32>,
        %get3A_496 = arith.index_cast %add3A_377 : i32 to index
        %get3A_497 = arith.constant 112 : index
        %get3A_498 = tpu.vector_load %arg10[%get3A_496, %get3A_497] {strides = array<i32>} : memref<80x128xf32, #tpu.memory_space<vmem>>, vector<1x16xf32>,
        %get3A_499 = vector.shape_cast %get3A_498 : vector<1x16xf32> to vector<1x16xf32>
        %get3A_500 = arith.index_cast %add3A_377 : i32 to index
        %get3A_501 = arith.constant 112 : index
        %get3A_502 = tpu.vector_load %arg12[%get3A_500, %get3A_501] {strides = array<i32>} : memref<80x128xf32, #tpu.memory_space<vmem>>, vector<1x16xf32>,
        %get3A_503 = vector.shape_cast %get3A_502 : vector<1x16xf32> to vector<1x16xf32>
        %add3A_504 = arith.addf %get3A_499, %get3A_503 : vector<1x16xf32>
        %max3A_505 = arith.constant 0.000000e+00 : f32
        %max3A_506 = vector.broadcast %max3A_505 : f32 to vector<1x16xf32>
        %max3A_507 = arith.maximumf %add3A_504, %max3A_506 : vector<1x16xf32>
        %swap3A_508 = arith.index_cast %add3A_377 : i32 to index
        %swap3A_509 = arith.constant 112 : index
        %swap3A_510 = tpu.vector_load %arg10[%swap3A_508, %swap3A_509] {strides = array<i32>} : memref<80x128xf32, #tpu.memory_space<vmem>>, vector<1x16xf32>,
        %swap3A_511 = vector.shape_cast %swap3A_510 : vector<1x16xf32> to vector<1x16xf32>
        %swap3A_512 = vector.shape_cast %max3A_507 : vector<1x16xf32> to vector<1x16xf32>
        tpu.vector_store %arg10[%swap3A_508, %swap3A_509], %swap3A_512 {strides = array<i32>} : memref<80x128xf32, #tpu.memory_space<vmem>>, vector<1x16xf32>,
      }
      %scan3A_365 = arith.constant 80 : i32
      %dma_start3A_366 = arith.constant 1 : i32
      %dma_start3A_367 = arith.constant 0 : i32
      %dma_start3A_368 = tpu.memref_slice %arg8[%dma_start3A_366, %dma_start3A_367] : memref<2x80xi32, #tpu.memory_space<vmem>> -> memref<1x80xi32, #tpu.memory_space<vmem>>
      %dma_start3A_369 = tpu.memref_squeeze %dma_start3A_368 : memref<1x80xi32, #tpu.memory_space<vmem>> -> memref<80xi32, #tpu.memory_space<vmem>>
      %dma_start3A_370 = arith.constant 0 : i32
      %dma_start3A_371 = arith.constant 0 : i32
      %dma_start3A_372 = tpu.memref_slice %arg13[%dma_start3A_370, %dma_start3A_371] : memref<10000x128xf32, #tpu.memory_space<vmem_shared>> -> memref<10000x128xf32, #tpu.memory_space<vmem_shared>>
      tpu.enqueue_indirect_dma source(%arg10 : memref<80x128xf32, #tpu.memory_space<vmem>>) target(%dma_start3A_372 : memref<10000x128xf32, #tpu.memory_space<vmem_shared>>) offsets(%dma_start3A_369 : memref<80xi32, #tpu.memory_space<vmem>>) semaphore(%arg21 : memref<!tpu.dma_semaphore, #tpu.memory_space<semaphore_mem>>) {add = true}
    }
    %scan3A_72 = arith.constant 62 : i32
    %dma_wait3A_73 = arith.constant 0 : i32
    %dma_wait3A_74 = arith.constant 0 : i32
    %dma_wait3A_75 = tpu.memref_slice %arg6[%dma_wait3A_73, %dma_wait3A_74] : memref<2x80xi32, #tpu.memory_space<vmem>> -> memref<1x80xi32, #tpu.memory_space<vmem>>
    %dma_wait3A_76 = tpu.memref_squeeze %dma_wait3A_75 : memref<1x80xi32, #tpu.memory_space<vmem>> -> memref<80xi32, #tpu.memory_space<vmem>>
    %dma_wait3A_77 = arith.constant 0 : i32
    %dma_wait3A_78 = arith.constant 0 : i32
    %dma_wait3A_79 = tpu.memref_slice %arg2[%dma_wait3A_77, %dma_wait3A_78] : memref<10000x128xf32, #tpu.memory_space<hbm>> -> memref<10000x128xf32, #tpu.memory_space<hbm>>
    tpu.wait_indirect_dma semaphore(%arg16 : memref<!tpu.dma_semaphore, #tpu.memory_space<semaphore_mem>>) src(%dma_wait3A_79 : memref<10000x128xf32, #tpu.memory_space<hbm>>) dst(%arg9 : memref<80x128xf32, #tpu.memory_space<vmem>>)
    %add3A_80 = arith.constant 9920 : i32
    %add3A_81 = arith.addi %mul3A_2, %add3A_80 : i32
    %dma_wait3A_82 = arith.constant 0 : i32
    %dma_wait3A_83 = tpu.memref_slice %arg4[%add3A_81, %dma_wait3A_82] : memref<320000x128xf32, #tpu.memory_space<hbm>> -> memref<80x128xf32, #tpu.memory_space<hbm>>
    %dma_wait3A_84 = arith.constant 0 : i32
    %dma_wait3A_85 = tpu.memref_slice %arg4[%add3A_81, %dma_wait3A_84] : memref<320000x128xf32, #tpu.memory_space<hbm>> -> memref<80x128xf32, #tpu.memory_space<hbm>>
    tpu.wait_dma2 semaphore(%arg18 : memref<!tpu.dma_semaphore, #tpu.memory_space<semaphore_mem>>) src(%dma_wait3A_85 : memref<80x128xf32, #tpu.memory_space<hbm>>) dst(%arg11 : memref<80x128xf32, #tpu.memory_space<vmem>>)
    %get3A = arith.constant 1 : index
    %get3A_86 = arith.constant 0 : index
    %get3A_87 = tpu.vector_load %arg6[%get3A, %get3A_86] {strides = array<i32>} : memref<2x80xi32, #tpu.memory_space<vmem>>, vector<1x16xi32>,
    %get3A_88 = vector.shape_cast %get3A_87 : vector<1x16xi32> to vector<1x16xi32>
    %swap3A = arith.constant 0 : index
    %swap3A_89 = arith.constant 0 : index
    %swap3A_90 = tpu.vector_load %arg8[%swap3A, %swap3A_89] {strides = array<i32>} : memref<2x80xi32, #tpu.memory_space<vmem>>, vector<1x16xi32>,
    %swap3A_91 = vector.shape_cast %swap3A_90 : vector<1x16xi32> to vector<1x16xi32>
    %swap3A_92 = vector.shape_cast %get3A_88 : vector<1x16xi32> to vector<1x16xi32>
    tpu.vector_store %arg8[%swap3A, %swap3A_89], %swap3A_92 {strides = array<i32>} : memref<2x80xi32, #tpu.memory_space<vmem>>, vector<1x16xi32>,
    %get3A_93 = arith.constant 1 : index
    %get3A_94 = arith.constant 16 : index
    %get3A_95 = tpu.vector_load %arg6[%get3A_93, %get3A_94] {strides = array<i32>} : memref<2x80xi32, #tpu.memory_space<vmem>>, vector<1x16xi32>,
    %get3A_96 = vector.shape_cast %get3A_95 : vector<1x16xi32> to vector<1x16xi32>
    %swap3A_97 = arith.constant 0 : index
    %swap3A_98 = arith.constant 16 : index
    %swap3A_99 = tpu.vector_load %arg8[%swap3A_97, %swap3A_98] {strides = array<i32>} : memref<2x80xi32, #tpu.memory_space<vmem>>, vector<1x16xi32>,
    %swap3A_100 = vector.shape_cast %swap3A_99 : vector<1x16xi32> to vector<1x16xi32>
    %swap3A_101 = vector.shape_cast %get3A_96 : vector<1x16xi32> to vector<1x16xi32>
    tpu.vector_store %arg8[%swap3A_97, %swap3A_98], %swap3A_101 {strides = array<i32>} : memref<2x80xi32, #tpu.memory_space<vmem>>, vector<1x16xi32>,
    %get3A_102 = arith.constant 1 : index
    %get3A_103 = arith.constant 32 : index
    %get3A_104 = tpu.vector_load %arg6[%get3A_102, %get3A_103] {strides = array<i32>} : memref<2x80xi32, #tpu.memory_space<vmem>>, vector<1x16xi32>,
    %get3A_105 = vector.shape_cast %get3A_104 : vector<1x16xi32> to vector<1x16xi32>
    %swap3A_106 = arith.constant 0 : index
    %swap3A_107 = arith.constant 32 : index
    %swap3A_108 = tpu.vector_load %arg8[%swap3A_106, %swap3A_107] {strides = array<i32>} : memref<2x80xi32, #tpu.memory_space<vmem>>, vector<1x16xi32>,
    %swap3A_109 = vector.shape_cast %swap3A_108 : vector<1x16xi32> to vector<1x16xi32>
    %swap3A_110 = vector.shape_cast %get3A_105 : vector<1x16xi32> to vector<1x16xi32>
    tpu.vector_store %arg8[%swap3A_106, %swap3A_107], %swap3A_110 {strides = array<i32>} : memref<2x80xi32, #tpu.memory_space<vmem>>, vector<1x16xi32>,
    %get3A_111 = arith.constant 1 : index
    %get3A_112 = arith.constant 48 : index
    %get3A_113 = tpu.vector_load %arg6[%get3A_111, %get3A_112] {strides = array<i32>} : memref<2x80xi32, #tpu.memory_space<vmem>>, vector<1x16xi32>,
    %get3A_114 = vector.shape_cast %get3A_113 : vector<1x16xi32> to vector<1x16xi32>
    %swap3A_115 = arith.constant 0 : index
    %swap3A_116 = arith.constant 48 : index
    %swap3A_117 = tpu.vector_load %arg8[%swap3A_115, %swap3A_116] {strides = array<i32>} : memref<2x80xi32, #tpu.memory_space<vmem>>, vector<1x16xi32>,
    %swap3A_118 = vector.shape_cast %swap3A_117 : vector<1x16xi32> to vector<1x16xi32>
    %swap3A_119 = vector.shape_cast %get3A_114 : vector<1x16xi32> to vector<1x16xi32>
    tpu.vector_store %arg8[%swap3A_115, %swap3A_116], %swap3A_119 {strides = array<i32>} : memref<2x80xi32, #tpu.memory_space<vmem>>, vector<1x16xi32>,
    %get3A_120 = arith.constant 1 : index
    %get3A_121 = arith.constant 64 : index
    %get3A_122 = tpu.vector_load %arg6[%get3A_120, %get3A_121] {strides = array<i32>} : memref<2x80xi32, #tpu.memory_space<vmem>>, vector<1x16xi32>,
    %get3A_123 = vector.shape_cast %get3A_122 : vector<1x16xi32> to vector<1x16xi32>
    %swap3A_124 = arith.constant 0 : index
    %swap3A_125 = arith.constant 64 : index
    %swap3A_126 = tpu.vector_load %arg8[%swap3A_124, %swap3A_125] {strides = array<i32>} : memref<2x80xi32, #tpu.memory_space<vmem>>, vector<1x16xi32>,
    %swap3A_127 = vector.shape_cast %swap3A_126 : vector<1x16xi32> to vector<1x16xi32>
    %swap3A_128 = vector.shape_cast %get3A_123 : vector<1x16xi32> to vector<1x16xi32>
    tpu.vector_store %arg8[%swap3A_124, %swap3A_125], %swap3A_128 {strides = array<i32>} : memref<2x80xi32, #tpu.memory_space<vmem>>, vector<1x16xi32>,
    %scan3A_129 = arith.constant 0 : i32
    %scan3A_130 = arith.constant 80 : i32
    %scan3A_131 = arith.addi %scan3A_129, %scan3A_130 : i32
    %scan3A_132 = arith.constant 1 : i32
    scf.for %scan3A_190 = %scan3A_129 to %scan3A_131 step %scan3A_132  : i32 {
      %mul3A_191 = arith.constant 1 : i32
      %mul3A_192 = arith.muli %scan3A_190, %mul3A_191 : i32
      %add3A_193 = arith.constant 0 : i32
      %add3A_194 = arith.addi %add3A_193, %mul3A_192 : i32
      %get3A_195 = arith.index_cast %add3A_194 : i32 to index
      %get3A_196 = arith.constant 0 : index
      %get3A_197 = tpu.vector_load %arg9[%get3A_195, %get3A_196] {strides = array<i32>} : memref<80x128xf32, #tpu.memory_space<vmem>>, vector<1x16xf32>,
      %get3A_198 = vector.shape_cast %get3A_197 : vector<1x16xf32> to vector<1x16xf32>
      %get3A_199 = arith.index_cast %add3A_194 : i32 to index
      %get3A_200 = arith.constant 0 : index
      %get3A_201 = tpu.vector_load %arg11[%get3A_199, %get3A_200] {strides = array<i32>} : memref<80x128xf32, #tpu.memory_space<vmem>>, vector<1x16xf32>,
      %get3A_202 = vector.shape_cast %get3A_201 : vector<1x16xf32> to vector<1x16xf32>
      %add3A_203 = arith.addf %get3A_198, %get3A_202 : vector<1x16xf32>
      %max3A = arith.constant 0.000000e+00 : f32
      %max3A_204 = vector.broadcast %max3A : f32 to vector<1x16xf32>
      %max3A_205 = arith.maximumf %add3A_203, %max3A_204 : vector<1x16xf32>
      %swap3A_206 = arith.index_cast %add3A_194 : i32 to index
      %swap3A_207 = arith.constant 0 : index
      %swap3A_208 = tpu.vector_load %arg9[%swap3A_206, %swap3A_207] {strides = array<i32>} : memref<80x128xf32, #tpu.memory_space<vmem>>, vector<1x16xf32>,
      %swap3A_209 = vector.shape_cast %swap3A_208 : vector<1x16xf32> to vector<1x16xf32>
      %swap3A_210 = vector.shape_cast %max3A_205 : vector<1x16xf32> to vector<1x16xf32>
      tpu.vector_store %arg9[%swap3A_206, %swap3A_207], %swap3A_210 {strides = array<i32>} : memref<80x128xf32, #tpu.memory_space<vmem>>, vector<1x16xf32>,
      %get3A_211 = arith.index_cast %add3A_194 : i32 to index
      %get3A_212 = arith.constant 16 : index
      %get3A_213 = tpu.vector_load %arg9[%get3A_211, %get3A_212] {strides = array<i32>} : memref<80x128xf32, #tpu.memory_space<vmem>>, vector<1x16xf32>,
      %get3A_214 = vector.shape_cast %get3A_213 : vector<1x16xf32> to vector<1x16xf32>
      %get3A_215 = arith.index_cast %add3A_194 : i32 to index
      %get3A_216 = arith.constant 16 : index
      %get3A_217 = tpu.vector_load %arg11[%get3A_215, %get3A_216] {strides = array<i32>} : memref<80x128xf32, #tpu.memory_space<vmem>>, vector<1x16xf32>,
      %get3A_218 = vector.shape_cast %get3A_217 : vector<1x16xf32> to vector<1x16xf32>
      %add3A_219 = arith.addf %get3A_214, %get3A_218 : vector<1x16xf32>
      %max3A_220 = arith.constant 0.000000e+00 : f32
      %max3A_221 = vector.broadcast %max3A_220 : f32 to vector<1x16xf32>
      %max3A_222 = arith.maximumf %add3A_219, %max3A_221 : vector<1x16xf32>
      %swap3A_223 = arith.index_cast %add3A_194 : i32 to index
      %swap3A_224 = arith.constant 16 : index
      %swap3A_225 = tpu.vector_load %arg9[%swap3A_223, %swap3A_224] {strides = array<i32>} : memref<80x128xf32, #tpu.memory_space<vmem>>, vector<1x16xf32>,
      %swap3A_226 = vector.shape_cast %swap3A_225 : vector<1x16xf32> to vector<1x16xf32>
      %swap3A_227 = vector.shape_cast %max3A_222 : vector<1x16xf32> to vector<1x16xf32>
      tpu.vector_store %arg9[%swap3A_223, %swap3A_224], %swap3A_227 {strides = array<i32>} : memref<80x128xf32, #tpu.memory_space<vmem>>, vector<1x16xf32>,
      %get3A_228 = arith.index_cast %add3A_194 : i32 to index
      %get3A_229 = arith.constant 32 : index
      %get3A_230 = tpu.vector_load %arg9[%get3A_228, %get3A_229] {strides = array<i32>} : memref<80x128xf32, #tpu.memory_space<vmem>>, vector<1x16xf32>,
      %get3A_231 = vector.shape_cast %get3A_230 : vector<1x16xf32> to vector<1x16xf32>
      %get3A_232 = arith.index_cast %add3A_194 : i32 to index
      %get3A_233 = arith.constant 32 : index
      %get3A_234 = tpu.vector_load %arg11[%get3A_232, %get3A_233] {strides = array<i32>} : memref<80x128xf32, #tpu.memory_space<vmem>>, vector<1x16xf32>,
      %get3A_235 = vector.shape_cast %get3A_234 : vector<1x16xf32> to vector<1x16xf32>
      %add3A_236 = arith.addf %get3A_231, %get3A_235 : vector<1x16xf32>
      %max3A_237 = arith.constant 0.000000e+00 : f32
      %max3A_238 = vector.broadcast %max3A_237 : f32 to vector<1x16xf32>
      %max3A_239 = arith.maximumf %add3A_236, %max3A_238 : vector<1x16xf32>
      %swap3A_240 = arith.index_cast %add3A_194 : i32 to index
      %swap3A_241 = arith.constant 32 : index
      %swap3A_242 = tpu.vector_load %arg9[%swap3A_240, %swap3A_241] {strides = array<i32>} : memref<80x128xf32, #tpu.memory_space<vmem>>, vector<1x16xf32>,
      %swap3A_243 = vector.shape_cast %swap3A_242 : vector<1x16xf32> to vector<1x16xf32>
      %swap3A_244 = vector.shape_cast %max3A_239 : vector<1x16xf32> to vector<1x16xf32>
      tpu.vector_store %arg9[%swap3A_240, %swap3A_241], %swap3A_244 {strides = array<i32>} : memref<80x128xf32, #tpu.memory_space<vmem>>, vector<1x16xf32>,
      %get3A_245 = arith.index_cast %add3A_194 : i32 to index
      %get3A_246 = arith.constant 48 : index
      %get3A_247 = tpu.vector_load %arg9[%get3A_245, %get3A_246] {strides = array<i32>} : memref<80x128xf32, #tpu.memory_space<vmem>>, vector<1x16xf32>,
      %get3A_248 = vector.shape_cast %get3A_247 : vector<1x16xf32> to vector<1x16xf32>
      %get3A_249 = arith.index_cast %add3A_194 : i32 to index
      %get3A_250 = arith.constant 48 : index
      %get3A_251 = tpu.vector_load %arg11[%get3A_249, %get3A_250] {strides = array<i32>} : memref<80x128xf32, #tpu.memory_space<vmem>>, vector<1x16xf32>,
      %get3A_252 = vector.shape_cast %get3A_251 : vector<1x16xf32> to vector<1x16xf32>
      %add3A_253 = arith.addf %get3A_248, %get3A_252 : vector<1x16xf32>
      %max3A_254 = arith.constant 0.000000e+00 : f32
      %max3A_255 = vector.broadcast %max3A_254 : f32 to vector<1x16xf32>
      %max3A_256 = arith.maximumf %add3A_253, %max3A_255 : vector<1x16xf32>
      %swap3A_257 = arith.index_cast %add3A_194 : i32 to index
      %swap3A_258 = arith.constant 48 : index
      %swap3A_259 = tpu.vector_load %arg9[%swap3A_257, %swap3A_258] {strides = array<i32>} : memref<80x128xf32, #tpu.memory_space<vmem>>, vector<1x16xf32>,
      %swap3A_260 = vector.shape_cast %swap3A_259 : vector<1x16xf32> to vector<1x16xf32>
      %swap3A_261 = vector.shape_cast %max3A_256 : vector<1x16xf32> to vector<1x16xf32>
      tpu.vector_store %arg9[%swap3A_257, %swap3A_258], %swap3A_261 {strides = array<i32>} : memref<80x128xf32, #tpu.memory_space<vmem>>, vector<1x16xf32>,
      %get3A_262 = arith.index_cast %add3A_194 : i32 to index
      %get3A_263 = arith.constant 64 : index
      %get3A_264 = tpu.vector_load %arg9[%get3A_262, %get3A_263] {strides = array<i32>} : memref<80x128xf32, #tpu.memory_space<vmem>>, vector<1x16xf32>,
      %get3A_265 = vector.shape_cast %get3A_264 : vector<1x16xf32> to vector<1x16xf32>
      %get3A_266 = arith.index_cast %add3A_194 : i32 to index
      %get3A_267 = arith.constant 64 : index
      %get3A_268 = tpu.vector_load %arg11[%get3A_266, %get3A_267] {strides = array<i32>} : memref<80x128xf32, #tpu.memory_space<vmem>>, vector<1x16xf32>,
      %get3A_269 = vector.shape_cast %get3A_268 : vector<1x16xf32> to vector<1x16xf32>
      %add3A_270 = arith.addf %get3A_265, %get3A_269 : vector<1x16xf32>
      %max3A_271 = arith.constant 0.000000e+00 : f32
      %max3A_272 = vector.broadcast %max3A_271 : f32 to vector<1x16xf32>
      %max3A_273 = arith.maximumf %add3A_270, %max3A_272 : vector<1x16xf32>
      %swap3A_274 = arith.index_cast %add3A_194 : i32 to index
      %swap3A_275 = arith.constant 64 : index
      %swap3A_276 = tpu.vector_load %arg9[%swap3A_274, %swap3A_275] {strides = array<i32>} : memref<80x128xf32, #tpu.memory_space<vmem>>, vector<1x16xf32>,
      %swap3A_277 = vector.shape_cast %swap3A_276 : vector<1x16xf32> to vector<1x16xf32>
      %swap3A_278 = vector.shape_cast %max3A_273 : vector<1x16xf32> to vector<1x16xf32>
      tpu.vector_store %arg9[%swap3A_274, %swap3A_275], %swap3A_278 {strides = array<i32>} : memref<80x128xf32, #tpu.memory_space<vmem>>, vector<1x16xf32>,
      %get3A_279 = arith.index_cast %add3A_194 : i32 to index
      %get3A_280 = arith.constant 80 : index
      %get3A_281 = tpu.vector_load %arg9[%get3A_279, %get3A_280] {strides = array<i32>} : memref<80x128xf32, #tpu.memory_space<vmem>>, vector<1x16xf32>,
      %get3A_282 = vector.shape_cast %get3A_281 : vector<1x16xf32> to vector<1x16xf32>
      %get3A_283 = arith.index_cast %add3A_194 : i32 to index
      %get3A_284 = arith.constant 80 : index
      %get3A_285 = tpu.vector_load %arg11[%get3A_283, %get3A_284] {strides = array<i32>} : memref<80x128xf32, #tpu.memory_space<vmem>>, vector<1x16xf32>,
      %get3A_286 = vector.shape_cast %get3A_285 : vector<1x16xf32> to vector<1x16xf32>
      %add3A_287 = arith.addf %get3A_282, %get3A_286 : vector<1x16xf32>
      %max3A_288 = arith.constant 0.000000e+00 : f32
      %max3A_289 = vector.broadcast %max3A_288 : f32 to vector<1x16xf32>
      %max3A_290 = arith.maximumf %add3A_287, %max3A_289 : vector<1x16xf32>
      %swap3A_291 = arith.index_cast %add3A_194 : i32 to index
      %swap3A_292 = arith.constant 80 : index
      %swap3A_293 = tpu.vector_load %arg9[%swap3A_291, %swap3A_292] {strides = array<i32>} : memref<80x128xf32, #tpu.memory_space<vmem>>, vector<1x16xf32>,
      %swap3A_294 = vector.shape_cast %swap3A_293 : vector<1x16xf32> to vector<1x16xf32>
      %swap3A_295 = vector.shape_cast %max3A_290 : vector<1x16xf32> to vector<1x16xf32>
      tpu.vector_store %arg9[%swap3A_291, %swap3A_292], %swap3A_295 {strides = array<i32>} : memref<80x128xf32, #tpu.memory_space<vmem>>, vector<1x16xf32>,
      %get3A_296 = arith.index_cast %add3A_194 : i32 to index
      %get3A_297 = arith.constant 96 : index
      %get3A_298 = tpu.vector_load %arg9[%get3A_296, %get3A_297] {strides = array<i32>} : memref<80x128xf32, #tpu.memory_space<vmem>>, vector<1x16xf32>,
      %get3A_299 = vector.shape_cast %get3A_298 : vector<1x16xf32> to vector<1x16xf32>
      %get3A_300 = arith.index_cast %add3A_194 : i32 to index
      %get3A_301 = arith.constant 96 : index
      %get3A_302 = tpu.vector_load %arg11[%get3A_300, %get3A_301] {strides = array<i32>} : memref<80x128xf32, #tpu.memory_space<vmem>>, vector<1x16xf32>,
      %get3A_303 = vector.shape_cast %get3A_302 : vector<1x16xf32> to vector<1x16xf32>
      %add3A_304 = arith.addf %get3A_299, %get3A_303 : vector<1x16xf32>
      %max3A_305 = arith.constant 0.000000e+00 : f32
      %max3A_306 = vector.broadcast %max3A_305 : f32 to vector<1x16xf32>
      %max3A_307 = arith.maximumf %add3A_304, %max3A_306 : vector<1x16xf32>
      %swap3A_308 = arith.index_cast %add3A_194 : i32 to index
      %swap3A_309 = arith.constant 96 : index
      %swap3A_310 = tpu.vector_load %arg9[%swap3A_308, %swap3A_309] {strides = array<i32>} : memref<80x128xf32, #tpu.memory_space<vmem>>, vector<1x16xf32>,
      %swap3A_311 = vector.shape_cast %swap3A_310 : vector<1x16xf32> to vector<1x16xf32>
      %swap3A_312 = vector.shape_cast %max3A_307 : vector<1x16xf32> to vector<1x16xf32>
      tpu.vector_store %arg9[%swap3A_308, %swap3A_309], %swap3A_312 {strides = array<i32>} : memref<80x128xf32, #tpu.memory_space<vmem>>, vector<1x16xf32>,
      %get3A_313 = arith.index_cast %add3A_194 : i32 to index
      %get3A_314 = arith.constant 112 : index
      %get3A_315 = tpu.vector_load %arg9[%get3A_313, %get3A_314] {strides = array<i32>} : memref<80x128xf32, #tpu.memory_space<vmem>>, vector<1x16xf32>,
      %get3A_316 = vector.shape_cast %get3A_315 : vector<1x16xf32> to vector<1x16xf32>
      %get3A_317 = arith.index_cast %add3A_194 : i32 to index
      %get3A_318 = arith.constant 112 : index
      %get3A_319 = tpu.vector_load %arg11[%get3A_317, %get3A_318] {strides = array<i32>} : memref<80x128xf32, #tpu.memory_space<vmem>>, vector<1x16xf32>,
      %get3A_320 = vector.shape_cast %get3A_319 : vector<1x16xf32> to vector<1x16xf32>
      %add3A_321 = arith.addf %get3A_316, %get3A_320 : vector<1x16xf32>
      %max3A_322 = arith.constant 0.000000e+00 : f32
      %max3A_323 = vector.broadcast %max3A_322 : f32 to vector<1x16xf32>
      %max3A_324 = arith.maximumf %add3A_321, %max3A_323 : vector<1x16xf32>
      %swap3A_325 = arith.index_cast %add3A_194 : i32 to index
      %swap3A_326 = arith.constant 112 : index
      %swap3A_327 = tpu.vector_load %arg9[%swap3A_325, %swap3A_326] {strides = array<i32>} : memref<80x128xf32, #tpu.memory_space<vmem>>, vector<1x16xf32>,
      %swap3A_328 = vector.shape_cast %swap3A_327 : vector<1x16xf32> to vector<1x16xf32>
      %swap3A_329 = vector.shape_cast %max3A_324 : vector<1x16xf32> to vector<1x16xf32>
      tpu.vector_store %arg9[%swap3A_325, %swap3A_326], %swap3A_329 {strides = array<i32>} : memref<80x128xf32, #tpu.memory_space<vmem>>, vector<1x16xf32>,
    }
    %scan3A_133 = arith.constant 80 : i32
    %dma_wait3A_134 = arith.constant 1 : i32
    %dma_wait3A_135 = arith.constant 0 : i32
    %dma_wait3A_136 = tpu.memref_slice %arg8[%dma_wait3A_134, %dma_wait3A_135] : memref<2x80xi32, #tpu.memory_space<vmem>> -> memref<1x80xi32, #tpu.memory_space<vmem>>
    %dma_wait3A_137 = tpu.memref_squeeze %dma_wait3A_136 : memref<1x80xi32, #tpu.memory_space<vmem>> -> memref<80xi32, #tpu.memory_space<vmem>>
    %dma_wait3A_138 = arith.constant 0 : i32
    %dma_wait3A_139 = arith.constant 0 : i32
    %dma_wait3A_140 = tpu.memref_slice %arg13[%dma_wait3A_138, %dma_wait3A_139] : memref<10000x128xf32, #tpu.memory_space<vmem_shared>> -> memref<10000x128xf32, #tpu.memory_space<vmem_shared>>
    tpu.wait_indirect_dma semaphore(%arg21 : memref<!tpu.dma_semaphore, #tpu.memory_space<semaphore_mem>>) src(%arg10 : memref<80x128xf32, #tpu.memory_space<vmem>>) dst(%dma_wait3A_140 : memref<10000x128xf32, #tpu.memory_space<vmem_shared>>)
    %dma_start3A_141 = arith.constant 0 : i32
    %dma_start3A_142 = arith.constant 0 : i32
    %dma_start3A_143 = tpu.memref_slice %arg8[%dma_start3A_141, %dma_start3A_142] : memref<2x80xi32, #tpu.memory_space<vmem>> -> memref<1x80xi32, #tpu.memory_space<vmem>>
    %dma_start3A_144 = tpu.memref_squeeze %dma_start3A_143 : memref<1x80xi32, #tpu.memory_space<vmem>> -> memref<80xi32, #tpu.memory_space<vmem>>
    %dma_start3A_145 = arith.constant 0 : i32
    %dma_start3A_146 = arith.constant 0 : i32
    %dma_start3A_147 = tpu.memref_slice %arg13[%dma_start3A_145, %dma_start3A_146] : memref<10000x128xf32, #tpu.memory_space<vmem_shared>> -> memref<10000x128xf32, #tpu.memory_space<vmem_shared>>
    tpu.enqueue_indirect_dma source(%arg9 : memref<80x128xf32, #tpu.memory_space<vmem>>) target(%dma_start3A_147 : memref<10000x128xf32, #tpu.memory_space<vmem_shared>>) offsets(%dma_start3A_144 : memref<80xi32, #tpu.memory_space<vmem>>) semaphore(%arg20 : memref<!tpu.dma_semaphore, #tpu.memory_space<semaphore_mem>>) {add = true}
    %dma_wait3A_148 = arith.constant 0 : i32
    %dma_wait3A_149 = arith.constant 0 : i32
    %dma_wait3A_150 = tpu.memref_slice %arg8[%dma_wait3A_148, %dma_wait3A_149] : memref<2x80xi32, #tpu.memory_space<vmem>> -> memref<1x80xi32, #tpu.memory_space<vmem>>
    %dma_wait3A_151 = tpu.memref_squeeze %dma_wait3A_150 : memref<1x80xi32, #tpu.memory_space<vmem>> -> memref<80xi32, #tpu.memory_space<vmem>>
    %dma_wait3A_152 = arith.constant 0 : i32
    %dma_wait3A_153 = arith.constant 0 : i32
    %dma_wait3A_154 = tpu.memref_slice %arg13[%dma_wait3A_152, %dma_wait3A_153] : memref<10000x128xf32, #tpu.memory_space<vmem_shared>> -> memref<10000x128xf32, #tpu.memory_space<vmem_shared>>
    tpu.wait_indirect_dma semaphore(%arg20 : memref<!tpu.dma_semaphore, #tpu.memory_space<semaphore_mem>>) src(%arg9 : memref<80x128xf32, #tpu.memory_space<vmem>>) dst(%dma_wait3A_154 : memref<10000x128xf32, #tpu.memory_space<vmem_shared>>)
    %barrier3A_155 = arith.constant 0 : index
    tpu.barrier barrier_id(%barrier3A_155)
    %mul3A_156 = arith.constant 625 : i32
    %mul3A_157 = arith.muli %arg1, %mul3A_156 : i32
    %add3A_158 = arith.constant 0 : i32
    %add3A_159 = arith.addi %mul3A_157, %add3A_158 : i32
    %add3A_160 = arith.constant 0 : i32
    %add3A_161 = arith.addi %mul3A_157, %add3A_160 : i32
    "tpu.region"() ({
      %run_scoped3A = tpu.sem_alloc : memref<!tpu.dma_semaphore, #tpu.memory_space<semaphore_mem>>
      %dma_start3A_190 = arith.constant 0 : i32
      %dma_start3A_191 = tpu.memref_slice %arg5[%arg0, %add3A_161, %dma_start3A_190] : memref<2x10000x128xf32, #tpu.memory_space<hbm>> -> memref<1x80x128xf32, #tpu.memory_space<hbm>>
      %dma_start3A_192 = tpu.memref_squeeze %dma_start3A_191 : memref<1x80x128xf32, #tpu.memory_space<hbm>> -> memref<80x128xf32, #tpu.memory_space<hbm>>
      %dma_start3A_193 = arith.constant 0 : i32
      %dma_start3A_194 = tpu.memref_slice %arg13[%add3A_159, %dma_start3A_193] : memref<10000x128xf32, #tpu.memory_space<vmem_shared>> -> memref<80x128xf32, #tpu.memory_space<vmem_shared>>
      tpu.enqueue_dma source(%dma_start3A_194 : memref<80x128xf32, #tpu.memory_space<vmem_shared>>) target(%dma_start3A_192 : memref<80x128xf32, #tpu.memory_space<hbm>>) target_semaphore(%run_scoped3A : memref<!tpu.dma_semaphore, #tpu.memory_space<semaphore_mem>>)
      %dma_wait3A_195 = arith.constant 0 : i32
      %dma_wait3A_196 = tpu.memref_slice %arg5[%arg0, %add3A_161, %dma_wait3A_195] : memref<2x10000x128xf32, #tpu.memory_space<hbm>> -> memref<1x80x128xf32, #tpu.memory_space<hbm>>
      %dma_wait3A_197 = tpu.memref_squeeze %dma_wait3A_196 : memref<1x80x128xf32, #tpu.memory_space<hbm>> -> memref<80x128xf32, #tpu.memory_space<hbm>>
      %dma_wait3A_198 = arith.constant 0 : i32
      %dma_wait3A_199 = tpu.memref_slice %arg13[%add3A_159, %dma_wait3A_198] : memref<10000x128xf32, #tpu.memory_space<vmem_shared>> -> memref<80x128xf32, #tpu.memory_space<vmem_shared>>
      tpu.wait_dma2 semaphore(%run_scoped3A : memref<!tpu.dma_semaphore, #tpu.memory_space<semaphore_mem>>) src(%dma_wait3A_199 : memref<80x128xf32, #tpu.memory_space<vmem_shared>>) dst(%dma_wait3A_197 : memref<80x128xf32, #tpu.memory_space<hbm>>)
      tpu.yield
    }) : () -> ()
    %add3A_162 = arith.constant 80 : i32
    %add3A_163 = arith.addi %mul3A_157, %add3A_162 : i32
    %add3A_164 = arith.constant 80 : i32
    %add3A_165 = arith.addi %mul3A_157, %add3A_164 : i32
    "tpu.region"() ({
      %run_scoped3A = tpu.sem_alloc : memref<!tpu.dma_semaphore, #tpu.memory_space<semaphore_mem>>
      %dma_start3A_190 = arith.constant 0 : i32
      %dma_start3A_191 = tpu.memref_slice %arg5[%arg0, %add3A_165, %dma_start3A_190] : memref<2x10000x128xf32, #tpu.memory_space<hbm>> -> memref<1x80x128xf32, #tpu.memory_space<hbm>>
      %dma_start3A_192 = tpu.memref_squeeze %dma_start3A_191 : memref<1x80x128xf32, #tpu.memory_space<hbm>> -> memref<80x128xf32, #tpu.memory_space<hbm>>
      %dma_start3A_193 = arith.constant 0 : i32
      %dma_start3A_194 = tpu.memref_slice %arg13[%add3A_163, %dma_start3A_193] : memref<10000x128xf32, #tpu.memory_space<vmem_shared>> -> memref<80x128xf32, #tpu.memory_space<vmem_shared>>
      tpu.enqueue_dma source(%dma_start3A_194 : memref<80x128xf32, #tpu.memory_space<vmem_shared>>) target(%dma_start3A_192 : memref<80x128xf32, #tpu.memory_space<hbm>>) target_semaphore(%run_scoped3A : memref<!tpu.dma_semaphore, #tpu.memory_space<semaphore_mem>>)
      %dma_wait3A_195 = arith.constant 0 : i32
      %dma_wait3A_196 = tpu.memref_slice %arg5[%arg0, %add3A_165, %dma_wait3A_195] : memref<2x10000x128xf32, #tpu.memory_space<hbm>> -> memref<1x80x128xf32, #tpu.memory_space<hbm>>
      %dma_wait3A_197 = tpu.memref_squeeze %dma_wait3A_196 : memref<1x80x128xf32, #tpu.memory_space<hbm>> -> memref<80x128xf32, #tpu.memory_space<hbm>>
      %dma_wait3A_198 = arith.constant 0 : i32
      %dma_wait3A_199 = tpu.memref_slice %arg13[%add3A_163, %dma_wait3A_198] : memref<10000x128xf32, #tpu.memory_space<vmem_shared>> -> memref<80x128xf32, #tpu.memory_space<vmem_shared>>
      tpu.wait_dma2 semaphore(%run_scoped3A : memref<!tpu.dma_semaphore, #tpu.memory_space<semaphore_mem>>) src(%dma_wait3A_199 : memref<80x128xf32, #tpu.memory_space<vmem_shared>>) dst(%dma_wait3A_197 : memref<80x128xf32, #tpu.memory_space<hbm>>)
      tpu.yield
    }) : () -> ()
    %add3A_166 = arith.constant 160 : i32
    %add3A_167 = arith.addi %mul3A_157, %add3A_166 : i32
    %add3A_168 = arith.constant 160 : i32
    %add3A_169 = arith.addi %mul3A_157, %add3A_168 : i32
    "tpu.region"() ({
      %run_scoped3A = tpu.sem_alloc : memref<!tpu.dma_semaphore, #tpu.memory_space<semaphore_mem>>
      %dma_start3A_190 = arith.constant 0 : i32
      %dma_start3A_191 = tpu.memref_slice %arg5[%arg0, %add3A_169, %dma_start3A_190] : memref<2x10000x128xf32, #tpu.memory_space<hbm>> -> memref<1x80x128xf32, #tpu.memory_space<hbm>>
      %dma_start3A_192 = tpu.memref_squeeze %dma_start3A_191 : memref<1x80x128xf32, #tpu.memory_space<hbm>> -> memref<80x128xf32, #tpu.memory_space<hbm>>
      %dma_start3A_193 = arith.constant 0 : i32
      %dma_start3A_194 = tpu.memref_slice %arg13[%add3A_167, %dma_start3A_193] : memref<10000x128xf32, #tpu.memory_space<vmem_shared>> -> memref<80x128xf32, #tpu.memory_space<vmem_shared>>
      tpu.enqueue_dma source(%dma_start3A_194 : memref<80x128xf32, #tpu.memory_space<vmem_shared>>) target(%dma_start3A_192 : memref<80x128xf32, #tpu.memory_space<hbm>>) target_semaphore(%run_scoped3A : memref<!tpu.dma_semaphore, #tpu.memory_space<semaphore_mem>>)
      %dma_wait3A_195 = arith.constant 0 : i32
      %dma_wait3A_196 = tpu.memref_slice %arg5[%arg0, %add3A_169, %dma_wait3A_195] : memref<2x10000x128xf32, #tpu.memory_space<hbm>> -> memref<1x80x128xf32, #tpu.memory_space<hbm>>
      %dma_wait3A_197 = tpu.memref_squeeze %dma_wait3A_196 : memref<1x80x128xf32, #tpu.memory_space<hbm>> -> memref<80x128xf32, #tpu.memory_space<hbm>>
      %dma_wait3A_198 = arith.constant 0 : i32
      %dma_wait3A_199 = tpu.memref_slice %arg13[%add3A_167, %dma_wait3A_198] : memref<10000x128xf32, #tpu.memory_space<vmem_shared>> -> memref<80x128xf32, #tpu.memory_space<vmem_shared>>
      tpu.wait_dma2 semaphore(%run_scoped3A : memref<!tpu.dma_semaphore, #tpu.memory_space<semaphore_mem>>) src(%dma_wait3A_199 : memref<80x128xf32, #tpu.memory_space<vmem_shared>>) dst(%dma_wait3A_197 : memref<80x128xf32, #tpu.memory_space<hbm>>)
      tpu.yield
    }) : () -> ()
    %add3A_170 = arith.constant 240 : i32
    %add3A_171 = arith.addi %mul3A_157, %add3A_170 : i32
    %add3A_172 = arith.constant 240 : i32
    %add3A_173 = arith.addi %mul3A_157, %add3A_172 : i32
    "tpu.region"() ({
      %run_scoped3A = tpu.sem_alloc : memref<!tpu.dma_semaphore, #tpu.memory_space<semaphore_mem>>
      %dma_start3A_190 = arith.constant 0 : i32
      %dma_start3A_191 = tpu.memref_slice %arg5[%arg0, %add3A_173, %dma_start3A_190] : memref<2x10000x128xf32, #tpu.memory_space<hbm>> -> memref<1x80x128xf32, #tpu.memory_space<hbm>>
      %dma_start3A_192 = tpu.memref_squeeze %dma_start3A_191 : memref<1x80x128xf32, #tpu.memory_space<hbm>> -> memref<80x128xf32, #tpu.memory_space<hbm>>
      %dma_start3A_193 = arith.constant 0 : i32
      %dma_start3A_194 = tpu.memref_slice %arg13[%add3A_171, %dma_start3A_193] : memref<10000x128xf32, #tpu.memory_space<vmem_shared>> -> memref<80x128xf32, #tpu.memory_space<vmem_shared>>
      tpu.enqueue_dma source(%dma_start3A_194 : memref<80x128xf32, #tpu.memory_space<vmem_shared>>) target(%dma_start3A_192 : memref<80x128xf32, #tpu.memory_space<hbm>>) target_semaphore(%run_scoped3A : memref<!tpu.dma_semaphore, #tpu.memory_space<semaphore_mem>>)
      %dma_wait3A_195 = arith.constant 0 : i32
      %dma_wait3A_196 = tpu.memref_slice %arg5[%arg0, %add3A_173, %dma_wait3A_195] : memref<2x10000x128xf32, #tpu.memory_space<hbm>> -> memref<1x80x128xf32, #tpu.memory_space<hbm>>
      %dma_wait3A_197 = tpu.memref_squeeze %dma_wait3A_196 : memref<1x80x128xf32, #tpu.memory_space<hbm>> -> memref<80x128xf32, #tpu.memory_space<hbm>>
      %dma_wait3A_198 = arith.constant 0 : i32
      %dma_wait3A_199 = tpu.memref_slice %arg13[%add3A_171, %dma_wait3A_198] : memref<10000x128xf32, #tpu.memory_space<vmem_shared>> -> memref<80x128xf32, #tpu.memory_space<vmem_shared>>
      tpu.wait_dma2 semaphore(%run_scoped3A : memref<!tpu.dma_semaphore, #tpu.memory_space<semaphore_mem>>) src(%dma_wait3A_199 : memref<80x128xf32, #tpu.memory_space<vmem_shared>>) dst(%dma_wait3A_197 : memref<80x128xf32, #tpu.memory_space<hbm>>)
      tpu.yield
    }) : () -> ()
    %add3A_174 = arith.constant 320 : i32
    %add3A_175 = arith.addi %mul3A_157, %add3A_174 : i32
    %add3A_176 = arith.constant 320 : i32
    %add3A_177 = arith.addi %mul3A_157, %add3A_176 : i32
    "tpu.region"() ({
      %run_scoped3A = tpu.sem_alloc : memref<!tpu.dma_semaphore, #tpu.memory_space<semaphore_mem>>
      %dma_start3A_190 = arith.constant 0 : i32
      %dma_start3A_191 = tpu.memref_slice %arg5[%arg0, %add3A_177, %dma_start3A_190] : memref<2x10000x128xf32, #tpu.memory_space<hbm>> -> memref<1x80x128xf32, #tpu.memory_space<hbm>>
      %dma_start3A_192 = tpu.memref_squeeze %dma_start3A_191 : memref<1x80x128xf32, #tpu.memory_space<hbm>> -> memref<80x128xf32, #tpu.memory_space<hbm>>
      %dma_start3A_193 = arith.constant 0 : i32
      %dma_start3A_194 = tpu.memref_slice %arg13[%add3A_175, %dma_start3A_193] : memref<10000x128xf32, #tpu.memory_space<vmem_shared>> -> memref<80x128xf32, #tpu.memory_space<vmem_shared>>
      tpu.enqueue_dma source(%dma_start3A_194 : memref<80x128xf32, #tpu.memory_space<vmem_shared>>) target(%dma_start3A_192 : memref<80x128xf32, #tpu.memory_space<hbm>>) target_semaphore(%run_scoped3A : memref<!tpu.dma_semaphore, #tpu.memory_space<semaphore_mem>>)
      %dma_wait3A_195 = arith.constant 0 : i32
      %dma_wait3A_196 = tpu.memref_slice %arg5[%arg0, %add3A_177, %dma_wait3A_195] : memref<2x10000x128xf32, #tpu.memory_space<hbm>> -> memref<1x80x128xf32, #tpu.memory_space<hbm>>
      %dma_wait3A_197 = tpu.memref_squeeze %dma_wait3A_196 : memref<1x80x128xf32, #tpu.memory_space<hbm>> -> memref<80x128xf32, #tpu.memory_space<hbm>>
      %dma_wait3A_198 = arith.constant 0 : i32
      %dma_wait3A_199 = tpu.memref_slice %arg13[%add3A_175, %dma_wait3A_198] : memref<10000x128xf32, #tpu.memory_space<vmem_shared>> -> memref<80x128xf32, #tpu.memory_space<vmem_shared>>
      tpu.wait_dma2 semaphore(%run_scoped3A : memref<!tpu.dma_semaphore, #tpu.memory_space<semaphore_mem>>) src(%dma_wait3A_199 : memref<80x128xf32, #tpu.memory_space<vmem_shared>>) dst(%dma_wait3A_197 : memref<80x128xf32, #tpu.memory_space<hbm>>)
      tpu.yield
    }) : () -> ()
    %add3A_178 = arith.constant 400 : i32
    %add3A_179 = arith.addi %mul3A_157, %add3A_178 : i32
    %add3A_180 = arith.constant 400 : i32
    %add3A_181 = arith.addi %mul3A_157, %add3A_180 : i32
    "tpu.region"() ({
      %run_scoped3A = tpu.sem_alloc : memref<!tpu.dma_semaphore, #tpu.memory_space<semaphore_mem>>
      %dma_start3A_190 = arith.constant 0 : i32
      %dma_start3A_191 = tpu.memref_slice %arg5[%arg0, %add3A_181, %dma_start3A_190] : memref<2x10000x128xf32, #tpu.memory_space<hbm>> -> memref<1x80x128xf32, #tpu.memory_space<hbm>>
      %dma_start3A_192 = tpu.memref_squeeze %dma_start3A_191 : memref<1x80x128xf32, #tpu.memory_space<hbm>> -> memref<80x128xf32, #tpu.memory_space<hbm>>
      %dma_start3A_193 = arith.constant 0 : i32
      %dma_start3A_194 = tpu.memref_slice %arg13[%add3A_179, %dma_start3A_193] : memref<10000x128xf32, #tpu.memory_space<vmem_shared>> -> memref<80x128xf32, #tpu.memory_space<vmem_shared>>
      tpu.enqueue_dma source(%dma_start3A_194 : memref<80x128xf32, #tpu.memory_space<vmem_shared>>) target(%dma_start3A_192 : memref<80x128xf32, #tpu.memory_space<hbm>>) target_semaphore(%run_scoped3A : memref<!tpu.dma_semaphore, #tpu.memory_space<semaphore_mem>>)
      %dma_wait3A_195 = arith.constant 0 : i32
      %dma_wait3A_196 = tpu.memref_slice %arg5[%arg0, %add3A_181, %dma_wait3A_195] : memref<2x10000x128xf32, #tpu.memory_space<hbm>> -> memref<1x80x128xf32, #tpu.memory_space<hbm>>
      %dma_wait3A_197 = tpu.memref_squeeze %dma_wait3A_196 : memref<1x80x128xf32, #tpu.memory_space<hbm>> -> memref<80x128xf32, #tpu.memory_space<hbm>>
      %dma_wait3A_198 = arith.constant 0 : i32
      %dma_wait3A_199 = tpu.memref_slice %arg13[%add3A_179, %dma_wait3A_198] : memref<10000x128xf32, #tpu.memory_space<vmem_shared>> -> memref<80x128xf32, #tpu.memory_space<vmem_shared>>
      tpu.wait_dma2 semaphore(%run_scoped3A : memref<!tpu.dma_semaphore, #tpu.memory_space<semaphore_mem>>) src(%dma_wait3A_199 : memref<80x128xf32, #tpu.memory_space<vmem_shared>>) dst(%dma_wait3A_197 : memref<80x128xf32, #tpu.memory_space<hbm>>)
      tpu.yield
    }) : () -> ()
    %add3A_182 = arith.constant 480 : i32
    %add3A_183 = arith.addi %mul3A_157, %add3A_182 : i32
    %add3A_184 = arith.constant 480 : i32
    %add3A_185 = arith.addi %mul3A_157, %add3A_184 : i32
    "tpu.region"() ({
      %run_scoped3A = tpu.sem_alloc : memref<!tpu.dma_semaphore, #tpu.memory_space<semaphore_mem>>
      %dma_start3A_190 = arith.constant 0 : i32
      %dma_start3A_191 = tpu.memref_slice %arg5[%arg0, %add3A_185, %dma_start3A_190] : memref<2x10000x128xf32, #tpu.memory_space<hbm>> -> memref<1x80x128xf32, #tpu.memory_space<hbm>>
      %dma_start3A_192 = tpu.memref_squeeze %dma_start3A_191 : memref<1x80x128xf32, #tpu.memory_space<hbm>> -> memref<80x128xf32, #tpu.memory_space<hbm>>
      %dma_start3A_193 = arith.constant 0 : i32
      %dma_start3A_194 = tpu.memref_slice %arg13[%add3A_183, %dma_start3A_193] : memref<10000x128xf32, #tpu.memory_space<vmem_shared>> -> memref<80x128xf32, #tpu.memory_space<vmem_shared>>
      tpu.enqueue_dma source(%dma_start3A_194 : memref<80x128xf32, #tpu.memory_space<vmem_shared>>) target(%dma_start3A_192 : memref<80x128xf32, #tpu.memory_space<hbm>>) target_semaphore(%run_scoped3A : memref<!tpu.dma_semaphore, #tpu.memory_space<semaphore_mem>>)
      %dma_wait3A_195 = arith.constant 0 : i32
      %dma_wait3A_196 = tpu.memref_slice %arg5[%arg0, %add3A_185, %dma_wait3A_195] : memref<2x10000x128xf32, #tpu.memory_space<hbm>> -> memref<1x80x128xf32, #tpu.memory_space<hbm>>
      %dma_wait3A_197 = tpu.memref_squeeze %dma_wait3A_196 : memref<1x80x128xf32, #tpu.memory_space<hbm>> -> memref<80x128xf32, #tpu.memory_space<hbm>>
      %dma_wait3A_198 = arith.constant 0 : i32
      %dma_wait3A_199 = tpu.memref_slice %arg13[%add3A_183, %dma_wait3A_198] : memref<10000x128xf32, #tpu.memory_space<vmem_shared>> -> memref<80x128xf32, #tpu.memory_space<vmem_shared>>
      tpu.wait_dma2 semaphore(%run_scoped3A : memref<!tpu.dma_semaphore, #tpu.memory_space<semaphore_mem>>) src(%dma_wait3A_199 : memref<80x128xf32, #tpu.memory_space<vmem_shared>>) dst(%dma_wait3A_197 : memref<80x128xf32, #tpu.memory_space<hbm>>)
      tpu.yield
    }) : () -> ()
    %add3A_186 = arith.constant 560 : i32
    %add3A_187 = arith.addi %mul3A_157, %add3A_186 : i32
    %add3A_188 = arith.constant 560 : i32
    %add3A_189 = arith.addi %mul3A_157, %add3A_188 : i32
    "tpu.region"() ({
      %run_scoped3A = tpu.sem_alloc : memref<!tpu.dma_semaphore, #tpu.memory_space<semaphore_mem>>
      %dma_start3A_190 = arith.constant 0 : i32
      %dma_start3A_191 = tpu.memref_slice %arg5[%arg0, %add3A_189, %dma_start3A_190] : memref<2x10000x128xf32, #tpu.memory_space<hbm>> -> memref<1x65x128xf32, #tpu.memory_space<hbm>>
      %dma_start3A_192 = tpu.memref_squeeze %dma_start3A_191 : memref<1x65x128xf32, #tpu.memory_space<hbm>> -> memref<65x128xf32, #tpu.memory_space<hbm>>
      %dma_start3A_193 = arith.constant 0 : i32
      %dma_start3A_194 = tpu.memref_slice %arg13[%add3A_187, %dma_start3A_193] : memref<10000x128xf32, #tpu.memory_space<vmem_shared>> -> memref<65x128xf32, #tpu.memory_space<vmem_shared>>
      tpu.enqueue_dma source(%dma_start3A_194 : memref<65x128xf32, #tpu.memory_space<vmem_shared>>) target(%dma_start3A_192 : memref<65x128xf32, #tpu.memory_space<hbm>>) target_semaphore(%run_scoped3A : memref<!tpu.dma_semaphore, #tpu.memory_space<semaphore_mem>>)
      %dma_wait3A_195 = arith.constant 0 : i32
      %dma_wait3A_196 = tpu.memref_slice %arg5[%arg0, %add3A_189, %dma_wait3A_195] : memref<2x10000x128xf32, #tpu.memory_space<hbm>> -> memref<1x65x128xf32, #tpu.memory_space<hbm>>
      %dma_wait3A_197 = tpu.memref_squeeze %dma_wait3A_196 : memref<1x65x128xf32, #tpu.memory_space<hbm>> -> memref<65x128xf32, #tpu.memory_space<hbm>>
      %dma_wait3A_198 = arith.constant 0 : i32
      %dma_wait3A_199 = tpu.memref_slice %arg13[%add3A_187, %dma_wait3A_198] : memref<10000x128xf32, #tpu.memory_space<vmem_shared>> -> memref<65x128xf32, #tpu.memory_space<vmem_shared>>
      tpu.wait_dma2 semaphore(%run_scoped3A : memref<!tpu.dma_semaphore, #tpu.memory_space<semaphore_mem>>) src(%dma_wait3A_199 : memref<65x128xf32, #tpu.memory_space<vmem_shared>>) dst(%dma_wait3A_197 : memref<65x128xf32, #tpu.memory_space<hbm>>)
      tpu.yield
    }) : () -> ()
    return
  }
}

module attributes {stable_mosaic.version = 14 : i64} {
  func.func @_edge_enc_body(%arg0: i32, %arg1: memref<4000x13xf32, #tpu.memory_space<vmem>>, %arg2: memref<13x128xf32, #tpu.memory_space<vmem>>, %arg3: memref<1x128xf32, #tpu.memory_space<vmem>>, %arg4: memref<4000x128xf32, #tpu.memory_space<vmem>>) attributes {dimension_semantics = [#tpu.dimension_semantics<arbitrary>], iteration_bounds = array<i64: 80>, scalar_prefetch = 0 : i64, scratch_operands = 0 : i64, tpu.core_type = #tpu.core_type<tc>, window_params = [{transform_indices = @transform_0, window_bounds = array<i64: 4000, 13>}, {pipeline_mode = #tpu.pipeline_mode<synchronous>, transform_indices = @transform_1, window_bounds = array<i64: 13, 128>}, {pipeline_mode = #tpu.pipeline_mode<synchronous>, transform_indices = @transform_2, window_bounds = array<i64: 1, 128>}, {transform_indices = @transform_3, window_bounds = array<i64: 4000, 128>}]} {
    %get3A = arith.constant 0 : index
    %get3A_0 = arith.constant 0 : index
    %get3A_1 = vector.load %arg1[%get3A, %get3A_0] : memref<4000x13xf32, #tpu.memory_space<vmem>>, vector<4000x13xf32>
    %get3A_2 = arith.constant 0 : index
    %get3A_3 = arith.constant 0 : index
    %get3A_4 = vector.load %arg2[%get3A_2, %get3A_3] : memref<13x128xf32, #tpu.memory_space<vmem>>, vector<13x128xf32>
    %dot_general3A = arith.constant dense<0.000000e+00> : vector<4000x128xf32>
    %dot_general3A_5 = tpu.matmul %get3A_1, %get3A_4, %dot_general3A {dimension_numbers = #tpu.dot_dimension_numbers<[1], [0], [0], [1], [0, 0, 1, 1], [], []>, transpose_lhs_hint = false} : vector<4000x13xf32>, vector<13x128xf32>, vector<4000x128xf32> -> vector<4000x128xf32>
    %get3A_6 = arith.constant 0 : index
    %get3A_7 = arith.constant 0 : index
    %get3A_8 = vector.load %arg3[%get3A_6, %get3A_7] : memref<1x128xf32, #tpu.memory_space<vmem>>, vector<1x128xf32>
    %add3A = vector.broadcast %get3A_8 : vector<1x128xf32> to vector<4000x128xf32>
    %add3A_9 = arith.addf %dot_general3A_5, %add3A : vector<4000x128xf32>
    %max3A = arith.constant 0.000000e+00 : f32
    %max3A_10 = vector.broadcast %max3A : f32 to vector<4000x128xf32>
    %max3A_11 = arith.maximumf %add3A_9, %max3A_10 : vector<4000x128xf32>
    %swap3A = arith.constant 0 : index
    %swap3A_12 = arith.constant 0 : index
    %swap3A_13 = vector.load %arg4[%swap3A, %swap3A_12] : memref<4000x128xf32, #tpu.memory_space<vmem>>, vector<4000x128xf32>
    tpu.vector_store %arg4[%swap3A, %swap3A_12], %max3A_11 {strides = array<i32>} : memref<4000x128xf32, #tpu.memory_space<vmem>>, vector<4000x128xf32>,
    return
  }
  func.func @transform_0(%arg0: i32) -> (i32, i32) {
    %c0_i32 = arith.constant 0 : i32
    %c0_i32_0 = arith.constant 0 : i32
    return %arg0, %c0_i32 : i32, i32
  }
  func.func @transform_1(%arg0: i32) -> (i32, i32) {
    %c0_i32 = arith.constant 0 : i32
    %c0_i32_0 = arith.constant 0 : i32
    %c0_i32_1 = arith.constant 0 : i32
    return %c0_i32, %c0_i32_0 : i32, i32
  }
  func.func @transform_2(%arg0: i32) -> (i32, i32) {
    %c0_i32 = arith.constant 0 : i32
    %c0_i32_0 = arith.constant 0 : i32
    %c0_i32_1 = arith.constant 0 : i32
    return %c0_i32, %c0_i32_0 : i32, i32
  }
  func.func @transform_3(%arg0: i32) -> (i32, i32) {
    %c0_i32 = arith.constant 0 : i32
    %c0_i32_0 = arith.constant 0 : i32
    return %arg0, %c0_i32 : i32, i32
  }
}

module attributes {stable_mosaic.version = 14 : i64} {
  func.func @_node_enc_body(%arg0: i32, %arg1: memref<1000x128xf32, #tpu.memory_space<vmem>>, %arg2: memref<128x128xf32, #tpu.memory_space<vmem>>, %arg3: memref<1x128xf32, #tpu.memory_space<vmem>>, %arg4: memref<1x128xf32, #tpu.memory_space<vmem>>, %arg5: memref<1x128xf32, #tpu.memory_space<vmem>>, %arg6: memref<1000x128xf32, #tpu.memory_space<vmem>>) attributes {dimension_semantics = [#tpu.dimension_semantics<arbitrary>], iteration_bounds = array<i64: 10>, scalar_prefetch = 0 : i64, scratch_operands = 0 : i64, tpu.core_type = #tpu.core_type<tc>, window_params = [{transform_indices = @transform_0, window_bounds = array<i64: 1000, 128>}, {pipeline_mode = #tpu.pipeline_mode<synchronous>, transform_indices = @transform_1, window_bounds = array<i64: 128, 128>}, {pipeline_mode = #tpu.pipeline_mode<synchronous>, transform_indices = @transform_2, window_bounds = array<i64: 1, 128>}, {pipeline_mode = #tpu.pipeline_mode<synchronous>, transform_indices = @transform_3, window_bounds = array<i64: 1, 128>}, {pipeline_mode = #tpu.pipeline_mode<synchronous>, transform_indices = @transform_4, window_bounds = array<i64: 1, 128>}, {transform_indices = @transform_5, window_bounds = array<i64: 1000, 128>}]} {
    %get3A = arith.constant 0 : index
    %get3A_0 = arith.constant 0 : index
    %get3A_1 = vector.load %arg1[%get3A, %get3A_0] : memref<1000x128xf32, #tpu.memory_space<vmem>>, vector<1000x128xf32>
    %get3A_2 = arith.constant 0 : index
    %get3A_3 = arith.constant 0 : index
    %get3A_4 = vector.load %arg2[%get3A_2, %get3A_3] : memref<128x128xf32, #tpu.memory_space<vmem>>, vector<128x128xf32>
    %dot_general3A = arith.constant dense<0.000000e+00> : vector<1000x128xf32>
    %dot_general3A_5 = tpu.matmul %get3A_1, %get3A_4, %dot_general3A {dimension_numbers = #tpu.dot_dimension_numbers<[1], [0], [0], [1], [0, 0, 1, 1], [], []>, transpose_lhs_hint = false} : vector<1000x128xf32>, vector<128x128xf32>, vector<1000x128xf32> -> vector<1000x128xf32>
    %get3A_6 = arith.constant 0 : index
    %get3A_7 = arith.constant 0 : index
    %get3A_8 = vector.load %arg3[%get3A_6, %get3A_7] : memref<1x128xf32, #tpu.memory_space<vmem>>, vector<1x128xf32>
    %add3A = vector.broadcast %get3A_8 : vector<1x128xf32> to vector<1000x128xf32>
    %add3A_9 = arith.addf %dot_general3A_5, %add3A : vector<1000x128xf32>
    %mul3A = arith.constant 0.999994993 : f32
    %mul3A_10 = vector.broadcast %mul3A : f32 to vector<1000x128xf32>
    %mul3A_11 = arith.mulf %add3A_9, %mul3A_10 : vector<1000x128xf32>
    %get3A_12 = arith.constant 0 : index
    %get3A_13 = arith.constant 0 : index
    %get3A_14 = vector.load %arg4[%get3A_12, %get3A_13] : memref<1x128xf32, #tpu.memory_space<vmem>>, vector<1x128xf32>
    %mul3A_15 = vector.broadcast %get3A_14 : vector<1x128xf32> to vector<1000x128xf32>
    %mul3A_16 = arith.mulf %mul3A_11, %mul3A_15 : vector<1000x128xf32>
    %get3A_17 = arith.constant 0 : index
    %get3A_18 = arith.constant 0 : index
    %get3A_19 = vector.load %arg5[%get3A_17, %get3A_18] : memref<1x128xf32, #tpu.memory_space<vmem>>, vector<1x128xf32>
    %add3A_20 = vector.broadcast %get3A_19 : vector<1x128xf32> to vector<1000x128xf32>
    %add3A_21 = arith.addf %mul3A_16, %add3A_20 : vector<1000x128xf32>
    %max3A = arith.constant 0.000000e+00 : f32
    %max3A_22 = vector.broadcast %max3A : f32 to vector<1000x128xf32>
    %max3A_23 = arith.maximumf %add3A_21, %max3A_22 : vector<1000x128xf32>
    %swap3A = arith.constant 0 : index
    %swap3A_24 = arith.constant 0 : index
    %swap3A_25 = vector.load %arg6[%swap3A, %swap3A_24] : memref<1000x128xf32, #tpu.memory_space<vmem>>, vector<1000x128xf32>
    tpu.vector_store %arg6[%swap3A, %swap3A_24], %max3A_23 {strides = array<i32>} : memref<1000x128xf32, #tpu.memory_space<vmem>>, vector<1000x128xf32>,
    return
  }
  func.func @transform_0(%arg0: i32) -> (i32, i32) {
    %c0_i32 = arith.constant 0 : i32
    %c0_i32_0 = arith.constant 0 : i32
    return %arg0, %c0_i32 : i32, i32
  }
  func.func @transform_1(%arg0: i32) -> (i32, i32) {
    %c0_i32 = arith.constant 0 : i32
    %c0_i32_0 = arith.constant 0 : i32
    %c0_i32_1 = arith.constant 0 : i32
    return %c0_i32, %c0_i32_0 : i32, i32
  }
  func.func @transform_2(%arg0: i32) -> (i32, i32) {
    %c0_i32 = arith.constant 0 : i32
    %c0_i32_0 = arith.constant 0 : i32
    %c0_i32_1 = arith.constant 0 : i32
    return %c0_i32, %c0_i32_0 : i32, i32
  }
  func.func @transform_3(%arg0: i32) -> (i32, i32) {
    %c0_i32 = arith.constant 0 : i32
    %c0_i32_0 = arith.constant 0 : i32
    %c0_i32_1 = arith.constant 0 : i32
    return %c0_i32, %c0_i32_0 : i32, i32
  }
  func.func @transform_4(%arg0: i32) -> (i32, i32) {
    %c0_i32 = arith.constant 0 : i32
    %c0_i32_0 = arith.constant 0 : i32
    %c0_i32_1 = arith.constant 0 : i32
    return %c0_i32, %c0_i32_0 : i32, i32
  }
  func.func @transform_5(%arg0: i32) -> (i32, i32) {
    %c0_i32 = arith.constant 0 : i32
    %c0_i32_0 = arith.constant 0 : i32
    return %arg0, %c0_i32 : i32, i32
  }
}

module attributes {stable_mosaic.version = 14 : i64} {
  func.func @_mlp_body(%arg0: i32, %arg1: memref<1000x128xf32, #tpu.memory_space<vmem>>, %arg2: memref<2x1000x128xf32, #tpu.memory_space<vmem>>, %arg3: memref<1x128xf32, #tpu.memory_space<vmem>>, %arg4: memref<128x256xf32, #tpu.memory_space<vmem>>, %arg5: memref<1x256xf32, #tpu.memory_space<vmem>>, %arg6: memref<1x256xf32, #tpu.memory_space<vmem>>, %arg7: memref<1x256xf32, #tpu.memory_space<vmem>>, %arg8: memref<256x128xf32, #tpu.memory_space<vmem>>, %arg9: memref<1x128xf32, #tpu.memory_space<vmem>>, %arg10: memref<1x128xf32, #tpu.memory_space<vmem>>, %arg11: memref<1x128xf32, #tpu.memory_space<vmem>>, %arg12: memref<1000x128xf32, #tpu.memory_space<vmem>>) attributes {dimension_semantics = [#tpu.dimension_semantics<arbitrary>], iteration_bounds = array<i64: 10>, scalar_prefetch = 0 : i64, scratch_operands = 0 : i64, tpu.core_type = #tpu.core_type<tc>, window_params = [{transform_indices = @transform_0, window_bounds = array<i64: 1000, 128>}, {transform_indices = @transform_1, window_bounds = array<i64: 2, 1000, 128>}, {pipeline_mode = #tpu.pipeline_mode<synchronous>, transform_indices = @transform_2, window_bounds = array<i64: 1, 128>}, {pipeline_mode = #tpu.pipeline_mode<synchronous>, transform_indices = @transform_3, window_bounds = array<i64: 128, 256>}, {pipeline_mode = #tpu.pipeline_mode<synchronous>, transform_indices = @transform_4, window_bounds = array<i64: 1, 256>}, {pipeline_mode = #tpu.pipeline_mode<synchronous>, transform_indices = @transform_5, window_bounds = array<i64: 1, 256>}, {pipeline_mode = #tpu.pipeline_mode<synchronous>, transform_indices = @transform_6, window_bounds = array<i64: 1, 256>}, {pipeline_mode = #tpu.pipeline_mode<synchronous>, transform_indices = @transform_7, window_bounds = array<i64: 256, 128>}, {pipeline_mode = #tpu.pipeline_mode<synchronous>, transform_indices = @transform_8, window_bounds = array<i64: 1, 128>}, {pipeline_mode = #tpu.pipeline_mode<synchronous>, transform_indices = @transform_9, window_bounds = array<i64: 1, 128>}, {pipeline_mode = #tpu.pipeline_mode<synchronous>, transform_indices = @transform_10, window_bounds = array<i64: 1, 128>}, {transform_indices = @transform_11, window_bounds = array<i64: 1000, 128>}]} {
    %get3A = arith.constant 0 : index
    %get3A_0 = arith.constant 0 : index
    %get3A_1 = vector.load %arg1[%get3A, %get3A_0] : memref<1000x128xf32, #tpu.memory_space<vmem>>, vector<1000x128xf32>
    %get3A_2 = arith.constant 0 : index
    %get3A_3 = arith.constant 0 : index
    %get3A_4 = vector.load %arg3[%get3A_2, %get3A_3] : memref<1x128xf32, #tpu.memory_space<vmem>>, vector<1x128xf32>
    %mul3A = vector.broadcast %get3A_4 : vector<1x128xf32> to vector<1000x128xf32>
    %mul3A_5 = arith.mulf %get3A_1, %mul3A : vector<1000x128xf32>
    %get3A_6 = arith.constant 0 : index
    %get3A_7 = arith.constant 0 : index
    %get3A_8 = arith.constant 0 : index
    %get3A_9 = vector.load %arg2[%get3A_6, %get3A_7, %get3A_8] : memref<2x1000x128xf32, #tpu.memory_space<vmem>>, vector<1x1000x128xf32>
    %get3A_10 = vector.shape_cast %get3A_9 : vector<1x1000x128xf32> to vector<1000x128xf32>
    %add3A = arith.addf %mul3A_5, %get3A_10 : vector<1000x128xf32>
    %get3A_11 = arith.constant 1 : index
    %get3A_12 = arith.constant 0 : index
    %get3A_13 = arith.constant 0 : index
    %get3A_14 = vector.load %arg2[%get3A_11, %get3A_12, %get3A_13] : memref<2x1000x128xf32, #tpu.memory_space<vmem>>, vector<1x1000x128xf32>
    %get3A_15 = vector.shape_cast %get3A_14 : vector<1x1000x128xf32> to vector<1000x128xf32>
    %add3A_16 = arith.addf %add3A, %get3A_15 : vector<1000x128xf32>
    %get3A_17 = arith.constant 0 : index
    %get3A_18 = arith.constant 0 : index
    %get3A_19 = vector.load %arg4[%get3A_17, %get3A_18] : memref<128x256xf32, #tpu.memory_space<vmem>>, vector<128x256xf32>
    %dot_general3A = arith.constant dense<0.000000e+00> : vector<1000x256xf32>
    %dot_general3A_20 = tpu.matmul %add3A_16, %get3A_19, %dot_general3A {dimension_numbers = #tpu.dot_dimension_numbers<[1], [0], [0], [1], [0, 0, 1, 1], [], []>, transpose_lhs_hint = false} : vector<1000x128xf32>, vector<128x256xf32>, vector<1000x256xf32> -> vector<1000x256xf32>
    %get3A_21 = arith.constant 0 : index
    %get3A_22 = arith.constant 0 : index
    %get3A_23 = vector.load %arg5[%get3A_21, %get3A_22] : memref<1x256xf32, #tpu.memory_space<vmem>>, vector<1x256xf32>
    %add3A_24 = vector.broadcast %get3A_23 : vector<1x256xf32> to vector<1000x256xf32>
    %add3A_25 = arith.addf %dot_general3A_20, %add3A_24 : vector<1000x256xf32>
    %mul3A_26 = arith.constant 0.999994993 : f32
    %mul3A_27 = vector.broadcast %mul3A_26 : f32 to vector<1000x256xf32>
    %mul3A_28 = arith.mulf %add3A_25, %mul3A_27 : vector<1000x256xf32>
    %get3A_29 = arith.constant 0 : index
    %get3A_30 = arith.constant 0 : index
    %get3A_31 = vector.load %arg6[%get3A_29, %get3A_30] : memref<1x256xf32, #tpu.memory_space<vmem>>, vector<1x256xf32>
    %mul3A_32 = vector.broadcast %get3A_31 : vector<1x256xf32> to vector<1000x256xf32>
    %mul3A_33 = arith.mulf %mul3A_28, %mul3A_32 : vector<1000x256xf32>
    %get3A_34 = arith.constant 0 : index
    %get3A_35 = arith.constant 0 : index
    %get3A_36 = vector.load %arg7[%get3A_34, %get3A_35] : memref<1x256xf32, #tpu.memory_space<vmem>>, vector<1x256xf32>
    %add3A_37 = vector.broadcast %get3A_36 : vector<1x256xf32> to vector<1000x256xf32>
    %add3A_38 = arith.addf %mul3A_33, %add3A_37 : vector<1000x256xf32>
    %max3A = arith.constant 0.000000e+00 : f32
    %max3A_39 = vector.broadcast %max3A : f32 to vector<1000x256xf32>
    %max3A_40 = arith.maximumf %add3A_38, %max3A_39 : vector<1000x256xf32>
    %get3A_41 = arith.constant 0 : index
    %get3A_42 = arith.constant 0 : index
    %get3A_43 = vector.load %arg8[%get3A_41, %get3A_42] : memref<256x128xf32, #tpu.memory_space<vmem>>, vector<256x128xf32>
    %dot_general3A_44 = arith.constant dense<0.000000e+00> : vector<1000x128xf32>
    %dot_general3A_45 = tpu.matmul %max3A_40, %get3A_43, %dot_general3A_44 {dimension_numbers = #tpu.dot_dimension_numbers<[1], [0], [0], [1], [0, 0, 1, 1], [], []>, transpose_lhs_hint = false} : vector<1000x256xf32>, vector<256x128xf32>, vector<1000x128xf32> -> vector<1000x128xf32>
    %get3A_46 = arith.constant 0 : index
    %get3A_47 = arith.constant 0 : index
    %get3A_48 = vector.load %arg9[%get3A_46, %get3A_47] : memref<1x128xf32, #tpu.memory_space<vmem>>, vector<1x128xf32>
    %add3A_49 = vector.broadcast %get3A_48 : vector<1x128xf32> to vector<1000x128xf32>
    %add3A_50 = arith.addf %dot_general3A_45, %add3A_49 : vector<1000x128xf32>
    %mul3A_51 = arith.constant 0.999994993 : f32
    %mul3A_52 = vector.broadcast %mul3A_51 : f32 to vector<1000x128xf32>
    %mul3A_53 = arith.mulf %add3A_50, %mul3A_52 : vector<1000x128xf32>
    %get3A_54 = arith.constant 0 : index
    %get3A_55 = arith.constant 0 : index
    %get3A_56 = vector.load %arg10[%get3A_54, %get3A_55] : memref<1x128xf32, #tpu.memory_space<vmem>>, vector<1x128xf32>
    %mul3A_57 = vector.broadcast %get3A_56 : vector<1x128xf32> to vector<1000x128xf32>
    %mul3A_58 = arith.mulf %mul3A_53, %mul3A_57 : vector<1000x128xf32>
    %get3A_59 = arith.constant 0 : index
    %get3A_60 = arith.constant 0 : index
    %get3A_61 = vector.load %arg11[%get3A_59, %get3A_60] : memref<1x128xf32, #tpu.memory_space<vmem>>, vector<1x128xf32>
    %add3A_62 = vector.broadcast %get3A_61 : vector<1x128xf32> to vector<1000x128xf32>
    %add3A_63 = arith.addf %mul3A_58, %add3A_62 : vector<1000x128xf32>
    %max3A_64 = arith.constant 0.000000e+00 : f32
    %max3A_65 = vector.broadcast %max3A_64 : f32 to vector<1000x128xf32>
    %max3A_66 = arith.maximumf %add3A_63, %max3A_65 : vector<1000x128xf32>
    %swap3A = arith.constant 0 : index
    %swap3A_67 = arith.constant 0 : index
    %swap3A_68 = vector.load %arg12[%swap3A, %swap3A_67] : memref<1000x128xf32, #tpu.memory_space<vmem>>, vector<1000x128xf32>
    tpu.vector_store %arg12[%swap3A, %swap3A_67], %max3A_66 {strides = array<i32>} : memref<1000x128xf32, #tpu.memory_space<vmem>>, vector<1000x128xf32>,
    return
  }
  func.func @transform_0(%arg0: i32) -> (i32, i32) {
    %c0_i32 = arith.constant 0 : i32
    %c0_i32_0 = arith.constant 0 : i32
    return %arg0, %c0_i32 : i32, i32
  }
  func.func @transform_1(%arg0: i32) -> (i32, i32, i32) {
    %c0_i32 = arith.constant 0 : i32
    %c0_i32_0 = arith.constant 0 : i32
    %c0_i32_1 = arith.constant 0 : i32
    return %c0_i32, %arg0, %c0_i32_0 : i32, i32, i32
  }
  func.func @transform_2(%arg0: i32) -> (i32, i32) {
    %c0_i32 = arith.constant 0 : i32
    %c0_i32_0 = arith.constant 0 : i32
    %c0_i32_1 = arith.constant 0 : i32
    return %c0_i32, %c0_i32_0 : i32, i32
  }
  func.func @transform_3(%arg0: i32) -> (i32, i32) {
    %c0_i32 = arith.constant 0 : i32
    %c0_i32_0 = arith.constant 0 : i32
    %c0_i32_1 = arith.constant 0 : i32
    return %c0_i32, %c0_i32_0 : i32, i32
  }
  func.func @transform_4(%arg0: i32) -> (i32, i32) {
    %c0_i32 = arith.constant 0 : i32
    %c0_i32_0 = arith.constant 0 : i32
    %c0_i32_1 = arith.constant 0 : i32
    return %c0_i32, %c0_i32_0 : i32, i32
  }
  func.func @transform_5(%arg0: i32) -> (i32, i32) {
    %c0_i32 = arith.constant 0 : i32
    %c0_i32_0 = arith.constant 0 : i32
    %c0_i32_1 = arith.constant 0 : i32
    return %c0_i32, %c0_i32_0 : i32, i32
  }
  func.func @transform_6(%arg0: i32) -> (i32, i32) {
    %c0_i32 = arith.constant 0 : i32
    %c0_i32_0 = arith.constant 0 : i32
    %c0_i32_1 = arith.constant 0 : i32
    return %c0_i32, %c0_i32_0 : i32, i32
  }
  func.func @transform_7(%arg0: i32) -> (i32, i32) {
    %c0_i32 = arith.constant 0 : i32
    %c0_i32_0 = arith.constant 0 : i32
    %c0_i32_1 = arith.constant 0 : i32
    return %c0_i32, %c0_i32_0 : i32, i32
  }
  func.func @transform_8(%arg0: i32) -> (i32, i32) {
    %c0_i32 = arith.constant 0 : i32
    %c0_i32_0 = arith.constant 0 : i32
    %c0_i32_1 = arith.constant 0 : i32
    return %c0_i32, %c0_i32_0 : i32, i32
  }
  func.func @transform_9(%arg0: i32) -> (i32, i32) {
    %c0_i32 = arith.constant 0 : i32
    %c0_i32_0 = arith.constant 0 : i32
    %c0_i32_1 = arith.constant 0 : i32
    return %c0_i32, %c0_i32_0 : i32, i32
  }
  func.func @transform_10(%arg0: i32) -> (i32, i32) {
    %c0_i32 = arith.constant 0 : i32
    %c0_i32_0 = arith.constant 0 : i32
    %c0_i32_1 = arith.constant 0 : i32
    return %c0_i32, %c0_i32_0 : i32, i32
  }
  func.func @transform_11(%arg0: i32) -> (i32, i32) {
    %c0_i32 = arith.constant 0 : i32
    %c0_i32_0 = arith.constant 0 : i32
    return %arg0, %c0_i32 : i32, i32
  }
}

module attributes {stable_mosaic.version = 14 : i64} {
  func.func @_pool_body(%arg0: i32, %arg1: memref<1000x1xi32, #tpu.memory_space<vmem>>, %arg2: memref<1000x128xf32, #tpu.memory_space<vmem>>, %arg3: memref<128x64xf32, #tpu.memory_space<vmem>>, %arg4: memref<1x64xf32, #tpu.memory_space<vmem>>, %arg5: memref<64x1xf32, #tpu.memory_space<vmem>>, %arg6: memref<1x1xf32, #tpu.memory_space<vmem>>, %arg7: memref<64x1xf32, #tpu.memory_space<vmem>>, %arg8: memref<64x128xf32, #tpu.memory_space<vmem>>, %arg9: memref<64x1xf32, #tpu.memory_space<vmem>>) attributes {dimension_semantics = [#tpu.dimension_semantics<arbitrary>], iteration_bounds = array<i64: 10>, scalar_prefetch = 0 : i64, scratch_operands = 2 : i64, tpu.core_type = #tpu.core_type<tc>, window_params = [{transform_indices = @transform_0, window_bounds = array<i64: 1000, 1>}, {transform_indices = @transform_1, window_bounds = array<i64: 1000, 128>}, {pipeline_mode = #tpu.pipeline_mode<synchronous>, transform_indices = @transform_2, window_bounds = array<i64: 128, 64>}, {pipeline_mode = #tpu.pipeline_mode<synchronous>, transform_indices = @transform_3, window_bounds = array<i64: 1, 64>}, {pipeline_mode = #tpu.pipeline_mode<synchronous>, transform_indices = @transform_4, window_bounds = array<i64: 64, 1>}, {pipeline_mode = #tpu.pipeline_mode<synchronous>, transform_indices = @transform_5, window_bounds = array<i64: 1, 1>}, {pipeline_mode = #tpu.pipeline_mode<synchronous>, transform_indices = @transform_6, window_bounds = array<i64: 64, 1>}]} {
    %eq3A = arith.constant 0 : i32
    %eq3A_0 = arith.cmpi eq, %arg0, %eq3A : i32
    %convert_element_type3A = arith.extui %eq3A_0 : i1 to i32
    %cond3A = arith.constant 0 : i32
    %cond3A_1 = arith.cmpi ne, %convert_element_type3A, %cond3A : i32
    scf.if %cond3A_1 {
      %broadcast_in_dim3A_33 = arith.constant 0.000000e+00 : f32
      %broadcast_in_dim3A_34 = vector.broadcast %broadcast_in_dim3A_33 : f32 to vector<64x128xf32>
      %swap3A_35 = arith.constant 0 : index
      %swap3A_36 = arith.constant 0 : index
      %swap3A_37 = vector.load %arg8[%swap3A_35, %swap3A_36] : memref<64x128xf32, #tpu.memory_space<vmem>>, vector<64x128xf32>
      tpu.vector_store %arg8[%swap3A_35, %swap3A_36], %broadcast_in_dim3A_34 {strides = array<i32>} : memref<64x128xf32, #tpu.memory_space<vmem>>, vector<64x128xf32>,
      %broadcast_in_dim3A_38 = arith.constant 0.000000e+00 : f32
      %broadcast_in_dim3A_39 = vector.broadcast %broadcast_in_dim3A_38 : f32 to vector<64x1xf32>
      %swap3A_40 = arith.constant 0 : index
      %swap3A_41 = arith.constant 0 : index
      %swap3A_42 = vector.load %arg9[%swap3A_40, %swap3A_41] : memref<64x1xf32, #tpu.memory_space<vmem>>, vector<64x1xf32>
      tpu.vector_store %arg9[%swap3A_40, %swap3A_41], %broadcast_in_dim3A_39 {strides = array<i32>} : memref<64x1xf32, #tpu.memory_space<vmem>>, vector<64x1xf32>,
    } else {
    }
    %iota3A = tpu.iota {dimensions = array<i32: 1>} : vector<1x64xi32>
    %get3A = arith.constant 0 : index
    %get3A_2 = arith.constant 0 : index
    %get3A_3 = vector.load %arg1[%get3A, %get3A_2] : memref<1000x1xi32, #tpu.memory_space<vmem>>, vector<1000x1xi32>
    %eq3A_4 = vector.broadcast %get3A_3 : vector<1000x1xi32> to vector<1000x64xi32>
    %eq3A_5 = vector.broadcast %iota3A : vector<1x64xi32> to vector<1000x64xi32>
    %eq3A_6 = arith.cmpi eq, %eq3A_4, %eq3A_5 : vector<1000x64xi32>
    %convert_element_type3A_7 = arith.extui %eq3A_6 : vector<1000x64xi1> to vector<1000x64xi32>
    %convert_element_type3A_8 = arith.sitofp %convert_element_type3A_7 : vector<1000x64xi32> to vector<1000x64xf32>
    %get3A_9 = arith.constant 0 : index
    %get3A_10 = arith.constant 0 : index
    %get3A_11 = vector.load %arg8[%get3A_9, %get3A_10] : memref<64x128xf32, #tpu.memory_space<vmem>>, vector<64x128xf32>
    %get3A_12 = arith.constant 0 : index
    %get3A_13 = arith.constant 0 : index
    %get3A_14 = vector.load %arg2[%get3A_12, %get3A_13] : memref<1000x128xf32, #tpu.memory_space<vmem>>, vector<1000x128xf32>
    %dot_general3A = arith.constant dense<0.000000e+00> : vector<64x128xf32>
    %dot_general3A_15 = tpu.matmul %convert_element_type3A_8, %get3A_14, %dot_general3A {dimension_numbers = #tpu.dot_dimension_numbers<[0], [0], [1], [1], [0, 1, 1, 1], [], []>, transpose_lhs_hint = false} : vector<1000x64xf32>, vector<1000x128xf32>, vector<64x128xf32> -> vector<64x128xf32>
    %add3A = arith.addf %get3A_11, %dot_general3A_15 : vector<64x128xf32>
    %swap3A = arith.constant 0 : index
    %swap3A_16 = arith.constant 0 : index
    %swap3A_17 = vector.load %arg8[%swap3A, %swap3A_16] : memref<64x128xf32, #tpu.memory_space<vmem>>, vector<64x128xf32>
    tpu.vector_store %arg8[%swap3A, %swap3A_16], %add3A {strides = array<i32>} : memref<64x128xf32, #tpu.memory_space<vmem>>, vector<64x128xf32>,
    %get3A_18 = arith.constant 0 : index
    %get3A_19 = arith.constant 0 : index
    %get3A_20 = vector.load %arg9[%get3A_18, %get3A_19] : memref<64x1xf32, #tpu.memory_space<vmem>>, vector<64x1xf32>
    %broadcast_in_dim3A = arith.constant 1.000000e+00 : f32
    %broadcast_in_dim3A_21 = vector.broadcast %broadcast_in_dim3A : f32 to vector<1000x1xf32>
    %dot_general3A_22 = arith.constant dense<0.000000e+00> : vector<64x1xf32>
    %dot_general3A_23 = tpu.matmul %convert_element_type3A_8, %broadcast_in_dim3A_21, %dot_general3A_22 {dimension_numbers = #tpu.dot_dimension_numbers<[0], [0], [1], [1], [0, 1, 1, 1], [], []>, transpose_lhs_hint = false} : vector<1000x64xf32>, vector<1000x1xf32>, vector<64x1xf32> -> vector<64x1xf32>
    %add3A_24 = arith.addf %get3A_20, %dot_general3A_23 : vector<64x1xf32>
    %swap3A_25 = arith.constant 0 : index
    %swap3A_26 = arith.constant 0 : index
    %swap3A_27 = vector.load %arg9[%swap3A_25, %swap3A_26] : memref<64x1xf32, #tpu.memory_space<vmem>>, vector<64x1xf32>
    tpu.vector_store %arg9[%swap3A_25, %swap3A_26], %add3A_24 {strides = array<i32>} : memref<64x1xf32, #tpu.memory_space<vmem>>, vector<64x1xf32>,
    %eq3A_28 = arith.constant 9 : i32
    %eq3A_29 = arith.cmpi eq, %arg0, %eq3A_28 : i32
    %convert_element_type3A_30 = arith.extui %eq3A_29 : i1 to i32
    %cond3A_31 = arith.constant 0 : i32
    %cond3A_32 = arith.cmpi ne, %convert_element_type3A_30, %cond3A_31 : i32
    scf.if %cond3A_32 {
      %get3A_33 = arith.constant 0 : index
      %get3A_34 = arith.constant 0 : index
      %get3A_35 = vector.load %arg8[%get3A_33, %get3A_34] : memref<64x128xf32, #tpu.memory_space<vmem>>, vector<64x128xf32>
      %get3A_36 = arith.constant 0 : index
      %get3A_37 = arith.constant 0 : index
      %get3A_38 = vector.load %arg9[%get3A_36, %get3A_37] : memref<64x1xf32, #tpu.memory_space<vmem>>, vector<64x1xf32>
      %max3A = arith.constant 1.000000e+00 : f32
      %max3A_39 = vector.broadcast %max3A : f32 to vector<64x1xf32>
      %max3A_40 = arith.maximumf %get3A_38, %max3A_39 : vector<64x1xf32>
      %div3A = vector.broadcast %max3A_40 : vector<64x1xf32> to vector<64x128xf32>
      %div3A_41 = arith.divf %get3A_35, %div3A : vector<64x128xf32>
      %get3A_42 = arith.constant 0 : index
      %get3A_43 = arith.constant 0 : index
      %get3A_44 = vector.load %arg3[%get3A_42, %get3A_43] : memref<128x64xf32, #tpu.memory_space<vmem>>, vector<128x64xf32>
      %dot_general3A_45 = arith.constant dense<0.000000e+00> : vector<64x64xf32>
      %dot_general3A_46 = tpu.matmul %div3A_41, %get3A_44, %dot_general3A_45 {dimension_numbers = #tpu.dot_dimension_numbers<[1], [0], [0], [1], [0, 0, 1, 1], [], []>, transpose_lhs_hint = false} : vector<64x128xf32>, vector<128x64xf32>, vector<64x64xf32> -> vector<64x64xf32>
      %get3A_47 = arith.constant 0 : index
      %get3A_48 = arith.constant 0 : index
      %get3A_49 = vector.load %arg4[%get3A_47, %get3A_48] : memref<1x64xf32, #tpu.memory_space<vmem>>, vector<1x64xf32>
      %add3A_50 = vector.broadcast %get3A_49 : vector<1x64xf32> to vector<64x64xf32>
      %add3A_51 = arith.addf %dot_general3A_46, %add3A_50 : vector<64x64xf32>
      %max3A_52 = arith.constant 0.000000e+00 : f32
      %max3A_53 = vector.broadcast %max3A_52 : f32 to vector<64x64xf32>
      %max3A_54 = arith.maximumf %add3A_51, %max3A_53 : vector<64x64xf32>
      %get3A_55 = arith.constant 0 : index
      %get3A_56 = arith.constant 0 : index
      %get3A_57 = vector.load %arg5[%get3A_55, %get3A_56] : memref<64x1xf32, #tpu.memory_space<vmem>>, vector<64x1xf32>
      %dot_general3A_58 = arith.constant dense<0.000000e+00> : vector<64x1xf32>
      %dot_general3A_59 = tpu.matmul %max3A_54, %get3A_57, %dot_general3A_58 {dimension_numbers = #tpu.dot_dimension_numbers<[1], [0], [0], [1], [0, 0, 1, 1], [], []>, transpose_lhs_hint = false} : vector<64x64xf32>, vector<64x1xf32>, vector<64x1xf32> -> vector<64x1xf32>
      %get3A_60 = arith.constant 0 : index
      %get3A_61 = arith.constant 0 : index
      %get3A_62 = vector.load %arg6[%get3A_60, %get3A_61] : memref<1x1xf32, #tpu.memory_space<vmem>>, vector<1x1xf32>
      %add3A_63 = vector.broadcast %get3A_62 : vector<1x1xf32> to vector<64x1xf32>
      %add3A_64 = arith.addf %dot_general3A_59, %add3A_63 : vector<64x1xf32>
      %swap3A_65 = arith.constant 0 : index
      %swap3A_66 = arith.constant 0 : index
      %swap3A_67 = vector.load %arg7[%swap3A_65, %swap3A_66] : memref<64x1xf32, #tpu.memory_space<vmem>>, vector<64x1xf32>
      tpu.vector_store %arg7[%swap3A_65, %swap3A_66], %add3A_64 {strides = array<i32>} : memref<64x1xf32, #tpu.memory_space<vmem>>, vector<64x1xf32>,
    } else {
    }
    return
  }
  func.func @transform_0(%arg0: i32) -> (i32, i32) {
    %c0_i32 = arith.constant 0 : i32
    %c0_i32_0 = arith.constant 0 : i32
    return %arg0, %c0_i32 : i32, i32
  }
  func.func @transform_1(%arg0: i32) -> (i32, i32) {
    %c0_i32 = arith.constant 0 : i32
    %c0_i32_0 = arith.constant 0 : i32
    return %arg0, %c0_i32 : i32, i32
  }
  func.func @transform_2(%arg0: i32) -> (i32, i32) {
    %c0_i32 = arith.constant 0 : i32
    %c0_i32_0 = arith.constant 0 : i32
    %c0_i32_1 = arith.constant 0 : i32
    return %c0_i32, %c0_i32_0 : i32, i32
  }
  func.func @transform_3(%arg0: i32) -> (i32, i32) {
    %c0_i32 = arith.constant 0 : i32
    %c0_i32_0 = arith.constant 0 : i32
    %c0_i32_1 = arith.constant 0 : i32
    return %c0_i32, %c0_i32_0 : i32, i32
  }
  func.func @transform_4(%arg0: i32) -> (i32, i32) {
    %c0_i32 = arith.constant 0 : i32
    %c0_i32_0 = arith.constant 0 : i32
    %c0_i32_1 = arith.constant 0 : i32
    return %c0_i32, %c0_i32_0 : i32, i32
  }
  func.func @transform_5(%arg0: i32) -> (i32, i32) {
    %c0_i32 = arith.constant 0 : i32
    %c0_i32_0 = arith.constant 0 : i32
    %c0_i32_1 = arith.constant 0 : i32
    return %c0_i32, %c0_i32_0 : i32, i32
  }
  func.func @transform_6(%arg0: i32) -> (i32, i32) {
    %c0_i32 = arith.constant 0 : i32
    %c0_i32_0 = arith.constant 0 : i32
    %c0_i32_1 = arith.constant 0 : i32
    return %c0_i32, %c0_i32_0 : i32, i32
  }
}

</mosaic_0001>

<sc_bundles>
// kernel: kernel.11.cloned.1.call-start
scs
__scs_entry_jumppad:
0x0: {  	(pc) =	sbr.rel $0x88, $3  }
0x1: {  	(tag) =	ssettag $0x0;
	lr =	simm.s32 $0x1  }
0x2: {  	[smem:$0x3F8A] =	sst lr;
	_ =	strace $0xD0000000  }
0x3: {  	_ = 	snop  }
0x4: {  	_ = 	snop  }
0x5: {  	_ = 	snop  }
0x6: {  	_ = 	snop  }
0x7: {  	_ = 	snop  }
__scs_overlays_trampoline_lowered:
0x8: {  	[smem:$0x3F99] =	sst s0  }
0x9: {  	[smem:$0x3F9A] =	sst s1  }
0xa: {  	[smem:$0x3F9B] =	sst s2  }
0xb: {  	[smem:$0x3F9C] =	sst s3  }
0xc: {  	[smem:$0x3F9D] =	sst s4  }
0xd: {  	[smem:$0x3F9E] =	sst s5  }
0xe: {  	[smem:$0x3F9F] =	sst s6  }
0xf: {  	[smem:$0x3FA0] =	sst s7  }
0x10: {  	[smem:$0x3FA1] =	sst s8  }
0x11: {  	[smem:$0x3FA2] =	sst s9;
	s0 =	simm.s32 @!p0 $0x0  }
0x12: {  	s1 =	sld [smem:$0x3F88];
	s0 =	simm.s32 @p0 $0x1  }
0x13: {  	[smem:$0x3FA3] =	sst s0;
	s0 =	simm.s32 @!p1 $0x0  }
0x14: {  	s2 =	sld [smem:$0x3F87];
	s0 =	simm.s32 @p1 $0x1  }
0x15: {  	[smem:$0x3FA4] =	sst s0;
	s0 =	simm.s32 @!p2 $0x0  }
0x16: {  	s3 =	sld [smem:$0x3FDB];
	s0 =	simm.s32 @p2 $0x1  }
0x17: {  	s4 =	simm.s32 $0x1BF5;
	[smem:$0x3FA6] =	sst s0  }
0x18: {  	s0 =	sld [smem:$0x3F89];
	_ =	swait.ge [sflag:s4], $0x0  }
0x19: {  	s7 =	sld [smem:$0x3F8A]  }
0x1a: {  	s8 =	sadd.s32 $0xFFFFE003, lr  }
0x1b: {  	s9 =	sadd.s32 $0xFFFFFEF7, lr;
	s5 =	simm.s32 $0xFFFFFFFF;
	p2 =	slt.u32 s8, $0xFFFFF086  }
0x1c: {  	p1 =	slt.u32 s9, $0xF7A;
	s5 =	simm.s32 @!p2 $0x0  }
0x1d: {  	s5 =	simm.s32 @p1 $0x1;
	p0 =	seq.s32 s7, s2  }
0x1e: {  	s7 =	smul.u32 @!p0 $0xF7A, s2;
	p2 =	seq.s32 @!p0 s5, $0x0  }
0x1f: {  	s9 =	smul.u32 $0xF7A, s1;
	s8 =	simm.s32 @!p0 $0x1BF5;
	p2 =	por !p2, p0  }
0x20: {  	[sflag:s8] =	ssyncset.s32 @!p0 $0xFFFFF086;
	s6 =	sadd.s32 @!p0 s3, s7;
	s7 =	simm.s32 @!p0 $0x108  }
0x21: {  	s3 =	sadd.s32 s3, s9;
	s6 =	sadd.s32 @!p0 $0x88, s6;
	s7 =	simm.s32 @p2 $0x1082  }
0x22: {  	[simem:s7], [sflag:s8] =	dma.local @!p0 [hbm:s6], $0xF7A  }
0x23: {  	s9 =	sor.u32 $0xD0000000, s2;
	s6 =	simm.s32 $0x108;
	_ =	swait.ge @!p0 [sflag:s8], $0x0  }
0x24: {  	s3 =	sadd.s32 $0x88, s3;
	s6 =	simm.s32 @!p1 $0x1082;
	[sflag:s4] =	ssyncset.s32 $0xFFFFF086  }
0x25: {  	[simem:s6], [sflag:s4] =	dma.local [hbm:s3], $0xF7A  }
0x26: {  	[smem:$0x3F8A] =	sst s1;
	(tag) =	ssettag s2;
	_ =	strace s9  }
0x27: {  	s1 =	sld [smem:$0x3F9A]  }
0x28: {  	s2 =	sld [smem:$0x3F9B]  }
0x29: {  	s4 =	sld [smem:$0x3F9D]  }
0x2a: {  	p0 =	seq.s32 s5, $0x0;
	s5 =	sld [smem:$0x3F9E]  }
0x2b: {  	s6 =	sld [smem:$0x3F9F]  }
0x2c: {  	s7 =	sld [smem:$0x3FA0]  }
0x2d: {  	s3 =	simm.s32 $0x108;
	s8 =	sld [smem:$0x3FA1]  }
0x2e: {  	s3 =	simm.s32 @!p0 $0x1082;
	s9 =	sld [smem:$0x3FA2]  }
0x2f: {  	lr =	sadd.s32 s0, s3;
	s0 =	sld [smem:$0x3F99]  }
0x30: {  	s3 =	sld [smem:$0x3F9C]  }
0x31: {  	[smem:$0x3FA5] =	sst s10  }
0x32: {  	s10 =	sld [smem:$0x3FA3];
	_ =	sdelay $0x3  }
0x33: {  	p0 =	seq.s32 s10, $0x1;
	s10 =	sld [smem:$0x3FA5];
	_ =	sdelay $0x3  }
0x34: {  	[smem:$0x3FA5] =	sst s10  }
0x35: {  	s10 =	sld [smem:$0x3FA4];
	_ =	sdelay $0x3  }
0x36: {  	p1 =	seq.s32 s10, $0x1;
	s10 =	sld [smem:$0x3FA5];
	_ =	sdelay $0x3  }
0x37: {  	[smem:$0x3FA5] =	sst s10  }
0x38: {  	s10 =	sld [smem:$0x3FA6]  }
0x39: {  	_ = 	snop;
	(pc) =	sbr.ind lr, $3  }
0x3a: {  	_ = 	snop  }
0x3b: {  	_ = 	snop  }
0x3c: {  	p2 =	seq.s32 s10, $0x1;
	s10 =	sld [smem:$0x3FA5]  }
0x3d: {  	_ =	shalt  }
0x3e: {  	_ =	shalt  }
0x3f: {  	_ =	shalt  }
0x40: {  	_ =	shalt  }
0x41: {  	_ =	shalt  }
0x42: {  	_ =	shalt  }
0x43: {  	_ =	shalt  }
0x44: {  	_ =	shalt  }
0x45: {  	_ =	shalt  }
0x46: {  	_ =	shalt  }
0x47: {  	_ =	shalt  }
0x48: {  	_ =	shalt  }
0x49: {  	_ =	shalt  }
0x4a: {  	_ =	shalt  }
0x4b: {  	_ =	shalt  }
0x4c: {  	_ =	shalt  }
0x4d: {  	_ =	shalt  }
0x4e: {  	_ =	shalt  }
0x4f: {  	_ =	shalt  }
0x50: {  	_ =	shalt  }
0x51: {  	_ =	shalt  }
0x52: {  	_ =	shalt  }
0x53: {  	_ =	shalt  }
0x54: {  	_ =	shalt  }
0x55: {  	_ =	shalt  }
0x56: {  	_ =	shalt  }
0x57: {  	_ =	shalt  }
0x58: {  	_ =	shalt  }
0x59: {  	_ =	shalt  }
0x5a: {  	_ =	shalt  }
0x5b: {  	_ =	shalt  }
0x5c: {  	_ =	shalt  }
0x5d: {  	_ =	shalt  }
0x5e: {  	_ =	shalt  }
0x5f: {  	_ =	shalt  }
0x60: {  	_ =	shalt  }
0x61: {  	_ =	shalt  }
0x62: {  	_ =	shalt  }
0x63: {  	_ =	shalt  }
0x64: {  	_ =	shalt  }
0x65: {  	_ =	shalt  }
0x66: {  	_ =	shalt  }
0x67: {  	_ =	shalt  }
0x68: {  	_ =	shalt  }
0x69: {  	_ =	shalt  }
0x6a: {  	_ =	shalt  }
0x6b: {  	_ =	shalt  }
0x6c: {  	_ =	shalt  }
0x6d: {  	_ =	shalt  }
0x6e: {  	_ =	shalt  }
0x6f: {  	_ =	shalt  }
0x70: {  	_ =	shalt  }
0x71: {  	_ =	shalt  }
0x72: {  	_ =	shalt  }
0x73: {  	_ =	shalt  }
0x74: {  	_ =	shalt  }
0x75: {  	_ =	shalt  }
0x76: {  	_ =	shalt  }
0x77: {  	_ =	shalt  }
0x78: {  	_ =	shalt  }
0x79: {  	_ =	shalt  }
0x7a: {  	_ =	shalt  }
0x7b: {  	_ =	shalt  }
0x7c: {  	_ =	shalt  }
0x7d: {  	_ =	shalt  }
0x7e: {  	_ =	shalt  }
0x7f: {  	_ =	shalt  }
0x80: {  	_ =	shalt  }
0x81: {  	_ =	shalt  }
0x82: {  	_ =	shalt  }
0x83: {  	_ =	shalt  }
0x84: {  	_ =	shalt  }
0x85: {  	_ =	shalt  }
0x86: {  	_ =	shalt  }
0x87: {  	_ =	shalt  }
.Lfunc_end0:
.L_simem_size_0:
called_computation_lowered:
.L_overlay_start_0:
0x88: {  	s2 =	sld [smem:$0x3FD9]  }
0x89: {  	s3 =	sld [smem:$0x3FFE];
	_ =	sdelay $0x1  }
0x8a: {  	s1 =	srdreg.scid  }
0x8b: {  	s0 =	sand.u32 $0x1, s1  }
0x8c: {  	s16 =	sshll.u32 s0, $0xA;
	s2 =	sadd.s32 s3, s2  }
0x8d: {  	s2 =	sadd.s32 s2, s16  }
0x8e: {  	[smem:$0x3FB1] =	sst s2  }
0x8f: {  	_ = 	snop  }
0x90: {  	(tm) =	ssettm $0x1  }
0x91: {  	s17 =	sld [smem:$0x3FFB];
	_ =	sdelay $0x3  }
0x92: {  	_ =	strace s17  }
0x93: {  	s2 =	sld [smem:$0x3FFC];
	_ =	sdelay $0x3  }
0x94: {  	_ =	strace s2  }
0x95: {  	s2 =	sld [smem:$0x3FFD];
	_ =	sdelay $0x3  }
0x96: {  	_ =	strace s2  }
0x97: {  	_ =	strace $0x8FFFFFFF  }
0x98: {  	s18 =	sld [smem:$0x3FDB];
	_ =	sdelay $0x1  }
0x99: {  	s19 =	simm.s32 $_scs_section_size  }
0x9a: {  	s4 =	simm.s32 $_size__tile_overlayer_lowered;
	s5 =	simm.s32 $_tile_overlayer_lowered  }
0x9b: {  	s22 =	simm.s32 $0x1BFF;
	s21 =	sshll.u32 s5, $0x1;
	s2 =	sadd.s32 s19, s18  }
0x9c: {  	s6 =	simm.s32 $0x0;
	s20 =	sshll.u32 s4, $0x1;
	s4 =	sadd.s32 s21, s2  }
0x9d: {  	[timem:s6], [sflag:s22] =	dma.local [hbm:s4], s20  }
0x9e: {  	_ =	swait.ge [sflag:s22], s20  }
0x9f: {  	s3 =	ssub.s32 $0x0, s20;
	[sflag:s22] =	ssyncset.done $0x0  }
0xa0: {  	[sflag:s22] =	ssyncadd.s32 s3;
	_ =	sdelay $0x1  }
0xa1: {  	s23 =	simm.s32 $0x1B8B  }
0xa2: {  	_ =	swait.ge [sflag:s23], $0x1  }
0xa3: {  	[sflag:s23] =	ssyncset.done $0x0  }
0xa4: {  	s25 =	simm.s32 $0x1B8E;
	s24 =	sld [smem:$0x3FFE];
	[sflag:s23] =	ssyncadd.s32 $0xFFFFFFFF  }
0xa5: {  	s26 =	simm.s32 $execute0_lowered;
	[smem:$0x3FD2] =	sst s25  }
0xa6: {  	s4 =	sshll.u32 s26, $0x1;
	_ =	strace $0x80000046;
	[dreg:$0x1] =	wrdreg $0xFFFFFFFF  }
0xa7: {  	s28 =	simm.s32 $_size_execute0_lowered;
	s2 =	sadd.s32 s2, s4;
	[dreg:$0x0] =	wrdreg $0x0  }
0xa8: {  	s4 =	sshll.u32 s28, $0x1;
	[dreg:$0x2] =	wrdreg s2  }
0xa9: {  	[dreg:$0x3] =	wrdreg s4  }
0xaa: {  	[dreg:$0x4] =	wrdreg $0xC0  }
0xab: {  	_ =	task [dreg:s6], $0x5FFFF  }
0xac: {  	[dreg:$0x1] =	wrdreg $0xFFFFFFFF  }
0xad: {  	[dreg:$0x0] =	wrdreg $0x60  }
0xae: {  	[dreg:$0x2] =	wrdreg s24  }
0xaf: {  	[dreg:$0x3] =	wrdreg $0xA1E00  }
0xb0: {  	[dreg:$0x4] =	wrdreg $0x9  }
0xb1: {  	_ =	task.clear_ibuf [dreg:s6], $0x5FFFF;
	_ =	strace $0x90000046  }
0xb2: {  	s29 =	simm.s32 $0x9;
	_ =	strace $0x80000048  }
0xb3: {  	_ =	swait.ge [sflag:s29], $0x1  }
0xb4: {  	[sflag:s29] =	ssyncadd.s32 $0xFFFFFFFF  }
0xb5: {  	_ =	strace $0x90000048  }
0xb6: {  	_ =	sfence  }
0xb7: {  	s30 =	sld [smem:$0x0];
	_ =	sdelay $0x2  }
0xb8: {  	s31 =	sshll.u32 s1, $0xD;
	s1 =	sshrl.u32 s1, $0x2  }
0xb9: {  	s3 =	sand.u32 $0x4000, s31;
	s1 =	sadd.s32 s1, s30  }
0xba: {  	s0 =	sor.u32 s3, s0;
	s1 =	sshll.u32 s1, $0x11  }
0xbb: {  	s0 =	sor.u32 s1, s0  }
0xbc: {  	s0 =	sadd.s32 $0x8F2B, s0  }
0xbd: {  	[sflag:s0] =	ssyncadd.remote.s32 $0x1  }
0xbe: {  	_ =	sfence.sel $0xFFFF  }
0xbf: {  	[dreg:$0x0] =	wrdreg $0xFFFFFFFF;
	(pc) =	sbr.abs _section_cstart, $3  }
0xc0: {  	[dreg:$0x1] =	wrdreg $0xFFFFFFFF  }
0xc1: {  	_ =	task.clear_ibuf [dreg:s6], $0x2FFFF;
	_ =	strace $0x9FFFFFFF  }
0xc2: {  	(tm) =	ssettm $0x7FFFFFFF  }
0xc3: {  	_ =	shalt  }
tec
execute0_lowered:
.L_overlay_start_1:
0x0: {  	(tag) =	ssettag $0x1  }
0x1: {  	s0 =	rddreg [dreg:$0x0]  }
0x2: {  	s1 =	rddreg [dreg:$0x1];
	s2 =	simm.s32 $0x0;
	s4 =	srdreg.scid  }
0x3: {  	s11 =	stileid.u32;
	s31 =	simm.s32 $0x51E0;
	s30 =	simm.s32 $0x4  }
0x4: {  	[smem:$0x7FF] =	sst s2;
	s3 =	sadd.s32 $0x7A00, s0;
	s5 =	sadd.s32 $0x4E9A00, s0  }
0x5: {  	s6 =	sadd.s32 $0x4FD400, s0;
	s4 =	sand.u32 $0x1, s4;
	s0 =	sadd.s32 $0x2EC00, s0  }
0x6: {  	s10 =	smul.u32 $0x13880, s11;
	_ =	strace $0x80000047;
	s7 =	ssub.s32 $0x2, s4  }
0x7: {  	s9 =	sshll.u32 s4, $0x4;
	s4 =	smul.u32 $0x138800, s4;
	s8 =	sshrl.u32 s7, $0x1  }
0x8: {  	s12 =	sadd.s32 $0x7800, s10;
	s13 =	sadd.s32 $0xA000, s10;
	s14 =	sadd.s32 $0xC800, s10  }
0x9: {  	s16 =	sadd.s32 $0xF000, s10;
	s18 =	sadd.s32 $0x11800, s10;
	s7 =	ssub.s32 s7, s8  }
0xa: {  	s8 =	sor.u32 s11, s9;
	s9 =	sadd.s32 $0x2800, s10;
	s11 =	sadd.s32 $0x5000, s10  }
0xb: {  	s15 =	sadd.s32 s10, s4;
	s20 =	sadd.s32 s4, s12;
	s23 =	sadd.s32 s4, s14  }
0xc: {  	s24 =	sadd.s32 s4, s16;
	s14 =	sadd.s32 s14, s1;
	s15 =	sshrl.u32 s15, $0x3  }
0xd: {  	s17 =	sadd.s32 s4, s9;
	s19 =	sadd.s32 s4, s11;
	s26 =	smul.u32 $0x2710, s8  }
0xe: {  	[dreg:$0x10] =	wrdreg s14;
	s15 =	sadd.s32 s0, s15;
	s17 =	sshrl.u32 s17, $0x3  }
0xf: {  	s14 =	simm.s32 $0x3;
	[dreg:$0x3] =	wrdreg s15;
	s15 =	sadd.s32 s0, s17  }
0x10: {  	s17 =	sshrl.u32 s20, $0x3;
	s20 =	sadd.s32 s9, s1;
	s28 =	sadd.s32 $0xA0, s26  }
0x11: {  	s29 =	sadd.s32 $0xF0, s26;
	s9 =	simm.s32 $0x1;
	[dreg:$0x4] =	wrdreg s15  }
0x12: {  	s15 =	sshrl.u32 s19, $0x3;
	s19 =	sadd.s32 s4, s13;
	s21 =	sadd.s32 s0, s17  }
0x13: {  	s17 =	sshrl.u32 s24, $0x3;
	s4 =	sadd.s32 s4, s18;
	[dreg:$0xc] =	wrdreg s20  }
0x14: {  	s13 =	sadd.s32 s13, s1;
	s24 =	sadd.s32 s18, s1;
	[dreg:$0x6] =	wrdreg s21  }
0x15: {  	s15 =	sadd.s32 s0, s15;
	s22 =	sshrl.u32 s19, $0x3;
	[dreg:$0xf] =	wrdreg s13  }
0x16: {  	s25 =	sadd.s32 s0, s17;
	s4 =	sshrl.u32 s4, $0x3;
	[dreg:$0x12] =	wrdreg s24  }
0x17: {  	s19 =	sadd.s32 s10, s1;
	s21 =	sadd.s32 s11, s1;
	[dreg:$0x5] =	wrdreg s15  }
0x18: {  	s17 =	sshrl.u32 s26, $0x3;
	s10 =	simm.s32 $0x1E0;
	[dreg:$0x9] =	wrdreg s25  }
0x19: {  	s11 =	simm.s32 $0x2;
	s24 =	simm.s32 $0x5;
	[dreg:$0xb] =	wrdreg s19  }
0x1a: {  	s15 =	sadd.s32 s0, s22;
	s22 =	sadd.s32 $0x50, s26;
	[dreg:$0xd] =	wrdreg s21  }
0x1b: {  	s26 =	smax.u32 s7, $0x1;
	s7 =	simm.s32 $0x4E200;
	[dreg:$0x7] =	wrdreg s15  }
0x1c: {  	s15 =	sshrl.u32 s23, $0x3;
	s23 =	sadd.s32 s12, s1;
	[dreg:$0x16] =	wrdreg s26  }
0x1d: {  	s25 =	sshrl.u32 s22, $0x3;
	s15 =	sadd.s32 s0, s15;
	[dreg:$0xe] =	wrdreg s23  }
0x1e: {  	s12 =	simm.s32 $0x29E0;
	s0 =	sadd.s32 s0, s4;
	[dreg:$0x8] =	wrdreg s15  }
0x1f: {  	s26 =	simm.s32 $0x7;
	[dreg:$0xa] =	wrdreg s0;
	s15 =	sadd.s32 s16, s1  }
0x20: {  	s16 =	smul.u32 $0x27100, s8;
	s8 =	sadd.s32 s5, s17;
	[dreg:$0x11] =	wrdreg s15  }
0x21: {  	s0 =	simm.s32 $0x9;
	s17 =	simm.s32 $0x0;
	[dreg:$0x13] =	wrdreg s8  }
0x22: {  	s8 =	sadd.s32 s5, s25;
	s25 =	simm.s32 $0x140;
	s15 =	simm.s32 $0x6  }
0x23: {  	[dreg:$0x14] =	wrdreg s8;
	s4 =	sadd.s32 s6, s16;
	s8 =	simm.s32 $0xA0  }
0x24: {  	v0 =	vimm.f32 $0.0e+00;
	s16 =	simm.s32 $0x190;
	[dreg:$0x15] =	wrdreg s4;
	s4 =	simm.s32 $0x50  }
.LBB2_1:
0x25: {  	[dreg:$0x17] =	wrdreg s17;
	s17 =	simm.s32 $0x0;
	s18 =	simm.s32 $0x200  }
.LBB2_2:
0x26: {  	p0 =	sne.s32 s18, $0x9E00;
	[tilespmem:s17+$0x5250] =	vst v0  }
0x27: {  	[tilespmem:s17+$0x51E0] =	vst v0  }
0x28: {  	[tilespmem:s17+$0x51F0] =	vst v0  }
.Ltmp0:
0x29: {  	[tilespmem:s17+$0x5200] =	vst v0;
	(pc) =	sbr.rel @p0 .LBB2_2-.Ltmp0, $4  }
0x2a: {  	[tilespmem:s17+$0x5210] =	vst v0  }
0x2b: {  	[tilespmem:s17+$0x5220] =	vst v0  }
0x2c: {  	[tilespmem:s17+$0x5230] =	vst v0  }
0x2d: {  	[tilespmem:s17+$0x5240] =	vst v0;
	s17 =	sshra.s32 s18, $0x2;
	s18 =	sadd.s32 $0x200, s18  }
0x2e: {  	[tilespmem:s17+$0x5250] =	vst v0  }
0x2f: {  	[tilespmem:s17+$0x51E0] =	vst v0  }
0x30: {  	[tilespmem:s17+$0x51F0] =	vst v0  }
0x31: {  	[tilespmem:s17+$0x5200] =	vst v0  }
0x32: {  	[tilespmem:s17+$0x5210] =	vst v0  }
0x33: {  	[tilespmem:s17+$0x5220] =	vst v0  }
0x34: {  	[tilespmem:s17+$0x5230] =	vst v0  }
0x35: {  	[tilespmem:s17+$0x5240] =	vst v0  }
0x36: {  	[spmem:s19] =	stream.linear.scatter [tilespmem:s31], [sflag:$0x9], $0x2800, $0x38;
	[tilespmem:$0x1DA60] =	vst v63  }
0x37: {  	_ =	swait.ge [sflag:s0], $0x2800  }
0x38: {  	[sflag:s0] =	ssyncset.done $0x0  }
0x39: {  	[sflag:s0] =	ssyncadd.s32 $0xFFFFD800  }
0x3a: {  	[spmem:s20] =	stream.linear.scatter [tilespmem:s31], [sflag:$0x9], $0x2800, $0x38;
	[tilespmem:$0x1DA60] =	vst v63  }
0x3b: {  	_ =	swait.ge [sflag:s0], $0x2800  }
0x3c: {  	[sflag:s0] =	ssyncset.done $0x0  }
0x3d: {  	[sflag:s0] =	ssyncadd.s32 $0xFFFFD800  }
0x3e: {  	[spmem:s21] =	stream.linear.scatter [tilespmem:s31], [sflag:$0x9], $0x2800, $0x38;
	[tilespmem:$0x1DA60] =	vst v63  }
0x3f: {  	_ =	swait.ge [sflag:s0], $0x2800  }
0x40: {  	[sflag:s0] =	ssyncset.done $0x0  }
0x41: {  	[sflag:s0] =	ssyncadd.s32 $0xFFFFD800  }
0x42: {  	[spmem:s23] =	stream.linear.scatter [tilespmem:s31], [sflag:$0x9], $0x2800, $0x38;
	[tilespmem:$0x1DA60] =	vst v63  }
0x43: {  	_ =	swait.ge [sflag:s0], $0x2800  }
0x44: {  	[sflag:s0] =	ssyncset.done $0x0  }
0x45: {  	s13 =	rddreg [dreg:$0xf];
	[sflag:s0] =	ssyncadd.s32 $0xFFFFD800  }
0x46: {  	[spmem:s13] =	stream.linear.scatter [tilespmem:s31], [sflag:$0x9], $0x2800, $0x38;
	[tilespmem:$0x1DA60] =	vst v63  }
0x47: {  	_ =	swait.ge [sflag:s0], $0x2800  }
0x48: {  	[sflag:s0] =	ssyncset.done $0x0  }
0x49: {  	s17 =	rddreg [dreg:$0x10];
	[sflag:s0] =	ssyncadd.s32 $0xFFFFD800  }
0x4a: {  	[spmem:s17] =	stream.linear.scatter [tilespmem:s31], [sflag:$0x9], $0x2800, $0x38;
	[tilespmem:$0x1DA60] =	vst v63  }
0x4b: {  	_ =	swait.ge [sflag:s0], $0x2800  }
0x4c: {  	[sflag:s0] =	ssyncset.done $0x0  }
0x4d: {  	s18 =	rddreg [dreg:$0x11];
	[sflag:s0] =	ssyncadd.s32 $0xFFFFD800  }
0x4e: {  	[spmem:s18] =	stream.linear.scatter [tilespmem:s31], [sflag:$0x9], $0x2800, $0x38;
	[tilespmem:$0x1DA60] =	vst v63  }
0x4f: {  	_ =	swait.ge [sflag:s0], $0x2800  }
0x50: {  	[sflag:s0] =	ssyncset.done $0x0  }
0x51: {  	s19 =	rddreg [dreg:$0x12];
	[sflag:s0] =	ssyncadd.s32 $0xFFFFD800  }
0x52: {  	[spmem:s19] =	stream.linear.scatter [tilespmem:s31], [sflag:$0x9], $0x2080, $0x38;
	[tilespmem:$0x1DA60] =	vst v63  }
0x53: {  	_ =	swait.ge [sflag:s0], $0x2080  }
0x54: {  	[sflag:s0] =	ssyncset.done $0x0  }
0x55: {  	[sflag:s0] =	ssyncadd.s32 $0xFFFFDF80  }
0x56: {  	[bflag:$0x0] =	sbarrier.arrive $0xFFFF  }
0x57: {  	s18 =	simm.s32 $0x0;
	s20 =	rddreg [dreg:$0x13]  }
0x58: {  	[tilespmem:s18], [sflag:$0x1] =	stream.strided.gather [hbm4b:s20+s4], $0xA0, s7, s4, $0x38;
	[tilespmem:$0x1DA60] =	vst v63  }
0x59: {  	s21 =	rddreg [dreg:$0x14]  }
0x5a: {  	[tilespmem:s8], [sflag:$0x2] =	stream.strided.gather [hbm4b:s21+s4], $0xA0, s7, s4, $0x38;
	[tilespmem:$0x1DA60] =	vst v63  }
0x5b: {  	_ =	swait.ge [sflag:s9], $0xA0  }
0x5c: {  	[sflag:s9] =	ssyncset.done $0x0  }
0x5d: {  	[sflag:s9] =	ssyncadd.s32 $0xFFFFFF60  }
0x5e: {  	[tilespmem:s10], [sflag:$0x3] =	stream.indirect.gather [hbm4b:s3+s4], $0x80, s18, s4, $0xb8;
	[tilespmem:$0x1DA60] =	vst v63  }
0x5f: {  	s19 =	simm.s32 $0x0;
	s23 =	rddreg [dreg:$0x15]  }
0x60: {  	[tilespmem:s31], [sflag:$0x5] =	stream.linear.gather [hbm4b:s23+s18], $0x2800, $0x38;
	[tilespmem:$0x1DA60] =	vst v63  }
.LBB2_4:
0x61: {  	p0 =	seq.s32 s19, $0x0  }
0x62: {  	s17 =	simm.s32 @!p0 $0x8  }
0x63: {  	_ =	swait.ge @!p0 [sflag:s17], $0x2800  }
0x64: {  	s20 =	smul.u32 $0xA0, s19;
	[sflag:s17] =	ssyncset.done @!p0 $0x0  }
0x65: {  	[sflag:s17] =	ssyncadd.s32 @!p0 $0xFFFFD800  }
0x66: {  	s21 =	sadd.s32 s20, s22;
	_ =	swait.ge [sflag:s11], $0xA0  }
0x67: {  	s17 =	sshll.u32 s21, $0x4;
	[sflag:s11] =	ssyncset.done $0x0  }
0x68: {  	s17 =	sand.u32 $0x1FFFFF00, s17;
	[sflag:s11] =	ssyncadd.s32 $0xFFFFFF60  }
0x69: {  	[tilespmem:s12], [sflag:$0x4] =	stream.indirect.gather [hbm4b:s3+s4], $0x80, s8, s4, $0xb8;
	[tilespmem:$0x1DA60] =	vst v63  }
0x6a: {  	s13 =	simm.s32 $0x79E0;
	s17 =	sadd.s32 s6, s17  }
0x6b: {  	[tilespmem:s13], [sflag:$0x6] =	stream.linear.gather [hbm4b:s17+s18], $0x2800, $0x38;
	[tilespmem:$0x1DA60] =	vst v63  }
0x6c: {  	_ =	swait.ge [sflag:s14], $0x2800  }
0x6d: {  	[sflag:s14] =	ssyncset.done $0x0  }
0x6e: {  	[sflag:s14] =	ssyncadd.s32 $0xFFFFD800  }
0x6f: {  	s21 =	sadd.s32 s20, s28;
	_ =	swait.ge [sflag:s24], $0x2800  }
0x70: {  	s23 =	sshrl.u32 s21, $0x3;
	[sflag:s24] =	ssyncset.done $0x0  }
0x71: {  	s17 =	sadd.s32 s5, s23;
	[sflag:s24] =	ssyncadd.s32 $0xFFFFD800  }
0x72: {  	[tilespmem:s18], [sflag:$0x1] =	stream.strided.gather [hbm4b:s17+s4], $0xA0, s7, s4, $0x38;
	[tilespmem:$0x1DA60] =	vst v63  }
0x73: {  	v1 =	vld [tilespmem:$0x50]  }
0x74: {  	v2 =	vld [tilespmem:$0x60]  }
0x75: {  	v3 =	vld [tilespmem:$0x70]  }
0x76: {  	v4 =	vld [tilespmem:$0x80]  }
0x77: {  	v5 =	vld [tilespmem:$0x90]  }
0x78: {  	[tilespmem:$0x140] =	vst v1  }
0x79: {  	[tilespmem:$0x150] =	vst v2  }
0x7a: {  	[tilespmem:$0x160] =	vst v3  }
0x7b: {  	[tilespmem:$0x170] =	vst v4  }
0x7c: {  	s23 =	simm.s32 $0x0;
	[tilespmem:$0x180] =	vst v5  }
0x7d: {  	v7 =	vld [tilespmem:s23+$0x51E0]  }
0x7e: {  	v12 =	vld [tilespmem:s23+$0x51F0]  }
0x7f: {  	v6 =	vld [tilespmem:s23+$0x5200]  }
0x80: {  	v5 =	vld [tilespmem:s23+$0x5210]  }
0x81: {  	v4 =	vld [tilespmem:s23+$0x5220]  }
0x82: {  	v3 =	vld [tilespmem:s23+$0x5230]  }
0x83: {  	v2 =	vld [tilespmem:s23+$0x5240]  }
0x84: {  	v1 =	vld [tilespmem:s23+$0x5250]  }
0x85: {  	v13 =	vld [tilespmem:s23+$0x1E0]  }
0x86: {  	v14 =	vld [tilespmem:s23+$0x1F0]  }
0x87: {  	v11 =	vld [tilespmem:s23+$0x200]  }
0x88: {  	v10 =	vld [tilespmem:s23+$0x210]  }
0x89: {  	v9 =	vld [tilespmem:s23+$0x220]  }
0x8a: {  	v8 =	vld [tilespmem:s23+$0x230];
	v13 =	vadd.f32 v7, v13  }
0x8b: {  	s17 =	simm.s32 $0x200;
	v12 =	vadd.f32 v12, v14;
	v7 =	vld [tilespmem:s23+$0x240]  }
.LBB2_5:
0x8c: {  	s13 =	sshra.s32 s17, $0x2;
	p0 =	sne.s32 s17, $0x9E00;
	v13 =	vmax.f32 v13, $0.0e+00;
	v6 =	vadd.f32 v6, v11;
	v11 =	vld [tilespmem:s23+$0x250]  }
0x8d: {  	v14 =	vld [tilespmem:s13+$0x51E0];
	[tilespmem:s23+$0x1E0] =	vst v13;
	v12 =	vmax.f32 v12, $0.0e+00;
	v5 =	vadd.f32 v5, v10  }
0x8e: {  	v15 =	vld [tilespmem:s13+$0x51F0];
	[tilespmem:s23+$0x1F0] =	vst v12;
	v10 =	vmax.f32 v6, $0.0e+00;
	v4 =	vadd.f32 v4, v9  }
0x8f: {  	v6 =	vld [tilespmem:s13+$0x5200];
	[tilespmem:s23+$0x200] =	vst v10;
	v9 =	vmax.f32 v5, $0.0e+00;
	v3 =	vadd.f32 v3, v8  }
0x90: {  	v5 =	vld [tilespmem:s13+$0x5210];
	[tilespmem:s23+$0x210] =	vst v9;
	v8 =	vmax.f32 v4, $0.0e+00;
	v2 =	vadd.f32 v2, v7  }
0x91: {  	v4 =	vld [tilespmem:s13+$0x5220];
	[tilespmem:s23+$0x220] =	vst v8;
	v7 =	vmax.f32 v3, $0.0e+00;
	v1 =	vadd.f32 v1, v11  }
0x92: {  	v3 =	vld [tilespmem:s13+$0x5230];
	[tilespmem:s23+$0x230] =	vst v7;
	v7 =	vmax.f32 v2, $0.0e+00  }
0x93: {  	v2 =	vld [tilespmem:s13+$0x5240];
	[tilespmem:s23+$0x240] =	vst v7;
	v7 =	vmax.f32 v1, $0.0e+00  }
0x94: {  	v1 =	vld [tilespmem:s13+$0x5250];
	[tilespmem:s23+$0x250] =	vst v7;
	s23 =	smov.u32 s13  }
0x95: {  	v7 =	vld [tilespmem:s23+$0x1E0]  }
0x96: {  	v12 =	vld [tilespmem:s23+$0x1F0]  }
.Ltmp1:
0x97: {  	v11 =	vld [tilespmem:s23+$0x200];
	(pc) =	sbr.rel @p0 .LBB2_5-.Ltmp1, $4  }
0x98: {  	v10 =	vld [tilespmem:s23+$0x210]  }
0x99: {  	v9 =	vld [tilespmem:s23+$0x220]  }
0x9a: {  	v13 =	vadd.f32 v14, v7;
	v8 =	vld [tilespmem:s23+$0x230]  }
0x9b: {  	s17 =	sadd.s32 $0x200, s17;
	v12 =	vadd.f32 v15, v12;
	v7 =	vld [tilespmem:s23+$0x240]  }
0x9c: {  	v13 =	vmax.f32 v13, $0.0e+00;
	v6 =	vadd.f32 v6, v11;
	v11 =	vld [tilespmem:s23+$0x250]  }
0x9d: {  	[tilespmem:s23+$0x1E0] =	vst v13;
	v12 =	vmax.f32 v12, $0.0e+00;
	v5 =	vadd.f32 v5, v10  }
0x9e: {  	[tilespmem:s23+$0x1F0] =	vst v12;
	v6 =	vmax.f32 v6, $0.0e+00;
	v4 =	vadd.f32 v4, v9  }
0x9f: {  	[tilespmem:s23+$0x200] =	vst v6;
	v5 =	vmax.f32 v5, $0.0e+00;
	v3 =	vadd.f32 v3, v8  }
0xa0: {  	[tilespmem:s23+$0x210] =	vst v5;
	v4 =	vmax.f32 v4, $0.0e+00;
	v2 =	vadd.f32 v2, v7  }
0xa1: {  	[tilespmem:s23+$0x220] =	vst v4;
	v3 =	vmax.f32 v3, $0.0e+00;
	v1 =	vadd.f32 v1, v11  }
0xa2: {  	[tilespmem:s23+$0x230] =	vst v3;
	v2 =	vmax.f32 v2, $0.0e+00  }
0xa3: {  	[tilespmem:s23+$0x240] =	vst v2;
	v1 =	vmax.f32 v1, $0.0e+00  }
0xa4: {  	[tilespmem:s23+$0x250] =	vst v1  }
0xa5: {  	[spmem:s1] =	stream.indirect.scatter.add.f32 [tilespmem:s10], [sflag:$0x7], $0x80, s25, s4, $0xb8;
	[tilespmem:$0x1DA60] =	vst v63  }
0xa6: {  	_ =	swait.ge [sflag:s26], $0x2800  }
0xa7: {  	[sflag:s26] =	ssyncset.done $0x0  }
0xa8: {  	[sflag:s26] =	ssyncadd.s32 $0xFFFFD800  }
0xa9: {  	_ =	swait.ge [sflag:s9], $0xA0  }
0xaa: {  	s13 =	sshll.u32 s21, $0x4;
	[sflag:s9] =	ssyncset.done $0x0  }
0xab: {  	s13 =	sand.u32 $0x1FFFFF00, s13;
	[sflag:s9] =	ssyncadd.s32 $0xFFFFFF60  }
0xac: {  	[tilespmem:s10], [sflag:$0x3] =	stream.indirect.gather [hbm4b:s3+s4], $0x80, s2, s4, $0xb8;
	[tilespmem:$0x1DA60] =	vst v63  }
0xad: {  	s13 =	sadd.s32 s6, s13  }
0xae: {  	[tilespmem:s31], [sflag:$0x5] =	stream.linear.gather [hbm4b:s13+s2], $0x2800, $0x38;
	[tilespmem:$0x1DA60] =	vst v63  }
0xaf: {  	_ =	swait.ge [sflag:s30], $0x2800  }
0xb0: {  	[sflag:s30] =	ssyncset.done $0x0  }
0xb1: {  	p0 =	sgt.u32 s19, $0x3C;
	[sflag:s30] =	ssyncadd.s32 $0xFFFFD800  }
0xb2: {  	s17 =	simm.s32 @!p0 $0x50;
	s13 =	sadd.s32 @!p0 s20, s29;
	_ =	swait.ge [sflag:s15], $0x2800  }
0xb3: {  	s21 =	simm.s32 @!p0 $0xA0;
	s13 =	sshrl.u32 @!p0 s13, $0x3;
	[sflag:s15] =	ssyncset.done $0x0  }
0xb4: {  	s20 =	simm.s32 @!p0 $0x4E200;
	s13 =	sadd.s32 @!p0 s5, s13;
	[sflag:s15] =	ssyncadd.s32 $0xFFFFD800  }
0xb5: {  	[tilespmem:s21], [sflag:$0x2] =	stream.strided.gather @!p0 [hbm4b:s13+s17], $0xA0, s20, s17, $0x38;
	[tilespmem:$0x1DA60] =	vst v63  }
0xb6: {  	v1 =	vld [tilespmem:$0xF0]  }
0xb7: {  	v2 =	vld [tilespmem:$0x100]  }
0xb8: {  	v3 =	vld [tilespmem:$0x110]  }
0xb9: {  	v4 =	vld [tilespmem:$0x120]  }
0xba: {  	v5 =	vld [tilespmem:$0x130]  }
0xbb: {  	[tilespmem:$0x190] =	vst v1  }
0xbc: {  	[tilespmem:$0x1A0] =	vst v2  }
0xbd: {  	[tilespmem:$0x1B0] =	vst v3  }
0xbe: {  	[tilespmem:$0x1C0] =	vst v4  }
0xbf: {  	s20 =	simm.s32 $0x0;
	[tilespmem:$0x1D0] =	vst v5  }
0xc0: {  	v7 =	vld [tilespmem:s20+$0x79E0]  }
0xc1: {  	v12 =	vld [tilespmem:s20+$0x79F0]  }
0xc2: {  	v6 =	vld [tilespmem:s20+$0x7A00]  }
0xc3: {  	v5 =	vld [tilespmem:s20+$0x7A10]  }
0xc4: {  	v4 =	vld [tilespmem:s20+$0x7A20]  }
0xc5: {  	v3 =	vld [tilespmem:s20+$0x7A30]  }
0xc6: {  	v2 =	vld [tilespmem:s20+$0x7A40]  }
0xc7: {  	v1 =	vld [tilespmem:s20+$0x7A50]  }
0xc8: {  	v13 =	vld [tilespmem:s20+$0x29E0]  }
0xc9: {  	v14 =	vld [tilespmem:s20+$0x29F0]  }
0xca: {  	v11 =	vld [tilespmem:s20+$0x2A00]  }
0xcb: {  	v10 =	vld [tilespmem:s20+$0x2A10]  }
0xcc: {  	v9 =	vld [tilespmem:s20+$0x2A20]  }
0xcd: {  	v8 =	vld [tilespmem:s20+$0x2A30];
	v13 =	vadd.f32 v7, v13  }
0xce: {  	s17 =	simm.s32 $0x200;
	v12 =	vadd.f32 v12, v14;
	v7 =	vld [tilespmem:s20+$0x2A40]  }
.LBB2_7:
0xcf: {  	s13 =	sshra.s32 s17, $0x2;
	p0 =	sne.s32 s17, $0x9E00;
	v13 =	vmax.f32 v13, $0.0e+00;
	v6 =	vadd.f32 v6, v11;
	v11 =	vld [tilespmem:s20+$0x2A50]  }
0xd0: {  	v14 =	vld [tilespmem:s13+$0x79E0];
	[tilespmem:s20+$0x29E0] =	vst v13;
	v12 =	vmax.f32 v12, $0.0e+00;
	v5 =	vadd.f32 v5, v10  }
0xd1: {  	v15 =	vld [tilespmem:s13+$0x79F0];
	[tilespmem:s20+$0x29F0] =	vst v12;
	v10 =	vmax.f32 v6, $0.0e+00;
	v4 =	vadd.f32 v4, v9  }
0xd2: {  	v6 =	vld [tilespmem:s13+$0x7A00];
	[tilespmem:s20+$0x2A00] =	vst v10;
	v9 =	vmax.f32 v5, $0.0e+00;
	v3 =	vadd.f32 v3, v8  }
0xd3: {  	v5 =	vld [tilespmem:s13+$0x7A10];
	[tilespmem:s20+$0x2A10] =	vst v9;
	v8 =	vmax.f32 v4, $0.0e+00;
	v2 =	vadd.f32 v2, v7  }
0xd4: {  	v4 =	vld [tilespmem:s13+$0x7A20];
	[tilespmem:s20+$0x2A20] =	vst v8;
	v7 =	vmax.f32 v3, $0.0e+00;
	v1 =	vadd.f32 v1, v11  }
0xd5: {  	v3 =	vld [tilespmem:s13+$0x7A30];
	[tilespmem:s20+$0x2A30] =	vst v7;
	v7 =	vmax.f32 v2, $0.0e+00  }
0xd6: {  	v2 =	vld [tilespmem:s13+$0x7A40];
	[tilespmem:s20+$0x2A40] =	vst v7;
	v7 =	vmax.f32 v1, $0.0e+00  }
0xd7: {  	v1 =	vld [tilespmem:s13+$0x7A50];
	[tilespmem:s20+$0x2A50] =	vst v7;
	s20 =	smov.u32 s13  }
0xd8: {  	v7 =	vld [tilespmem:s20+$0x29E0]  }
0xd9: {  	v12 =	vld [tilespmem:s20+$0x29F0]  }
.Ltmp2:
0xda: {  	v11 =	vld [tilespmem:s20+$0x2A00];
	(pc) =	sbr.rel @p0 .LBB2_7-.Ltmp2, $4  }
0xdb: {  	v10 =	vld [tilespmem:s20+$0x2A10]  }
0xdc: {  	v9 =	vld [tilespmem:s20+$0x2A20]  }
0xdd: {  	v13 =	vadd.f32 v14, v7;
	v8 =	vld [tilespmem:s20+$0x2A30]  }
0xde: {  	s17 =	sadd.s32 $0x200, s17;
	v12 =	vadd.f32 v15, v12;
	v7 =	vld [tilespmem:s20+$0x2A40]  }
0xdf: {  	v13 =	vmax.f32 v13, $0.0e+00;
	v6 =	vadd.f32 v6, v11;
	v63 =	vld [tilespmem:s20+$0x2A50]  }
0xe0: {  	[tilespmem:s20+$0x29E0] =	vst v13;
	v12 =	vmax.f32 v12, $0.0e+00;
	v5 =	vadd.f32 v5, v10  }
0xe1: {  	[tilespmem:s20+$0x29F0] =	vst v12;
	v6 =	vmax.f32 v6, $0.0e+00;
	v4 =	vadd.f32 v4, v9  }
0xe2: {  	s19 =	sadd.s32 $0x1, s19;
	[tilespmem:s20+$0x2A00] =	vst v6;
	v5 =	vmax.f32 v5, $0.0e+00;
	v3 =	vadd.f32 v3, v8  }
0xe3: {  	p0 =	sne.s32 s19, $0x3E;
	[tilespmem:s20+$0x2A10] =	vst v5;
	v4 =	vmax.f32 v4, $0.0e+00;
	v2 =	vadd.f32 v2, v7  }
.Ltmp3:
0xe4: {  	[tilespmem:s20+$0x2A20] =	vst v4;
	v3 =	vmax.f32 v3, $0.0e+00;
	v1 =	vadd.f32 v1, v63;
	(pc) =	sbr.rel @p0 .LBB2_4-.Ltmp3, $4  }
0xe5: {  	[tilespmem:s20+$0x2A30] =	vst v3;
	v2 =	vmax.f32 v2, $0.0e+00  }
0xe6: {  	[tilespmem:s20+$0x2A40] =	vst v2;
	v1 =	vmax.f32 v1, $0.0e+00  }
0xe7: {  	[tilespmem:s20+$0x2A50] =	vst v1  }
0xe8: {  	[spmem:s1] =	stream.indirect.scatter.add.f32 [tilespmem:s12], [sflag:$0x8], $0x80, s16, s4, $0xb8;
	[tilespmem:$0x1DA60] =	vst v63  }
0xe9: {  	_ =	swait.ge [sflag:s14], $0x2800  }
0xea: {  	[sflag:s14] =	ssyncset.done $0x0  }
0xeb: {  	[sflag:s14] =	ssyncadd.s32 $0xFFFFD800  }
0xec: {  	_ =	swait.ge [sflag:s24], $0x2800  }
0xed: {  	[sflag:s24] =	ssyncset.done $0x0  }
0xee: {  	[sflag:s24] =	ssyncadd.s32 $0xFFFFD800  }
0xef: {  	v1 =	vld [tilespmem:$0x50]  }
0xf0: {  	v2 =	vld [tilespmem:$0x60]  }
0xf1: {  	v3 =	vld [tilespmem:$0x70]  }
0xf2: {  	v4 =	vld [tilespmem:$0x80]  }
0xf3: {  	v5 =	vld [tilespmem:$0x90]  }
0xf4: {  	[tilespmem:$0x140] =	vst v1  }
0xf5: {  	[tilespmem:$0x150] =	vst v2  }
0xf6: {  	[tilespmem:$0x160] =	vst v3  }
0xf7: {  	[tilespmem:$0x170] =	vst v4  }
0xf8: {  	s18 =	simm.s32 $0x0;
	[tilespmem:$0x180] =	vst v5  }
0xf9: {  	v7 =	vld [tilespmem:s18+$0x51E0]  }
0xfa: {  	v12 =	vld [tilespmem:s18+$0x51F0]  }
0xfb: {  	v6 =	vld [tilespmem:s18+$0x5200]  }
0xfc: {  	v5 =	vld [tilespmem:s18+$0x5210]  }
0xfd: {  	v4 =	vld [tilespmem:s18+$0x5220]  }
0xfe: {  	v3 =	vld [tilespmem:s18+$0x5230]  }
0xff: {  	v2 =	vld [tilespmem:s18+$0x5240]  }
0x100: {  	v1 =	vld [tilespmem:s18+$0x5250]  }
0x101: {  	v13 =	vld [tilespmem:s18+$0x1E0]  }
0x102: {  	v14 =	vld [tilespmem:s18+$0x1F0]  }
0x103: {  	v11 =	vld [tilespmem:s18+$0x200]  }
0x104: {  	v10 =	vld [tilespmem:s18+$0x210]  }
0x105: {  	v9 =	vld [tilespmem:s18+$0x220]  }
0x106: {  	v8 =	vld [tilespmem:s18+$0x230];
	v13 =	vadd.f32 v7, v13  }
0x107: {  	s17 =	simm.s32 $0x200;
	v12 =	vadd.f32 v12, v14;
	v7 =	vld [tilespmem:s18+$0x240]  }
.LBB2_10:
0x108: {  	s13 =	sshra.s32 s17, $0x2;
	p0 =	sne.s32 s17, $0x9E00;
	v13 =	vmax.f32 v13, $0.0e+00;
	v6 =	vadd.f32 v6, v11;
	v11 =	vld [tilespmem:s18+$0x250]  }
0x109: {  	v14 =	vld [tilespmem:s13+$0x51E0];
	[tilespmem:s18+$0x1E0] =	vst v13;
	v12 =	vmax.f32 v12, $0.0e+00;
	v5 =	vadd.f32 v5, v10  }
0x10a: {  	v15 =	vld [tilespmem:s13+$0x51F0];
	[tilespmem:s18+$0x1F0] =	vst v12;
	v10 =	vmax.f32 v6, $0.0e+00;
	v4 =	vadd.f32 v4, v9  }
0x10b: {  	v6 =	vld [tilespmem:s13+$0x5200];
	[tilespmem:s18+$0x200] =	vst v10;
	v9 =	vmax.f32 v5, $0.0e+00;
	v3 =	vadd.f32 v3, v8  }
0x10c: {  	v5 =	vld [tilespmem:s13+$0x5210];
	[tilespmem:s18+$0x210] =	vst v9;
	v8 =	vmax.f32 v4, $0.0e+00;
	v2 =	vadd.f32 v2, v7  }
0x10d: {  	v4 =	vld [tilespmem:s13+$0x5220];
	[tilespmem:s18+$0x220] =	vst v8;
	v7 =	vmax.f32 v3, $0.0e+00;
	v1 =	vadd.f32 v1, v11  }
0x10e: {  	v3 =	vld [tilespmem:s13+$0x5230];
	[tilespmem:s18+$0x230] =	vst v7;
	v7 =	vmax.f32 v2, $0.0e+00  }
0x10f: {  	v2 =	vld [tilespmem:s13+$0x5240];
	[tilespmem:s18+$0x240] =	vst v7;
	v7 =	vmax.f32 v1, $0.0e+00  }
0x110: {  	v1 =	vld [tilespmem:s13+$0x5250];
	[tilespmem:s18+$0x250] =	vst v7;
	s18 =	smov.u32 s13  }
0x111: {  	v7 =	vld [tilespmem:s18+$0x1E0]  }
0x112: {  	v12 =	vld [tilespmem:s18+$0x1F0]  }
.Ltmp4:
0x113: {  	v11 =	vld [tilespmem:s18+$0x200];
	(pc) =	sbr.rel @p0 .LBB2_10-.Ltmp4, $4  }
0x114: {  	v10 =	vld [tilespmem:s18+$0x210]  }
0x115: {  	v9 =	vld [tilespmem:s18+$0x220]  }
0x116: {  	v13 =	vadd.f32 v14, v7;
	v8 =	vld [tilespmem:s18+$0x230]  }
0x117: {  	s17 =	sadd.s32 $0x200, s17;
	v12 =	vadd.f32 v15, v12;
	v7 =	vld [tilespmem:s18+$0x240]  }
0x118: {  	v13 =	vmax.f32 v13, $0.0e+00;
	v6 =	vadd.f32 v6, v11;
	v63 =	vld [tilespmem:s18+$0x250]  }
0x119: {  	[tilespmem:s18+$0x1E0] =	vst v13;
	v12 =	vmax.f32 v12, $0.0e+00;
	v5 =	vadd.f32 v5, v10  }
0x11a: {  	[tilespmem:s18+$0x1F0] =	vst v12;
	v6 =	vmax.f32 v6, $0.0e+00;
	v4 =	vadd.f32 v4, v9  }
0x11b: {  	[tilespmem:s18+$0x200] =	vst v6;
	v5 =	vmax.f32 v5, $0.0e+00;
	v3 =	vadd.f32 v3, v8  }
0x11c: {  	[tilespmem:s18+$0x210] =	vst v5;
	v4 =	vmax.f32 v4, $0.0e+00;
	v2 =	vadd.f32 v2, v7  }
0x11d: {  	[tilespmem:s18+$0x220] =	vst v4;
	v3 =	vmax.f32 v3, $0.0e+00;
	v1 =	vadd.f32 v1, v63  }
0x11e: {  	[tilespmem:s18+$0x230] =	vst v3;
	v2 =	vmax.f32 v2, $0.0e+00  }
0x11f: {  	[tilespmem:s18+$0x240] =	vst v2;
	v1 =	vmax.f32 v1, $0.0e+00  }
0x120: {  	s13 =	simm.s32 $0x8;
	[tilespmem:s18+$0x250] =	vst v1  }
0x121: {  	_ =	swait.ge [sflag:s13], $0x2800  }
0x122: {  	[sflag:s13] =	ssyncset.done $0x0  }
0x123: {  	[sflag:s13] =	ssyncadd.s32 $0xFFFFD800  }
0x124: {  	[spmem:s1] =	stream.indirect.scatter.add.f32 [tilespmem:s10], [sflag:$0x7], $0x80, s25, s4, $0xb8;
	[tilespmem:$0x1DA60] =	vst v63  }
0x125: {  	_ =	swait.ge [sflag:s26], $0x2800  }
0x126: {  	[sflag:s26] =	ssyncset.done $0x0  }
0x127: {  	[sflag:s26] =	ssyncadd.s32 $0xFFFFD800  }
0x128: {  	s19 =	stileid.u32;
	[bflag:$0x0] =	sbarrier.arrive $0xFFFF  }
0x129: {  	s13 =	sshll.u32 s19, $0x6;
	s19 =	rddreg [dreg:$0xb]  }
0x12a: {  	s13 =	sor.u32 $0x1C09, s13;
	s20 =	rddreg [dreg:$0x3];
	s17 =	sshrl.u32 s19, $0x3  }
0x12b: {  	[hbm:s20], [sflag:s13] =	dma.local [spmem:s17], $0x500  }
0x12c: {  	_ =	swait.ge [sflag:s0], $0x500  }
0x12d: {  	[sflag:s0] =	ssyncset.done $0x0;
	s20 =	rddreg [dreg:$0xc]  }
0x12e: {  	s23 =	rddreg [dreg:$0x4];
	[sflag:s0] =	ssyncadd.s32 $0xFFFFFB00;
	s21 =	sshrl.u32 s20, $0x3  }
0x12f: {  	[hbm:s23], [sflag:s13] =	dma.local [spmem:s21], $0x500  }
0x130: {  	_ =	swait.ge [sflag:s0], $0x500  }
0x131: {  	[sflag:s0] =	ssyncset.done $0x0;
	s21 =	rddreg [dreg:$0xd]  }
0x132: {  	s23 =	rddreg [dreg:$0x5];
	[sflag:s0] =	ssyncadd.s32 $0xFFFFFB00;
	s18 =	sshrl.u32 s21, $0x3  }
0x133: {  	[hbm:s23], [sflag:s13] =	dma.local [spmem:s18], $0x500  }
0x134: {  	_ =	swait.ge [sflag:s0], $0x500  }
0x135: {  	[sflag:s0] =	ssyncset.done $0x0;
	s23 =	rddreg [dreg:$0xe]  }
0x136: {  	s18 =	rddreg [dreg:$0x6];
	[sflag:s0] =	ssyncadd.s32 $0xFFFFFB00;
	s17 =	sshrl.u32 s23, $0x3  }
0x137: {  	[hbm:s18], [sflag:s13] =	dma.local [spmem:s17], $0x500  }
0x138: {  	_ =	swait.ge [sflag:s0], $0x500  }
0x139: {  	[sflag:s0] =	ssyncset.done $0x0;
	s18 =	rddreg [dreg:$0xf]  }
0x13a: {  	[sflag:s0] =	ssyncadd.s32 $0xFFFFFB00;
	s17 =	sshrl.u32 s18, $0x3;
	s18 =	rddreg [dreg:$0x7]  }
0x13b: {  	[hbm:s18], [sflag:s13] =	dma.local [spmem:s17], $0x500  }
0x13c: {  	_ =	swait.ge [sflag:s0], $0x500  }
0x13d: {  	[sflag:s0] =	ssyncset.done $0x0;
	s18 =	rddreg [dreg:$0x10]  }
0x13e: {  	[sflag:s0] =	ssyncadd.s32 $0xFFFFFB00;
	s17 =	sshrl.u32 s18, $0x3;
	s18 =	rddreg [dreg:$0x8]  }
0x13f: {  	[hbm:s18], [sflag:s13] =	dma.local [spmem:s17], $0x500  }
0x140: {  	_ =	swait.ge [sflag:s0], $0x500  }
0x141: {  	[sflag:s0] =	ssyncset.done $0x0;
	s18 =	rddreg [dreg:$0x11]  }
0x142: {  	[sflag:s0] =	ssyncadd.s32 $0xFFFFFB00;
	s17 =	sshrl.u32 s18, $0x3;
	s18 =	rddreg [dreg:$0x9]  }
0x143: {  	[hbm:s18], [sflag:s13] =	dma.local [spmem:s17], $0x500  }
0x144: {  	_ =	swait.ge [sflag:s0], $0x500  }
0x145: {  	[sflag:s0] =	ssyncset.done $0x0;
	s18 =	rddreg [dreg:$0x12]  }
0x146: {  	[sflag:s0] =	ssyncadd.s32 $0xFFFFFB00;
	s17 =	sshrl.u32 s18, $0x3;
	s18 =	rddreg [dreg:$0xa]  }
0x147: {  	[hbm:s18], [sflag:s13] =	dma.local [spmem:s17], $0x410  }
0x148: {  	_ =	swait.ge [sflag:s0], $0x410  }
0x149: {  	s13 =	rddreg [dreg:$0x17]  }
0x14a: {  	s18 =	rddreg [dreg:$0x16];
	s17 =	sadd.s32 $0x1, s13  }
0x14b: {  	p0 =	sne.s32 s17, s18  }
.Ltmp5:
0x14c: {  	_ = 	snop;
	(pc) =	sbr.rel @p0 .LBB2_1-.Ltmp5, $3  }
0x14d: {  	_ =	sdelay $0x1  }
0x14e: {  	[sflag:s0] =	ssyncset.done $0x0  }
0x14f: {  	[sflag:s0] =	ssyncadd.s32 $0xFFFFFBF0  }
0x150: {  	_ =	sfence.sel $0x180000  }
0x151: {  	[bflag:$0x0] =	sbarrier.arrive $0xFFFF  }
0x152: {  	_ =	strace $0x90000047  }
0x153: {  	s0 =	stileid.u32;
	[bflag:$0x2] =	sbarrier.arrive $0xFFFF  }
0x154: {  	p0 =	sne.s32 s0, $0x0;
	s0 =	rddreg [dreg:$0x2]  }
0x155: {  	s0 =	sadd.s32 @!p0 $0x100000, s0  }
0x156: {  	[sflag:s0] =	ssyncadd.tile.s32 @!p0 $0x1;
	_ =	shalt  }
.Lfunc_end2:
_tile_overlayer_lowered:
.L_overlay_start_2:
0x157: {  	(tag) =	ssettag $0x2  }
0x158: {  	s0 =	rddreg [dreg:$0x0];
	s2 =	stileid.u32  }
0x159: {  	s1 =	rddreg [dreg:$0x1];
	p0 =	sne.s32 s2, $0x0  }
0x15a: {  	s3 =	rddreg [dreg:$0x2];
	[bflag:$0x3] =	sbarrier.arrive $0xFFFF;
	s2 =	simm.s32 @!p0 $0x1C09  }
0x15b: {  	[timem:s3], [sflag:s2] =	dma.local @!p0 [hbm:s0], s1  }
0x15c: {  	s0 =	simm.s32 @!p0 $0x9  }
0x15d: {  	_ =	swait.ge @!p0 [sflag:s0], s1  }
0x15e: {  	s1 =	ssub.s32 @!p0 $0x0, s1;
	[sflag:s0] =	ssyncset.done @!p0 $0x0  }
0x15f: {  	[sflag:s0] =	ssyncadd.s32 @!p0 s1  }
0x160: {  	[bflag:$0x3] =	sbarrier.arrive $0xFFFF  }
0x161: {  	_ =	shalt  }

// kernel: kernel.14.cloned.1.call-start
scs
__scs_entry_jumppad:
0x0: {  	(pc) =	sbr.rel $0x88, $3  }
0x1: {  	(tag) =	ssettag $0x0;
	lr =	simm.s32 $0x1  }
0x2: {  	[smem:$0x3F8A] =	sst lr;
	_ =	strace $0xD0000000  }
0x3: {  	_ = 	snop  }
0x4: {  	_ = 	snop  }
0x5: {  	_ = 	snop  }
0x6: {  	_ = 	snop  }
0x7: {  	_ = 	snop  }
__scs_overlays_trampoline_lowered:
0x8: {  	[smem:$0x3F99] =	sst s0  }
0x9: {  	[smem:$0x3F9A] =	sst s1  }
0xa: {  	[smem:$0x3F9B] =	sst s2  }
0xb: {  	[smem:$0x3F9C] =	sst s3  }
0xc: {  	[smem:$0x3F9D] =	sst s4  }
0xd: {  	[smem:$0x3F9E] =	sst s5  }
0xe: {  	[smem:$0x3F9F] =	sst s6  }
0xf: {  	[smem:$0x3FA0] =	sst s7  }
0x10: {  	[smem:$0x3FA1] =	sst s8  }
0x11: {  	[smem:$0x3FA2] =	sst s9;
	s0 =	simm.s32 @!p0 $0x0  }
0x12: {  	s1 =	sld [smem:$0x3F88];
	s0 =	simm.s32 @p0 $0x1  }
0x13: {  	[smem:$0x3FA3] =	sst s0;
	s0 =	simm.s32 @!p1 $0x0  }
0x14: {  	s2 =	sld [smem:$0x3F87];
	s0 =	simm.s32 @p1 $0x1  }
0x15: {  	[smem:$0x3FA4] =	sst s0;
	s0 =	simm.s32 @!p2 $0x0  }
0x16: {  	s3 =	sld [smem:$0x3FDB];
	s0 =	simm.s32 @p2 $0x1  }
0x17: {  	s4 =	simm.s32 $0x1BF5;
	[smem:$0x3FA6] =	sst s0  }
0x18: {  	s0 =	sld [smem:$0x3F89];
	_ =	swait.ge [sflag:s4], $0x0  }
0x19: {  	s7 =	sld [smem:$0x3F8A]  }
0x1a: {  	s8 =	sadd.s32 $0xFFFFE003, lr  }
0x1b: {  	s9 =	sadd.s32 $0xFFFFFEF7, lr;
	s5 =	simm.s32 $0xFFFFFFFF;
	p2 =	slt.u32 s8, $0xFFFFF086  }
0x1c: {  	p1 =	slt.u32 s9, $0xF7A;
	s5 =	simm.s32 @!p2 $0x0  }
0x1d: {  	s5 =	simm.s32 @p1 $0x1;
	p0 =	seq.s32 s7, s2  }
0x1e: {  	s7 =	smul.u32 @!p0 $0xF7A, s2;
	p2 =	seq.s32 @!p0 s5, $0x0  }
0x1f: {  	s9 =	smul.u32 $0xF7A, s1;
	s8 =	simm.s32 @!p0 $0x1BF5;
	p2 =	por !p2, p0  }
0x20: {  	[sflag:s8] =	ssyncset.s32 @!p0 $0xFFFFF086;
	s6 =	sadd.s32 @!p0 s3, s7;
	s7 =	simm.s32 @!p0 $0x108  }
0x21: {  	s3 =	sadd.s32 s3, s9;
	s6 =	sadd.s32 @!p0 $0x88, s6;
	s7 =	simm.s32 @p2 $0x1082  }
0x22: {  	[simem:s7], [sflag:s8] =	dma.local @!p0 [hbm:s6], $0xF7A  }
0x23: {  	s9 =	sor.u32 $0xD0000000, s2;
	s6 =	simm.s32 $0x108;
	_ =	swait.ge @!p0 [sflag:s8], $0x0  }
0x24: {  	s3 =	sadd.s32 $0x88, s3;
	s6 =	simm.s32 @!p1 $0x1082;
	[sflag:s4] =	ssyncset.s32 $0xFFFFF086  }
0x25: {  	[simem:s6], [sflag:s4] =	dma.local [hbm:s3], $0xF7A  }
0x26: {  	[smem:$0x3F8A] =	sst s1;
	(tag) =	ssettag s2;
	_ =	strace s9  }
0x27: {  	s1 =	sld [smem:$0x3F9A]  }
0x28: {  	s2 =	sld [smem:$0x3F9B]  }
0x29: {  	s4 =	sld [smem:$0x3F9D]  }
0x2a: {  	p0 =	seq.s32 s5, $0x0;
	s5 =	sld [smem:$0x3F9E]  }
0x2b: {  	s6 =	sld [smem:$0x3F9F]  }
0x2c: {  	s7 =	sld [smem:$0x3FA0]  }
0x2d: {  	s3 =	simm.s32 $0x108;
	s8 =	sld [smem:$0x3FA1]  }
0x2e: {  	s3 =	simm.s32 @!p0 $0x1082;
	s9 =	sld [smem:$0x3FA2]  }
0x2f: {  	lr =	sadd.s32 s0, s3;
	s0 =	sld [smem:$0x3F99]  }
0x30: {  	s3 =	sld [smem:$0x3F9C]  }
0x31: {  	[smem:$0x3FA5] =	sst s10  }
0x32: {  	s10 =	sld [smem:$0x3FA3];
	_ =	sdelay $0x3  }
0x33: {  	p0 =	seq.s32 s10, $0x1;
	s10 =	sld [smem:$0x3FA5];
	_ =	sdelay $0x3  }
0x34: {  	[smem:$0x3FA5] =	sst s10  }
0x35: {  	s10 =	sld [smem:$0x3FA4];
	_ =	sdelay $0x3  }
0x36: {  	p1 =	seq.s32 s10, $0x1;
	s10 =	sld [smem:$0x3FA5];
	_ =	sdelay $0x3  }
0x37: {  	[smem:$0x3FA5] =	sst s10  }
0x38: {  	s10 =	sld [smem:$0x3FA6]  }
0x39: {  	_ = 	snop;
	(pc) =	sbr.ind lr, $3  }
0x3a: {  	_ = 	snop  }
0x3b: {  	_ = 	snop  }
0x3c: {  	p2 =	seq.s32 s10, $0x1;
	s10 =	sld [smem:$0x3FA5]  }
0x3d: {  	_ =	shalt  }
0x3e: {  	_ =	shalt  }
0x3f: {  	_ =	shalt  }
0x40: {  	_ =	shalt  }
0x41: {  	_ =	shalt  }
0x42: {  	_ =	shalt  }
0x43: {  	_ =	shalt  }
0x44: {  	_ =	shalt  }
0x45: {  	_ =	shalt  }
0x46: {  	_ =	shalt  }
0x47: {  	_ =	shalt  }
0x48: {  	_ =	shalt  }
0x49: {  	_ =	shalt  }
0x4a: {  	_ =	shalt  }
0x4b: {  	_ =	shalt  }
0x4c: {  	_ =	shalt  }
0x4d: {  	_ =	shalt  }
0x4e: {  	_ =	shalt  }
0x4f: {  	_ =	shalt  }
0x50: {  	_ =	shalt  }
0x51: {  	_ =	shalt  }
0x52: {  	_ =	shalt  }
0x53: {  	_ =	shalt  }
0x54: {  	_ =	shalt  }
0x55: {  	_ =	shalt  }
0x56: {  	_ =	shalt  }
0x57: {  	_ =	shalt  }
0x58: {  	_ =	shalt  }
0x59: {  	_ =	shalt  }
0x5a: {  	_ =	shalt  }
0x5b: {  	_ =	shalt  }
0x5c: {  	_ =	shalt  }
0x5d: {  	_ =	shalt  }
0x5e: {  	_ =	shalt  }
0x5f: {  	_ =	shalt  }
0x60: {  	_ =	shalt  }
0x61: {  	_ =	shalt  }
0x62: {  	_ =	shalt  }
0x63: {  	_ =	shalt  }
0x64: {  	_ =	shalt  }
0x65: {  	_ =	shalt  }
0x66: {  	_ =	shalt  }
0x67: {  	_ =	shalt  }
0x68: {  	_ =	shalt  }
0x69: {  	_ =	shalt  }
0x6a: {  	_ =	shalt  }
0x6b: {  	_ =	shalt  }
0x6c: {  	_ =	shalt  }
0x6d: {  	_ =	shalt  }
0x6e: {  	_ =	shalt  }
0x6f: {  	_ =	shalt  }
0x70: {  	_ =	shalt  }
0x71: {  	_ =	shalt  }
0x72: {  	_ =	shalt  }
0x73: {  	_ =	shalt  }
0x74: {  	_ =	shalt  }
0x75: {  	_ =	shalt  }
0x76: {  	_ =	shalt  }
0x77: {  	_ =	shalt  }
0x78: {  	_ =	shalt  }
0x79: {  	_ =	shalt  }
0x7a: {  	_ =	shalt  }
0x7b: {  	_ =	shalt  }
0x7c: {  	_ =	shalt  }
0x7d: {  	_ =	shalt  }
0x7e: {  	_ =	shalt  }
0x7f: {  	_ =	shalt  }
0x80: {  	_ =	shalt  }
0x81: {  	_ =	shalt  }
0x82: {  	_ =	shalt  }
0x83: {  	_ =	shalt  }
0x84: {  	_ =	shalt  }
0x85: {  	_ =	shalt  }
0x86: {  	_ =	shalt  }
0x87: {  	_ =	shalt  }
.Lfunc_end0:
.L_simem_size_0:
called_computation.1_lowered:
.L_overlay_start_0:
0x88: {  	s2 =	sld [smem:$0x3FD9]  }
0x89: {  	s3 =	sld [smem:$0x3FFE];
	_ =	sdelay $0x1  }
0x8a: {  	s1 =	srdreg.scid  }
0x8b: {  	s0 =	sand.u32 $0x1, s1  }
0x8c: {  	s16 =	sshll.u32 s0, $0xA;
	s2 =	sadd.s32 s3, s2  }
0x8d: {  	s2 =	sadd.s32 s2, s16  }
0x8e: {  	[smem:$0x3FB1] =	sst s2  }
0x8f: {  	_ = 	snop  }
0x90: {  	(tm) =	ssettm $0x1  }
0x91: {  	s17 =	sld [smem:$0x3FFB];
	_ =	sdelay $0x3  }
0x92: {  	_ =	strace s17  }
0x93: {  	s2 =	sld [smem:$0x3FFC];
	_ =	sdelay $0x3  }
0x94: {  	_ =	strace s2  }
0x95: {  	s2 =	sld [smem:$0x3FFD];
	_ =	sdelay $0x3  }
0x96: {  	_ =	strace s2  }
0x97: {  	_ =	strace $0x8FFFFFFF  }
0x98: {  	s18 =	sld [smem:$0x3FDB];
	_ =	sdelay $0x1  }
0x99: {  	s19 =	simm.s32 $_scs_section_size  }
0x9a: {  	s4 =	simm.s32 $_size__tile_overlayer_lowered;
	s5 =	simm.s32 $_tile_overlayer_lowered  }
0x9b: {  	s22 =	simm.s32 $0x1BFF;
	s21 =	sshll.u32 s5, $0x1;
	s2 =	sadd.s32 s19, s18  }
0x9c: {  	s6 =	simm.s32 $0x0;
	s20 =	sshll.u32 s4, $0x1;
	s4 =	sadd.s32 s21, s2  }
0x9d: {  	[timem:s6], [sflag:s22] =	dma.local [hbm:s4], s20  }
0x9e: {  	_ =	swait.ge [sflag:s22], s20  }
0x9f: {  	s3 =	ssub.s32 $0x0, s20;
	[sflag:s22] =	ssyncset.done $0x0  }
0xa0: {  	[sflag:s22] =	ssyncadd.s32 s3;
	_ =	sdelay $0x1  }
0xa1: {  	s23 =	simm.s32 $0x1B8B  }
0xa2: {  	_ =	swait.ge [sflag:s23], $0x1  }
0xa3: {  	[sflag:s23] =	ssyncset.done $0x0  }
0xa4: {  	s25 =	simm.s32 $0x1B8E;
	s24 =	sld [smem:$0x3FFE];
	[sflag:s23] =	ssyncadd.s32 $0xFFFFFFFF  }
0xa5: {  	s26 =	simm.s32 $execute0_lowered;
	[smem:$0x3FD2] =	sst s25  }
0xa6: {  	s4 =	sshll.u32 s26, $0x1;
	_ =	strace $0x80000049;
	[dreg:$0x1] =	wrdreg $0xFFFFFFFF  }
0xa7: {  	s28 =	simm.s32 $_size_execute0_lowered;
	s2 =	sadd.s32 s2, s4;
	[dreg:$0x0] =	wrdreg $0x0  }
0xa8: {  	s4 =	sshll.u32 s28, $0x1;
	[dreg:$0x2] =	wrdreg s2  }
0xa9: {  	[dreg:$0x3] =	wrdreg s4  }
0xaa: {  	[dreg:$0x4] =	wrdreg $0xC0  }
0xab: {  	_ =	task [dreg:s6], $0x5FFFF  }
0xac: {  	[dreg:$0x1] =	wrdreg $0xFFFFFFFF  }
0xad: {  	[dreg:$0x0] =	wrdreg $0x60  }
0xae: {  	[dreg:$0x2] =	wrdreg s24  }
0xaf: {  	[dreg:$0x3] =	wrdreg $0xA1E00  }
0xb0: {  	[dreg:$0x4] =	wrdreg $0x9  }
0xb1: {  	_ =	task.clear_ibuf [dreg:s6], $0x5FFFF;
	_ =	strace $0x90000049  }
0xb2: {  	s29 =	simm.s32 $0x9;
	_ =	strace $0x8000004B  }
0xb3: {  	_ =	swait.ge [sflag:s29], $0x1  }
0xb4: {  	[sflag:s29] =	ssyncadd.s32 $0xFFFFFFFF  }
0xb5: {  	_ =	strace $0x9000004B  }
0xb6: {  	_ =	sfence  }
0xb7: {  	s30 =	sld [smem:$0x0];
	_ =	sdelay $0x2  }
0xb8: {  	s31 =	sshll.u32 s1, $0xD;
	s1 =	sshrl.u32 s1, $0x2  }
0xb9: {  	s3 =	sand.u32 $0x4000, s31;
	s1 =	sadd.s32 s1, s30  }
0xba: {  	s0 =	sor.u32 s3, s0;
	s1 =	sshll.u32 s1, $0x11  }
0xbb: {  	s0 =	sor.u32 s1, s0  }
0xbc: {  	s0 =	sadd.s32 $0x8F2B, s0  }
0xbd: {  	[sflag:s0] =	ssyncadd.remote.s32 $0x1  }
0xbe: {  	_ =	sfence.sel $0xFFFF  }
0xbf: {  	[dreg:$0x0] =	wrdreg $0xFFFFFFFF;
	(pc) =	sbr.abs _section_cstart, $3  }
0xc0: {  	[dreg:$0x1] =	wrdreg $0xFFFFFFFF  }
0xc1: {  	_ =	task.clear_ibuf [dreg:s6], $0x2FFFF;
	_ =	strace $0x9FFFFFFF  }
0xc2: {  	(tm) =	ssettm $0x7FFFFFFF  }
0xc3: {  	_ =	shalt  }
tec
execute0_lowered:
.L_overlay_start_1:
0x0: {  	(tag) =	ssettag $0x1  }
0x1: {  	s0 =	rddreg [dreg:$0x0]  }
0x2: {  	s1 =	rddreg [dreg:$0x1];
	s2 =	simm.s32 $0x0;
	s4 =	srdreg.scid  }
0x3: {  	s11 =	stileid.u32;
	s31 =	simm.s32 $0x51E0;
	s30 =	simm.s32 $0x4  }
0x4: {  	[smem:$0x7FF] =	sst s2;
	s3 =	sadd.s32 $0x7A00, s0;
	s5 =	sadd.s32 $0x4E9A00, s0  }
0x5: {  	s6 =	sadd.s32 $0x4FD400, s0;
	s4 =	sand.u32 $0x1, s4;
	s0 =	sadd.s32 $0x2EC00, s0  }
0x6: {  	s10 =	smul.u32 $0x13880, s11;
	_ =	strace $0x8000004A;
	s7 =	ssub.s32 $0x2, s4  }
0x7: {  	s9 =	sshll.u32 s4, $0x4;
	s4 =	smul.u32 $0x138800, s4;
	s8 =	sshrl.u32 s7, $0x1  }
0x8: {  	s12 =	sadd.s32 $0x7800, s10;
	s13 =	sadd.s32 $0xA000, s10;
	s14 =	sadd.s32 $0xC800, s10  }
0x9: {  	s16 =	sadd.s32 $0xF000, s10;
	s18 =	sadd.s32 $0x11800, s10;
	s7 =	ssub.s32 s7, s8  }
0xa: {  	s8 =	sor.u32 s11, s9;
	s9 =	sadd.s32 $0x2800, s10;
	s11 =	sadd.s32 $0x5000, s10  }
0xb: {  	s15 =	sadd.s32 s10, s4;
	s20 =	sadd.s32 s4, s12;
	s23 =	sadd.s32 s4, s14  }
0xc: {  	s24 =	sadd.s32 s4, s16;
	s14 =	sadd.s32 s14, s1;
	s15 =	sshrl.u32 s15, $0x3  }
0xd: {  	s17 =	sadd.s32 s4, s9;
	s19 =	sadd.s32 s4, s11;
	s26 =	smul.u32 $0x2710, s8  }
0xe: {  	[dreg:$0x10] =	wrdreg s14;
	s15 =	sadd.s32 s0, s15;
	s17 =	sshrl.u32 s17, $0x3  }
0xf: {  	s14 =	simm.s32 $0x3;
	[dreg:$0x3] =	wrdreg s15;
	s15 =	sadd.s32 s0, s17  }
0x10: {  	s17 =	sshrl.u32 s20, $0x3;
	s20 =	sadd.s32 s9, s1;
	s28 =	sadd.s32 $0xA0, s26  }
0x11: {  	s29 =	sadd.s32 $0xF0, s26;
	s9 =	simm.s32 $0x1;
	[dreg:$0x4] =	wrdreg s15  }
0x12: {  	s15 =	sshrl.u32 s19, $0x3;
	s19 =	sadd.s32 s4, s13;
	s21 =	sadd.s32 s0, s17  }
0x13: {  	s17 =	sshrl.u32 s24, $0x3;
	s4 =	sadd.s32 s4, s18;
	[dreg:$0xc] =	wrdreg s20  }
0x14: {  	s13 =	sadd.s32 s13, s1;
	s24 =	sadd.s32 s18, s1;
	[dreg:$0x6] =	wrdreg s21  }
0x15: {  	s15 =	sadd.s32 s0, s15;
	s22 =	sshrl.u32 s19, $0x3;
	[dreg:$0xf] =	wrdreg s13  }
0x16: {  	s25 =	sadd.s32 s0, s17;
	s4 =	sshrl.u32 s4, $0x3;
	[dreg:$0x12] =	wrdreg s24  }
0x17: {  	s19 =	sadd.s32 s10, s1;
	s21 =	sadd.s32 s11, s1;
	[dreg:$0x5] =	wrdreg s15  }
0x18: {  	s17 =	sshrl.u32 s26, $0x3;
	s10 =	simm.s32 $0x1E0;
	[dreg:$0x9] =	wrdreg s25  }
0x19: {  	s11 =	simm.s32 $0x2;
	s24 =	simm.s32 $0x5;
	[dreg:$0xb] =	wrdreg s19  }
0x1a: {  	s15 =	sadd.s32 s0, s22;
	s22 =	sadd.s32 $0x50, s26;
	[dreg:$0xd] =	wrdreg s21  }
0x1b: {  	s26 =	smax.u32 s7, $0x1;
	s7 =	simm.s32 $0x4E200;
	[dreg:$0x7] =	wrdreg s15  }
0x1c: {  	s15 =	sshrl.u32 s23, $0x3;
	s23 =	sadd.s32 s12, s1;
	[dreg:$0x16] =	wrdreg s26  }
0x1d: {  	s25 =	sshrl.u32 s22, $0x3;
	s15 =	sadd.s32 s0, s15;
	[dreg:$0xe] =	wrdreg s23  }
0x1e: {  	s12 =	simm.s32 $0x29E0;
	s0 =	sadd.s32 s0, s4;
	[dreg:$0x8] =	wrdreg s15  }
0x1f: {  	s26 =	simm.s32 $0x7;
	[dreg:$0xa] =	wrdreg s0;
	s15 =	sadd.s32 s16, s1  }
0x20: {  	s16 =	smul.u32 $0x27100, s8;
	s8 =	sadd.s32 s5, s17;
	[dreg:$0x11] =	wrdreg s15  }
0x21: {  	s0 =	simm.s32 $0x9;
	s17 =	simm.s32 $0x0;
	[dreg:$0x13] =	wrdreg s8  }
0x22: {  	s8 =	sadd.s32 s5, s25;
	s25 =	simm.s32 $0x140;
	s15 =	simm.s32 $0x6  }
0x23: {  	[dreg:$0x14] =	wrdreg s8;
	s4 =	sadd.s32 s6, s16;
	s8 =	simm.s32 $0xA0  }
0x24: {  	v0 =	vimm.f32 $0.0e+00;
	s16 =	simm.s32 $0x190;
	[dreg:$0x15] =	wrdreg s4;
	s4 =	simm.s32 $0x50  }
.LBB2_1:
0x25: {  	[dreg:$0x17] =	wrdreg s17;
	s17 =	simm.s32 $0x0;
	s18 =	simm.s32 $0x200  }
.LBB2_2:
0x26: {  	p0 =	sne.s32 s18, $0x9E00;
	[tilespmem:s17+$0x5250] =	vst v0  }
0x27: {  	[tilespmem:s17+$0x51E0] =	vst v0  }
0x28: {  	[tilespmem:s17+$0x51F0] =	vst v0  }
.Ltmp0:
0x29: {  	[tilespmem:s17+$0x5200] =	vst v0;
	(pc) =	sbr.rel @p0 .LBB2_2-.Ltmp0, $4  }
0x2a: {  	[tilespmem:s17+$0x5210] =	vst v0  }
0x2b: {  	[tilespmem:s17+$0x5220] =	vst v0  }
0x2c: {  	[tilespmem:s17+$0x5230] =	vst v0  }
0x2d: {  	[tilespmem:s17+$0x5240] =	vst v0;
	s17 =	sshra.s32 s18, $0x2;
	s18 =	sadd.s32 $0x200, s18  }
0x2e: {  	[tilespmem:s17+$0x5250] =	vst v0  }
0x2f: {  	[tilespmem:s17+$0x51E0] =	vst v0  }
0x30: {  	[tilespmem:s17+$0x51F0] =	vst v0  }
0x31: {  	[tilespmem:s17+$0x5200] =	vst v0  }
0x32: {  	[tilespmem:s17+$0x5210] =	vst v0  }
0x33: {  	[tilespmem:s17+$0x5220] =	vst v0  }
0x34: {  	[tilespmem:s17+$0x5230] =	vst v0  }
0x35: {  	[tilespmem:s17+$0x5240] =	vst v0  }
0x36: {  	[spmem:s19] =	stream.linear.scatter [tilespmem:s31], [sflag:$0x9], $0x2800, $0x38;
	[tilespmem:$0x1DA60] =	vst v63  }
0x37: {  	_ =	swait.ge [sflag:s0], $0x2800  }
0x38: {  	[sflag:s0] =	ssyncset.done $0x0  }
0x39: {  	[sflag:s0] =	ssyncadd.s32 $0xFFFFD800  }
0x3a: {  	[spmem:s20] =	stream.linear.scatter [tilespmem:s31], [sflag:$0x9], $0x2800, $0x38;
	[tilespmem:$0x1DA60] =	vst v63  }
0x3b: {  	_ =	swait.ge [sflag:s0], $0x2800  }
0x3c: {  	[sflag:s0] =	ssyncset.done $0x0  }
0x3d: {  	[sflag:s0] =	ssyncadd.s32 $0xFFFFD800  }
0x3e: {  	[spmem:s21] =	stream.linear.scatter [tilespmem:s31], [sflag:$0x9], $0x2800, $0x38;
	[tilespmem:$0x1DA60] =	vst v63  }
0x3f: {  	_ =	swait.ge [sflag:s0], $0x2800  }
0x40: {  	[sflag:s0] =	ssyncset.done $0x0  }
0x41: {  	[sflag:s0] =	ssyncadd.s32 $0xFFFFD800  }
0x42: {  	[spmem:s23] =	stream.linear.scatter [tilespmem:s31], [sflag:$0x9], $0x2800, $0x38;
	[tilespmem:$0x1DA60] =	vst v63  }
0x43: {  	_ =	swait.ge [sflag:s0], $0x2800  }
0x44: {  	[sflag:s0] =	ssyncset.done $0x0  }
0x45: {  	s13 =	rddreg [dreg:$0xf];
	[sflag:s0] =	ssyncadd.s32 $0xFFFFD800  }
0x46: {  	[spmem:s13] =	stream.linear.scatter [tilespmem:s31], [sflag:$0x9], $0x2800, $0x38;
	[tilespmem:$0x1DA60] =	vst v63  }
0x47: {  	_ =	swait.ge [sflag:s0], $0x2800  }
0x48: {  	[sflag:s0] =	ssyncset.done $0x0  }
0x49: {  	s17 =	rddreg [dreg:$0x10];
	[sflag:s0] =	ssyncadd.s32 $0xFFFFD800  }
0x4a: {  	[spmem:s17] =	stream.linear.scatter [tilespmem:s31], [sflag:$0x9], $0x2800, $0x38;
	[tilespmem:$0x1DA60] =	vst v63  }
0x4b: {  	_ =	swait.ge [sflag:s0], $0x2800  }
0x4c: {  	[sflag:s0] =	ssyncset.done $0x0  }
0x4d: {  	s18 =	rddreg [dreg:$0x11];
	[sflag:s0] =	ssyncadd.s32 $0xFFFFD800  }
0x4e: {  	[spmem:s18] =	stream.linear.scatter [tilespmem:s31], [sflag:$0x9], $0x2800, $0x38;
	[tilespmem:$0x1DA60] =	vst v63  }
0x4f: {  	_ =	swait.ge [sflag:s0], $0x2800  }
0x50: {  	[sflag:s0] =	ssyncset.done $0x0  }
0x51: {  	s19 =	rddreg [dreg:$0x12];
	[sflag:s0] =	ssyncadd.s32 $0xFFFFD800  }
0x52: {  	[spmem:s19] =	stream.linear.scatter [tilespmem:s31], [sflag:$0x9], $0x2080, $0x38;
	[tilespmem:$0x1DA60] =	vst v63  }
0x53: {  	_ =	swait.ge [sflag:s0], $0x2080  }
0x54: {  	[sflag:s0] =	ssyncset.done $0x0  }
0x55: {  	[sflag:s0] =	ssyncadd.s32 $0xFFFFDF80  }
0x56: {  	[bflag:$0x0] =	sbarrier.arrive $0xFFFF  }
0x57: {  	s18 =	simm.s32 $0x0;
	s20 =	rddreg [dreg:$0x13]  }
0x58: {  	[tilespmem:s18], [sflag:$0x1] =	stream.strided.gather [hbm4b:s20+s4], $0xA0, s7, s4, $0x38;
	[tilespmem:$0x1DA60] =	vst v63  }
0x59: {  	s21 =	rddreg [dreg:$0x14]  }
0x5a: {  	[tilespmem:s8], [sflag:$0x2] =	stream.strided.gather [hbm4b:s21+s4], $0xA0, s7, s4, $0x38;
	[tilespmem:$0x1DA60] =	vst v63  }
0x5b: {  	_ =	swait.ge [sflag:s9], $0xA0  }
0x5c: {  	[sflag:s9] =	ssyncset.done $0x0  }
0x5d: {  	[sflag:s9] =	ssyncadd.s32 $0xFFFFFF60  }
0x5e: {  	[tilespmem:s10], [sflag:$0x3] =	stream.indirect.gather [hbm4b:s3+s4], $0x80, s18, s4, $0xb8;
	[tilespmem:$0x1DA60] =	vst v63  }
0x5f: {  	s19 =	simm.s32 $0x0;
	s23 =	rddreg [dreg:$0x15]  }
0x60: {  	[tilespmem:s31], [sflag:$0x5] =	stream.linear.gather [hbm4b:s23+s18], $0x2800, $0x38;
	[tilespmem:$0x1DA60] =	vst v63  }
.LBB2_4:
0x61: {  	p0 =	seq.s32 s19, $0x0  }
0x62: {  	s17 =	simm.s32 @!p0 $0x8  }
0x63: {  	_ =	swait.ge @!p0 [sflag:s17], $0x2800  }
0x64: {  	s20 =	smul.u32 $0xA0, s19;
	[sflag:s17] =	ssyncset.done @!p0 $0x0  }
0x65: {  	[sflag:s17] =	ssyncadd.s32 @!p0 $0xFFFFD800  }
0x66: {  	s21 =	sadd.s32 s20, s22;
	_ =	swait.ge [sflag:s11], $0xA0  }
0x67: {  	s17 =	sshll.u32 s21, $0x4;
	[sflag:s11] =	ssyncset.done $0x0  }
0x68: {  	s17 =	sand.u32 $0x1FFFFF00, s17;
	[sflag:s11] =	ssyncadd.s32 $0xFFFFFF60  }
0x69: {  	[tilespmem:s12], [sflag:$0x4] =	stream.indirect.gather [hbm4b:s3+s4], $0x80, s8, s4, $0xb8;
	[tilespmem:$0x1DA60] =	vst v63  }
0x6a: {  	s13 =	simm.s32 $0x79E0;
	s17 =	sadd.s32 s6, s17  }
0x6b: {  	[tilespmem:s13], [sflag:$0x6] =	stream.linear.gather [hbm4b:s17+s18], $0x2800, $0x38;
	[tilespmem:$0x1DA60] =	vst v63  }
0x6c: {  	_ =	swait.ge [sflag:s14], $0x2800  }
0x6d: {  	[sflag:s14] =	ssyncset.done $0x0  }
0x6e: {  	[sflag:s14] =	ssyncadd.s32 $0xFFFFD800  }
0x6f: {  	s21 =	sadd.s32 s20, s28;
	_ =	swait.ge [sflag:s24], $0x2800  }
0x70: {  	s23 =	sshrl.u32 s21, $0x3;
	[sflag:s24] =	ssyncset.done $0x0  }
0x71: {  	s17 =	sadd.s32 s5, s23;
	[sflag:s24] =	ssyncadd.s32 $0xFFFFD800  }
0x72: {  	[tilespmem:s18], [sflag:$0x1] =	stream.strided.gather [hbm4b:s17+s4], $0xA0, s7, s4, $0x38;
	[tilespmem:$0x1DA60] =	vst v63  }
0x73: {  	v1 =	vld [tilespmem:$0x50]  }
0x74: {  	v2 =	vld [tilespmem:$0x60]  }
0x75: {  	v3 =	vld [tilespmem:$0x70]  }
0x76: {  	v4 =	vld [tilespmem:$0x80]  }
0x77: {  	v5 =	vld [tilespmem:$0x90]  }
0x78: {  	[tilespmem:$0x140] =	vst v1  }
0x79: {  	[tilespmem:$0x150] =	vst v2  }
0x7a: {  	[tilespmem:$0x160] =	vst v3  }
0x7b: {  	[tilespmem:$0x170] =	vst v4  }
0x7c: {  	s23 =	simm.s32 $0x0;
	[tilespmem:$0x180] =	vst v5  }
0x7d: {  	v7 =	vld [tilespmem:s23+$0x51E0]  }
0x7e: {  	v12 =	vld [tilespmem:s23+$0x51F0]  }
0x7f: {  	v6 =	vld [tilespmem:s23+$0x5200]  }
0x80: {  	v5 =	vld [tilespmem:s23+$0x5210]  }
0x81: {  	v4 =	vld [tilespmem:s23+$0x5220]  }
0x82: {  	v3 =	vld [tilespmem:s23+$0x5230]  }
0x83: {  	v2 =	vld [tilespmem:s23+$0x5240]  }
0x84: {  	v1 =	vld [tilespmem:s23+$0x5250]  }
0x85: {  	v13 =	vld [tilespmem:s23+$0x1E0]  }
0x86: {  	v14 =	vld [tilespmem:s23+$0x1F0]  }
0x87: {  	v11 =	vld [tilespmem:s23+$0x200]  }
0x88: {  	v10 =	vld [tilespmem:s23+$0x210]  }
0x89: {  	v9 =	vld [tilespmem:s23+$0x220]  }
0x8a: {  	v8 =	vld [tilespmem:s23+$0x230];
	v13 =	vadd.f32 v7, v13  }
0x8b: {  	s17 =	simm.s32 $0x200;
	v12 =	vadd.f32 v12, v14;
	v7 =	vld [tilespmem:s23+$0x240]  }
.LBB2_5:
0x8c: {  	s13 =	sshra.s32 s17, $0x2;
	p0 =	sne.s32 s17, $0x9E00;
	v13 =	vmax.f32 v13, $0.0e+00;
	v6 =	vadd.f32 v6, v11;
	v11 =	vld [tilespmem:s23+$0x250]  }
0x8d: {  	v14 =	vld [tilespmem:s13+$0x51E0];
	[tilespmem:s23+$0x1E0] =	vst v13;
	v12 =	vmax.f32 v12, $0.0e+00;
	v5 =	vadd.f32 v5, v10  }
0x8e: {  	v15 =	vld [tilespmem:s13+$0x51F0];
	[tilespmem:s23+$0x1F0] =	vst v12;
	v10 =	vmax.f32 v6, $0.0e+00;
	v4 =	vadd.f32 v4, v9  }
0x8f: {  	v6 =	vld [tilespmem:s13+$0x5200];
	[tilespmem:s23+$0x200] =	vst v10;
	v9 =	vmax.f32 v5, $0.0e+00;
	v3 =	vadd.f32 v3, v8  }
0x90: {  	v5 =	vld [tilespmem:s13+$0x5210];
	[tilespmem:s23+$0x210] =	vst v9;
	v8 =	vmax.f32 v4, $0.0e+00;
	v2 =	vadd.f32 v2, v7  }
0x91: {  	v4 =	vld [tilespmem:s13+$0x5220];
	[tilespmem:s23+$0x220] =	vst v8;
	v7 =	vmax.f32 v3, $0.0e+00;
	v1 =	vadd.f32 v1, v11  }
0x92: {  	v3 =	vld [tilespmem:s13+$0x5230];
	[tilespmem:s23+$0x230] =	vst v7;
	v7 =	vmax.f32 v2, $0.0e+00  }
0x93: {  	v2 =	vld [tilespmem:s13+$0x5240];
	[tilespmem:s23+$0x240] =	vst v7;
	v7 =	vmax.f32 v1, $0.0e+00  }
0x94: {  	v1 =	vld [tilespmem:s13+$0x5250];
	[tilespmem:s23+$0x250] =	vst v7;
	s23 =	smov.u32 s13  }
0x95: {  	v7 =	vld [tilespmem:s23+$0x1E0]  }
0x96: {  	v12 =	vld [tilespmem:s23+$0x1F0]  }
.Ltmp1:
0x97: {  	v11 =	vld [tilespmem:s23+$0x200];
	(pc) =	sbr.rel @p0 .LBB2_5-.Ltmp1, $4  }
0x98: {  	v10 =	vld [tilespmem:s23+$0x210]  }
0x99: {  	v9 =	vld [tilespmem:s23+$0x220]  }
0x9a: {  	v13 =	vadd.f32 v14, v7;
	v8 =	vld [tilespmem:s23+$0x230]  }
0x9b: {  	s17 =	sadd.s32 $0x200, s17;
	v12 =	vadd.f32 v15, v12;
	v7 =	vld [tilespmem:s23+$0x240]  }
0x9c: {  	v13 =	vmax.f32 v13, $0.0e+00;
	v6 =	vadd.f32 v6, v11;
	v11 =	vld [tilespmem:s23+$0x250]  }
0x9d: {  	[tilespmem:s23+$0x1E0] =	vst v13;
	v12 =	vmax.f32 v12, $0.0e+00;
	v5 =	vadd.f32 v5, v10  }
0x9e: {  	[tilespmem:s23+$0x1F0] =	vst v12;
	v6 =	vmax.f32 v6, $0.0e+00;
	v4 =	vadd.f32 v4, v9  }
0x9f: {  	[tilespmem:s23+$0x200] =	vst v6;
	v5 =	vmax.f32 v5, $0.0e+00;
	v3 =	vadd.f32 v3, v8  }
0xa0: {  	[tilespmem:s23+$0x210] =	vst v5;
	v4 =	vmax.f32 v4, $0.0e+00;
	v2 =	vadd.f32 v2, v7  }
0xa1: {  	[tilespmem:s23+$0x220] =	vst v4;
	v3 =	vmax.f32 v3, $0.0e+00;
	v1 =	vadd.f32 v1, v11  }
0xa2: {  	[tilespmem:s23+$0x230] =	vst v3;
	v2 =	vmax.f32 v2, $0.0e+00  }
0xa3: {  	[tilespmem:s23+$0x240] =	vst v2;
	v1 =	vmax.f32 v1, $0.0e+00  }
0xa4: {  	[tilespmem:s23+$0x250] =	vst v1  }
0xa5: {  	[spmem:s1] =	stream.indirect.scatter.add.f32 [tilespmem:s10], [sflag:$0x7], $0x80, s25, s4, $0xb8;
	[tilespmem:$0x1DA60] =	vst v63  }
0xa6: {  	_ =	swait.ge [sflag:s26], $0x2800  }
0xa7: {  	[sflag:s26] =	ssyncset.done $0x0  }
0xa8: {  	[sflag:s26] =	ssyncadd.s32 $0xFFFFD800  }
0xa9: {  	_ =	swait.ge [sflag:s9], $0xA0  }
0xaa: {  	s13 =	sshll.u32 s21, $0x4;
	[sflag:s9] =	ssyncset.done $0x0  }
0xab: {  	s13 =	sand.u32 $0x1FFFFF00, s13;
	[sflag:s9] =	ssyncadd.s32 $0xFFFFFF60  }
0xac: {  	[tilespmem:s10], [sflag:$0x3] =	stream.indirect.gather [hbm4b:s3+s4], $0x80, s2, s4, $0xb8;
	[tilespmem:$0x1DA60] =	vst v63  }
0xad: {  	s13 =	sadd.s32 s6, s13  }
0xae: {  	[tilespmem:s31], [sflag:$0x5] =	stream.linear.gather [hbm4b:s13+s2], $0x2800, $0x38;
	[tilespmem:$0x1DA60] =	vst v63  }
0xaf: {  	_ =	swait.ge [sflag:s30], $0x2800  }
0xb0: {  	[sflag:s30] =	ssyncset.done $0x0  }
0xb1: {  	p0 =	sgt.u32 s19, $0x3C;
	[sflag:s30] =	ssyncadd.s32 $0xFFFFD800  }
0xb2: {  	s17 =	simm.s32 @!p0 $0x50;
	s13 =	sadd.s32 @!p0 s20, s29;
	_ =	swait.ge [sflag:s15], $0x2800  }
0xb3: {  	s21 =	simm.s32 @!p0 $0xA0;
	s13 =	sshrl.u32 @!p0 s13, $0x3;
	[sflag:s15] =	ssyncset.done $0x0  }
0xb4: {  	s20 =	simm.s32 @!p0 $0x4E200;
	s13 =	sadd.s32 @!p0 s5, s13;
	[sflag:s15] =	ssyncadd.s32 $0xFFFFD800  }
0xb5: {  	[tilespmem:s21], [sflag:$0x2] =	stream.strided.gather @!p0 [hbm4b:s13+s17], $0xA0, s20, s17, $0x38;
	[tilespmem:$0x1DA60] =	vst v63  }
0xb6: {  	v1 =	vld [tilespmem:$0xF0]  }
0xb7: {  	v2 =	vld [tilespmem:$0x100]  }
0xb8: {  	v3 =	vld [tilespmem:$0x110]  }
0xb9: {  	v4 =	vld [tilespmem:$0x120]  }
0xba: {  	v5 =	vld [tilespmem:$0x130]  }
0xbb: {  	[tilespmem:$0x190] =	vst v1  }
0xbc: {  	[tilespmem:$0x1A0] =	vst v2  }
0xbd: {  	[tilespmem:$0x1B0] =	vst v3  }
0xbe: {  	[tilespmem:$0x1C0] =	vst v4  }
0xbf: {  	s20 =	simm.s32 $0x0;
	[tilespmem:$0x1D0] =	vst v5  }
0xc0: {  	v7 =	vld [tilespmem:s20+$0x79E0]  }
0xc1: {  	v12 =	vld [tilespmem:s20+$0x79F0]  }
0xc2: {  	v6 =	vld [tilespmem:s20+$0x7A00]  }
0xc3: {  	v5 =	vld [tilespmem:s20+$0x7A10]  }
0xc4: {  	v4 =	vld [tilespmem:s20+$0x7A20]  }
0xc5: {  	v3 =	vld [tilespmem:s20+$0x7A30]  }
0xc6: {  	v2 =	vld [tilespmem:s20+$0x7A40]  }
0xc7: {  	v1 =	vld [tilespmem:s20+$0x7A50]  }
0xc8: {  	v13 =	vld [tilespmem:s20+$0x29E0]  }
0xc9: {  	v14 =	vld [tilespmem:s20+$0x29F0]  }
0xca: {  	v11 =	vld [tilespmem:s20+$0x2A00]  }
0xcb: {  	v10 =	vld [tilespmem:s20+$0x2A10]  }
0xcc: {  	v9 =	vld [tilespmem:s20+$0x2A20]  }
0xcd: {  	v8 =	vld [tilespmem:s20+$0x2A30];
	v13 =	vadd.f32 v7, v13  }
0xce: {  	s17 =	simm.s32 $0x200;
	v12 =	vadd.f32 v12, v14;
	v7 =	vld [tilespmem:s20+$0x2A40]  }
.LBB2_7:
0xcf: {  	s13 =	sshra.s32 s17, $0x2;
	p0 =	sne.s32 s17, $0x9E00;
	v13 =	vmax.f32 v13, $0.0e+00;
	v6 =	vadd.f32 v6, v11;
	v11 =	vld [tilespmem:s20+$0x2A50]  }
0xd0: {  	v14 =	vld [tilespmem:s13+$0x79E0];
	[tilespmem:s20+$0x29E0] =	vst v13;
	v12 =	vmax.f32 v12, $0.0e+00;
	v5 =	vadd.f32 v5, v10  }
0xd1: {  	v15 =	vld [tilespmem:s13+$0x79F0];
	[tilespmem:s20+$0x29F0] =	vst v12;
	v10 =	vmax.f32 v6, $0.0e+00;
	v4 =	vadd.f32 v4, v9  }
0xd2: {  	v6 =	vld [tilespmem:s13+$0x7A00];
	[tilespmem:s20+$0x2A00] =	vst v10;
	v9 =	vmax.f32 v5, $0.0e+00;
	v3 =	vadd.f32 v3, v8  }
0xd3: {  	v5 =	vld [tilespmem:s13+$0x7A10];
	[tilespmem:s20+$0x2A10] =	vst v9;
	v8 =	vmax.f32 v4, $0.0e+00;
	v2 =	vadd.f32 v2, v7  }
0xd4: {  	v4 =	vld [tilespmem:s13+$0x7A20];
	[tilespmem:s20+$0x2A20] =	vst v8;
	v7 =	vmax.f32 v3, $0.0e+00;
	v1 =	vadd.f32 v1, v11  }
0xd5: {  	v3 =	vld [tilespmem:s13+$0x7A30];
	[tilespmem:s20+$0x2A30] =	vst v7;
	v7 =	vmax.f32 v2, $0.0e+00  }
0xd6: {  	v2 =	vld [tilespmem:s13+$0x7A40];
	[tilespmem:s20+$0x2A40] =	vst v7;
	v7 =	vmax.f32 v1, $0.0e+00  }
0xd7: {  	v1 =	vld [tilespmem:s13+$0x7A50];
	[tilespmem:s20+$0x2A50] =	vst v7;
	s20 =	smov.u32 s13  }
0xd8: {  	v7 =	vld [tilespmem:s20+$0x29E0]  }
0xd9: {  	v12 =	vld [tilespmem:s20+$0x29F0]  }
.Ltmp2:
0xda: {  	v11 =	vld [tilespmem:s20+$0x2A00];
	(pc) =	sbr.rel @p0 .LBB2_7-.Ltmp2, $4  }
0xdb: {  	v10 =	vld [tilespmem:s20+$0x2A10]  }
0xdc: {  	v9 =	vld [tilespmem:s20+$0x2A20]  }
0xdd: {  	v13 =	vadd.f32 v14, v7;
	v8 =	vld [tilespmem:s20+$0x2A30]  }
0xde: {  	s17 =	sadd.s32 $0x200, s17;
	v12 =	vadd.f32 v15, v12;
	v7 =	vld [tilespmem:s20+$0x2A40]  }
0xdf: {  	v13 =	vmax.f32 v13, $0.0e+00;
	v6 =	vadd.f32 v6, v11;
	v63 =	vld [tilespmem:s20+$0x2A50]  }
0xe0: {  	[tilespmem:s20+$0x29E0] =	vst v13;
	v12 =	vmax.f32 v12, $0.0e+00;
	v5 =	vadd.f32 v5, v10  }
0xe1: {  	[tilespmem:s20+$0x29F0] =	vst v12;
	v6 =	vmax.f32 v6, $0.0e+00;
	v4 =	vadd.f32 v4, v9  }
0xe2: {  	s19 =	sadd.s32 $0x1, s19;
	[tilespmem:s20+$0x2A00] =	vst v6;
	v5 =	vmax.f32 v5, $0.0e+00;
	v3 =	vadd.f32 v3, v8  }
0xe3: {  	p0 =	sne.s32 s19, $0x3E;
	[tilespmem:s20+$0x2A10] =	vst v5;
	v4 =	vmax.f32 v4, $0.0e+00;
	v2 =	vadd.f32 v2, v7  }
.Ltmp3:
0xe4: {  	[tilespmem:s20+$0x2A20] =	vst v4;
	v3 =	vmax.f32 v3, $0.0e+00;
	v1 =	vadd.f32 v1, v63;
	(pc) =	sbr.rel @p0 .LBB2_4-.Ltmp3, $4  }
0xe5: {  	[tilespmem:s20+$0x2A30] =	vst v3;
	v2 =	vmax.f32 v2, $0.0e+00  }
0xe6: {  	[tilespmem:s20+$0x2A40] =	vst v2;
	v1 =	vmax.f32 v1, $0.0e+00  }
0xe7: {  	[tilespmem:s20+$0x2A50] =	vst v1  }
0xe8: {  	[spmem:s1] =	stream.indirect.scatter.add.f32 [tilespmem:s12], [sflag:$0x8], $0x80, s16, s4, $0xb8;
	[tilespmem:$0x1DA60] =	vst v63  }
0xe9: {  	_ =	swait.ge [sflag:s14], $0x2800  }
0xea: {  	[sflag:s14] =	ssyncset.done $0x0  }
0xeb: {  	[sflag:s14] =	ssyncadd.s32 $0xFFFFD800  }
0xec: {  	_ =	swait.ge [sflag:s24], $0x2800  }
0xed: {  	[sflag:s24] =	ssyncset.done $0x0  }
0xee: {  	[sflag:s24] =	ssyncadd.s32 $0xFFFFD800  }
0xef: {  	v1 =	vld [tilespmem:$0x50]  }
0xf0: {  	v2 =	vld [tilespmem:$0x60]  }
0xf1: {  	v3 =	vld [tilespmem:$0x70]  }
0xf2: {  	v4 =	vld [tilespmem:$0x80]  }
0xf3: {  	v5 =	vld [tilespmem:$0x90]  }
0xf4: {  	[tilespmem:$0x140] =	vst v1  }
0xf5: {  	[tilespmem:$0x150] =	vst v2  }
0xf6: {  	[tilespmem:$0x160] =	vst v3  }
0xf7: {  	[tilespmem:$0x170] =	vst v4  }
0xf8: {  	s18 =	simm.s32 $0x0;
	[tilespmem:$0x180] =	vst v5  }
0xf9: {  	v7 =	vld [tilespmem:s18+$0x51E0]  }
0xfa: {  	v12 =	vld [tilespmem:s18+$0x51F0]  }
0xfb: {  	v6 =	vld [tilespmem:s18+$0x5200]  }
0xfc: {  	v5 =	vld [tilespmem:s18+$0x5210]  }
0xfd: {  	v4 =	vld [tilespmem:s18+$0x5220]  }
0xfe: {  	v3 =	vld [tilespmem:s18+$0x5230]  }
0xff: {  	v2 =	vld [tilespmem:s18+$0x5240]  }
0x100: {  	v1 =	vld [tilespmem:s18+$0x5250]  }
0x101: {  	v13 =	vld [tilespmem:s18+$0x1E0]  }
0x102: {  	v14 =	vld [tilespmem:s18+$0x1F0]  }
0x103: {  	v11 =	vld [tilespmem:s18+$0x200]  }
0x104: {  	v10 =	vld [tilespmem:s18+$0x210]  }
0x105: {  	v9 =	vld [tilespmem:s18+$0x220]  }
0x106: {  	v8 =	vld [tilespmem:s18+$0x230];
	v13 =	vadd.f32 v7, v13  }
0x107: {  	s17 =	simm.s32 $0x200;
	v12 =	vadd.f32 v12, v14;
	v7 =	vld [tilespmem:s18+$0x240]  }
.LBB2_10:
0x108: {  	s13 =	sshra.s32 s17, $0x2;
	p0 =	sne.s32 s17, $0x9E00;
	v13 =	vmax.f32 v13, $0.0e+00;
	v6 =	vadd.f32 v6, v11;
	v11 =	vld [tilespmem:s18+$0x250]  }
0x109: {  	v14 =	vld [tilespmem:s13+$0x51E0];
	[tilespmem:s18+$0x1E0] =	vst v13;
	v12 =	vmax.f32 v12, $0.0e+00;
	v5 =	vadd.f32 v5, v10  }
0x10a: {  	v15 =	vld [tilespmem:s13+$0x51F0];
	[tilespmem:s18+$0x1F0] =	vst v12;
	v10 =	vmax.f32 v6, $0.0e+00;
	v4 =	vadd.f32 v4, v9  }
0x10b: {  	v6 =	vld [tilespmem:s13+$0x5200];
	[tilespmem:s18+$0x200] =	vst v10;
	v9 =	vmax.f32 v5, $0.0e+00;
	v3 =	vadd.f32 v3, v8  }
0x10c: {  	v5 =	vld [tilespmem:s13+$0x5210];
	[tilespmem:s18+$0x210] =	vst v9;
	v8 =	vmax.f32 v4, $0.0e+00;
	v2 =	vadd.f32 v2, v7  }
0x10d: {  	v4 =	vld [tilespmem:s13+$0x5220];
	[tilespmem:s18+$0x220] =	vst v8;
	v7 =	vmax.f32 v3, $0.0e+00;
	v1 =	vadd.f32 v1, v11  }
0x10e: {  	v3 =	vld [tilespmem:s13+$0x5230];
	[tilespmem:s18+$0x230] =	vst v7;
	v7 =	vmax.f32 v2, $0.0e+00  }
0x10f: {  	v2 =	vld [tilespmem:s13+$0x5240];
	[tilespmem:s18+$0x240] =	vst v7;
	v7 =	vmax.f32 v1, $0.0e+00  }
0x110: {  	v1 =	vld [tilespmem:s13+$0x5250];
	[tilespmem:s18+$0x250] =	vst v7;
	s18 =	smov.u32 s13  }
0x111: {  	v7 =	vld [tilespmem:s18+$0x1E0]  }
0x112: {  	v12 =	vld [tilespmem:s18+$0x1F0]  }
.Ltmp4:
0x113: {  	v11 =	vld [tilespmem:s18+$0x200];
	(pc) =	sbr.rel @p0 .LBB2_10-.Ltmp4, $4  }
0x114: {  	v10 =	vld [tilespmem:s18+$0x210]  }
0x115: {  	v9 =	vld [tilespmem:s18+$0x220]  }
0x116: {  	v13 =	vadd.f32 v14, v7;
	v8 =	vld [tilespmem:s18+$0x230]  }
0x117: {  	s17 =	sadd.s32 $0x200, s17;
	v12 =	vadd.f32 v15, v12;
	v7 =	vld [tilespmem:s18+$0x240]  }
0x118: {  	v13 =	vmax.f32 v13, $0.0e+00;
	v6 =	vadd.f32 v6, v11;
	v63 =	vld [tilespmem:s18+$0x250]  }
0x119: {  	[tilespmem:s18+$0x1E0] =	vst v13;
	v12 =	vmax.f32 v12, $0.0e+00;
	v5 =	vadd.f32 v5, v10  }
0x11a: {  	[tilespmem:s18+$0x1F0] =	vst v12;
	v6 =	vmax.f32 v6, $0.0e+00;
	v4 =	vadd.f32 v4, v9  }
0x11b: {  	[tilespmem:s18+$0x200] =	vst v6;
	v5 =	vmax.f32 v5, $0.0e+00;
	v3 =	vadd.f32 v3, v8  }
0x11c: {  	[tilespmem:s18+$0x210] =	vst v5;
	v4 =	vmax.f32 v4, $0.0e+00;
	v2 =	vadd.f32 v2, v7  }
0x11d: {  	[tilespmem:s18+$0x220] =	vst v4;
	v3 =	vmax.f32 v3, $0.0e+00;
	v1 =	vadd.f32 v1, v63  }
0x11e: {  	[tilespmem:s18+$0x230] =	vst v3;
	v2 =	vmax.f32 v2, $0.0e+00  }
0x11f: {  	[tilespmem:s18+$0x240] =	vst v2;
	v1 =	vmax.f32 v1, $0.0e+00  }
0x120: {  	s13 =	simm.s32 $0x8;
	[tilespmem:s18+$0x250] =	vst v1  }
0x121: {  	_ =	swait.ge [sflag:s13], $0x2800  }
0x122: {  	[sflag:s13] =	ssyncset.done $0x0  }
0x123: {  	[sflag:s13] =	ssyncadd.s32 $0xFFFFD800  }
0x124: {  	[spmem:s1] =	stream.indirect.scatter.add.f32 [tilespmem:s10], [sflag:$0x7], $0x80, s25, s4, $0xb8;
	[tilespmem:$0x1DA60] =	vst v63  }
0x125: {  	_ =	swait.ge [sflag:s26], $0x2800  }
0x126: {  	[sflag:s26] =	ssyncset.done $0x0  }
0x127: {  	[sflag:s26] =	ssyncadd.s32 $0xFFFFD800  }
0x128: {  	s19 =	stileid.u32;
	[bflag:$0x0] =	sbarrier.arrive $0xFFFF  }
0x129: {  	s13 =	sshll.u32 s19, $0x6;
	s19 =	rddreg [dreg:$0xb]  }
0x12a: {  	s13 =	sor.u32 $0x1C09, s13;
	s20 =	rddreg [dreg:$0x3];
	s17 =	sshrl.u32 s19, $0x3  }
0x12b: {  	[hbm:s20], [sflag:s13] =	dma.local [spmem:s17], $0x500  }
0x12c: {  	_ =	swait.ge [sflag:s0], $0x500  }
0x12d: {  	[sflag:s0] =	ssyncset.done $0x0;
	s20 =	rddreg [dreg:$0xc]  }
0x12e: {  	s23 =	rddreg [dreg:$0x4];
	[sflag:s0] =	ssyncadd.s32 $0xFFFFFB00;
	s21 =	sshrl.u32 s20, $0x3  }
0x12f: {  	[hbm:s23], [sflag:s13] =	dma.local [spmem:s21], $0x500  }
0x130: {  	_ =	swait.ge [sflag:s0], $0x500  }
0x131: {  	[sflag:s0] =	ssyncset.done $0x0;
	s21 =	rddreg [dreg:$0xd]  }
0x132: {  	s23 =	rddreg [dreg:$0x5];
	[sflag:s0] =	ssyncadd.s32 $0xFFFFFB00;
	s18 =	sshrl.u32 s21, $0x3  }
0x133: {  	[hbm:s23], [sflag:s13] =	dma.local [spmem:s18], $0x500  }
0x134: {  	_ =	swait.ge [sflag:s0], $0x500  }
0x135: {  	[sflag:s0] =	ssyncset.done $0x0;
	s23 =	rddreg [dreg:$0xe]  }
0x136: {  	s18 =	rddreg [dreg:$0x6];
	[sflag:s0] =	ssyncadd.s32 $0xFFFFFB00;
	s17 =	sshrl.u32 s23, $0x3  }
0x137: {  	[hbm:s18], [sflag:s13] =	dma.local [spmem:s17], $0x500  }
0x138: {  	_ =	swait.ge [sflag:s0], $0x500  }
0x139: {  	[sflag:s0] =	ssyncset.done $0x0;
	s18 =	rddreg [dreg:$0xf]  }
0x13a: {  	[sflag:s0] =	ssyncadd.s32 $0xFFFFFB00;
	s17 =	sshrl.u32 s18, $0x3;
	s18 =	rddreg [dreg:$0x7]  }
0x13b: {  	[hbm:s18], [sflag:s13] =	dma.local [spmem:s17], $0x500  }
0x13c: {  	_ =	swait.ge [sflag:s0], $0x500  }
0x13d: {  	[sflag:s0] =	ssyncset.done $0x0;
	s18 =	rddreg [dreg:$0x10]  }
0x13e: {  	[sflag:s0] =	ssyncadd.s32 $0xFFFFFB00;
	s17 =	sshrl.u32 s18, $0x3;
	s18 =	rddreg [dreg:$0x8]  }
0x13f: {  	[hbm:s18], [sflag:s13] =	dma.local [spmem:s17], $0x500  }
0x140: {  	_ =	swait.ge [sflag:s0], $0x500  }
0x141: {  	[sflag:s0] =	ssyncset.done $0x0;
	s18 =	rddreg [dreg:$0x11]  }
0x142: {  	[sflag:s0] =	ssyncadd.s32 $0xFFFFFB00;
	s17 =	sshrl.u32 s18, $0x3;
	s18 =	rddreg [dreg:$0x9]  }
0x143: {  	[hbm:s18], [sflag:s13] =	dma.local [spmem:s17], $0x500  }
0x144: {  	_ =	swait.ge [sflag:s0], $0x500  }
0x145: {  	[sflag:s0] =	ssyncset.done $0x0;
	s18 =	rddreg [dreg:$0x12]  }
0x146: {  	[sflag:s0] =	ssyncadd.s32 $0xFFFFFB00;
	s17 =	sshrl.u32 s18, $0x3;
	s18 =	rddreg [dreg:$0xa]  }
0x147: {  	[hbm:s18], [sflag:s13] =	dma.local [spmem:s17], $0x410  }
0x148: {  	_ =	swait.ge [sflag:s0], $0x410  }
0x149: {  	s13 =	rddreg [dreg:$0x17]  }
0x14a: {  	s18 =	rddreg [dreg:$0x16];
	s17 =	sadd.s32 $0x1, s13  }
0x14b: {  	p0 =	sne.s32 s17, s18  }
.Ltmp5:
0x14c: {  	_ = 	snop;
	(pc) =	sbr.rel @p0 .LBB2_1-.Ltmp5, $3  }
0x14d: {  	_ =	sdelay $0x1  }
0x14e: {  	[sflag:s0] =	ssyncset.done $0x0  }
0x14f: {  	[sflag:s0] =	ssyncadd.s32 $0xFFFFFBF0  }
0x150: {  	_ =	sfence.sel $0x180000  }
0x151: {  	[bflag:$0x0] =	sbarrier.arrive $0xFFFF  }
0x152: {  	_ =	strace $0x9000004A  }
0x153: {  	s0 =	stileid.u32;
	[bflag:$0x2] =	sbarrier.arrive $0xFFFF  }
0x154: {  	p0 =	sne.s32 s0, $0x0;
	s0 =	rddreg [dreg:$0x2]  }
0x155: {  	s0 =	sadd.s32 @!p0 $0x100000, s0  }
0x156: {  	[sflag:s0] =	ssyncadd.tile.s32 @!p0 $0x1;
	_ =	shalt  }
.Lfunc_end2:
_tile_overlayer_lowered:
.L_overlay_start_2:
0x157: {  	(tag) =	ssettag $0x2  }
0x158: {  	s0 =	rddreg [dreg:$0x0];
	s2 =	stileid.u32  }
0x159: {  	s1 =	rddreg [dreg:$0x1];
	p0 =	sne.s32 s2, $0x0  }
0x15a: {  	s3 =	rddreg [dreg:$0x2];
	[bflag:$0x3] =	sbarrier.arrive $0xFFFF;
	s2 =	simm.s32 @!p0 $0x1C09  }
0x15b: {  	[timem:s3], [sflag:s2] =	dma.local @!p0 [hbm:s0], s1  }
0x15c: {  	s0 =	simm.s32 @!p0 $0x9  }
0x15d: {  	_ =	swait.ge @!p0 [sflag:s0], s1  }
0x15e: {  	s1 =	ssub.s32 @!p0 $0x0, s1;
	[sflag:s0] =	ssyncset.done @!p0 $0x0  }
0x15f: {  	[sflag:s0] =	ssyncadd.s32 @!p0 s1  }
0x160: {  	[bflag:$0x3] =	sbarrier.arrive $0xFFFF  }
0x161: {  	_ =	shalt  }

// kernel: kernel.17.cloned.1.call-start
scs
__scs_entry_jumppad:
0x0: {  	(pc) =	sbr.rel $0x88, $3  }
0x1: {  	(tag) =	ssettag $0x0;
	lr =	simm.s32 $0x1  }
0x2: {  	[smem:$0x3F8A] =	sst lr;
	_ =	strace $0xD0000000  }
0x3: {  	_ = 	snop  }
0x4: {  	_ = 	snop  }
0x5: {  	_ = 	snop  }
0x6: {  	_ = 	snop  }
0x7: {  	_ = 	snop  }
__scs_overlays_trampoline_lowered:
0x8: {  	[smem:$0x3F99] =	sst s0  }
0x9: {  	[smem:$0x3F9A] =	sst s1  }
0xa: {  	[smem:$0x3F9B] =	sst s2  }
0xb: {  	[smem:$0x3F9C] =	sst s3  }
0xc: {  	[smem:$0x3F9D] =	sst s4  }
0xd: {  	[smem:$0x3F9E] =	sst s5  }
0xe: {  	[smem:$0x3F9F] =	sst s6  }
0xf: {  	[smem:$0x3FA0] =	sst s7  }
0x10: {  	[smem:$0x3FA1] =	sst s8  }
0x11: {  	[smem:$0x3FA2] =	sst s9;
	s0 =	simm.s32 @!p0 $0x0  }
0x12: {  	s1 =	sld [smem:$0x3F88];
	s0 =	simm.s32 @p0 $0x1  }
0x13: {  	[smem:$0x3FA3] =	sst s0;
	s0 =	simm.s32 @!p1 $0x0  }
0x14: {  	s2 =	sld [smem:$0x3F87];
	s0 =	simm.s32 @p1 $0x1  }
0x15: {  	[smem:$0x3FA4] =	sst s0;
	s0 =	simm.s32 @!p2 $0x0  }
0x16: {  	s3 =	sld [smem:$0x3FDB];
	s0 =	simm.s32 @p2 $0x1  }
0x17: {  	s4 =	simm.s32 $0x1BF5;
	[smem:$0x3FA6] =	sst s0  }
0x18: {  	s0 =	sld [smem:$0x3F89];
	_ =	swait.ge [sflag:s4], $0x0  }
0x19: {  	s7 =	sld [smem:$0x3F8A]  }
0x1a: {  	s8 =	sadd.s32 $0xFFFFE003, lr  }
0x1b: {  	s9 =	sadd.s32 $0xFFFFFEF7, lr;
	s5 =	simm.s32 $0xFFFFFFFF;
	p2 =	slt.u32 s8, $0xFFFFF086  }
0x1c: {  	p1 =	slt.u32 s9, $0xF7A;
	s5 =	simm.s32 @!p2 $0x0  }
0x1d: {  	s5 =	simm.s32 @p1 $0x1;
	p0 =	seq.s32 s7, s2  }
0x1e: {  	s7 =	smul.u32 @!p0 $0xF7A, s2;
	p2 =	seq.s32 @!p0 s5, $0x0  }
0x1f: {  	s9 =	smul.u32 $0xF7A, s1;
	s8 =	simm.s32 @!p0 $0x1BF5;
	p2 =	por !p2, p0  }
0x20: {  	[sflag:s8] =	ssyncset.s32 @!p0 $0xFFFFF086;
	s6 =	sadd.s32 @!p0 s3, s7;
	s7 =	simm.s32 @!p0 $0x108  }
0x21: {  	s3 =	sadd.s32 s3, s9;
	s6 =	sadd.s32 @!p0 $0x88, s6;
	s7 =	simm.s32 @p2 $0x1082  }
0x22: {  	[simem:s7], [sflag:s8] =	dma.local @!p0 [hbm:s6], $0xF7A  }
0x23: {  	s9 =	sor.u32 $0xD0000000, s2;
	s6 =	simm.s32 $0x108;
	_ =	swait.ge @!p0 [sflag:s8], $0x0  }
0x24: {  	s3 =	sadd.s32 $0x88, s3;
	s6 =	simm.s32 @!p1 $0x1082;
	[sflag:s4] =	ssyncset.s32 $0xFFFFF086  }
0x25: {  	[simem:s6], [sflag:s4] =	dma.local [hbm:s3], $0xF7A  }
0x26: {  	[smem:$0x3F8A] =	sst s1;
	(tag) =	ssettag s2;
	_ =	strace s9  }
0x27: {  	s1 =	sld [smem:$0x3F9A]  }
0x28: {  	s2 =	sld [smem:$0x3F9B]  }
0x29: {  	s4 =	sld [smem:$0x3F9D]  }
0x2a: {  	p0 =	seq.s32 s5, $0x0;
	s5 =	sld [smem:$0x3F9E]  }
0x2b: {  	s6 =	sld [smem:$0x3F9F]  }
0x2c: {  	s7 =	sld [smem:$0x3FA0]  }
0x2d: {  	s3 =	simm.s32 $0x108;
	s8 =	sld [smem:$0x3FA1]  }
0x2e: {  	s3 =	simm.s32 @!p0 $0x1082;
	s9 =	sld [smem:$0x3FA2]  }
0x2f: {  	lr =	sadd.s32 s0, s3;
	s0 =	sld [smem:$0x3F99]  }
0x30: {  	s3 =	sld [smem:$0x3F9C]  }
0x31: {  	[smem:$0x3FA5] =	sst s10  }
0x32: {  	s10 =	sld [smem:$0x3FA3];
	_ =	sdelay $0x3  }
0x33: {  	p0 =	seq.s32 s10, $0x1;
	s10 =	sld [smem:$0x3FA5];
	_ =	sdelay $0x3  }
0x34: {  	[smem:$0x3FA5] =	sst s10  }
0x35: {  	s10 =	sld [smem:$0x3FA4];
	_ =	sdelay $0x3  }
0x36: {  	p1 =	seq.s32 s10, $0x1;
	s10 =	sld [smem:$0x3FA5];
	_ =	sdelay $0x3  }
0x37: {  	[smem:$0x3FA5] =	sst s10  }
0x38: {  	s10 =	sld [smem:$0x3FA6]  }
0x39: {  	_ = 	snop;
	(pc) =	sbr.ind lr, $3  }
0x3a: {  	_ = 	snop  }
0x3b: {  	_ = 	snop  }
0x3c: {  	p2 =	seq.s32 s10, $0x1;
	s10 =	sld [smem:$0x3FA5]  }
0x3d: {  	_ =	shalt  }
0x3e: {  	_ =	shalt  }
0x3f: {  	_ =	shalt  }
0x40: {  	_ =	shalt  }
0x41: {  	_ =	shalt  }
0x42: {  	_ =	shalt  }
0x43: {  	_ =	shalt  }
0x44: {  	_ =	shalt  }
0x45: {  	_ =	shalt  }
0x46: {  	_ =	shalt  }
0x47: {  	_ =	shalt  }
0x48: {  	_ =	shalt  }
0x49: {  	_ =	shalt  }
0x4a: {  	_ =	shalt  }
0x4b: {  	_ =	shalt  }
0x4c: {  	_ =	shalt  }
0x4d: {  	_ =	shalt  }
0x4e: {  	_ =	shalt  }
0x4f: {  	_ =	shalt  }
0x50: {  	_ =	shalt  }
0x51: {  	_ =	shalt  }
0x52: {  	_ =	shalt  }
0x53: {  	_ =	shalt  }
0x54: {  	_ =	shalt  }
0x55: {  	_ =	shalt  }
0x56: {  	_ =	shalt  }
0x57: {  	_ =	shalt  }
0x58: {  	_ =	shalt  }
0x59: {  	_ =	shalt  }
0x5a: {  	_ =	shalt  }
0x5b: {  	_ =	shalt  }
0x5c: {  	_ =	shalt  }
0x5d: {  	_ =	shalt  }
0x5e: {  	_ =	shalt  }
0x5f: {  	_ =	shalt  }
0x60: {  	_ =	shalt  }
0x61: {  	_ =	shalt  }
0x62: {  	_ =	shalt  }
0x63: {  	_ =	shalt  }
0x64: {  	_ =	shalt  }
0x65: {  	_ =	shalt  }
0x66: {  	_ =	shalt  }
0x67: {  	_ =	shalt  }
0x68: {  	_ =	shalt  }
0x69: {  	_ =	shalt  }
0x6a: {  	_ =	shalt  }
0x6b: {  	_ =	shalt  }
0x6c: {  	_ =	shalt  }
0x6d: {  	_ =	shalt  }
0x6e: {  	_ =	shalt  }
0x6f: {  	_ =	shalt  }
0x70: {  	_ =	shalt  }
0x71: {  	_ =	shalt  }
0x72: {  	_ =	shalt  }
0x73: {  	_ =	shalt  }
0x74: {  	_ =	shalt  }
0x75: {  	_ =	shalt  }
0x76: {  	_ =	shalt  }
0x77: {  	_ =	shalt  }
0x78: {  	_ =	shalt  }
0x79: {  	_ =	shalt  }
0x7a: {  	_ =	shalt  }
0x7b: {  	_ =	shalt  }
0x7c: {  	_ =	shalt  }
0x7d: {  	_ =	shalt  }
0x7e: {  	_ =	shalt  }
0x7f: {  	_ =	shalt  }
0x80: {  	_ =	shalt  }
0x81: {  	_ =	shalt  }
0x82: {  	_ =	shalt  }
0x83: {  	_ =	shalt  }
0x84: {  	_ =	shalt  }
0x85: {  	_ =	shalt  }
0x86: {  	_ =	shalt  }
0x87: {  	_ =	shalt  }
.Lfunc_end0:
.L_simem_size_0:
called_computation.2_lowered:
.L_overlay_start_0:
0x88: {  	s2 =	sld [smem:$0x3FD9]  }
0x89: {  	s3 =	sld [smem:$0x3FFE];
	_ =	sdelay $0x1  }
0x8a: {  	s1 =	srdreg.scid  }
0x8b: {  	s0 =	sand.u32 $0x1, s1  }
0x8c: {  	s16 =	sshll.u32 s0, $0xA;
	s2 =	sadd.s32 s3, s2  }
0x8d: {  	s2 =	sadd.s32 s2, s16  }
0x8e: {  	[smem:$0x3FB1] =	sst s2  }
0x8f: {  	_ = 	snop  }
0x90: {  	(tm) =	ssettm $0x1  }
0x91: {  	s17 =	sld [smem:$0x3FFB];
	_ =	sdelay $0x3  }
0x92: {  	_ =	strace s17  }
0x93: {  	s2 =	sld [smem:$0x3FFC];
	_ =	sdelay $0x3  }
0x94: {  	_ =	strace s2  }
0x95: {  	s2 =	sld [smem:$0x3FFD];
	_ =	sdelay $0x3  }
0x96: {  	_ =	strace s2  }
0x97: {  	_ =	strace $0x8FFFFFFF  }
0x98: {  	s18 =	sld [smem:$0x3FDB];
	_ =	sdelay $0x1  }
0x99: {  	s19 =	simm.s32 $_scs_section_size  }
0x9a: {  	s4 =	simm.s32 $_size__tile_overlayer_lowered;
	s5 =	simm.s32 $_tile_overlayer_lowered  }
0x9b: {  	s22 =	simm.s32 $0x1BFF;
	s21 =	sshll.u32 s5, $0x1;
	s2 =	sadd.s32 s19, s18  }
0x9c: {  	s6 =	simm.s32 $0x0;
	s20 =	sshll.u32 s4, $0x1;
	s4 =	sadd.s32 s21, s2  }
0x9d: {  	[timem:s6], [sflag:s22] =	dma.local [hbm:s4], s20  }
0x9e: {  	_ =	swait.ge [sflag:s22], s20  }
0x9f: {  	s3 =	ssub.s32 $0x0, s20;
	[sflag:s22] =	ssyncset.done $0x0  }
0xa0: {  	[sflag:s22] =	ssyncadd.s32 s3;
	_ =	sdelay $0x1  }
0xa1: {  	s23 =	simm.s32 $0x1B8B  }
0xa2: {  	_ =	swait.ge [sflag:s23], $0x1  }
0xa3: {  	[sflag:s23] =	ssyncset.done $0x0  }
0xa4: {  	s25 =	simm.s32 $0x1B8E;
	s24 =	sld [smem:$0x3FFE];
	[sflag:s23] =	ssyncadd.s32 $0xFFFFFFFF  }
0xa5: {  	s26 =	simm.s32 $execute0_lowered;
	[smem:$0x3FD2] =	sst s25  }
0xa6: {  	s4 =	sshll.u32 s26, $0x1;
	_ =	strace $0x8000004C;
	[dreg:$0x1] =	wrdreg $0xFFFFFFFF  }
0xa7: {  	s28 =	simm.s32 $_size_execute0_lowered;
	s2 =	sadd.s32 s2, s4;
	[dreg:$0x0] =	wrdreg $0x0  }
0xa8: {  	s4 =	sshll.u32 s28, $0x1;
	[dreg:$0x2] =	wrdreg s2  }
0xa9: {  	[dreg:$0x3] =	wrdreg s4  }
0xaa: {  	[dreg:$0x4] =	wrdreg $0xC0  }
0xab: {  	_ =	task [dreg:s6], $0x5FFFF  }
0xac: {  	[dreg:$0x1] =	wrdreg $0xFFFFFFFF  }
0xad: {  	[dreg:$0x0] =	wrdreg $0x60  }
0xae: {  	[dreg:$0x2] =	wrdreg s24  }
0xaf: {  	[dreg:$0x3] =	wrdreg $0xA1E00  }
0xb0: {  	[dreg:$0x4] =	wrdreg $0x9  }
0xb1: {  	_ =	task.clear_ibuf [dreg:s6], $0x5FFFF;
	_ =	strace $0x9000004C  }
0xb2: {  	s29 =	simm.s32 $0x9;
	_ =	strace $0x8000004E  }
0xb3: {  	_ =	swait.ge [sflag:s29], $0x1  }
0xb4: {  	[sflag:s29] =	ssyncadd.s32 $0xFFFFFFFF  }
0xb5: {  	_ =	strace $0x9000004E  }
0xb6: {  	_ =	sfence  }
0xb7: {  	s30 =	sld [smem:$0x0];
	_ =	sdelay $0x2  }
0xb8: {  	s31 =	sshll.u32 s1, $0xD;
	s1 =	sshrl.u32 s1, $0x2  }
0xb9: {  	s3 =	sand.u32 $0x4000, s31;
	s1 =	sadd.s32 s1, s30  }
0xba: {  	s0 =	sor.u32 s3, s0;
	s1 =	sshll.u32 s1, $0x11  }
0xbb: {  	s0 =	sor.u32 s1, s0  }
0xbc: {  	s0 =	sadd.s32 $0x8F2B, s0  }
0xbd: {  	[sflag:s0] =	ssyncadd.remote.s32 $0x1  }
0xbe: {  	_ =	sfence.sel $0xFFFF  }
0xbf: {  	[dreg:$0x0] =	wrdreg $0xFFFFFFFF;
	(pc) =	sbr.abs _section_cstart, $3  }
0xc0: {  	[dreg:$0x1] =	wrdreg $0xFFFFFFFF  }
0xc1: {  	_ =	task.clear_ibuf [dreg:s6], $0x2FFFF;
	_ =	strace $0x9FFFFFFF  }
0xc2: {  	(tm) =	ssettm $0x7FFFFFFF  }
0xc3: {  	_ =	shalt  }
tec
execute0_lowered:
.L_overlay_start_1:
0x0: {  	(tag) =	ssettag $0x1  }
0x1: {  	s0 =	rddreg [dreg:$0x0]  }
0x2: {  	s1 =	rddreg [dreg:$0x1];
	s2 =	simm.s32 $0x0;
	s4 =	srdreg.scid  }
0x3: {  	s11 =	stileid.u32;
	s31 =	simm.s32 $0x51E0;
	s30 =	simm.s32 $0x4  }
0x4: {  	[smem:$0x7FF] =	sst s2;
	s3 =	sadd.s32 $0x7A00, s0;
	s5 =	sadd.s32 $0x4E9A00, s0  }
0x5: {  	s6 =	sadd.s32 $0x4FD400, s0;
	s4 =	sand.u32 $0x1, s4;
	s0 =	sadd.s32 $0x2EC00, s0  }
0x6: {  	s10 =	smul.u32 $0x13880, s11;
	_ =	strace $0x8000004D;
	s7 =	ssub.s32 $0x2, s4  }
0x7: {  	s9 =	sshll.u32 s4, $0x4;
	s4 =	smul.u32 $0x138800, s4;
	s8 =	sshrl.u32 s7, $0x1  }
0x8: {  	s12 =	sadd.s32 $0x7800, s10;
	s13 =	sadd.s32 $0xA000, s10;
	s14 =	sadd.s32 $0xC800, s10  }
0x9: {  	s16 =	sadd.s32 $0xF000, s10;
	s18 =	sadd.s32 $0x11800, s10;
	s7 =	ssub.s32 s7, s8  }
0xa: {  	s8 =	sor.u32 s11, s9;
	s9 =	sadd.s32 $0x2800, s10;
	s11 =	sadd.s32 $0x5000, s10  }
0xb: {  	s15 =	sadd.s32 s10, s4;
	s20 =	sadd.s32 s4, s12;
	s23 =	sadd.s32 s4, s14  }
0xc: {  	s24 =	sadd.s32 s4, s16;
	s14 =	sadd.s32 s14, s1;
	s15 =	sshrl.u32 s15, $0x3  }
0xd: {  	s17 =	sadd.s32 s4, s9;
	s19 =	sadd.s32 s4, s11;
	s26 =	smul.u32 $0x2710, s8  }
0xe: {  	[dreg:$0x10] =	wrdreg s14;
	s15 =	sadd.s32 s0, s15;
	s17 =	sshrl.u32 s17, $0x3  }
0xf: {  	s14 =	simm.s32 $0x3;
	[dreg:$0x3] =	wrdreg s15;
	s15 =	sadd.s32 s0, s17  }
0x10: {  	s17 =	sshrl.u32 s20, $0x3;
	s20 =	sadd.s32 s9, s1;
	s28 =	sadd.s32 $0xA0, s26  }
0x11: {  	s29 =	sadd.s32 $0xF0, s26;
	s9 =	simm.s32 $0x1;
	[dreg:$0x4] =	wrdreg s15  }
0x12: {  	s15 =	sshrl.u32 s19, $0x3;
	s19 =	sadd.s32 s4, s13;
	s21 =	sadd.s32 s0, s17  }
0x13: {  	s17 =	sshrl.u32 s24, $0x3;
	s4 =	sadd.s32 s4, s18;
	[dreg:$0xc] =	wrdreg s20  }
0x14: {  	s13 =	sadd.s32 s13, s1;
	s24 =	sadd.s32 s18, s1;
	[dreg:$0x6] =	wrdreg s21  }
0x15: {  	s15 =	sadd.s32 s0, s15;
	s22 =	sshrl.u32 s19, $0x3;
	[dreg:$0xf] =	wrdreg s13  }
0x16: {  	s25 =	sadd.s32 s0, s17;
	s4 =	sshrl.u32 s4, $0x3;
	[dreg:$0x12] =	wrdreg s24  }
0x17: {  	s19 =	sadd.s32 s10, s1;
	s21 =	sadd.s32 s11, s1;
	[dreg:$0x5] =	wrdreg s15  }
0x18: {  	s17 =	sshrl.u32 s26, $0x3;
	s10 =	simm.s32 $0x1E0;
	[dreg:$0x9] =	wrdreg s25  }
0x19: {  	s11 =	simm.s32 $0x2;
	s24 =	simm.s32 $0x5;
	[dreg:$0xb] =	wrdreg s19  }
0x1a: {  	s15 =	sadd.s32 s0, s22;
	s22 =	sadd.s32 $0x50, s26;
	[dreg:$0xd] =	wrdreg s21  }
0x1b: {  	s26 =	smax.u32 s7, $0x1;
	s7 =	simm.s32 $0x4E200;
	[dreg:$0x7] =	wrdreg s15  }
0x1c: {  	s15 =	sshrl.u32 s23, $0x3;
	s23 =	sadd.s32 s12, s1;
	[dreg:$0x16] =	wrdreg s26  }
0x1d: {  	s25 =	sshrl.u32 s22, $0x3;
	s15 =	sadd.s32 s0, s15;
	[dreg:$0xe] =	wrdreg s23  }
0x1e: {  	s12 =	simm.s32 $0x29E0;
	s0 =	sadd.s32 s0, s4;
	[dreg:$0x8] =	wrdreg s15  }
0x1f: {  	s26 =	simm.s32 $0x7;
	[dreg:$0xa] =	wrdreg s0;
	s15 =	sadd.s32 s16, s1  }
0x20: {  	s16 =	smul.u32 $0x27100, s8;
	s8 =	sadd.s32 s5, s17;
	[dreg:$0x11] =	wrdreg s15  }
0x21: {  	s0 =	simm.s32 $0x9;
	s17 =	simm.s32 $0x0;
	[dreg:$0x13] =	wrdreg s8  }
0x22: {  	s8 =	sadd.s32 s5, s25;
	s25 =	simm.s32 $0x140;
	s15 =	simm.s32 $0x6  }
0x23: {  	[dreg:$0x14] =	wrdreg s8;
	s4 =	sadd.s32 s6, s16;
	s8 =	simm.s32 $0xA0  }
0x24: {  	v0 =	vimm.f32 $0.0e+00;
	s16 =	simm.s32 $0x190;
	[dreg:$0x15] =	wrdreg s4;
	s4 =	simm.s32 $0x50  }
.LBB2_1:
0x25: {  	[dreg:$0x17] =	wrdreg s17;
	s17 =	simm.s32 $0x0;
	s18 =	simm.s32 $0x200  }
.LBB2_2:
0x26: {  	p0 =	sne.s32 s18, $0x9E00;
	[tilespmem:s17+$0x5250] =	vst v0  }
0x27: {  	[tilespmem:s17+$0x51E0] =	vst v0  }
0x28: {  	[tilespmem:s17+$0x51F0] =	vst v0  }
.Ltmp0:
0x29: {  	[tilespmem:s17+$0x5200] =	vst v0;
	(pc) =	sbr.rel @p0 .LBB2_2-.Ltmp0, $4  }
0x2a: {  	[tilespmem:s17+$0x5210] =	vst v0  }
0x2b: {  	[tilespmem:s17+$0x5220] =	vst v0  }
0x2c: {  	[tilespmem:s17+$0x5230] =	vst v0  }
0x2d: {  	[tilespmem:s17+$0x5240] =	vst v0;
	s17 =	sshra.s32 s18, $0x2;
	s18 =	sadd.s32 $0x200, s18  }
0x2e: {  	[tilespmem:s17+$0x5250] =	vst v0  }
0x2f: {  	[tilespmem:s17+$0x51E0] =	vst v0  }
0x30: {  	[tilespmem:s17+$0x51F0] =	vst v0  }
0x31: {  	[tilespmem:s17+$0x5200] =	vst v0  }
0x32: {  	[tilespmem:s17+$0x5210] =	vst v0  }
0x33: {  	[tilespmem:s17+$0x5220] =	vst v0  }
0x34: {  	[tilespmem:s17+$0x5230] =	vst v0  }
0x35: {  	[tilespmem:s17+$0x5240] =	vst v0  }
0x36: {  	[spmem:s19] =	stream.linear.scatter [tilespmem:s31], [sflag:$0x9], $0x2800, $0x38;
	[tilespmem:$0x1DA60] =	vst v63  }
0x37: {  	_ =	swait.ge [sflag:s0], $0x2800  }
0x38: {  	[sflag:s0] =	ssyncset.done $0x0  }
0x39: {  	[sflag:s0] =	ssyncadd.s32 $0xFFFFD800  }
0x3a: {  	[spmem:s20] =	stream.linear.scatter [tilespmem:s31], [sflag:$0x9], $0x2800, $0x38;
	[tilespmem:$0x1DA60] =	vst v63  }
0x3b: {  	_ =	swait.ge [sflag:s0], $0x2800  }
0x3c: {  	[sflag:s0] =	ssyncset.done $0x0  }
0x3d: {  	[sflag:s0] =	ssyncadd.s32 $0xFFFFD800  }
0x3e: {  	[spmem:s21] =	stream.linear.scatter [tilespmem:s31], [sflag:$0x9], $0x2800, $0x38;
	[tilespmem:$0x1DA60] =	vst v63  }
0x3f: {  	_ =	swait.ge [sflag:s0], $0x2800  }
0x40: {  	[sflag:s0] =	ssyncset.done $0x0  }
0x41: {  	[sflag:s0] =	ssyncadd.s32 $0xFFFFD800  }
0x42: {  	[spmem:s23] =	stream.linear.scatter [tilespmem:s31], [sflag:$0x9], $0x2800, $0x38;
	[tilespmem:$0x1DA60] =	vst v63  }
0x43: {  	_ =	swait.ge [sflag:s0], $0x2800  }
0x44: {  	[sflag:s0] =	ssyncset.done $0x0  }
0x45: {  	s13 =	rddreg [dreg:$0xf];
	[sflag:s0] =	ssyncadd.s32 $0xFFFFD800  }
0x46: {  	[spmem:s13] =	stream.linear.scatter [tilespmem:s31], [sflag:$0x9], $0x2800, $0x38;
	[tilespmem:$0x1DA60] =	vst v63  }
0x47: {  	_ =	swait.ge [sflag:s0], $0x2800  }
0x48: {  	[sflag:s0] =	ssyncset.done $0x0  }
0x49: {  	s17 =	rddreg [dreg:$0x10];
	[sflag:s0] =	ssyncadd.s32 $0xFFFFD800  }
0x4a: {  	[spmem:s17] =	stream.linear.scatter [tilespmem:s31], [sflag:$0x9], $0x2800, $0x38;
	[tilespmem:$0x1DA60] =	vst v63  }
0x4b: {  	_ =	swait.ge [sflag:s0], $0x2800  }
0x4c: {  	[sflag:s0] =	ssyncset.done $0x0  }
0x4d: {  	s18 =	rddreg [dreg:$0x11];
	[sflag:s0] =	ssyncadd.s32 $0xFFFFD800  }
0x4e: {  	[spmem:s18] =	stream.linear.scatter [tilespmem:s31], [sflag:$0x9], $0x2800, $0x38;
	[tilespmem:$0x1DA60] =	vst v63  }
0x4f: {  	_ =	swait.ge [sflag:s0], $0x2800  }
0x50: {  	[sflag:s0] =	ssyncset.done $0x0  }
0x51: {  	s19 =	rddreg [dreg:$0x12];
	[sflag:s0] =	ssyncadd.s32 $0xFFFFD800  }
0x52: {  	[spmem:s19] =	stream.linear.scatter [tilespmem:s31], [sflag:$0x9], $0x2080, $0x38;
	[tilespmem:$0x1DA60] =	vst v63  }
0x53: {  	_ =	swait.ge [sflag:s0], $0x2080  }
0x54: {  	[sflag:s0] =	ssyncset.done $0x0  }
0x55: {  	[sflag:s0] =	ssyncadd.s32 $0xFFFFDF80  }
0x56: {  	[bflag:$0x0] =	sbarrier.arrive $0xFFFF  }
0x57: {  	s18 =	simm.s32 $0x0;
	s20 =	rddreg [dreg:$0x13]  }
0x58: {  	[tilespmem:s18], [sflag:$0x1] =	stream.strided.gather [hbm4b:s20+s4], $0xA0, s7, s4, $0x38;
	[tilespmem:$0x1DA60] =	vst v63  }
0x59: {  	s21 =	rddreg [dreg:$0x14]  }
0x5a: {  	[tilespmem:s8], [sflag:$0x2] =	stream.strided.gather [hbm4b:s21+s4], $0xA0, s7, s4, $0x38;
	[tilespmem:$0x1DA60] =	vst v63  }
0x5b: {  	_ =	swait.ge [sflag:s9], $0xA0  }
0x5c: {  	[sflag:s9] =	ssyncset.done $0x0  }
0x5d: {  	[sflag:s9] =	ssyncadd.s32 $0xFFFFFF60  }
0x5e: {  	[tilespmem:s10], [sflag:$0x3] =	stream.indirect.gather [hbm4b:s3+s4], $0x80, s18, s4, $0xb8;
	[tilespmem:$0x1DA60] =	vst v63  }
0x5f: {  	s19 =	simm.s32 $0x0;
	s23 =	rddreg [dreg:$0x15]  }
0x60: {  	[tilespmem:s31], [sflag:$0x5] =	stream.linear.gather [hbm4b:s23+s18], $0x2800, $0x38;
	[tilespmem:$0x1DA60] =	vst v63  }
.LBB2_4:
0x61: {  	p0 =	seq.s32 s19, $0x0  }
0x62: {  	s17 =	simm.s32 @!p0 $0x8  }
0x63: {  	_ =	swait.ge @!p0 [sflag:s17], $0x2800  }
0x64: {  	s20 =	smul.u32 $0xA0, s19;
	[sflag:s17] =	ssyncset.done @!p0 $0x0  }
0x65: {  	[sflag:s17] =	ssyncadd.s32 @!p0 $0xFFFFD800  }
0x66: {  	s21 =	sadd.s32 s20, s22;
	_ =	swait.ge [sflag:s11], $0xA0  }
0x67: {  	s17 =	sshll.u32 s21, $0x4;
	[sflag:s11] =	ssyncset.done $0x0  }
0x68: {  	s17 =	sand.u32 $0x1FFFFF00, s17;
	[sflag:s11] =	ssyncadd.s32 $0xFFFFFF60  }
0x69: {  	[tilespmem:s12], [sflag:$0x4] =	stream.indirect.gather [hbm4b:s3+s4], $0x80, s8, s4, $0xb8;
	[tilespmem:$0x1DA60] =	vst v63  }
0x6a: {  	s13 =	simm.s32 $0x79E0;
	s17 =	sadd.s32 s6, s17  }
0x6b: {  	[tilespmem:s13], [sflag:$0x6] =	stream.linear.gather [hbm4b:s17+s18], $0x2800, $0x38;
	[tilespmem:$0x1DA60] =	vst v63  }
0x6c: {  	_ =	swait.ge [sflag:s14], $0x2800  }
0x6d: {  	[sflag:s14] =	ssyncset.done $0x0  }
0x6e: {  	[sflag:s14] =	ssyncadd.s32 $0xFFFFD800  }
0x6f: {  	s21 =	sadd.s32 s20, s28;
	_ =	swait.ge [sflag:s24], $0x2800  }
0x70: {  	s23 =	sshrl.u32 s21, $0x3;
	[sflag:s24] =	ssyncset.done $0x0  }
0x71: {  	s17 =	sadd.s32 s5, s23;
	[sflag:s24] =	ssyncadd.s32 $0xFFFFD800  }
0x72: {  	[tilespmem:s18], [sflag:$0x1] =	stream.strided.gather [hbm4b:s17+s4], $0xA0, s7, s4, $0x38;
	[tilespmem:$0x1DA60] =	vst v63  }
0x73: {  	v1 =	vld [tilespmem:$0x50]  }
0x74: {  	v2 =	vld [tilespmem:$0x60]  }
0x75: {  	v3 =	vld [tilespmem:$0x70]  }
0x76: {  	v4 =	vld [tilespmem:$0x80]  }
0x77: {  	v5 =	vld [tilespmem:$0x90]  }
0x78: {  	[tilespmem:$0x140] =	vst v1  }
0x79: {  	[tilespmem:$0x150] =	vst v2  }
0x7a: {  	[tilespmem:$0x160] =	vst v3  }
0x7b: {  	[tilespmem:$0x170] =	vst v4  }
0x7c: {  	s23 =	simm.s32 $0x0;
	[tilespmem:$0x180] =	vst v5  }
0x7d: {  	v7 =	vld [tilespmem:s23+$0x51E0]  }
0x7e: {  	v12 =	vld [tilespmem:s23+$0x51F0]  }
0x7f: {  	v6 =	vld [tilespmem:s23+$0x5200]  }
0x80: {  	v5 =	vld [tilespmem:s23+$0x5210]  }
0x81: {  	v4 =	vld [tilespmem:s23+$0x5220]  }
0x82: {  	v3 =	vld [tilespmem:s23+$0x5230]  }
0x83: {  	v2 =	vld [tilespmem:s23+$0x5240]  }
0x84: {  	v1 =	vld [tilespmem:s23+$0x5250]  }
0x85: {  	v13 =	vld [tilespmem:s23+$0x1E0]  }
0x86: {  	v14 =	vld [tilespmem:s23+$0x1F0]  }
0x87: {  	v11 =	vld [tilespmem:s23+$0x200]  }
0x88: {  	v10 =	vld [tilespmem:s23+$0x210]  }
0x89: {  	v9 =	vld [tilespmem:s23+$0x220]  }
0x8a: {  	v8 =	vld [tilespmem:s23+$0x230];
	v13 =	vadd.f32 v7, v13  }
0x8b: {  	s17 =	simm.s32 $0x200;
	v12 =	vadd.f32 v12, v14;
	v7 =	vld [tilespmem:s23+$0x240]  }
.LBB2_5:
0x8c: {  	s13 =	sshra.s32 s17, $0x2;
	p0 =	sne.s32 s17, $0x9E00;
	v13 =	vmax.f32 v13, $0.0e+00;
	v6 =	vadd.f32 v6, v11;
	v11 =	vld [tilespmem:s23+$0x250]  }
0x8d: {  	v14 =	vld [tilespmem:s13+$0x51E0];
	[tilespmem:s23+$0x1E0] =	vst v13;
	v12 =	vmax.f32 v12, $0.0e+00;
	v5 =	vadd.f32 v5, v10  }
0x8e: {  	v15 =	vld [tilespmem:s13+$0x51F0];
	[tilespmem:s23+$0x1F0] =	vst v12;
	v10 =	vmax.f32 v6, $0.0e+00;
	v4 =	vadd.f32 v4, v9  }
0x8f: {  	v6 =	vld [tilespmem:s13+$0x5200];
	[tilespmem:s23+$0x200] =	vst v10;
	v9 =	vmax.f32 v5, $0.0e+00;
	v3 =	vadd.f32 v3, v8  }
0x90: {  	v5 =	vld [tilespmem:s13+$0x5210];
	[tilespmem:s23+$0x210] =	vst v9;
	v8 =	vmax.f32 v4, $0.0e+00;
	v2 =	vadd.f32 v2, v7  }
0x91: {  	v4 =	vld [tilespmem:s13+$0x5220];
	[tilespmem:s23+$0x220] =	vst v8;
	v7 =	vmax.f32 v3, $0.0e+00;
	v1 =	vadd.f32 v1, v11  }
0x92: {  	v3 =	vld [tilespmem:s13+$0x5230];
	[tilespmem:s23+$0x230] =	vst v7;
	v7 =	vmax.f32 v2, $0.0e+00  }
0x93: {  	v2 =	vld [tilespmem:s13+$0x5240];
	[tilespmem:s23+$0x240] =	vst v7;
	v7 =	vmax.f32 v1, $0.0e+00  }
0x94: {  	v1 =	vld [tilespmem:s13+$0x5250];
	[tilespmem:s23+$0x250] =	vst v7;
	s23 =	smov.u32 s13  }
0x95: {  	v7 =	vld [tilespmem:s23+$0x1E0]  }
0x96: {  	v12 =	vld [tilespmem:s23+$0x1F0]  }
.Ltmp1:
0x97: {  	v11 =	vld [tilespmem:s23+$0x200];
	(pc) =	sbr.rel @p0 .LBB2_5-.Ltmp1, $4  }
0x98: {  	v10 =	vld [tilespmem:s23+$0x210]  }
0x99: {  	v9 =	vld [tilespmem:s23+$0x220]  }
0x9a: {  	v13 =	vadd.f32 v14, v7;
	v8 =	vld [tilespmem:s23+$0x230]  }
0x9b: {  	s17 =	sadd.s32 $0x200, s17;
	v12 =	vadd.f32 v15, v12;
	v7 =	vld [tilespmem:s23+$0x240]  }
0x9c: {  	v13 =	vmax.f32 v13, $0.0e+00;
	v6 =	vadd.f32 v6, v11;
	v11 =	vld [tilespmem:s23+$0x250]  }
0x9d: {  	[tilespmem:s23+$0x1E0] =	vst v13;
	v12 =	vmax.f32 v12, $0.0e+00;
	v5 =	vadd.f32 v5, v10  }
0x9e: {  	[tilespmem:s23+$0x1F0] =	vst v12;
	v6 =	vmax.f32 v6, $0.0e+00;
	v4 =	vadd.f32 v4, v9  }
0x9f: {  	[tilespmem:s23+$0x200] =	vst v6;
	v5 =	vmax.f32 v5, $0.0e+00;
	v3 =	vadd.f32 v3, v8  }
0xa0: {  	[tilespmem:s23+$0x210] =	vst v5;
	v4 =	vmax.f32 v4, $0.0e+00;
	v2 =	vadd.f32 v2, v7  }
0xa1: {  	[tilespmem:s23+$0x220] =	vst v4;
	v3 =	vmax.f32 v3, $0.0e+00;
	v1 =	vadd.f32 v1, v11  }
0xa2: {  	[tilespmem:s23+$0x230] =	vst v3;
	v2 =	vmax.f32 v2, $0.0e+00  }
0xa3: {  	[tilespmem:s23+$0x240] =	vst v2;
	v1 =	vmax.f32 v1, $0.0e+00  }
0xa4: {  	[tilespmem:s23+$0x250] =	vst v1  }
0xa5: {  	[spmem:s1] =	stream.indirect.scatter.add.f32 [tilespmem:s10], [sflag:$0x7], $0x80, s25, s4, $0xb8;
	[tilespmem:$0x1DA60] =	vst v63  }
0xa6: {  	_ =	swait.ge [sflag:s26], $0x2800  }
0xa7: {  	[sflag:s26] =	ssyncset.done $0x0  }
0xa8: {  	[sflag:s26] =	ssyncadd.s32 $0xFFFFD800  }
0xa9: {  	_ =	swait.ge [sflag:s9], $0xA0  }
0xaa: {  	s13 =	sshll.u32 s21, $0x4;
	[sflag:s9] =	ssyncset.done $0x0  }
0xab: {  	s13 =	sand.u32 $0x1FFFFF00, s13;
	[sflag:s9] =	ssyncadd.s32 $0xFFFFFF60  }
0xac: {  	[tilespmem:s10], [sflag:$0x3] =	stream.indirect.gather [hbm4b:s3+s4], $0x80, s2, s4, $0xb8;
	[tilespmem:$0x1DA60] =	vst v63  }
0xad: {  	s13 =	sadd.s32 s6, s13  }
0xae: {  	[tilespmem:s31], [sflag:$0x5] =	stream.linear.gather [hbm4b:s13+s2], $0x2800, $0x38;
	[tilespmem:$0x1DA60] =	vst v63  }
0xaf: {  	_ =	swait.ge [sflag:s30], $0x2800  }
0xb0: {  	[sflag:s30] =	ssyncset.done $0x0  }
0xb1: {  	p0 =	sgt.u32 s19, $0x3C;
	[sflag:s30] =	ssyncadd.s32 $0xFFFFD800  }
0xb2: {  	s17 =	simm.s32 @!p0 $0x50;
	s13 =	sadd.s32 @!p0 s20, s29;
	_ =	swait.ge [sflag:s15], $0x2800  }
0xb3: {  	s21 =	simm.s32 @!p0 $0xA0;
	s13 =	sshrl.u32 @!p0 s13, $0x3;
	[sflag:s15] =	ssyncset.done $0x0  }
0xb4: {  	s20 =	simm.s32 @!p0 $0x4E200;
	s13 =	sadd.s32 @!p0 s5, s13;
	[sflag:s15] =	ssyncadd.s32 $0xFFFFD800  }
0xb5: {  	[tilespmem:s21], [sflag:$0x2] =	stream.strided.gather @!p0 [hbm4b:s13+s17], $0xA0, s20, s17, $0x38;
	[tilespmem:$0x1DA60] =	vst v63  }
0xb6: {  	v1 =	vld [tilespmem:$0xF0]  }
0xb7: {  	v2 =	vld [tilespmem:$0x100]  }
0xb8: {  	v3 =	vld [tilespmem:$0x110]  }
0xb9: {  	v4 =	vld [tilespmem:$0x120]  }
0xba: {  	v5 =	vld [tilespmem:$0x130]  }
0xbb: {  	[tilespmem:$0x190] =	vst v1  }
0xbc: {  	[tilespmem:$0x1A0] =	vst v2  }
0xbd: {  	[tilespmem:$0x1B0] =	vst v3  }
0xbe: {  	[tilespmem:$0x1C0] =	vst v4  }
0xbf: {  	s20 =	simm.s32 $0x0;
	[tilespmem:$0x1D0] =	vst v5  }
0xc0: {  	v7 =	vld [tilespmem:s20+$0x79E0]  }
0xc1: {  	v12 =	vld [tilespmem:s20+$0x79F0]  }
0xc2: {  	v6 =	vld [tilespmem:s20+$0x7A00]  }
0xc3: {  	v5 =	vld [tilespmem:s20+$0x7A10]  }
0xc4: {  	v4 =	vld [tilespmem:s20+$0x7A20]  }
0xc5: {  	v3 =	vld [tilespmem:s20+$0x7A30]  }
0xc6: {  	v2 =	vld [tilespmem:s20+$0x7A40]  }
0xc7: {  	v1 =	vld [tilespmem:s20+$0x7A50]  }
0xc8: {  	v13 =	vld [tilespmem:s20+$0x29E0]  }
0xc9: {  	v14 =	vld [tilespmem:s20+$0x29F0]  }
0xca: {  	v11 =	vld [tilespmem:s20+$0x2A00]  }
0xcb: {  	v10 =	vld [tilespmem:s20+$0x2A10]  }
0xcc: {  	v9 =	vld [tilespmem:s20+$0x2A20]  }
0xcd: {  	v8 =	vld [tilespmem:s20+$0x2A30];
	v13 =	vadd.f32 v7, v13  }
0xce: {  	s17 =	simm.s32 $0x200;
	v12 =	vadd.f32 v12, v14;
	v7 =	vld [tilespmem:s20+$0x2A40]  }
.LBB2_7:
0xcf: {  	s13 =	sshra.s32 s17, $0x2;
	p0 =	sne.s32 s17, $0x9E00;
	v13 =	vmax.f32 v13, $0.0e+00;
	v6 =	vadd.f32 v6, v11;
	v11 =	vld [tilespmem:s20+$0x2A50]  }
0xd0: {  	v14 =	vld [tilespmem:s13+$0x79E0];
	[tilespmem:s20+$0x29E0] =	vst v13;
	v12 =	vmax.f32 v12, $0.0e+00;
	v5 =	vadd.f32 v5, v10  }
0xd1: {  	v15 =	vld [tilespmem:s13+$0x79F0];
	[tilespmem:s20+$0x29F0] =	vst v12;
	v10 =	vmax.f32 v6, $0.0e+00;
	v4 =	vadd.f32 v4, v9  }
0xd2: {  	v6 =	vld [tilespmem:s13+$0x7A00];
	[tilespmem:s20+$0x2A00] =	vst v10;
	v9 =	vmax.f32 v5, $0.0e+00;
	v3 =	vadd.f32 v3, v8  }
0xd3: {  	v5 =	vld [tilespmem:s13+$0x7A10];
	[tilespmem:s20+$0x2A10] =	vst v9;
	v8 =	vmax.f32 v4, $0.0e+00;
	v2 =	vadd.f32 v2, v7  }
0xd4: {  	v4 =	vld [tilespmem:s13+$0x7A20];
	[tilespmem:s20+$0x2A20] =	vst v8;
	v7 =	vmax.f32 v3, $0.0e+00;
	v1 =	vadd.f32 v1, v11  }
0xd5: {  	v3 =	vld [tilespmem:s13+$0x7A30];
	[tilespmem:s20+$0x2A30] =	vst v7;
	v7 =	vmax.f32 v2, $0.0e+00  }
0xd6: {  	v2 =	vld [tilespmem:s13+$0x7A40];
	[tilespmem:s20+$0x2A40] =	vst v7;
	v7 =	vmax.f32 v1, $0.0e+00  }
0xd7: {  	v1 =	vld [tilespmem:s13+$0x7A50];
	[tilespmem:s20+$0x2A50] =	vst v7;
	s20 =	smov.u32 s13  }
0xd8: {  	v7 =	vld [tilespmem:s20+$0x29E0]  }
0xd9: {  	v12 =	vld [tilespmem:s20+$0x29F0]  }
.Ltmp2:
0xda: {  	v11 =	vld [tilespmem:s20+$0x2A00];
	(pc) =	sbr.rel @p0 .LBB2_7-.Ltmp2, $4  }
0xdb: {  	v10 =	vld [tilespmem:s20+$0x2A10]  }
0xdc: {  	v9 =	vld [tilespmem:s20+$0x2A20]  }
0xdd: {  	v13 =	vadd.f32 v14, v7;
	v8 =	vld [tilespmem:s20+$0x2A30]  }
0xde: {  	s17 =	sadd.s32 $0x200, s17;
	v12 =	vadd.f32 v15, v12;
	v7 =	vld [tilespmem:s20+$0x2A40]  }
0xdf: {  	v13 =	vmax.f32 v13, $0.0e+00;
	v6 =	vadd.f32 v6, v11;
	v63 =	vld [tilespmem:s20+$0x2A50]  }
0xe0: {  	[tilespmem:s20+$0x29E0] =	vst v13;
	v12 =	vmax.f32 v12, $0.0e+00;
	v5 =	vadd.f32 v5, v10  }
0xe1: {  	[tilespmem:s20+$0x29F0] =	vst v12;
	v6 =	vmax.f32 v6, $0.0e+00;
	v4 =	vadd.f32 v4, v9  }
0xe2: {  	s19 =	sadd.s32 $0x1, s19;
	[tilespmem:s20+$0x2A00] =	vst v6;
	v5 =	vmax.f32 v5, $0.0e+00;
	v3 =	vadd.f32 v3, v8  }
0xe3: {  	p0 =	sne.s32 s19, $0x3E;
	[tilespmem:s20+$0x2A10] =	vst v5;
	v4 =	vmax.f32 v4, $0.0e+00;
	v2 =	vadd.f32 v2, v7  }
.Ltmp3:
0xe4: {  	[tilespmem:s20+$0x2A20] =	vst v4;
	v3 =	vmax.f32 v3, $0.0e+00;
	v1 =	vadd.f32 v1, v63;
	(pc) =	sbr.rel @p0 .LBB2_4-.Ltmp3, $4  }
0xe5: {  	[tilespmem:s20+$0x2A30] =	vst v3;
	v2 =	vmax.f32 v2, $0.0e+00  }
0xe6: {  	[tilespmem:s20+$0x2A40] =	vst v2;
	v1 =	vmax.f32 v1, $0.0e+00  }
0xe7: {  	[tilespmem:s20+$0x2A50] =	vst v1  }
0xe8: {  	[spmem:s1] =	stream.indirect.scatter.add.f32 [tilespmem:s12], [sflag:$0x8], $0x80, s16, s4, $0xb8;
	[tilespmem:$0x1DA60] =	vst v63  }
0xe9: {  	_ =	swait.ge [sflag:s14], $0x2800  }
0xea: {  	[sflag:s14] =	ssyncset.done $0x0  }
0xeb: {  	[sflag:s14] =	ssyncadd.s32 $0xFFFFD800  }
0xec: {  	_ =	swait.ge [sflag:s24], $0x2800  }
0xed: {  	[sflag:s24] =	ssyncset.done $0x0  }
0xee: {  	[sflag:s24] =	ssyncadd.s32 $0xFFFFD800  }
0xef: {  	v1 =	vld [tilespmem:$0x50]  }
0xf0: {  	v2 =	vld [tilespmem:$0x60]  }
0xf1: {  	v3 =	vld [tilespmem:$0x70]  }
0xf2: {  	v4 =	vld [tilespmem:$0x80]  }
0xf3: {  	v5 =	vld [tilespmem:$0x90]  }
0xf4: {  	[tilespmem:$0x140] =	vst v1  }
0xf5: {  	[tilespmem:$0x150] =	vst v2  }
0xf6: {  	[tilespmem:$0x160] =	vst v3  }
0xf7: {  	[tilespmem:$0x170] =	vst v4  }
0xf8: {  	s18 =	simm.s32 $0x0;
	[tilespmem:$0x180] =	vst v5  }
0xf9: {  	v7 =	vld [tilespmem:s18+$0x51E0]  }
0xfa: {  	v12 =	vld [tilespmem:s18+$0x51F0]  }
0xfb: {  	v6 =	vld [tilespmem:s18+$0x5200]  }
0xfc: {  	v5 =	vld [tilespmem:s18+$0x5210]  }
0xfd: {  	v4 =	vld [tilespmem:s18+$0x5220]  }
0xfe: {  	v3 =	vld [tilespmem:s18+$0x5230]  }
0xff: {  	v2 =	vld [tilespmem:s18+$0x5240]  }
0x100: {  	v1 =	vld [tilespmem:s18+$0x5250]  }
0x101: {  	v13 =	vld [tilespmem:s18+$0x1E0]  }
0x102: {  	v14 =	vld [tilespmem:s18+$0x1F0]  }
0x103: {  	v11 =	vld [tilespmem:s18+$0x200]  }
0x104: {  	v10 =	vld [tilespmem:s18+$0x210]  }
0x105: {  	v9 =	vld [tilespmem:s18+$0x220]  }
0x106: {  	v8 =	vld [tilespmem:s18+$0x230];
	v13 =	vadd.f32 v7, v13  }
0x107: {  	s17 =	simm.s32 $0x200;
	v12 =	vadd.f32 v12, v14;
	v7 =	vld [tilespmem:s18+$0x240]  }
.LBB2_10:
0x108: {  	s13 =	sshra.s32 s17, $0x2;
	p0 =	sne.s32 s17, $0x9E00;
	v13 =	vmax.f32 v13, $0.0e+00;
	v6 =	vadd.f32 v6, v11;
	v11 =	vld [tilespmem:s18+$0x250]  }
0x109: {  	v14 =	vld [tilespmem:s13+$0x51E0];
	[tilespmem:s18+$0x1E0] =	vst v13;
	v12 =	vmax.f32 v12, $0.0e+00;
	v5 =	vadd.f32 v5, v10  }
0x10a: {  	v15 =	vld [tilespmem:s13+$0x51F0];
	[tilespmem:s18+$0x1F0] =	vst v12;
	v10 =	vmax.f32 v6, $0.0e+00;
	v4 =	vadd.f32 v4, v9  }
0x10b: {  	v6 =	vld [tilespmem:s13+$0x5200];
	[tilespmem:s18+$0x200] =	vst v10;
	v9 =	vmax.f32 v5, $0.0e+00;
	v3 =	vadd.f32 v3, v8  }
0x10c: {  	v5 =	vld [tilespmem:s13+$0x5210];
	[tilespmem:s18+$0x210] =	vst v9;
	v8 =	vmax.f32 v4, $0.0e+00;
	v2 =	vadd.f32 v2, v7  }
0x10d: {  	v4 =	vld [tilespmem:s13+$0x5220];
	[tilespmem:s18+$0x220] =	vst v8;
	v7 =	vmax.f32 v3, $0.0e+00;
	v1 =	vadd.f32 v1, v11  }
0x10e: {  	v3 =	vld [tilespmem:s13+$0x5230];
	[tilespmem:s18+$0x230] =	vst v7;
	v7 =	vmax.f32 v2, $0.0e+00  }
0x10f: {  	v2 =	vld [tilespmem:s13+$0x5240];
	[tilespmem:s18+$0x240] =	vst v7;
	v7 =	vmax.f32 v1, $0.0e+00  }
0x110: {  	v1 =	vld [tilespmem:s13+$0x5250];
	[tilespmem:s18+$0x250] =	vst v7;
	s18 =	smov.u32 s13  }
0x111: {  	v7 =	vld [tilespmem:s18+$0x1E0]  }
0x112: {  	v12 =	vld [tilespmem:s18+$0x1F0]  }
.Ltmp4:
0x113: {  	v11 =	vld [tilespmem:s18+$0x200];
	(pc) =	sbr.rel @p0 .LBB2_10-.Ltmp4, $4  }
0x114: {  	v10 =	vld [tilespmem:s18+$0x210]  }
0x115: {  	v9 =	vld [tilespmem:s18+$0x220]  }
0x116: {  	v13 =	vadd.f32 v14, v7;
	v8 =	vld [tilespmem:s18+$0x230]  }
0x117: {  	s17 =	sadd.s32 $0x200, s17;
	v12 =	vadd.f32 v15, v12;
	v7 =	vld [tilespmem:s18+$0x240]  }
0x118: {  	v13 =	vmax.f32 v13, $0.0e+00;
	v6 =	vadd.f32 v6, v11;
	v63 =	vld [tilespmem:s18+$0x250]  }
0x119: {  	[tilespmem:s18+$0x1E0] =	vst v13;
	v12 =	vmax.f32 v12, $0.0e+00;
	v5 =	vadd.f32 v5, v10  }
0x11a: {  	[tilespmem:s18+$0x1F0] =	vst v12;
	v6 =	vmax.f32 v6, $0.0e+00;
	v4 =	vadd.f32 v4, v9  }
0x11b: {  	[tilespmem:s18+$0x200] =	vst v6;
	v5 =	vmax.f32 v5, $0.0e+00;
	v3 =	vadd.f32 v3, v8  }
0x11c: {  	[tilespmem:s18+$0x210] =	vst v5;
	v4 =	vmax.f32 v4, $0.0e+00;
	v2 =	vadd.f32 v2, v7  }
0x11d: {  	[tilespmem:s18+$0x220] =	vst v4;
	v3 =	vmax.f32 v3, $0.0e+00;
	v1 =	vadd.f32 v1, v63  }
0x11e: {  	[tilespmem:s18+$0x230] =	vst v3;
	v2 =	vmax.f32 v2, $0.0e+00  }
0x11f: {  	[tilespmem:s18+$0x240] =	vst v2;
	v1 =	vmax.f32 v1, $0.0e+00  }
0x120: {  	s13 =	simm.s32 $0x8;
	[tilespmem:s18+$0x250] =	vst v1  }
0x121: {  	_ =	swait.ge [sflag:s13], $0x2800  }
0x122: {  	[sflag:s13] =	ssyncset.done $0x0  }
0x123: {  	[sflag:s13] =	ssyncadd.s32 $0xFFFFD800  }
0x124: {  	[spmem:s1] =	stream.indirect.scatter.add.f32 [tilespmem:s10], [sflag:$0x7], $0x80, s25, s4, $0xb8;
	[tilespmem:$0x1DA60] =	vst v63  }
0x125: {  	_ =	swait.ge [sflag:s26], $0x2800  }
0x126: {  	[sflag:s26] =	ssyncset.done $0x0  }
0x127: {  	[sflag:s26] =	ssyncadd.s32 $0xFFFFD800  }
0x128: {  	s19 =	stileid.u32;
	[bflag:$0x0] =	sbarrier.arrive $0xFFFF  }
0x129: {  	s13 =	sshll.u32 s19, $0x6;
	s19 =	rddreg [dreg:$0xb]  }
0x12a: {  	s13 =	sor.u32 $0x1C09, s13;
	s20 =	rddreg [dreg:$0x3];
	s17 =	sshrl.u32 s19, $0x3  }
0x12b: {  	[hbm:s20], [sflag:s13] =	dma.local [spmem:s17], $0x500  }
0x12c: {  	_ =	swait.ge [sflag:s0], $0x500  }
0x12d: {  	[sflag:s0] =	ssyncset.done $0x0;
	s20 =	rddreg [dreg:$0xc]  }
0x12e: {  	s23 =	rddreg [dreg:$0x4];
	[sflag:s0] =	ssyncadd.s32 $0xFFFFFB00;
	s21 =	sshrl.u32 s20, $0x3  }
0x12f: {  	[hbm:s23], [sflag:s13] =	dma.local [spmem:s21], $0x500  }
0x130: {  	_ =	swait.ge [sflag:s0], $0x500  }
0x131: {  	[sflag:s0] =	ssyncset.done $0x0;
	s21 =	rddreg [dreg:$0xd]  }
0x132: {  	s23 =	rddreg [dreg:$0x5];
	[sflag:s0] =	ssyncadd.s32 $0xFFFFFB00;
	s18 =	sshrl.u32 s21, $0x3  }
0x133: {  	[hbm:s23], [sflag:s13] =	dma.local [spmem:s18], $0x500  }
0x134: {  	_ =	swait.ge [sflag:s0], $0x500  }
0x135: {  	[sflag:s0] =	ssyncset.done $0x0;
	s23 =	rddreg [dreg:$0xe]  }
0x136: {  	s18 =	rddreg [dreg:$0x6];
	[sflag:s0] =	ssyncadd.s32 $0xFFFFFB00;
	s17 =	sshrl.u32 s23, $0x3  }
0x137: {  	[hbm:s18], [sflag:s13] =	dma.local [spmem:s17], $0x500  }
0x138: {  	_ =	swait.ge [sflag:s0], $0x500  }
0x139: {  	[sflag:s0] =	ssyncset.done $0x0;
	s18 =	rddreg [dreg:$0xf]  }
0x13a: {  	[sflag:s0] =	ssyncadd.s32 $0xFFFFFB00;
	s17 =	sshrl.u32 s18, $0x3;
	s18 =	rddreg [dreg:$0x7]  }
0x13b: {  	[hbm:s18], [sflag:s13] =	dma.local [spmem:s17], $0x500  }
0x13c: {  	_ =	swait.ge [sflag:s0], $0x500  }
0x13d: {  	[sflag:s0] =	ssyncset.done $0x0;
	s18 =	rddreg [dreg:$0x10]  }
0x13e: {  	[sflag:s0] =	ssyncadd.s32 $0xFFFFFB00;
	s17 =	sshrl.u32 s18, $0x3;
	s18 =	rddreg [dreg:$0x8]  }
0x13f: {  	[hbm:s18], [sflag:s13] =	dma.local [spmem:s17], $0x500  }
0x140: {  	_ =	swait.ge [sflag:s0], $0x500  }
0x141: {  	[sflag:s0] =	ssyncset.done $0x0;
	s18 =	rddreg [dreg:$0x11]  }
0x142: {  	[sflag:s0] =	ssyncadd.s32 $0xFFFFFB00;
	s17 =	sshrl.u32 s18, $0x3;
	s18 =	rddreg [dreg:$0x9]  }
0x143: {  	[hbm:s18], [sflag:s13] =	dma.local [spmem:s17], $0x500  }
0x144: {  	_ =	swait.ge [sflag:s0], $0x500  }
0x145: {  	[sflag:s0] =	ssyncset.done $0x0;
	s18 =	rddreg [dreg:$0x12]  }
0x146: {  	[sflag:s0] =	ssyncadd.s32 $0xFFFFFB00;
	s17 =	sshrl.u32 s18, $0x3;
	s18 =	rddreg [dreg:$0xa]  }
0x147: {  	[hbm:s18], [sflag:s13] =	dma.local [spmem:s17], $0x410  }
0x148: {  	_ =	swait.ge [sflag:s0], $0x410  }
0x149: {  	s13 =	rddreg [dreg:$0x17]  }
0x14a: {  	s18 =	rddreg [dreg:$0x16];
	s17 =	sadd.s32 $0x1, s13  }
0x14b: {  	p0 =	sne.s32 s17, s18  }
.Ltmp5:
0x14c: {  	_ = 	snop;
	(pc) =	sbr.rel @p0 .LBB2_1-.Ltmp5, $3  }
0x14d: {  	_ =	sdelay $0x1  }
0x14e: {  	[sflag:s0] =	ssyncset.done $0x0  }
0x14f: {  	[sflag:s0] =	ssyncadd.s32 $0xFFFFFBF0  }
0x150: {  	_ =	sfence.sel $0x180000  }
0x151: {  	[bflag:$0x0] =	sbarrier.arrive $0xFFFF  }
0x152: {  	_ =	strace $0x9000004D  }
0x153: {  	s0 =	stileid.u32;
	[bflag:$0x2] =	sbarrier.arrive $0xFFFF  }
0x154: {  	p0 =	sne.s32 s0, $0x0;
	s0 =	rddreg [dreg:$0x2]  }
0x155: {  	s0 =	sadd.s32 @!p0 $0x100000, s0  }
0x156: {  	[sflag:s0] =	ssyncadd.tile.s32 @!p0 $0x1;
	_ =	shalt  }
.Lfunc_end2:
_tile_overlayer_lowered:
.L_overlay_start_2:
0x157: {  	(tag) =	ssettag $0x2  }
0x158: {  	s0 =	rddreg [dreg:$0x0];
	s2 =	stileid.u32  }
0x159: {  	s1 =	rddreg [dreg:$0x1];
	p0 =	sne.s32 s2, $0x0  }
0x15a: {  	s3 =	rddreg [dreg:$0x2];
	[bflag:$0x3] =	sbarrier.arrive $0xFFFF;
	s2 =	simm.s32 @!p0 $0x1C09  }
0x15b: {  	[timem:s3], [sflag:s2] =	dma.local @!p0 [hbm:s0], s1  }
0x15c: {  	s0 =	simm.s32 @!p0 $0x9  }
0x15d: {  	_ =	swait.ge @!p0 [sflag:s0], s1  }
0x15e: {  	s1 =	ssub.s32 @!p0 $0x0, s1;
	[sflag:s0] =	ssyncset.done @!p0 $0x0  }
0x15f: {  	[sflag:s0] =	ssyncadd.s32 @!p0 s1  }
0x160: {  	[bflag:$0x3] =	sbarrier.arrive $0xFFFF  }
0x161: {  	_ =	shalt  }

</sc_bundles>
